<compile_context>
chip_gen: v7x
topology: tpu7x:2x2x1
jax: 0.10.2.dev20260603
libtpu: 0.0.44.dev20260713+nightly
codegen_flags: <defaults>
</compile_context>

<pallas_src>
import functools

import jax
import jax.numpy as jnp
from jax import lax
from jax.experimental import pallas as pl
from jax.experimental.pallas import tpu as pltpu
from jax.experimental.pallas import tpu_sc as plsc

N = 10000
E = 320000
NPAD = 10240
CHUNK = 128
NC, NS = 2, 16
CPT_A = 80
CPT_B = 160
ECH = 2560
E_PAD = ECH * CHUNK

_mesh = plsc.VectorSubcoreMesh(
    core_axis_name="c", subcore_axis_name="s", num_cores=NC, num_subcores=NS)


def _deg_body(dst2d, ones128, zeros128, out, accum, dst_v, ones_v):
    c = lax.axis_index("c")
    s = lax.axis_index("s")
    w = c * NS + s
    pltpu.sync_copy(dst2d.at[pl.ds(w * CPT_A, CPT_A)], dst_v)
    pltpu.sync_copy(ones128, ones_v)
    _zero_accum(zeros128, accum, s)
    plsc.subcore_barrier()

    def chunk(j, carry):
        pltpu.sync_copy(ones_v, accum.at[dst_v.at[j]], add=True)
        return carry

    lax.fori_loop(0, CPT_A, chunk, 0)
    plsc.subcore_barrier()
    base = s * (NPAD // NS)
    for half in range(2):
        r0 = base + half * 320
        pltpu.sync_copy(accum.at[pl.ds(r0, 320)], out.at[c, pl.ds(r0, 320)])


_deg_call = pl.kernel(
    _deg_body,
    out_type=jax.ShapeDtypeStruct((NC, NPAD, 128), jnp.float32),
    mesh=_mesh,
    scratch_types=[
        pltpu.VMEM_SHARED((NPAD, 128), jnp.float32),
        pltpu.VMEM((CPT_A, CHUNK), jnp.int32),
        pltpu.VMEM((CHUNK, 128), jnp.float32),
    ],
)


def _zero_accum(zeros_hbm, accum, s):
    base = s * (NPAD // NS)
    pltpu.sync_copy(zeros_hbm, accum.at[pl.ds(base, 320)])
    pltpu.sync_copy(zeros_hbm, accum.at[pl.ds(base + 320, 320)])


IBLK = 16


def _mp_common(gather_src, chunk0, cpt, src_hbm_slice, dst2d, zeros128, out,
               accum, src_v, dst_v, rows0, rows1,
               gsem0, gsem1, ssem0, ssem1, isem0, isem1, c, s):
    base = s * (NPAD // NS)
    nblk = cpt // IBLK
    pltpu.sync_copy(src_hbm_slice.at[pl.ds(chunk0, IBLK)], src_v.at[0])
    pltpu.sync_copy(dst2d.at[pl.ds(chunk0, IBLK)], dst_v.at[0])
    _zero_accum(zeros128, accum, s)
    plsc.subcore_barrier()
    rows = (rows0, rows1)
    gsem = (gsem0, gsem1)
    ssem = (ssem0, ssem1)

    def block(b, carry):
        p = lax.rem(b, 2)
        pn = lax.rem(b + 1, 2)
        nc0 = chunk0 + (b + 1) * IBLK

        @pl.when(b + 1 < nblk)
        def _():
            pltpu.async_copy(src_hbm_slice.at[pl.ds(nc0, IBLK)],
                             src_v.at[pn], isem0)
            pltpu.async_copy(dst2d.at[pl.ds(nc0, IBLK)], dst_v.at[pn], isem1)

        sv = src_v.at[p]
        dv = dst_v.at[p]
        gd = [None, None]
        sd = [None, None]
        gd[0] = pltpu.async_copy(gather_src.at[sv.at[0]], rows[0], gsem[0])
        for j in range(IBLK):
            a = j % 2
            gd[a].wait()
            sd[a] = pltpu.async_copy(rows[a], accum.at[dv.at[j]], ssem[a],
                                     add=True)
            if j + 1 < IBLK:
                nb = (j + 1) % 2
                if sd[nb] is not None:
                    sd[nb].wait()
                gd[nb] = pltpu.async_copy(gather_src.at[sv.at[j + 1]],
                                          rows[nb], gsem[nb])
        sd[(IBLK - 2) % 2].wait()
        sd[(IBLK - 1) % 2].wait()

        @pl.when(b + 1 < nblk)
        def _():
            pltpu.make_async_copy(src_hbm_slice.at[pl.ds(nc0, IBLK)],
                                  src_v.at[pn], isem0).wait()
            pltpu.make_async_copy(dst2d.at[pl.ds(nc0, IBLK)],
                                  dst_v.at[pn], isem1).wait()
        return carry

    lax.fori_loop(0, nblk, block, 0)
    plsc.subcore_barrier()
    for half in range(2):
        r0 = base + half * 320
        pltpu.sync_copy(accum.at[pl.ds(r0, 320)], out.at[c, pl.ds(r0, 320)])


def _mp128_body(hp, src2d, dst2d, zeros128, out, accum, src_v, dst_v,
                rows0, rows1, gsem0, gsem1, ssem0, ssem1, isem0, isem1):
    c = lax.axis_index("c")
    s = lax.axis_index("s")
    w = c * NS + s
    _mp_common(hp, w * CPT_A, CPT_A, src2d, dst2d, zeros128, out,
               accum, src_v, dst_v, rows0, rows1,
               gsem0, gsem1, ssem0, ssem1, isem0, isem1, c, s)


_mp_scratch = [
    pltpu.VMEM_SHARED((NPAD, 128), jnp.float32),
    pltpu.VMEM((2, IBLK, CHUNK), jnp.int32),
    pltpu.VMEM((2, IBLK, CHUNK), jnp.int32),
    pltpu.VMEM((CHUNK, 128), jnp.float32),
    pltpu.VMEM((CHUNK, 128), jnp.float32),
    pltpu.SemaphoreType.DMA,
    pltpu.SemaphoreType.DMA,
    pltpu.SemaphoreType.DMA,
    pltpu.SemaphoreType.DMA,
    pltpu.SemaphoreType.DMA,
    pltpu.SemaphoreType.DMA,
]

_mp128_call = pl.kernel(
    _mp128_body,
    out_type=jax.ShapeDtypeStruct((NC, NPAD, 128), jnp.float32),
    mesh=_mesh,
    scratch_types=_mp_scratch,
)


def _mp256_body(hpf, src2, dst2d, zeros128, out, accum, src_v, dst_v,
                rows0, rows1, gsem0, gsem1, ssem0, ssem1, isem0, isem1):
    c = lax.axis_index("c")
    s = lax.axis_index("s")
    _mp_common(hpf, s * CPT_B, CPT_B, src2.at[c], dst2d, zeros128, out,
               accum, src_v, dst_v, rows0, rows1,
               gsem0, gsem1, ssem0, ssem1, isem0, isem1, c, s)


_mp256_call = pl.kernel(
    _mp256_body,
    out_type=jax.ShapeDtypeStruct((NC, NPAD, 128), jnp.float32),
    mesh=_mesh,
    scratch_types=_mp_scratch,
)


BN = 1000

_DOT = functools.partial(jnp.dot, preferred_element_type=jnp.float32)


def _ln(t, g, b):
    m = jnp.mean(t, axis=-1, keepdims=True)
    v = jnp.mean((t - m) ** 2, axis=-1, keepdims=True)
    return (t - m) * lax.rsqrt(v + 1e-5) * g + b


def _elu(t):
    return jnp.where(t > 0, t, jnp.exp(jnp.minimum(t, 0.0)) - 1.0)


def _tc1_body(x_ref, w_ref, degp_ref, hp_ref, dinv_ref):
    deg = degp_ref[0][:, 0:1] + degp_ref[1][:, 0:1] + 1.0
    dinv = lax.rsqrt(deg)
    hp_ref[...] = _DOT(x_ref[...], w_ref[...]) * dinv
    dinv_ref[...] = dinv


def _tc1(x, W1, degp):
    return pl.pallas_call(
        _tc1_body,
        grid=(N // BN,),
        in_specs=[
            pl.BlockSpec((BN, 128), lambda i: (i, 0)),
            pl.BlockSpec((128, 128), lambda i: (0, 0)),
            pl.BlockSpec((NC, BN, 128), lambda i: (0, i, 0)),
        ],
        out_specs=[
            pl.BlockSpec((BN, 128), lambda i: (i, 0)),
            pl.BlockSpec((BN, 1), lambda i: (i, 0)),
        ],
        out_shape=[
            jax.ShapeDtypeStruct((N, 128), jnp.float32),
            jax.ShapeDtypeStruct((N, 1), jnp.float32),
        ],
    )(x, W1, degp)


EB = ECH // 10


def _prep_body(ei_ref, src_ref, dst_ref, src2_ref):
    b = pl.program_id(0)
    row = lax.broadcasted_iota(jnp.int32, (EB, CHUNK), 0) + b * EB
    lane = lax.broadcasted_iota(jnp.int32, (EB, CHUNK), 1)
    flat = row * CHUNK + lane
    pad_i = flat - E
    is_pad = flat >= E
    src = jnp.where(is_pad, pad_i % N, ei_ref[0])
    dst = jnp.where(is_pad, N + pad_i % (NPAD - N), ei_ref[1])
    src_ref[...] = src
    dst_ref[...] = dst
    src2_ref[0] = src
    src2_ref[1] = src + N


def _prep(ei):
    return pl.pallas_call(
        _prep_body,
        grid=(10,),
        in_specs=[pl.BlockSpec((2, EB, CHUNK), lambda i: (0, i, 0))],
        out_specs=[
            pl.BlockSpec((EB, CHUNK), lambda i: (i, 0)),
            pl.BlockSpec((EB, CHUNK), lambda i: (i, 0)),
            pl.BlockSpec((2, EB, CHUNK), lambda i: (0, i, 0)),
        ],
        out_shape=[
            jax.ShapeDtypeStruct((ECH, CHUNK), jnp.int32),
            jax.ShapeDtypeStruct((ECH, CHUNK), jnp.int32),
            jax.ShapeDtypeStruct((NC, ECH, CHUNK), jnp.int32),
        ],
    )(ei)


def _tc2_body(p_ref, hp_ref, dinv_ref, b_ref, g_ref, be_ref, w_ref, o_ref):
    agg = p_ref[0] + p_ref[1] + hp_ref[...]
    t = agg * dinv_ref[...] + b_ref[...]
    t = _elu(_ln(t, g_ref[...], be_ref[...]))
    h2 = _DOT(t, w_ref[...]) * dinv_ref[...]
    o_ref[0] = h2[:, :128]
    o_ref[1] = h2[:, 128:]


def _tc2(P1, h1p, dinv, b1, g1, be1, W2):
    return pl.pallas_call(
        _tc2_body,
        grid=(N // BN,),
        in_specs=[
            pl.BlockSpec((NC, BN, 128), lambda i: (0, i, 0)),
            pl.BlockSpec((BN, 128), lambda i: (i, 0)),
            pl.BlockSpec((BN, 1), lambda i: (i, 0)),
            pl.BlockSpec((1, 128), lambda i: (0, 0)),
            pl.BlockSpec((1, 128), lambda i: (0, 0)),
            pl.BlockSpec((1, 128), lambda i: (0, 0)),
            pl.BlockSpec((128, 256), lambda i: (0, 0)),
        ],
        out_specs=pl.BlockSpec((NC, BN, 128), lambda i: (0, i, 0)),
        out_shape=jax.ShapeDtypeStruct((NC, N, 128), jnp.float32),
    )(P1, h1p, dinv, b1, g1, be1, W2)


def _tc3_body(p_ref, hp_ref, dinv_ref, b_ref, g_ref, be_ref, w_ref, o_ref):
    agg = jnp.concatenate([p_ref[0], p_ref[1]], axis=-1)
    hpc = jnp.concatenate([hp_ref[0], hp_ref[1]], axis=-1)
    t = (agg + hpc) * dinv_ref[...] + b_ref[...]
    t = _elu(_ln(t, g_ref[...], be_ref[...]))
    o_ref[...] = _DOT(t, w_ref[...]) * dinv_ref[...]


def _tc3(P2, h2p, dinv, b2, g2, be2, W3):
    return pl.pallas_call(
        _tc3_body,
        grid=(N // BN,),
        in_specs=[
            pl.BlockSpec((NC, BN, 128), lambda i: (0, i, 0)),
            pl.BlockSpec((NC, BN, 128), lambda i: (0, i, 0)),
            pl.BlockSpec((BN, 1), lambda i: (i, 0)),
            pl.BlockSpec((1, 256), lambda i: (0, 0)),
            pl.BlockSpec((1, 256), lambda i: (0, 0)),
            pl.BlockSpec((1, 256), lambda i: (0, 0)),
            pl.BlockSpec((256, 128), lambda i: (0, 0)),
        ],
        out_specs=pl.BlockSpec((BN, 128), lambda i: (i, 0)),
        out_shape=jax.ShapeDtypeStruct((N, 128), jnp.float32),
    )(P2, h2p, dinv, b2, g2, be2, W3)


def _tc4_body(p_ref, hp_ref, dinv_ref, b_ref, g_ref, be_ref,
              w1_ref, lb1_ref, g4_ref, be4_ref, w2_ref, lb2_ref, o_ref):
    agg = p_ref[0] + p_ref[1] + hp_ref[...]
    t = agg * dinv_ref[...] + b_ref[...]
    t = _elu(_ln(t, g_ref[...], be_ref[...]))
    m = _DOT(t, w1_ref[...]) + lb1_ref[...]
    m = _elu(_ln(m, g4_ref[...], be4_ref[...]))
    o_ref[...] = _DOT(m, w2_ref[...]) + lb2_ref[...]


def _tc4(P3, h3p, dinv, b3, g3, be3, lW1, lb1, g4, be4, lW2, lb2):
    return pl.pallas_call(
        _tc4_body,
        grid=(N // BN,),
        in_specs=[
            pl.BlockSpec((NC, BN, 128), lambda i: (0, i, 0)),
            pl.BlockSpec((BN, 128), lambda i: (i, 0)),
            pl.BlockSpec((BN, 1), lambda i: (i, 0)),
            pl.BlockSpec((1, 128), lambda i: (0, 0)),
            pl.BlockSpec((1, 128), lambda i: (0, 0)),
            pl.BlockSpec((1, 128), lambda i: (0, 0)),
            pl.BlockSpec((128, 64), lambda i: (0, 0)),
            pl.BlockSpec((1, 64), lambda i: (0, 0)),
            pl.BlockSpec((1, 64), lambda i: (0, 0)),
            pl.BlockSpec((1, 64), lambda i: (0, 0)),
            pl.BlockSpec((64, 32), lambda i: (0, 0)),
            pl.BlockSpec((1, 32), lambda i: (0, 0)),
        ],
        out_specs=pl.BlockSpec((BN, 32), lambda i: (i, 0)),
        out_shape=jax.ShapeDtypeStruct((N, 32), jnp.float32),
    )(P3, h3p, dinv, b3, g3, be3, lW1, lb1, g4, be4, lW2, lb2)


def kernel(x, edge_index, W1, b1, g1, be1, W2, b2, g2, be2, W3, b3, g3, be3,
           lW1, lb1, g4, be4, lW2, lb2):
    ei = edge_index.astype(jnp.int32).reshape(2, E // CHUNK, CHUNK)
    src2d, dst2d, src2 = _prep(ei)
    zeros128 = jnp.zeros((320, 128), jnp.float32)
    ones128 = jnp.ones((CHUNK, 128), jnp.float32)

    r = lambda a: a.reshape(1, -1)

    degp = _deg_call(dst2d, ones128, zeros128)
    h1p, dinv = _tc1(x, W1, degp)
    P1 = _mp128_call(h1p, src2d, dst2d, zeros128)
    h2p = _tc2(P1, h1p, dinv, r(b1), r(g1), r(be1), W2)
    P2 = _mp256_call(h2p.reshape(2 * N, 128), src2, dst2d, zeros128)
    h3p = _tc3(P2, h2p, dinv, r(b2), r(g2), r(be2), W3)
    P3 = _mp128_call(h3p, src2d, dst2d, zeros128)
    return _tc4(P3, h3p, dinv, r(b3), r(g3), r(be3),
                lW1, r(lb1), r(g4), r(be4), lW2, r(lb2))

# --- scband reference (transcript-rebuilt; emitter-appended) ---
"""Pipeline reference for scband-gcnrecommender-22110491640565 (READ-ONLY COPY).

The authoritative reference and input builder live on the scoring server;
editing this copy changes nothing except your own understanding.
"""

import jax, jax.numpy as jnp
import numpy as np

N_NODES = 10000
N_EDGES = 320000
IN_C = 128
HID = 128
OUT_C = 32


def _p(key, shape):
    return jax.random.normal(key, shape, dtype=jnp.float32) * 0.02


def setup_inputs(seed: int = 0) -> dict:
    key = jax.random.key(seed)
    ks = jax.random.split(key, 24)
    x = jax.random.normal(ks[0], (N_NODES, IN_C), dtype=jnp.float32)
    edge_index = jax.random.randint(ks[1], (2, N_EDGES), 0, N_NODES, dtype=jnp.int64)
    return {
        'x': x,
        'edge_index': edge_index,
        'W1': _p(ks[2], (IN_C, HID)), 'b1': jnp.zeros((HID,), jnp.float32),
        'g1': jnp.ones((HID,), jnp.float32), 'be1': jnp.zeros((HID,), jnp.float32),
        'W2': _p(ks[3], (HID, HID * 2)), 'b2': jnp.zeros((HID * 2,), jnp.float32),
        'g2': jnp.ones((HID * 2,), jnp.float32), 'be2': jnp.zeros((HID * 2,), jnp.float32),
        'W3': _p(ks[4], (HID * 2, HID)), 'b3': jnp.zeros((HID,), jnp.float32),
        'g3': jnp.ones((HID,), jnp.float32), 'be3': jnp.zeros((HID,), jnp.float32),
        'lW1': _p(ks[5], (HID, HID // 2)), 'lb1': jnp.zeros((HID // 2,), jnp.float32),
        'g4': jnp.ones((HID // 2,), jnp.float32), 'be4': jnp.zeros((HID // 2,), jnp.float32),
        'lW2': _p(ks[6], (HID // 2, OUT_C)), 'lb2': jnp.zeros((OUT_C,), jnp.float32),
    }


def _layernorm(h, g, b):
    m = jnp.mean(h, axis=-1, keepdims=True)
    v = jnp.mean((h - m) ** 2, axis=-1, keepdims=True)
    return (h - m) / jnp.sqrt(v + 1e-5) * g + b


def _gcn_conv(h, edge_index, W, b):
    n = h.shape[0]
    h = h @ W
    src = edge_index[0]
    dst = edge_index[1]
    loop = jnp.arange(n, dtype=src.dtype)
    src = jnp.concatenate([src, loop])
    dst = jnp.concatenate([dst, loop])
    deg = jax.ops.segment_sum(jnp.ones_like(dst, dtype=h.dtype), dst, num_segments=n)
    dinv = jnp.where(deg > 0, 1.0 / jnp.sqrt(deg), 0.0)
    norm = dinv[src] * dinv[dst]
    msgs = h[src] * norm[:, None]
    out = jax.ops.segment_sum(msgs, dst, num_segments=n)
    return out + b


def reference(x, edge_index, W1, b1, g1, be1, W2, b2, g2, be2, W3, b3, g3, be3, lW1, lb1, g4, be4, lW2, lb2):
    # GCNRecommender.forward with training=False (dropout is identity)
    h = _gcn_conv(x, edge_index, W1, b1)
    h = _layernorm(h, g1, be1)
    h = jax.nn.elu(h)
    h = _gcn_conv(h, edge_index, W2, b2)
    h = _layernorm(h, g2, be2)
    h = jax.nn.elu(h)
    h = _gcn_conv(h, edge_index, W3, b3)
    h = _layernorm(h, g3, be3)
    h = jax.nn.elu(h)
    h = h @ lW1 + lb1
    h = _layernorm(h, g4, be4)
    h = jax.nn.elu(h)
    h = h @ lW2 + lb2
    return h

if __name__ == "__main__":
    import jax
    _d = setup_inputs()
    print(jax.jit(kernel)(*tuple(_d.values())))

</pallas_src>

<mosaic_0001>
#map = affine_map<(d0, d1) -> (0, 0)>
#map1 = affine_map<(d0, d1) -> (0, 0, 0)>
module attributes {stable_mosaic.version = 14 : i64} {
  func.func @_mp128_body(%arg0: i32, %arg1: i32, %arg2: memref<10000x128xf32, #tpu.memory_space<hbm>>, %arg3: memref<2560x128xi32, #tpu.memory_space<hbm>>, %arg4: memref<2560x128xi32, #tpu.memory_space<hbm>>, %arg5: memref<320x128xf32, #tpu.memory_space<hbm>>, %arg6: memref<2x10240x128xf32, #tpu.memory_space<hbm>>, %arg7: memref<10240x128xf32, #tpu.memory_space<vmem_shared>>, %arg8: memref<2x16x128xi32, #tpu.memory_space<vmem>>, %arg9: memref<2x16x128xi32, #tpu.memory_space<vmem>>, %arg10: memref<128x128xf32, #tpu.memory_space<vmem>>, %arg11: memref<128x128xf32, #tpu.memory_space<vmem>>, %arg12: memref<!tpu.dma_semaphore, #tpu.memory_space<semaphore_mem>>, %arg13: memref<!tpu.dma_semaphore, #tpu.memory_space<semaphore_mem>>, %arg14: memref<!tpu.dma_semaphore, #tpu.memory_space<semaphore_mem>>, %arg15: memref<!tpu.dma_semaphore, #tpu.memory_space<semaphore_mem>>, %arg16: memref<!tpu.dma_semaphore, #tpu.memory_space<semaphore_mem>>, %arg17: memref<!tpu.dma_semaphore, #tpu.memory_space<semaphore_mem>>) attributes {dimension_semantics = [#tpu.dimension_semantics<core_parallel>, #tpu.dimension_semantics<subcore_parallel>], iteration_bounds = array<i64: 2, 16>, scalar_prefetch = 0 : i64, scratch_operands = 11 : i64, tpu.core_type = #tpu.core_type<sc_vector_subcore>, window_params = [{transform_indices = #map}, {transform_indices = #map}, {transform_indices = #map}, {transform_indices = #map}, {transform_indices = #map1}]} {
    %mul3A = arith.constant 16 : i32
    %mul3A_0 = arith.muli %arg0, %mul3A : i32
    %add3A = arith.addi %mul3A_0, %arg1 : i32
    %mul3A_1 = arith.constant 80 : i32
    %mul3A_2 = arith.muli %add3A, %mul3A_1 : i32
    %mul3A_3 = arith.constant 640 : i32
    %mul3A_4 = arith.muli %arg1, %mul3A_3 : i32
    %run_scoped3A = arith.constant 0 : i32
    "tpu.region"() ({
      %run_scoped3A_20 = tpu.sem_alloc : memref<!tpu.dma_semaphore, #tpu.memory_space<semaphore_mem>>
      %dma_start3A = arith.constant 0 : i32
      %dma_start3A_21 = arith.constant 0 : i32
      %dma_start3A_22 = tpu.memref_slice %arg8[%run_scoped3A, %dma_start3A, %dma_start3A_21] : memref<2x16x128xi32, #tpu.memory_space<vmem>> -> memref<1x16x128xi32, #tpu.memory_space<vmem>>
      %dma_start3A_23 = tpu.memref_squeeze %dma_start3A_22 : memref<1x16x128xi32, #tpu.memory_space<vmem>> -> memref<16x128xi32, #tpu.memory_space<vmem>>
      %dma_start3A_24 = arith.constant 0 : i32
      %dma_start3A_25 = tpu.memref_slice %arg3[%mul3A_2, %dma_start3A_24] : memref<2560x128xi32, #tpu.memory_space<hbm>> -> memref<16x128xi32, #tpu.memory_space<hbm>>
      %dma_start3A_26 = arith.constant 0 : i32
      %dma_start3A_27 = arith.constant 0 : i32
      %dma_start3A_28 = tpu.memref_slice %arg8[%run_scoped3A, %dma_start3A_26, %dma_start3A_27] : memref<2x16x128xi32, #tpu.memory_space<vmem>> -> memref<1x16x128xi32, #tpu.memory_space<vmem>>
      %dma_start3A_29 = tpu.memref_squeeze %dma_start3A_28 : memref<1x16x128xi32, #tpu.memory_space<vmem>> -> memref<16x128xi32, #tpu.memory_space<vmem>>
      %dma_start3A_30 = arith.constant 0 : i32
      %dma_start3A_31 = tpu.memref_slice %arg3[%mul3A_2, %dma_start3A_30] : memref<2560x128xi32, #tpu.memory_space<hbm>> -> memref<16x128xi32, #tpu.memory_space<hbm>>
      tpu.enqueue_dma source(%dma_start3A_31 : memref<16x128xi32, #tpu.memory_space<hbm>>) target(%dma_start3A_29 : memref<16x128xi32, #tpu.memory_space<vmem>>) target_semaphore(%run_scoped3A_20 : memref<!tpu.dma_semaphore, #tpu.memory_space<semaphore_mem>>)
      %dma_wait3A = arith.constant 0 : i32
      %dma_wait3A_32 = arith.constant 0 : i32
      %dma_wait3A_33 = tpu.memref_slice %arg8[%run_scoped3A, %dma_wait3A, %dma_wait3A_32] : memref<2x16x128xi32, #tpu.memory_space<vmem>> -> memref<1x16x128xi32, #tpu.memory_space<vmem>>
      %dma_wait3A_34 = tpu.memref_squeeze %dma_wait3A_33 : memref<1x16x128xi32, #tpu.memory_space<vmem>> -> memref<16x128xi32, #tpu.memory_space<vmem>>
      %dma_wait3A_35 = arith.constant 0 : i32
      %dma_wait3A_36 = tpu.memref_slice %arg3[%mul3A_2, %dma_wait3A_35] : memref<2560x128xi32, #tpu.memory_space<hbm>> -> memref<16x128xi32, #tpu.memory_space<hbm>>
      %dma_wait3A_37 = arith.constant 0 : i32
      %dma_wait3A_38 = arith.constant 0 : i32
      %dma_wait3A_39 = tpu.memref_slice %arg8[%run_scoped3A, %dma_wait3A_37, %dma_wait3A_38] : memref<2x16x128xi32, #tpu.memory_space<vmem>> -> memref<1x16x128xi32, #tpu.memory_space<vmem>>
      %dma_wait3A_40 = tpu.memref_squeeze %dma_wait3A_39 : memref<1x16x128xi32, #tpu.memory_space<vmem>> -> memref<16x128xi32, #tpu.memory_space<vmem>>
      %dma_wait3A_41 = arith.constant 0 : i32
      %dma_wait3A_42 = tpu.memref_slice %arg3[%mul3A_2, %dma_wait3A_41] : memref<2560x128xi32, #tpu.memory_space<hbm>> -> memref<16x128xi32, #tpu.memory_space<hbm>>
      tpu.wait_dma2 semaphore(%run_scoped3A_20 : memref<!tpu.dma_semaphore, #tpu.memory_space<semaphore_mem>>) src(%dma_wait3A_42 : memref<16x128xi32, #tpu.memory_space<hbm>>) dst(%dma_wait3A_40 : memref<16x128xi32, #tpu.memory_space<vmem>>)
      tpu.yield
    }) : () -> ()
    %run_scoped3A_5 = arith.constant 0 : i32
    "tpu.region"() ({
      %run_scoped3A_20 = tpu.sem_alloc : memref<!tpu.dma_semaphore, #tpu.memory_space<semaphore_mem>>
      %dma_start3A = arith.constant 0 : i32
      %dma_start3A_21 = arith.constant 0 : i32
      %dma_start3A_22 = tpu.memref_slice %arg9[%run_scoped3A_5, %dma_start3A, %dma_start3A_21] : memref<2x16x128xi32, #tpu.memory_space<vmem>> -> memref<1x16x128xi32, #tpu.memory_space<vmem>>
      %dma_start3A_23 = tpu.memref_squeeze %dma_start3A_22 : memref<1x16x128xi32, #tpu.memory_space<vmem>> -> memref<16x128xi32, #tpu.memory_space<vmem>>
      %dma_start3A_24 = arith.constant 0 : i32
      %dma_start3A_25 = tpu.memref_slice %arg4[%mul3A_2, %dma_start3A_24] : memref<2560x128xi32, #tpu.memory_space<hbm>> -> memref<16x128xi32, #tpu.memory_space<hbm>>
      %dma_start3A_26 = arith.constant 0 : i32
      %dma_start3A_27 = arith.constant 0 : i32
      %dma_start3A_28 = tpu.memref_slice %arg9[%run_scoped3A_5, %dma_start3A_26, %dma_start3A_27] : memref<2x16x128xi32, #tpu.memory_space<vmem>> -> memref<1x16x128xi32, #tpu.memory_space<vmem>>
      %dma_start3A_29 = tpu.memref_squeeze %dma_start3A_28 : memref<1x16x128xi32, #tpu.memory_space<vmem>> -> memref<16x128xi32, #tpu.memory_space<vmem>>
      %dma_start3A_30 = arith.constant 0 : i32
      %dma_start3A_31 = tpu.memref_slice %arg4[%mul3A_2, %dma_start3A_30] : memref<2560x128xi32, #tpu.memory_space<hbm>> -> memref<16x128xi32, #tpu.memory_space<hbm>>
      tpu.enqueue_dma source(%dma_start3A_31 : memref<16x128xi32, #tpu.memory_space<hbm>>) target(%dma_start3A_29 : memref<16x128xi32, #tpu.memory_space<vmem>>) target_semaphore(%run_scoped3A_20 : memref<!tpu.dma_semaphore, #tpu.memory_space<semaphore_mem>>)
      %dma_wait3A = arith.constant 0 : i32
      %dma_wait3A_32 = arith.constant 0 : i32
      %dma_wait3A_33 = tpu.memref_slice %arg9[%run_scoped3A_5, %dma_wait3A, %dma_wait3A_32] : memref<2x16x128xi32, #tpu.memory_space<vmem>> -> memref<1x16x128xi32, #tpu.memory_space<vmem>>
      %dma_wait3A_34 = tpu.memref_squeeze %dma_wait3A_33 : memref<1x16x128xi32, #tpu.memory_space<vmem>> -> memref<16x128xi32, #tpu.memory_space<vmem>>
      %dma_wait3A_35 = arith.constant 0 : i32
      %dma_wait3A_36 = tpu.memref_slice %arg4[%mul3A_2, %dma_wait3A_35] : memref<2560x128xi32, #tpu.memory_space<hbm>> -> memref<16x128xi32, #tpu.memory_space<hbm>>
      %dma_wait3A_37 = arith.constant 0 : i32
      %dma_wait3A_38 = arith.constant 0 : i32
      %dma_wait3A_39 = tpu.memref_slice %arg9[%run_scoped3A_5, %dma_wait3A_37, %dma_wait3A_38] : memref<2x16x128xi32, #tpu.memory_space<vmem>> -> memref<1x16x128xi32, #tpu.memory_space<vmem>>
      %dma_wait3A_40 = tpu.memref_squeeze %dma_wait3A_39 : memref<1x16x128xi32, #tpu.memory_space<vmem>> -> memref<16x128xi32, #tpu.memory_space<vmem>>
      %dma_wait3A_41 = arith.constant 0 : i32
      %dma_wait3A_42 = tpu.memref_slice %arg4[%mul3A_2, %dma_wait3A_41] : memref<2560x128xi32, #tpu.memory_space<hbm>> -> memref<16x128xi32, #tpu.memory_space<hbm>>
      tpu.wait_dma2 semaphore(%run_scoped3A_20 : memref<!tpu.dma_semaphore, #tpu.memory_space<semaphore_mem>>) src(%dma_wait3A_42 : memref<16x128xi32, #tpu.memory_space<hbm>>) dst(%dma_wait3A_40 : memref<16x128xi32, #tpu.memory_space<vmem>>)
      tpu.yield
    }) : () -> ()
    %mul3A_6 = arith.constant 640 : i32
    %mul3A_7 = arith.muli %arg1, %mul3A_6 : i32
    "tpu.region"() ({
      %run_scoped3A_20 = tpu.sem_alloc : memref<!tpu.dma_semaphore, #tpu.memory_space<semaphore_mem>>
      %dma_start3A = arith.constant 0 : i32
      %dma_start3A_21 = tpu.memref_slice %arg7[%mul3A_7, %dma_start3A] : memref<10240x128xf32, #tpu.memory_space<vmem_shared>> -> memref<320x128xf32, #tpu.memory_space<vmem_shared>>
      tpu.enqueue_dma source(%arg5 : memref<320x128xf32, #tpu.memory_space<hbm>>) target(%dma_start3A_21 : memref<320x128xf32, #tpu.memory_space<vmem_shared>>) target_semaphore(%run_scoped3A_20 : memref<!tpu.dma_semaphore, #tpu.memory_space<semaphore_mem>>)
      %dma_wait3A = arith.constant 0 : i32
      %dma_wait3A_22 = tpu.memref_slice %arg7[%mul3A_7, %dma_wait3A] : memref<10240x128xf32, #tpu.memory_space<vmem_shared>> -> memref<320x128xf32, #tpu.memory_space<vmem_shared>>
      tpu.wait_dma2 semaphore(%run_scoped3A_20 : memref<!tpu.dma_semaphore, #tpu.memory_space<semaphore_mem>>) src(%arg5 : memref<320x128xf32, #tpu.memory_space<hbm>>) dst(%dma_wait3A_22 : memref<320x128xf32, #tpu.memory_space<vmem_shared>>)
      tpu.yield
    }) : () -> ()
    %add3A_8 = arith.constant 320 : i32
    %add3A_9 = arith.addi %mul3A_7, %add3A_8 : i32
    "tpu.region"() ({
      %run_scoped3A_20 = tpu.sem_alloc : memref<!tpu.dma_semaphore, #tpu.memory_space<semaphore_mem>>
      %dma_start3A = arith.constant 0 : i32
      %dma_start3A_21 = tpu.memref_slice %arg7[%add3A_9, %dma_start3A] : memref<10240x128xf32, #tpu.memory_space<vmem_shared>> -> memref<320x128xf32, #tpu.memory_space<vmem_shared>>
      tpu.enqueue_dma source(%arg5 : memref<320x128xf32, #tpu.memory_space<hbm>>) target(%dma_start3A_21 : memref<320x128xf32, #tpu.memory_space<vmem_shared>>) target_semaphore(%run_scoped3A_20 : memref<!tpu.dma_semaphore, #tpu.memory_space<semaphore_mem>>)
      %dma_wait3A = arith.constant 0 : i32
      %dma_wait3A_22 = tpu.memref_slice %arg7[%add3A_9, %dma_wait3A] : memref<10240x128xf32, #tpu.memory_space<vmem_shared>> -> memref<320x128xf32, #tpu.memory_space<vmem_shared>>
      tpu.wait_dma2 semaphore(%run_scoped3A_20 : memref<!tpu.dma_semaphore, #tpu.memory_space<semaphore_mem>>) src(%arg5 : memref<320x128xf32, #tpu.memory_space<hbm>>) dst(%dma_wait3A_22 : memref<320x128xf32, #tpu.memory_space<vmem_shared>>)
      tpu.yield
    }) : () -> ()
    %barrier3A = arith.constant 0 : index
    tpu.barrier barrier_id(%barrier3A)
    %scan3A = arith.constant 0 : i32
    %scan3A_10 = arith.constant 0 : i32
    %scan3A_11 = arith.constant 5 : i32
    %scan3A_12 = arith.addi %scan3A_10, %scan3A_11 : i32
    %scan3A_13 = arith.constant 1 : i32
    scf.for %scan3A_20 = %scan3A_10 to %scan3A_12 step %scan3A_13  : i32 {
      %rem3A = arith.constant 2 : i32
      %rem3A_21 = arith.remsi %scan3A_20, %rem3A : i32
      %add3A_22 = arith.constant 1 : i32
      %add3A_23 = arith.addi %scan3A_20, %add3A_22 : i32
      %rem3A_24 = arith.constant 2 : i32
      %rem3A_25 = arith.remsi %add3A_23, %rem3A_24 : i32
      %add3A_26 = arith.constant 1 : i32
      %add3A_27 = arith.addi %scan3A_20, %add3A_26 : i32
      %mul3A_28 = arith.constant 16 : i32
      %mul3A_29 = arith.muli %add3A_27, %mul3A_28 : i32
      %add3A_30 = arith.addi %mul3A_2, %mul3A_29 : i32
      %add3A_31 = arith.constant 1 : i32
      %add3A_32 = arith.addi %scan3A_20, %add3A_31 : i32
      %lt3A = arith.constant 5 : i32
      %lt3A_33 = arith.cmpi slt, %add3A_32, %lt3A : i32
      %convert_element_type3A = arith.extui %lt3A_33 : i1 to i32
      %cond3A = arith.constant 0 : i32
      %cond3A_34 = arith.cmpi ne, %convert_element_type3A, %cond3A : i32
      scf.if %cond3A_34 {
        %dma_start3A_744 = arith.constant 0 : i32
        %dma_start3A_745 = arith.constant 0 : i32
        %dma_start3A_746 = tpu.memref_slice %arg8[%rem3A_25, %dma_start3A_744, %dma_start3A_745] : memref<2x16x128xi32, #tpu.memory_space<vmem>> -> memref<1x16x128xi32, #tpu.memory_space<vmem>>
        %dma_start3A_747 = tpu.memref_squeeze %dma_start3A_746 : memref<1x16x128xi32, #tpu.memory_space<vmem>> -> memref<16x128xi32, #tpu.memory_space<vmem>>
        %dma_start3A_748 = arith.constant 0 : i32
        %dma_start3A_749 = tpu.memref_slice %arg3[%add3A_30, %dma_start3A_748] : memref<2560x128xi32, #tpu.memory_space<hbm>> -> memref<16x128xi32, #tpu.memory_space<hbm>>
        %dma_start3A_750 = arith.constant 0 : i32
        %dma_start3A_751 = arith.constant 0 : i32
        %dma_start3A_752 = tpu.memref_slice %arg8[%rem3A_25, %dma_start3A_750, %dma_start3A_751] : memref<2x16x128xi32, #tpu.memory_space<vmem>> -> memref<1x16x128xi32, #tpu.memory_space<vmem>>
        %dma_start3A_753 = tpu.memref_squeeze %dma_start3A_752 : memref<1x16x128xi32, #tpu.memory_space<vmem>> -> memref<16x128xi32, #tpu.memory_space<vmem>>
        %dma_start3A_754 = arith.constant 0 : i32
        %dma_start3A_755 = tpu.memref_slice %arg3[%add3A_30, %dma_start3A_754] : memref<2560x128xi32, #tpu.memory_space<hbm>> -> memref<16x128xi32, #tpu.memory_space<hbm>>
        tpu.enqueue_dma source(%dma_start3A_755 : memref<16x128xi32, #tpu.memory_space<hbm>>) target(%dma_start3A_753 : memref<16x128xi32, #tpu.memory_space<vmem>>) target_semaphore(%arg16 : memref<!tpu.dma_semaphore, #tpu.memory_space<semaphore_mem>>)
        %dma_start3A_756 = arith.constant 0 : i32
        %dma_start3A_757 = arith.constant 0 : i32
        %dma_start3A_758 = tpu.memref_slice %arg9[%rem3A_25, %dma_start3A_756, %dma_start3A_757] : memref<2x16x128xi32, #tpu.memory_space<vmem>> -> memref<1x16x128xi32, #tpu.memory_space<vmem>>
        %dma_start3A_759 = tpu.memref_squeeze %dma_start3A_758 : memref<1x16x128xi32, #tpu.memory_space<vmem>> -> memref<16x128xi32, #tpu.memory_space<vmem>>
        %dma_start3A_760 = arith.constant 0 : i32
        %dma_start3A_761 = tpu.memref_slice %arg4[%add3A_30, %dma_start3A_760] : memref<2560x128xi32, #tpu.memory_space<hbm>> -> memref<16x128xi32, #tpu.memory_space<hbm>>
        %dma_start3A_762 = arith.constant 0 : i32
        %dma_start3A_763 = arith.constant 0 : i32
        %dma_start3A_764 = tpu.memref_slice %arg9[%rem3A_25, %dma_start3A_762, %dma_start3A_763] : memref<2x16x128xi32, #tpu.memory_space<vmem>> -> memref<1x16x128xi32, #tpu.memory_space<vmem>>
        %dma_start3A_765 = tpu.memref_squeeze %dma_start3A_764 : memref<1x16x128xi32, #tpu.memory_space<vmem>> -> memref<16x128xi32, #tpu.memory_space<vmem>>
        %dma_start3A_766 = arith.constant 0 : i32
        %dma_start3A_767 = tpu.memref_slice %arg4[%add3A_30, %dma_start3A_766] : memref<2560x128xi32, #tpu.memory_space<hbm>> -> memref<16x128xi32, #tpu.memory_space<hbm>>
        tpu.enqueue_dma source(%dma_start3A_767 : memref<16x128xi32, #tpu.memory_space<hbm>>) target(%dma_start3A_765 : memref<16x128xi32, #tpu.memory_space<vmem>>) target_semaphore(%arg17 : memref<!tpu.dma_semaphore, #tpu.memory_space<semaphore_mem>>)
      } else {
      }
      %dma_start3A = arith.constant 0 : i32
      %dma_start3A_35 = arith.constant 0 : i32
      %dma_start3A_36 = arith.constant 0 : i32
      %dma_start3A_37 = tpu.memref_slice %arg8[%rem3A_21, %dma_start3A_35, %dma_start3A_36] : memref<2x16x128xi32, #tpu.memory_space<vmem>> -> memref<1x16x128xi32, #tpu.memory_space<vmem>>
      %dma_start3A_38 = tpu.memref_squeeze %dma_start3A_37 : memref<1x16x128xi32, #tpu.memory_space<vmem>> -> memref<16x128xi32, #tpu.memory_space<vmem>>
      %dma_start3A_39 = arith.constant 0 : i32
      %dma_start3A_40 = tpu.memref_slice %dma_start3A_38[%dma_start3A, %dma_start3A_39] : memref<16x128xi32, #tpu.memory_space<vmem>> -> memref<1x128xi32, #tpu.memory_space<vmem>>
      %dma_start3A_41 = tpu.memref_squeeze %dma_start3A_40 : memref<1x128xi32, #tpu.memory_space<vmem>> -> memref<128xi32, #tpu.memory_space<vmem>>
      %dma_start3A_42 = arith.constant 0 : i32
      %dma_start3A_43 = arith.constant 0 : i32
      %dma_start3A_44 = tpu.memref_slice %arg2[%dma_start3A_42, %dma_start3A_43] : memref<10000x128xf32, #tpu.memory_space<hbm>> -> memref<10000x128xf32, #tpu.memory_space<hbm>>
      tpu.enqueue_indirect_dma source(%dma_start3A_44 : memref<10000x128xf32, #tpu.memory_space<hbm>>) target(%arg10 : memref<128x128xf32, #tpu.memory_space<vmem>>) offsets(%dma_start3A_41 : memref<128xi32, #tpu.memory_space<vmem>>) semaphore(%arg12 : memref<!tpu.dma_semaphore, #tpu.memory_space<semaphore_mem>>)
      %dma_wait3A = arith.constant 0 : i32
      %dma_wait3A_45 = arith.constant 0 : i32
      %dma_wait3A_46 = arith.constant 0 : i32
      %dma_wait3A_47 = tpu.memref_slice %arg8[%rem3A_21, %dma_wait3A_45, %dma_wait3A_46] : memref<2x16x128xi32, #tpu.memory_space<vmem>> -> memref<1x16x128xi32, #tpu.memory_space<vmem>>
      %dma_wait3A_48 = tpu.memref_squeeze %dma_wait3A_47 : memref<1x16x128xi32, #tpu.memory_space<vmem>> -> memref<16x128xi32, #tpu.memory_space<vmem>>
      %dma_wait3A_49 = arith.constant 0 : i32
      %dma_wait3A_50 = tpu.memref_slice %dma_wait3A_48[%dma_wait3A, %dma_wait3A_49] : memref<16x128xi32, #tpu.memory_space<vmem>> -> memref<1x128xi32, #tpu.memory_space<vmem>>
      %dma_wait3A_51 = tpu.memref_squeeze %dma_wait3A_50 : memref<1x128xi32, #tpu.memory_space<vmem>> -> memref<128xi32, #tpu.memory_space<vmem>>
      %dma_wait3A_52 = arith.constant 0 : i32
      %dma_wait3A_53 = arith.constant 0 : i32
      %dma_wait3A_54 = tpu.memref_slice %arg2[%dma_wait3A_52, %dma_wait3A_53] : memref<10000x128xf32, #tpu.memory_space<hbm>> -> memref<10000x128xf32, #tpu.memory_space<hbm>>
      tpu.wait_indirect_dma semaphore(%arg12 : memref<!tpu.dma_semaphore, #tpu.memory_space<semaphore_mem>>) src(%dma_wait3A_54 : memref<10000x128xf32, #tpu.memory_space<hbm>>) dst(%arg10 : memref<128x128xf32, #tpu.memory_space<vmem>>)
      %dma_start3A_55 = arith.constant 0 : i32
      %dma_start3A_56 = arith.constant 0 : i32
      %dma_start3A_57 = arith.constant 0 : i32
      %dma_start3A_58 = tpu.memref_slice %arg9[%rem3A_21, %dma_start3A_56, %dma_start3A_57] : memref<2x16x128xi32, #tpu.memory_space<vmem>> -> memref<1x16x128xi32, #tpu.memory_space<vmem>>
      %dma_start3A_59 = tpu.memref_squeeze %dma_start3A_58 : memref<1x16x128xi32, #tpu.memory_space<vmem>> -> memref<16x128xi32, #tpu.memory_space<vmem>>
      %dma_start3A_60 = arith.constant 0 : i32
      %dma_start3A_61 = tpu.memref_slice %dma_start3A_59[%dma_start3A_55, %dma_start3A_60] : memref<16x128xi32, #tpu.memory_space<vmem>> -> memref<1x128xi32, #tpu.memory_space<vmem>>
      %dma_start3A_62 = tpu.memref_squeeze %dma_start3A_61 : memref<1x128xi32, #tpu.memory_space<vmem>> -> memref<128xi32, #tpu.memory_space<vmem>>
      %dma_start3A_63 = arith.constant 0 : i32
      %dma_start3A_64 = arith.constant 0 : i32
      %dma_start3A_65 = tpu.memref_slice %arg7[%dma_start3A_63, %dma_start3A_64] : memref<10240x128xf32, #tpu.memory_space<vmem_shared>> -> memref<10240x128xf32, #tpu.memory_space<vmem_shared>>
      tpu.enqueue_indirect_dma source(%arg10 : memref<128x128xf32, #tpu.memory_space<vmem>>) target(%dma_start3A_65 : memref<10240x128xf32, #tpu.memory_space<vmem_shared>>) offsets(%dma_start3A_62 : memref<128xi32, #tpu.memory_space<vmem>>) semaphore(%arg14 : memref<!tpu.dma_semaphore, #tpu.memory_space<semaphore_mem>>) {add = true}
      %dma_start3A_66 = arith.constant 1 : i32
      %dma_start3A_67 = arith.constant 0 : i32
      %dma_start3A_68 = arith.constant 0 : i32
      %dma_start3A_69 = tpu.memref_slice %arg8[%rem3A_21, %dma_start3A_67, %dma_start3A_68] : memref<2x16x128xi32, #tpu.memory_space<vmem>> -> memref<1x16x128xi32, #tpu.memory_space<vmem>>
      %dma_start3A_70 = tpu.memref_squeeze %dma_start3A_69 : memref<1x16x128xi32, #tpu.memory_space<vmem>> -> memref<16x128xi32, #tpu.memory_space<vmem>>
      %dma_start3A_71 = arith.constant 0 : i32
      %dma_start3A_72 = tpu.memref_slice %dma_start3A_70[%dma_start3A_66, %dma_start3A_71] : memref<16x128xi32, #tpu.memory_space<vmem>> -> memref<1x128xi32, #tpu.memory_space<vmem>>
      %dma_start3A_73 = tpu.memref_squeeze %dma_start3A_72 : memref<1x128xi32, #tpu.memory_space<vmem>> -> memref<128xi32, #tpu.memory_space<vmem>>
      %dma_start3A_74 = arith.constant 0 : i32
      %dma_start3A_75 = arith.constant 0 : i32
      %dma_start3A_76 = tpu.memref_slice %arg2[%dma_start3A_74, %dma_start3A_75] : memref<10000x128xf32, #tpu.memory_space<hbm>> -> memref<10000x128xf32, #tpu.memory_space<hbm>>
      tpu.enqueue_indirect_dma source(%dma_start3A_76 : memref<10000x128xf32, #tpu.memory_space<hbm>>) target(%arg11 : memref<128x128xf32, #tpu.memory_space<vmem>>) offsets(%dma_start3A_73 : memref<128xi32, #tpu.memory_space<vmem>>) semaphore(%arg13 : memref<!tpu.dma_semaphore, #tpu.memory_space<semaphore_mem>>)
      %dma_wait3A_77 = arith.constant 1 : i32
      %dma_wait3A_78 = arith.constant 0 : i32
      %dma_wait3A_79 = arith.constant 0 : i32
      %dma_wait3A_80 = tpu.memref_slice %arg8[%rem3A_21, %dma_wait3A_78, %dma_wait3A_79] : memref<2x16x128xi32, #tpu.memory_space<vmem>> -> memref<1x16x128xi32, #tpu.memory_space<vmem>>
      %dma_wait3A_81 = tpu.memref_squeeze %dma_wait3A_80 : memref<1x16x128xi32, #tpu.memory_space<vmem>> -> memref<16x128xi32, #tpu.memory_space<vmem>>
      %dma_wait3A_82 = arith.constant 0 : i32
      %dma_wait3A_83 = tpu.memref_slice %dma_wait3A_81[%dma_wait3A_77, %dma_wait3A_82] : memref<16x128xi32, #tpu.memory_space<vmem>> -> memref<1x128xi32, #tpu.memory_space<vmem>>
      %dma_wait3A_84 = tpu.memref_squeeze %dma_wait3A_83 : memref<1x128xi32, #tpu.memory_space<vmem>> -> memref<128xi32, #tpu.memory_space<vmem>>
      %dma_wait3A_85 = arith.constant 0 : i32
      %dma_wait3A_86 = arith.constant 0 : i32
      %dma_wait3A_87 = tpu.memref_slice %arg2[%dma_wait3A_85, %dma_wait3A_86] : memref<10000x128xf32, #tpu.memory_space<hbm>> -> memref<10000x128xf32, #tpu.memory_space<hbm>>
      tpu.wait_indirect_dma semaphore(%arg13 : memref<!tpu.dma_semaphore, #tpu.memory_space<semaphore_mem>>) src(%dma_wait3A_87 : memref<10000x128xf32, #tpu.memory_space<hbm>>) dst(%arg11 : memref<128x128xf32, #tpu.memory_space<vmem>>)
      %dma_start3A_88 = arith.constant 1 : i32
      %dma_start3A_89 = arith.constant 0 : i32
      %dma_start3A_90 = arith.constant 0 : i32
      %dma_start3A_91 = tpu.memref_slice %arg9[%rem3A_21, %dma_start3A_89, %dma_start3A_90] : memref<2x16x128xi32, #tpu.memory_space<vmem>> -> memref<1x16x128xi32, #tpu.memory_space<vmem>>
      %dma_start3A_92 = tpu.memref_squeeze %dma_start3A_91 : memref<1x16x128xi32, #tpu.memory_space<vmem>> -> memref<16x128xi32, #tpu.memory_space<vmem>>
      %dma_start3A_93 = arith.constant 0 : i32
      %dma_start3A_94 = tpu.memref_slice %dma_start3A_92[%dma_start3A_88, %dma_start3A_93] : memref<16x128xi32, #tpu.memory_space<vmem>> -> memref<1x128xi32, #tpu.memory_space<vmem>>
      %dma_start3A_95 = tpu.memref_squeeze %dma_start3A_94 : memref<1x128xi32, #tpu.memory_space<vmem>> -> memref<128xi32, #tpu.memory_space<vmem>>
      %dma_start3A_96 = arith.constant 0 : i32
      %dma_start3A_97 = arith.constant 0 : i32
      %dma_start3A_98 = tpu.memref_slice %arg7[%dma_start3A_96, %dma_start3A_97] : memref<10240x128xf32, #tpu.memory_space<vmem_shared>> -> memref<10240x128xf32, #tpu.memory_space<vmem_shared>>
      tpu.enqueue_indirect_dma source(%arg11 : memref<128x128xf32, #tpu.memory_space<vmem>>) target(%dma_start3A_98 : memref<10240x128xf32, #tpu.memory_space<vmem_shared>>) offsets(%dma_start3A_95 : memref<128xi32, #tpu.memory_space<vmem>>) semaphore(%arg15 : memref<!tpu.dma_semaphore, #tpu.memory_space<semaphore_mem>>) {add = true}
      %dma_wait3A_99 = arith.constant 0 : i32
      %dma_wait3A_100 = arith.constant 0 : i32
      %dma_wait3A_101 = arith.constant 0 : i32
      %dma_wait3A_102 = tpu.memref_slice %arg9[%rem3A_21, %dma_wait3A_100, %dma_wait3A_101] : memref<2x16x128xi32, #tpu.memory_space<vmem>> -> memref<1x16x128xi32, #tpu.memory_space<vmem>>
      %dma_wait3A_103 = tpu.memref_squeeze %dma_wait3A_102 : memref<1x16x128xi32, #tpu.memory_space<vmem>> -> memref<16x128xi32, #tpu.memory_space<vmem>>
      %dma_wait3A_104 = arith.constant 0 : i32
      %dma_wait3A_105 = tpu.memref_slice %dma_wait3A_103[%dma_wait3A_99, %dma_wait3A_104] : memref<16x128xi32, #tpu.memory_space<vmem>> -> memref<1x128xi32, #tpu.memory_space<vmem>>
      %dma_wait3A_106 = tpu.memref_squeeze %dma_wait3A_105 : memref<1x128xi32, #tpu.memory_space<vmem>> -> memref<128xi32, #tpu.memory_space<vmem>>
      %dma_wait3A_107 = arith.constant 0 : i32
      %dma_wait3A_108 = arith.constant 0 : i32
      %dma_wait3A_109 = tpu.memref_slice %arg7[%dma_wait3A_107, %dma_wait3A_108] : memref<10240x128xf32, #tpu.memory_space<vmem_shared>> -> memref<10240x128xf32, #tpu.memory_space<vmem_shared>>
      tpu.wait_indirect_dma semaphore(%arg14 : memref<!tpu.dma_semaphore, #tpu.memory_space<semaphore_mem>>) src(%arg10 : memref<128x128xf32, #tpu.memory_space<vmem>>) dst(%dma_wait3A_109 : memref<10240x128xf32, #tpu.memory_space<vmem_shared>>)
      %dma_start3A_110 = arith.constant 2 : i32
      %dma_start3A_111 = arith.constant 0 : i32
      %dma_start3A_112 = arith.constant 0 : i32
      %dma_start3A_113 = tpu.memref_slice %arg8[%rem3A_21, %dma_start3A_111, %dma_start3A_112] : memref<2x16x128xi32, #tpu.memory_space<vmem>> -> memref<1x16x128xi32, #tpu.memory_space<vmem>>
      %dma_start3A_114 = tpu.memref_squeeze %dma_start3A_113 : memref<1x16x128xi32, #tpu.memory_space<vmem>> -> memref<16x128xi32, #tpu.memory_space<vmem>>
      %dma_start3A_115 = arith.constant 0 : i32
      %dma_start3A_116 = tpu.memref_slice %dma_start3A_114[%dma_start3A_110, %dma_start3A_115] : memref<16x128xi32, #tpu.memory_space<vmem>> -> memref<1x128xi32, #tpu.memory_space<vmem>>
      %dma_start3A_117 = tpu.memref_squeeze %dma_start3A_116 : memref<1x128xi32, #tpu.memory_space<vmem>> -> memref<128xi32, #tpu.memory_space<vmem>>
      %dma_start3A_118 = arith.constant 0 : i32
      %dma_start3A_119 = arith.constant 0 : i32
      %dma_start3A_120 = tpu.memref_slice %arg2[%dma_start3A_118, %dma_start3A_119] : memref<10000x128xf32, #tpu.memory_space<hbm>> -> memref<10000x128xf32, #tpu.memory_space<hbm>>
      tpu.enqueue_indirect_dma source(%dma_start3A_120 : memref<10000x128xf32, #tpu.memory_space<hbm>>) target(%arg10 : memref<128x128xf32, #tpu.memory_space<vmem>>) offsets(%dma_start3A_117 : memref<128xi32, #tpu.memory_space<vmem>>) semaphore(%arg12 : memref<!tpu.dma_semaphore, #tpu.memory_space<semaphore_mem>>)
      %dma_wait3A_121 = arith.constant 2 : i32
      %dma_wait3A_122 = arith.constant 0 : i32
      %dma_wait3A_123 = arith.constant 0 : i32
      %dma_wait3A_124 = tpu.memref_slice %arg8[%rem3A_21, %dma_wait3A_122, %dma_wait3A_123] : memref<2x16x128xi32, #tpu.memory_space<vmem>> -> memref<1x16x128xi32, #tpu.memory_space<vmem>>
      %dma_wait3A_125 = tpu.memref_squeeze %dma_wait3A_124 : memref<1x16x128xi32, #tpu.memory_space<vmem>> -> memref<16x128xi32, #tpu.memory_space<vmem>>
      %dma_wait3A_126 = arith.constant 0 : i32
      %dma_wait3A_127 = tpu.memref_slice %dma_wait3A_125[%dma_wait3A_121, %dma_wait3A_126] : memref<16x128xi32, #tpu.memory_space<vmem>> -> memref<1x128xi32, #tpu.memory_space<vmem>>
      %dma_wait3A_128 = tpu.memref_squeeze %dma_wait3A_127 : memref<1x128xi32, #tpu.memory_space<vmem>> -> memref<128xi32, #tpu.memory_space<vmem>>
      %dma_wait3A_129 = arith.constant 0 : i32
      %dma_wait3A_130 = arith.constant 0 : i32
      %dma_wait3A_131 = tpu.memref_slice %arg2[%dma_wait3A_129, %dma_wait3A_130] : memref<10000x128xf32, #tpu.memory_space<hbm>> -> memref<10000x128xf32, #tpu.memory_space<hbm>>
      tpu.wait_indirect_dma semaphore(%arg12 : memref<!tpu.dma_semaphore, #tpu.memory_space<semaphore_mem>>) src(%dma_wait3A_131 : memref<10000x128xf32, #tpu.memory_space<hbm>>) dst(%arg10 : memref<128x128xf32, #tpu.memory_space<vmem>>)
      %dma_start3A_132 = arith.constant 2 : i32
      %dma_start3A_133 = arith.constant 0 : i32
      %dma_start3A_134 = arith.constant 0 : i32
      %dma_start3A_135 = tpu.memref_slice %arg9[%rem3A_21, %dma_start3A_133, %dma_start3A_134] : memref<2x16x128xi32, #tpu.memory_space<vmem>> -> memref<1x16x128xi32, #tpu.memory_space<vmem>>
      %dma_start3A_136 = tpu.memref_squeeze %dma_start3A_135 : memref<1x16x128xi32, #tpu.memory_space<vmem>> -> memref<16x128xi32, #tpu.memory_space<vmem>>
      %dma_start3A_137 = arith.constant 0 : i32
      %dma_start3A_138 = tpu.memref_slice %dma_start3A_136[%dma_start3A_132, %dma_start3A_137] : memref<16x128xi32, #tpu.memory_space<vmem>> -> memref<1x128xi32, #tpu.memory_space<vmem>>
      %dma_start3A_139 = tpu.memref_squeeze %dma_start3A_138 : memref<1x128xi32, #tpu.memory_space<vmem>> -> memref<128xi32, #tpu.memory_space<vmem>>
      %dma_start3A_140 = arith.constant 0 : i32
      %dma_start3A_141 = arith.constant 0 : i32
      %dma_start3A_142 = tpu.memref_slice %arg7[%dma_start3A_140, %dma_start3A_141] : memref<10240x128xf32, #tpu.memory_space<vmem_shared>> -> memref<10240x128xf32, #tpu.memory_space<vmem_shared>>
      tpu.enqueue_indirect_dma source(%arg10 : memref<128x128xf32, #tpu.memory_space<vmem>>) target(%dma_start3A_142 : memref<10240x128xf32, #tpu.memory_space<vmem_shared>>) offsets(%dma_start3A_139 : memref<128xi32, #tpu.memory_space<vmem>>) semaphore(%arg14 : memref<!tpu.dma_semaphore, #tpu.memory_space<semaphore_mem>>) {add = true}
      %dma_wait3A_143 = arith.constant 1 : i32
      %dma_wait3A_144 = arith.constant 0 : i32
      %dma_wait3A_145 = arith.constant 0 : i32
      %dma_wait3A_146 = tpu.memref_slice %arg9[%rem3A_21, %dma_wait3A_144, %dma_wait3A_145] : memref<2x16x128xi32, #tpu.memory_space<vmem>> -> memref<1x16x128xi32, #tpu.memory_space<vmem>>
      %dma_wait3A_147 = tpu.memref_squeeze %dma_wait3A_146 : memref<1x16x128xi32, #tpu.memory_space<vmem>> -> memref<16x128xi32, #tpu.memory_space<vmem>>
      %dma_wait3A_148 = arith.constant 0 : i32
      %dma_wait3A_149 = tpu.memref_slice %dma_wait3A_147[%dma_wait3A_143, %dma_wait3A_148] : memref<16x128xi32, #tpu.memory_space<vmem>> -> memref<1x128xi32, #tpu.memory_space<vmem>>
      %dma_wait3A_150 = tpu.memref_squeeze %dma_wait3A_149 : memref<1x128xi32, #tpu.memory_space<vmem>> -> memref<128xi32, #tpu.memory_space<vmem>>
      %dma_wait3A_151 = arith.constant 0 : i32
      %dma_wait3A_152 = arith.constant 0 : i32
      %dma_wait3A_153 = tpu.memref_slice %arg7[%dma_wait3A_151, %dma_wait3A_152] : memref<10240x128xf32, #tpu.memory_space<vmem_shared>> -> memref<10240x128xf32, #tpu.memory_space<vmem_shared>>
      tpu.wait_indirect_dma semaphore(%arg15 : memref<!tpu.dma_semaphore, #tpu.memory_space<semaphore_mem>>) src(%arg11 : memref<128x128xf32, #tpu.memory_space<vmem>>) dst(%dma_wait3A_153 : memref<10240x128xf32, #tpu.memory_space<vmem_shared>>)
      %dma_start3A_154 = arith.constant 3 : i32
      %dma_start3A_155 = arith.constant 0 : i32
      %dma_start3A_156 = arith.constant 0 : i32
      %dma_start3A_157 = tpu.memref_slice %arg8[%rem3A_21, %dma_start3A_155, %dma_start3A_156] : memref<2x16x128xi32, #tpu.memory_space<vmem>> -> memref<1x16x128xi32, #tpu.memory_space<vmem>>
      %dma_start3A_158 = tpu.memref_squeeze %dma_start3A_157 : memref<1x16x128xi32, #tpu.memory_space<vmem>> -> memref<16x128xi32, #tpu.memory_space<vmem>>
      %dma_start3A_159 = arith.constant 0 : i32
      %dma_start3A_160 = tpu.memref_slice %dma_start3A_158[%dma_start3A_154, %dma_start3A_159] : memref<16x128xi32, #tpu.memory_space<vmem>> -> memref<1x128xi32, #tpu.memory_space<vmem>>
      %dma_start3A_161 = tpu.memref_squeeze %dma_start3A_160 : memref<1x128xi32, #tpu.memory_space<vmem>> -> memref<128xi32, #tpu.memory_space<vmem>>
      %dma_start3A_162 = arith.constant 0 : i32
      %dma_start3A_163 = arith.constant 0 : i32
      %dma_start3A_164 = tpu.memref_slice %arg2[%dma_start3A_162, %dma_start3A_163] : memref<10000x128xf32, #tpu.memory_space<hbm>> -> memref<10000x128xf32, #tpu.memory_space<hbm>>
      tpu.enqueue_indirect_dma source(%dma_start3A_164 : memref<10000x128xf32, #tpu.memory_space<hbm>>) target(%arg11 : memref<128x128xf32, #tpu.memory_space<vmem>>) offsets(%dma_start3A_161 : memref<128xi32, #tpu.memory_space<vmem>>) semaphore(%arg13 : memref<!tpu.dma_semaphore, #tpu.memory_space<semaphore_mem>>)
      %dma_wait3A_165 = arith.constant 3 : i32
      %dma_wait3A_166 = arith.constant 0 : i32
      %dma_wait3A_167 = arith.constant 0 : i32
      %dma_wait3A_168 = tpu.memref_slice %arg8[%rem3A_21, %dma_wait3A_166, %dma_wait3A_167] : memref<2x16x128xi32, #tpu.memory_space<vmem>> -> memref<1x16x128xi32, #tpu.memory_space<vmem>>
      %dma_wait3A_169 = tpu.memref_squeeze %dma_wait3A_168 : memref<1x16x128xi32, #tpu.memory_space<vmem>> -> memref<16x128xi32, #tpu.memory_space<vmem>>
      %dma_wait3A_170 = arith.constant 0 : i32
      %dma_wait3A_171 = tpu.memref_slice %dma_wait3A_169[%dma_wait3A_165, %dma_wait3A_170] : memref<16x128xi32, #tpu.memory_space<vmem>> -> memref<1x128xi32, #tpu.memory_space<vmem>>
      %dma_wait3A_172 = tpu.memref_squeeze %dma_wait3A_171 : memref<1x128xi32, #tpu.memory_space<vmem>> -> memref<128xi32, #tpu.memory_space<vmem>>
      %dma_wait3A_173 = arith.constant 0 : i32
      %dma_wait3A_174 = arith.constant 0 : i32
      %dma_wait3A_175 = tpu.memref_slice %arg2[%dma_wait3A_173, %dma_wait3A_174] : memref<10000x128xf32, #tpu.memory_space<hbm>> -> memref<10000x128xf32, #tpu.memory_space<hbm>>
      tpu.wait_indirect_dma semaphore(%arg13 : memref<!tpu.dma_semaphore, #tpu.memory_space<semaphore_mem>>) src(%dma_wait3A_175 : memref<10000x128xf32, #tpu.memory_space<hbm>>) dst(%arg11 : memref<128x128xf32, #tpu.memory_space<vmem>>)
      %dma_start3A_176 = arith.constant 3 : i32
      %dma_start3A_177 = arith.constant 0 : i32
      %dma_start3A_178 = arith.constant 0 : i32
      %dma_start3A_179 = tpu.memref_slice %arg9[%rem3A_21, %dma_start3A_177, %dma_start3A_178] : memref<2x16x128xi32, #tpu.memory_space<vmem>> -> memref<1x16x128xi32, #tpu.memory_space<vmem>>
      %dma_start3A_180 = tpu.memref_squeeze %dma_start3A_179 : memref<1x16x128xi32, #tpu.memory_space<vmem>> -> memref<16x128xi32, #tpu.memory_space<vmem>>
      %dma_start3A_181 = arith.constant 0 : i32
      %dma_start3A_182 = tpu.memref_slice %dma_start3A_180[%dma_start3A_176, %dma_start3A_181] : memref<16x128xi32, #tpu.memory_space<vmem>> -> memref<1x128xi32, #tpu.memory_space<vmem>>
      %dma_start3A_183 = tpu.memref_squeeze %dma_start3A_182 : memref<1x128xi32, #tpu.memory_space<vmem>> -> memref<128xi32, #tpu.memory_space<vmem>>
      %dma_start3A_184 = arith.constant 0 : i32
      %dma_start3A_185 = arith.constant 0 : i32
      %dma_start3A_186 = tpu.memref_slice %arg7[%dma_start3A_184, %dma_start3A_185] : memref<10240x128xf32, #tpu.memory_space<vmem_shared>> -> memref<10240x128xf32, #tpu.memory_space<vmem_shared>>
      tpu.enqueue_indirect_dma source(%arg11 : memref<128x128xf32, #tpu.memory_space<vmem>>) target(%dma_start3A_186 : memref<10240x128xf32, #tpu.memory_space<vmem_shared>>) offsets(%dma_start3A_183 : memref<128xi32, #tpu.memory_space<vmem>>) semaphore(%arg15 : memref<!tpu.dma_semaphore, #tpu.memory_space<semaphore_mem>>) {add = true}
      %dma_wait3A_187 = arith.constant 2 : i32
      %dma_wait3A_188 = arith.constant 0 : i32
      %dma_wait3A_189 = arith.constant 0 : i32
      %dma_wait3A_190 = tpu.memref_slice %arg9[%rem3A_21, %dma_wait3A_188, %dma_wait3A_189] : memref<2x16x128xi32, #tpu.memory_space<vmem>> -> memref<1x16x128xi32, #tpu.memory_space<vmem>>
      %dma_wait3A_191 = tpu.memref_squeeze %dma_wait3A_190 : memref<1x16x128xi32, #tpu.memory_space<vmem>> -> memref<16x128xi32, #tpu.memory_space<vmem>>
      %dma_wait3A_192 = arith.constant 0 : i32
      %dma_wait3A_193 = tpu.memref_slice %dma_wait3A_191[%dma_wait3A_187, %dma_wait3A_192] : memref<16x128xi32, #tpu.memory_space<vmem>> -> memref<1x128xi32, #tpu.memory_space<vmem>>
      %dma_wait3A_194 = tpu.memref_squeeze %dma_wait3A_193 : memref<1x128xi32, #tpu.memory_space<vmem>> -> memref<128xi32, #tpu.memory_space<vmem>>
      %dma_wait3A_195 = arith.constant 0 : i32
      %dma_wait3A_196 = arith.constant 0 : i32
      %dma_wait3A_197 = tpu.memref_slice %arg7[%dma_wait3A_195, %dma_wait3A_196] : memref<10240x128xf32, #tpu.memory_space<vmem_shared>> -> memref<10240x128xf32, #tpu.memory_space<vmem_shared>>
      tpu.wait_indirect_dma semaphore(%arg14 : memref<!tpu.dma_semaphore, #tpu.memory_space<semaphore_mem>>) src(%arg10 : memref<128x128xf32, #tpu.memory_space<vmem>>) dst(%dma_wait3A_197 : memref<10240x128xf32, #tpu.memory_space<vmem_shared>>)
      %dma_start3A_198 = arith.constant 4 : i32
      %dma_start3A_199 = arith.constant 0 : i32
      %dma_start3A_200 = arith.constant 0 : i32
      %dma_start3A_201 = tpu.memref_slice %arg8[%rem3A_21, %dma_start3A_199, %dma_start3A_200] : memref<2x16x128xi32, #tpu.memory_space<vmem>> -> memref<1x16x128xi32, #tpu.memory_space<vmem>>
      %dma_start3A_202 = tpu.memref_squeeze %dma_start3A_201 : memref<1x16x128xi32, #tpu.memory_space<vmem>> -> memref<16x128xi32, #tpu.memory_space<vmem>>
      %dma_start3A_203 = arith.constant 0 : i32
      %dma_start3A_204 = tpu.memref_slice %dma_start3A_202[%dma_start3A_198, %dma_start3A_203] : memref<16x128xi32, #tpu.memory_space<vmem>> -> memref<1x128xi32, #tpu.memory_space<vmem>>
      %dma_start3A_205 = tpu.memref_squeeze %dma_start3A_204 : memref<1x128xi32, #tpu.memory_space<vmem>> -> memref<128xi32, #tpu.memory_space<vmem>>
      %dma_start3A_206 = arith.constant 0 : i32
      %dma_start3A_207 = arith.constant 0 : i32
      %dma_start3A_208 = tpu.memref_slice %arg2[%dma_start3A_206, %dma_start3A_207] : memref<10000x128xf32, #tpu.memory_space<hbm>> -> memref<10000x128xf32, #tpu.memory_space<hbm>>
      tpu.enqueue_indirect_dma source(%dma_start3A_208 : memref<10000x128xf32, #tpu.memory_space<hbm>>) target(%arg10 : memref<128x128xf32, #tpu.memory_space<vmem>>) offsets(%dma_start3A_205 : memref<128xi32, #tpu.memory_space<vmem>>) semaphore(%arg12 : memref<!tpu.dma_semaphore, #tpu.memory_space<semaphore_mem>>)
      %dma_wait3A_209 = arith.constant 4 : i32
      %dma_wait3A_210 = arith.constant 0 : i32
      %dma_wait3A_211 = arith.constant 0 : i32
      %dma_wait3A_212 = tpu.memref_slice %arg8[%rem3A_21, %dma_wait3A_210, %dma_wait3A_211] : memref<2x16x128xi32, #tpu.memory_space<vmem>> -> memref<1x16x128xi32, #tpu.memory_space<vmem>>
      %dma_wait3A_213 = tpu.memref_squeeze %dma_wait3A_212 : memref<1x16x128xi32, #tpu.memory_space<vmem>> -> memref<16x128xi32, #tpu.memory_space<vmem>>
      %dma_wait3A_214 = arith.constant 0 : i32
      %dma_wait3A_215 = tpu.memref_slice %dma_wait3A_213[%dma_wait3A_209, %dma_wait3A_214] : memref<16x128xi32, #tpu.memory_space<vmem>> -> memref<1x128xi32, #tpu.memory_space<vmem>>
      %dma_wait3A_216 = tpu.memref_squeeze %dma_wait3A_215 : memref<1x128xi32, #tpu.memory_space<vmem>> -> memref<128xi32, #tpu.memory_space<vmem>>
      %dma_wait3A_217 = arith.constant 0 : i32
      %dma_wait3A_218 = arith.constant 0 : i32
      %dma_wait3A_219 = tpu.memref_slice %arg2[%dma_wait3A_217, %dma_wait3A_218] : memref<10000x128xf32, #tpu.memory_space<hbm>> -> memref<10000x128xf32, #tpu.memory_space<hbm>>
      tpu.wait_indirect_dma semaphore(%arg12 : memref<!tpu.dma_semaphore, #tpu.memory_space<semaphore_mem>>) src(%dma_wait3A_219 : memref<10000x128xf32, #tpu.memory_space<hbm>>) dst(%arg10 : memref<128x128xf32, #tpu.memory_space<vmem>>)
      %dma_start3A_220 = arith.constant 4 : i32
      %dma_start3A_221 = arith.constant 0 : i32
      %dma_start3A_222 = arith.constant 0 : i32
      %dma_start3A_223 = tpu.memref_slice %arg9[%rem3A_21, %dma_start3A_221, %dma_start3A_222] : memref<2x16x128xi32, #tpu.memory_space<vmem>> -> memref<1x16x128xi32, #tpu.memory_space<vmem>>
      %dma_start3A_224 = tpu.memref_squeeze %dma_start3A_223 : memref<1x16x128xi32, #tpu.memory_space<vmem>> -> memref<16x128xi32, #tpu.memory_space<vmem>>
      %dma_start3A_225 = arith.constant 0 : i32
      %dma_start3A_226 = tpu.memref_slice %dma_start3A_224[%dma_start3A_220, %dma_start3A_225] : memref<16x128xi32, #tpu.memory_space<vmem>> -> memref<1x128xi32, #tpu.memory_space<vmem>>
      %dma_start3A_227 = tpu.memref_squeeze %dma_start3A_226 : memref<1x128xi32, #tpu.memory_space<vmem>> -> memref<128xi32, #tpu.memory_space<vmem>>
      %dma_start3A_228 = arith.constant 0 : i32
      %dma_start3A_229 = arith.constant 0 : i32
      %dma_start3A_230 = tpu.memref_slice %arg7[%dma_start3A_228, %dma_start3A_229] : memref<10240x128xf32, #tpu.memory_space<vmem_shared>> -> memref<10240x128xf32, #tpu.memory_space<vmem_shared>>
      tpu.enqueue_indirect_dma source(%arg10 : memref<128x128xf32, #tpu.memory_space<vmem>>) target(%dma_start3A_230 : memref<10240x128xf32, #tpu.memory_space<vmem_shared>>) offsets(%dma_start3A_227 : memref<128xi32, #tpu.memory_space<vmem>>) semaphore(%arg14 : memref<!tpu.dma_semaphore, #tpu.memory_space<semaphore_mem>>) {add = true}
      %dma_wait3A_231 = arith.constant 3 : i32
      %dma_wait3A_232 = arith.constant 0 : i32
      %dma_wait3A_233 = arith.constant 0 : i32
      %dma_wait3A_234 = tpu.memref_slice %arg9[%rem3A_21, %dma_wait3A_232, %dma_wait3A_233] : memref<2x16x128xi32, #tpu.memory_space<vmem>> -> memref<1x16x128xi32, #tpu.memory_space<vmem>>
      %dma_wait3A_235 = tpu.memref_squeeze %dma_wait3A_234 : memref<1x16x128xi32, #tpu.memory_space<vmem>> -> memref<16x128xi32, #tpu.memory_space<vmem>>
      %dma_wait3A_236 = arith.constant 0 : i32
      %dma_wait3A_237 = tpu.memref_slice %dma_wait3A_235[%dma_wait3A_231, %dma_wait3A_236] : memref<16x128xi32, #tpu.memory_space<vmem>> -> memref<1x128xi32, #tpu.memory_space<vmem>>
      %dma_wait3A_238 = tpu.memref_squeeze %dma_wait3A_237 : memref<1x128xi32, #tpu.memory_space<vmem>> -> memref<128xi32, #tpu.memory_space<vmem>>
      %dma_wait3A_239 = arith.constant 0 : i32
      %dma_wait3A_240 = arith.constant 0 : i32
      %dma_wait3A_241 = tpu.memref_slice %arg7[%dma_wait3A_239, %dma_wait3A_240] : memref<10240x128xf32, #tpu.memory_space<vmem_shared>> -> memref<10240x128xf32, #tpu.memory_space<vmem_shared>>
      tpu.wait_indirect_dma semaphore(%arg15 : memref<!tpu.dma_semaphore, #tpu.memory_space<semaphore_mem>>) src(%arg11 : memref<128x128xf32, #tpu.memory_space<vmem>>) dst(%dma_wait3A_241 : memref<10240x128xf32, #tpu.memory_space<vmem_shared>>)
      %dma_start3A_242 = arith.constant 5 : i32
      %dma_start3A_243 = arith.constant 0 : i32
      %dma_start3A_244 = arith.constant 0 : i32
      %dma_start3A_245 = tpu.memref_slice %arg8[%rem3A_21, %dma_start3A_243, %dma_start3A_244] : memref<2x16x128xi32, #tpu.memory_space<vmem>> -> memref<1x16x128xi32, #tpu.memory_space<vmem>>
      %dma_start3A_246 = tpu.memref_squeeze %dma_start3A_245 : memref<1x16x128xi32, #tpu.memory_space<vmem>> -> memref<16x128xi32, #tpu.memory_space<vmem>>
      %dma_start3A_247 = arith.constant 0 : i32
      %dma_start3A_248 = tpu.memref_slice %dma_start3A_246[%dma_start3A_242, %dma_start3A_247] : memref<16x128xi32, #tpu.memory_space<vmem>> -> memref<1x128xi32, #tpu.memory_space<vmem>>
      %dma_start3A_249 = tpu.memref_squeeze %dma_start3A_248 : memref<1x128xi32, #tpu.memory_space<vmem>> -> memref<128xi32, #tpu.memory_space<vmem>>
      %dma_start3A_250 = arith.constant 0 : i32
      %dma_start3A_251 = arith.constant 0 : i32
      %dma_start3A_252 = tpu.memref_slice %arg2[%dma_start3A_250, %dma_start3A_251] : memref<10000x128xf32, #tpu.memory_space<hbm>> -> memref<10000x128xf32, #tpu.memory_space<hbm>>
      tpu.enqueue_indirect_dma source(%dma_start3A_252 : memref<10000x128xf32, #tpu.memory_space<hbm>>) target(%arg11 : memref<128x128xf32, #tpu.memory_space<vmem>>) offsets(%dma_start3A_249 : memref<128xi32, #tpu.memory_space<vmem>>) semaphore(%arg13 : memref<!tpu.dma_semaphore, #tpu.memory_space<semaphore_mem>>)
      %dma_wait3A_253 = arith.constant 5 : i32
      %dma_wait3A_254 = arith.constant 0 : i32
      %dma_wait3A_255 = arith.constant 0 : i32
      %dma_wait3A_256 = tpu.memref_slice %arg8[%rem3A_21, %dma_wait3A_254, %dma_wait3A_255] : memref<2x16x128xi32, #tpu.memory_space<vmem>> -> memref<1x16x128xi32, #tpu.memory_space<vmem>>
      %dma_wait3A_257 = tpu.memref_squeeze %dma_wait3A_256 : memref<1x16x128xi32, #tpu.memory_space<vmem>> -> memref<16x128xi32, #tpu.memory_space<vmem>>
      %dma_wait3A_258 = arith.constant 0 : i32
      %dma_wait3A_259 = tpu.memref_slice %dma_wait3A_257[%dma_wait3A_253, %dma_wait3A_258] : memref<16x128xi32, #tpu.memory_space<vmem>> -> memref<1x128xi32, #tpu.memory_space<vmem>>
      %dma_wait3A_260 = tpu.memref_squeeze %dma_wait3A_259 : memref<1x128xi32, #tpu.memory_space<vmem>> -> memref<128xi32, #tpu.memory_space<vmem>>
      %dma_wait3A_261 = arith.constant 0 : i32
      %dma_wait3A_262 = arith.constant 0 : i32
      %dma_wait3A_263 = tpu.memref_slice %arg2[%dma_wait3A_261, %dma_wait3A_262] : memref<10000x128xf32, #tpu.memory_space<hbm>> -> memref<10000x128xf32, #tpu.memory_space<hbm>>
      tpu.wait_indirect_dma semaphore(%arg13 : memref<!tpu.dma_semaphore, #tpu.memory_space<semaphore_mem>>) src(%dma_wait3A_263 : memref<10000x128xf32, #tpu.memory_space<hbm>>) dst(%arg11 : memref<128x128xf32, #tpu.memory_space<vmem>>)
      %dma_start3A_264 = arith.constant 5 : i32
      %dma_start3A_265 = arith.constant 0 : i32
      %dma_start3A_266 = arith.constant 0 : i32
      %dma_start3A_267 = tpu.memref_slice %arg9[%rem3A_21, %dma_start3A_265, %dma_start3A_266] : memref<2x16x128xi32, #tpu.memory_space<vmem>> -> memref<1x16x128xi32, #tpu.memory_space<vmem>>
      %dma_start3A_268 = tpu.memref_squeeze %dma_start3A_267 : memref<1x16x128xi32, #tpu.memory_space<vmem>> -> memref<16x128xi32, #tpu.memory_space<vmem>>
      %dma_start3A_269 = arith.constant 0 : i32
      %dma_start3A_270 = tpu.memref_slice %dma_start3A_268[%dma_start3A_264, %dma_start3A_269] : memref<16x128xi32, #tpu.memory_space<vmem>> -> memref<1x128xi32, #tpu.memory_space<vmem>>
      %dma_start3A_271 = tpu.memref_squeeze %dma_start3A_270 : memref<1x128xi32, #tpu.memory_space<vmem>> -> memref<128xi32, #tpu.memory_space<vmem>>
      %dma_start3A_272 = arith.constant 0 : i32
      %dma_start3A_273 = arith.constant 0 : i32
      %dma_start3A_274 = tpu.memref_slice %arg7[%dma_start3A_272, %dma_start3A_273] : memref<10240x128xf32, #tpu.memory_space<vmem_shared>> -> memref<10240x128xf32, #tpu.memory_space<vmem_shared>>
      tpu.enqueue_indirect_dma source(%arg11 : memref<128x128xf32, #tpu.memory_space<vmem>>) target(%dma_start3A_274 : memref<10240x128xf32, #tpu.memory_space<vmem_shared>>) offsets(%dma_start3A_271 : memref<128xi32, #tpu.memory_space<vmem>>) semaphore(%arg15 : memref<!tpu.dma_semaphore, #tpu.memory_space<semaphore_mem>>) {add = true}
      %dma_wait3A_275 = arith.constant 4 : i32
      %dma_wait3A_276 = arith.constant 0 : i32
      %dma_wait3A_277 = arith.constant 0 : i32
      %dma_wait3A_278 = tpu.memref_slice %arg9[%rem3A_21, %dma_wait3A_276, %dma_wait3A_277] : memref<2x16x128xi32, #tpu.memory_space<vmem>> -> memref<1x16x128xi32, #tpu.memory_space<vmem>>
      %dma_wait3A_279 = tpu.memref_squeeze %dma_wait3A_278 : memref<1x16x128xi32, #tpu.memory_space<vmem>> -> memref<16x128xi32, #tpu.memory_space<vmem>>
      %dma_wait3A_280 = arith.constant 0 : i32
      %dma_wait3A_281 = tpu.memref_slice %dma_wait3A_279[%dma_wait3A_275, %dma_wait3A_280] : memref<16x128xi32, #tpu.memory_space<vmem>> -> memref<1x128xi32, #tpu.memory_space<vmem>>
      %dma_wait3A_282 = tpu.memref_squeeze %dma_wait3A_281 : memref<1x128xi32, #tpu.memory_space<vmem>> -> memref<128xi32, #tpu.memory_space<vmem>>
      %dma_wait3A_283 = arith.constant 0 : i32
      %dma_wait3A_284 = arith.constant 0 : i32
      %dma_wait3A_285 = tpu.memref_slice %arg7[%dma_wait3A_283, %dma_wait3A_284] : memref<10240x128xf32, #tpu.memory_space<vmem_shared>> -> memref<10240x128xf32, #tpu.memory_space<vmem_shared>>
      tpu.wait_indirect_dma semaphore(%arg14 : memref<!tpu.dma_semaphore, #tpu.memory_space<semaphore_mem>>) src(%arg10 : memref<128x128xf32, #tpu.memory_space<vmem>>) dst(%dma_wait3A_285 : memref<10240x128xf32, #tpu.memory_space<vmem_shared>>)
      %dma_start3A_286 = arith.constant 6 : i32
      %dma_start3A_287 = arith.constant 0 : i32
      %dma_start3A_288 = arith.constant 0 : i32
      %dma_start3A_289 = tpu.memref_slice %arg8[%rem3A_21, %dma_start3A_287, %dma_start3A_288] : memref<2x16x128xi32, #tpu.memory_space<vmem>> -> memref<1x16x128xi32, #tpu.memory_space<vmem>>
      %dma_start3A_290 = tpu.memref_squeeze %dma_start3A_289 : memref<1x16x128xi32, #tpu.memory_space<vmem>> -> memref<16x128xi32, #tpu.memory_space<vmem>>
      %dma_start3A_291 = arith.constant 0 : i32
      %dma_start3A_292 = tpu.memref_slice %dma_start3A_290[%dma_start3A_286, %dma_start3A_291] : memref<16x128xi32, #tpu.memory_space<vmem>> -> memref<1x128xi32, #tpu.memory_space<vmem>>
      %dma_start3A_293 = tpu.memref_squeeze %dma_start3A_292 : memref<1x128xi32, #tpu.memory_space<vmem>> -> memref<128xi32, #tpu.memory_space<vmem>>
      %dma_start3A_294 = arith.constant 0 : i32
      %dma_start3A_295 = arith.constant 0 : i32
      %dma_start3A_296 = tpu.memref_slice %arg2[%dma_start3A_294, %dma_start3A_295] : memref<10000x128xf32, #tpu.memory_space<hbm>> -> memref<10000x128xf32, #tpu.memory_space<hbm>>
      tpu.enqueue_indirect_dma source(%dma_start3A_296 : memref<10000x128xf32, #tpu.memory_space<hbm>>) target(%arg10 : memref<128x128xf32, #tpu.memory_space<vmem>>) offsets(%dma_start3A_293 : memref<128xi32, #tpu.memory_space<vmem>>) semaphore(%arg12 : memref<!tpu.dma_semaphore, #tpu.memory_space<semaphore_mem>>)
      %dma_wait3A_297 = arith.constant 6 : i32
      %dma_wait3A_298 = arith.constant 0 : i32
      %dma_wait3A_299 = arith.constant 0 : i32
      %dma_wait3A_300 = tpu.memref_slice %arg8[%rem3A_21, %dma_wait3A_298, %dma_wait3A_299] : memref<2x16x128xi32, #tpu.memory_space<vmem>> -> memref<1x16x128xi32, #tpu.memory_space<vmem>>
      %dma_wait3A_301 = tpu.memref_squeeze %dma_wait3A_300 : memref<1x16x128xi32, #tpu.memory_space<vmem>> -> memref<16x128xi32, #tpu.memory_space<vmem>>
      %dma_wait3A_302 = arith.constant 0 : i32
      %dma_wait3A_303 = tpu.memref_slice %dma_wait3A_301[%dma_wait3A_297, %dma_wait3A_302] : memref<16x128xi32, #tpu.memory_space<vmem>> -> memref<1x128xi32, #tpu.memory_space<vmem>>
      %dma_wait3A_304 = tpu.memref_squeeze %dma_wait3A_303 : memref<1x128xi32, #tpu.memory_space<vmem>> -> memref<128xi32, #tpu.memory_space<vmem>>
      %dma_wait3A_305 = arith.constant 0 : i32
      %dma_wait3A_306 = arith.constant 0 : i32
      %dma_wait3A_307 = tpu.memref_slice %arg2[%dma_wait3A_305, %dma_wait3A_306] : memref<10000x128xf32, #tpu.memory_space<hbm>> -> memref<10000x128xf32, #tpu.memory_space<hbm>>
      tpu.wait_indirect_dma semaphore(%arg12 : memref<!tpu.dma_semaphore, #tpu.memory_space<semaphore_mem>>) src(%dma_wait3A_307 : memref<10000x128xf32, #tpu.memory_space<hbm>>) dst(%arg10 : memref<128x128xf32, #tpu.memory_space<vmem>>)
      %dma_start3A_308 = arith.constant 6 : i32
      %dma_start3A_309 = arith.constant 0 : i32
      %dma_start3A_310 = arith.constant 0 : i32
      %dma_start3A_311 = tpu.memref_slice %arg9[%rem3A_21, %dma_start3A_309, %dma_start3A_310] : memref<2x16x128xi32, #tpu.memory_space<vmem>> -> memref<1x16x128xi32, #tpu.memory_space<vmem>>
      %dma_start3A_312 = tpu.memref_squeeze %dma_start3A_311 : memref<1x16x128xi32, #tpu.memory_space<vmem>> -> memref<16x128xi32, #tpu.memory_space<vmem>>
      %dma_start3A_313 = arith.constant 0 : i32
      %dma_start3A_314 = tpu.memref_slice %dma_start3A_312[%dma_start3A_308, %dma_start3A_313] : memref<16x128xi32, #tpu.memory_space<vmem>> -> memref<1x128xi32, #tpu.memory_space<vmem>>
      %dma_start3A_315 = tpu.memref_squeeze %dma_start3A_314 : memref<1x128xi32, #tpu.memory_space<vmem>> -> memref<128xi32, #tpu.memory_space<vmem>>
      %dma_start3A_316 = arith.constant 0 : i32
      %dma_start3A_317 = arith.constant 0 : i32
      %dma_start3A_318 = tpu.memref_slice %arg7[%dma_start3A_316, %dma_start3A_317] : memref<10240x128xf32, #tpu.memory_space<vmem_shared>> -> memref<10240x128xf32, #tpu.memory_space<vmem_shared>>
      tpu.enqueue_indirect_dma source(%arg10 : memref<128x128xf32, #tpu.memory_space<vmem>>) target(%dma_start3A_318 : memref<10240x128xf32, #tpu.memory_space<vmem_shared>>) offsets(%dma_start3A_315 : memref<128xi32, #tpu.memory_space<vmem>>) semaphore(%arg14 : memref<!tpu.dma_semaphore, #tpu.memory_space<semaphore_mem>>) {add = true}
      %dma_wait3A_319 = arith.constant 5 : i32
      %dma_wait3A_320 = arith.constant 0 : i32
      %dma_wait3A_321 = arith.constant 0 : i32
      %dma_wait3A_322 = tpu.memref_slice %arg9[%rem3A_21, %dma_wait3A_320, %dma_wait3A_321] : memref<2x16x128xi32, #tpu.memory_space<vmem>> -> memref<1x16x128xi32, #tpu.memory_space<vmem>>
      %dma_wait3A_323 = tpu.memref_squeeze %dma_wait3A_322 : memref<1x16x128xi32, #tpu.memory_space<vmem>> -> memref<16x128xi32, #tpu.memory_space<vmem>>
      %dma_wait3A_324 = arith.constant 0 : i32
      %dma_wait3A_325 = tpu.memref_slice %dma_wait3A_323[%dma_wait3A_319, %dma_wait3A_324] : memref<16x128xi32, #tpu.memory_space<vmem>> -> memref<1x128xi32, #tpu.memory_space<vmem>>
      %dma_wait3A_326 = tpu.memref_squeeze %dma_wait3A_325 : memref<1x128xi32, #tpu.memory_space<vmem>> -> memref<128xi32, #tpu.memory_space<vmem>>
      %dma_wait3A_327 = arith.constant 0 : i32
      %dma_wait3A_328 = arith.constant 0 : i32
      %dma_wait3A_329 = tpu.memref_slice %arg7[%dma_wait3A_327, %dma_wait3A_328] : memref<10240x128xf32, #tpu.memory_space<vmem_shared>> -> memref<10240x128xf32, #tpu.memory_space<vmem_shared>>
      tpu.wait_indirect_dma semaphore(%arg15 : memref<!tpu.dma_semaphore, #tpu.memory_space<semaphore_mem>>) src(%arg11 : memref<128x128xf32, #tpu.memory_space<vmem>>) dst(%dma_wait3A_329 : memref<10240x128xf32, #tpu.memory_space<vmem_shared>>)
      %dma_start3A_330 = arith.constant 7 : i32
      %dma_start3A_331 = arith.constant 0 : i32
      %dma_start3A_332 = arith.constant 0 : i32
      %dma_start3A_333 = tpu.memref_slice %arg8[%rem3A_21, %dma_start3A_331, %dma_start3A_332] : memref<2x16x128xi32, #tpu.memory_space<vmem>> -> memref<1x16x128xi32, #tpu.memory_space<vmem>>
      %dma_start3A_334 = tpu.memref_squeeze %dma_start3A_333 : memref<1x16x128xi32, #tpu.memory_space<vmem>> -> memref<16x128xi32, #tpu.memory_space<vmem>>
      %dma_start3A_335 = arith.constant 0 : i32
      %dma_start3A_336 = tpu.memref_slice %dma_start3A_334[%dma_start3A_330, %dma_start3A_335] : memref<16x128xi32, #tpu.memory_space<vmem>> -> memref<1x128xi32, #tpu.memory_space<vmem>>
      %dma_start3A_337 = tpu.memref_squeeze %dma_start3A_336 : memref<1x128xi32, #tpu.memory_space<vmem>> -> memref<128xi32, #tpu.memory_space<vmem>>
      %dma_start3A_338 = arith.constant 0 : i32
      %dma_start3A_339 = arith.constant 0 : i32
      %dma_start3A_340 = tpu.memref_slice %arg2[%dma_start3A_338, %dma_start3A_339] : memref<10000x128xf32, #tpu.memory_space<hbm>> -> memref<10000x128xf32, #tpu.memory_space<hbm>>
      tpu.enqueue_indirect_dma source(%dma_start3A_340 : memref<10000x128xf32, #tpu.memory_space<hbm>>) target(%arg11 : memref<128x128xf32, #tpu.memory_space<vmem>>) offsets(%dma_start3A_337 : memref<128xi32, #tpu.memory_space<vmem>>) semaphore(%arg13 : memref<!tpu.dma_semaphore, #tpu.memory_space<semaphore_mem>>)
      %dma_wait3A_341 = arith.constant 7 : i32
      %dma_wait3A_342 = arith.constant 0 : i32
      %dma_wait3A_343 = arith.constant 0 : i32
      %dma_wait3A_344 = tpu.memref_slice %arg8[%rem3A_21, %dma_wait3A_342, %dma_wait3A_343] : memref<2x16x128xi32, #tpu.memory_space<vmem>> -> memref<1x16x128xi32, #tpu.memory_space<vmem>>
      %dma_wait3A_345 = tpu.memref_squeeze %dma_wait3A_344 : memref<1x16x128xi32, #tpu.memory_space<vmem>> -> memref<16x128xi32, #tpu.memory_space<vmem>>
      %dma_wait3A_346 = arith.constant 0 : i32
      %dma_wait3A_347 = tpu.memref_slice %dma_wait3A_345[%dma_wait3A_341, %dma_wait3A_346] : memref<16x128xi32, #tpu.memory_space<vmem>> -> memref<1x128xi32, #tpu.memory_space<vmem>>
      %dma_wait3A_348 = tpu.memref_squeeze %dma_wait3A_347 : memref<1x128xi32, #tpu.memory_space<vmem>> -> memref<128xi32, #tpu.memory_space<vmem>>
      %dma_wait3A_349 = arith.constant 0 : i32
      %dma_wait3A_350 = arith.constant 0 : i32
      %dma_wait3A_351 = tpu.memref_slice %arg2[%dma_wait3A_349, %dma_wait3A_350] : memref<10000x128xf32, #tpu.memory_space<hbm>> -> memref<10000x128xf32, #tpu.memory_space<hbm>>
      tpu.wait_indirect_dma semaphore(%arg13 : memref<!tpu.dma_semaphore, #tpu.memory_space<semaphore_mem>>) src(%dma_wait3A_351 : memref<10000x128xf32, #tpu.memory_space<hbm>>) dst(%arg11 : memref<128x128xf32, #tpu.memory_space<vmem>>)
      %dma_start3A_352 = arith.constant 7 : i32
      %dma_start3A_353 = arith.constant 0 : i32
      %dma_start3A_354 = arith.constant 0 : i32
      %dma_start3A_355 = tpu.memref_slice %arg9[%rem3A_21, %dma_start3A_353, %dma_start3A_354] : memref<2x16x128xi32, #tpu.memory_space<vmem>> -> memref<1x16x128xi32, #tpu.memory_space<vmem>>
      %dma_start3A_356 = tpu.memref_squeeze %dma_start3A_355 : memref<1x16x128xi32, #tpu.memory_space<vmem>> -> memref<16x128xi32, #tpu.memory_space<vmem>>
      %dma_start3A_357 = arith.constant 0 : i32
      %dma_start3A_358 = tpu.memref_slice %dma_start3A_356[%dma_start3A_352, %dma_start3A_357] : memref<16x128xi32, #tpu.memory_space<vmem>> -> memref<1x128xi32, #tpu.memory_space<vmem>>
      %dma_start3A_359 = tpu.memref_squeeze %dma_start3A_358 : memref<1x128xi32, #tpu.memory_space<vmem>> -> memref<128xi32, #tpu.memory_space<vmem>>
      %dma_start3A_360 = arith.constant 0 : i32
      %dma_start3A_361 = arith.constant 0 : i32
      %dma_start3A_362 = tpu.memref_slice %arg7[%dma_start3A_360, %dma_start3A_361] : memref<10240x128xf32, #tpu.memory_space<vmem_shared>> -> memref<10240x128xf32, #tpu.memory_space<vmem_shared>>
      tpu.enqueue_indirect_dma source(%arg11 : memref<128x128xf32, #tpu.memory_space<vmem>>) target(%dma_start3A_362 : memref<10240x128xf32, #tpu.memory_space<vmem_shared>>) offsets(%dma_start3A_359 : memref<128xi32, #tpu.memory_space<vmem>>) semaphore(%arg15 : memref<!tpu.dma_semaphore, #tpu.memory_space<semaphore_mem>>) {add = true}
      %dma_wait3A_363 = arith.constant 6 : i32
      %dma_wait3A_364 = arith.constant 0 : i32
      %dma_wait3A_365 = arith.constant 0 : i32
      %dma_wait3A_366 = tpu.memref_slice %arg9[%rem3A_21, %dma_wait3A_364, %dma_wait3A_365] : memref<2x16x128xi32, #tpu.memory_space<vmem>> -> memref<1x16x128xi32, #tpu.memory_space<vmem>>
      %dma_wait3A_367 = tpu.memref_squeeze %dma_wait3A_366 : memref<1x16x128xi32, #tpu.memory_space<vmem>> -> memref<16x128xi32, #tpu.memory_space<vmem>>
      %dma_wait3A_368 = arith.constant 0 : i32
      %dma_wait3A_369 = tpu.memref_slice %dma_wait3A_367[%dma_wait3A_363, %dma_wait3A_368] : memref<16x128xi32, #tpu.memory_space<vmem>> -> memref<1x128xi32, #tpu.memory_space<vmem>>
      %dma_wait3A_370 = tpu.memref_squeeze %dma_wait3A_369 : memref<1x128xi32, #tpu.memory_space<vmem>> -> memref<128xi32, #tpu.memory_space<vmem>>
      %dma_wait3A_371 = arith.constant 0 : i32
      %dma_wait3A_372 = arith.constant 0 : i32
      %dma_wait3A_373 = tpu.memref_slice %arg7[%dma_wait3A_371, %dma_wait3A_372] : memref<10240x128xf32, #tpu.memory_space<vmem_shared>> -> memref<10240x128xf32, #tpu.memory_space<vmem_shared>>
      tpu.wait_indirect_dma semaphore(%arg14 : memref<!tpu.dma_semaphore, #tpu.memory_space<semaphore_mem>>) src(%arg10 : memref<128x128xf32, #tpu.memory_space<vmem>>) dst(%dma_wait3A_373 : memref<10240x128xf32, #tpu.memory_space<vmem_shared>>)
      %dma_start3A_374 = arith.constant 8 : i32
      %dma_start3A_375 = arith.constant 0 : i32
      %dma_start3A_376 = arith.constant 0 : i32
      %dma_start3A_377 = tpu.memref_slice %arg8[%rem3A_21, %dma_start3A_375, %dma_start3A_376] : memref<2x16x128xi32, #tpu.memory_space<vmem>> -> memref<1x16x128xi32, #tpu.memory_space<vmem>>
      %dma_start3A_378 = tpu.memref_squeeze %dma_start3A_377 : memref<1x16x128xi32, #tpu.memory_space<vmem>> -> memref<16x128xi32, #tpu.memory_space<vmem>>
      %dma_start3A_379 = arith.constant 0 : i32
      %dma_start3A_380 = tpu.memref_slice %dma_start3A_378[%dma_start3A_374, %dma_start3A_379] : memref<16x128xi32, #tpu.memory_space<vmem>> -> memref<1x128xi32, #tpu.memory_space<vmem>>
      %dma_start3A_381 = tpu.memref_squeeze %dma_start3A_380 : memref<1x128xi32, #tpu.memory_space<vmem>> -> memref<128xi32, #tpu.memory_space<vmem>>
      %dma_start3A_382 = arith.constant 0 : i32
      %dma_start3A_383 = arith.constant 0 : i32
      %dma_start3A_384 = tpu.memref_slice %arg2[%dma_start3A_382, %dma_start3A_383] : memref<10000x128xf32, #tpu.memory_space<hbm>> -> memref<10000x128xf32, #tpu.memory_space<hbm>>
      tpu.enqueue_indirect_dma source(%dma_start3A_384 : memref<10000x128xf32, #tpu.memory_space<hbm>>) target(%arg10 : memref<128x128xf32, #tpu.memory_space<vmem>>) offsets(%dma_start3A_381 : memref<128xi32, #tpu.memory_space<vmem>>) semaphore(%arg12 : memref<!tpu.dma_semaphore, #tpu.memory_space<semaphore_mem>>)
      %dma_wait3A_385 = arith.constant 8 : i32
      %dma_wait3A_386 = arith.constant 0 : i32
      %dma_wait3A_387 = arith.constant 0 : i32
      %dma_wait3A_388 = tpu.memref_slice %arg8[%rem3A_21, %dma_wait3A_386, %dma_wait3A_387] : memref<2x16x128xi32, #tpu.memory_space<vmem>> -> memref<1x16x128xi32, #tpu.memory_space<vmem>>
      %dma_wait3A_389 = tpu.memref_squeeze %dma_wait3A_388 : memref<1x16x128xi32, #tpu.memory_space<vmem>> -> memref<16x128xi32, #tpu.memory_space<vmem>>
      %dma_wait3A_390 = arith.constant 0 : i32
      %dma_wait3A_391 = tpu.memref_slice %dma_wait3A_389[%dma_wait3A_385, %dma_wait3A_390] : memref<16x128xi32, #tpu.memory_space<vmem>> -> memref<1x128xi32, #tpu.memory_space<vmem>>
      %dma_wait3A_392 = tpu.memref_squeeze %dma_wait3A_391 : memref<1x128xi32, #tpu.memory_space<vmem>> -> memref<128xi32, #tpu.memory_space<vmem>>
      %dma_wait3A_393 = arith.constant 0 : i32
      %dma_wait3A_394 = arith.constant 0 : i32
      %dma_wait3A_395 = tpu.memref_slice %arg2[%dma_wait3A_393, %dma_wait3A_394] : memref<10000x128xf32, #tpu.memory_space<hbm>> -> memref<10000x128xf32, #tpu.memory_space<hbm>>
      tpu.wait_indirect_dma semaphore(%arg12 : memref<!tpu.dma_semaphore, #tpu.memory_space<semaphore_mem>>) src(%dma_wait3A_395 : memref<10000x128xf32, #tpu.memory_space<hbm>>) dst(%arg10 : memref<128x128xf32, #tpu.memory_space<vmem>>)
      %dma_start3A_396 = arith.constant 8 : i32
      %dma_start3A_397 = arith.constant 0 : i32
      %dma_start3A_398 = arith.constant 0 : i32
      %dma_start3A_399 = tpu.memref_slice %arg9[%rem3A_21, %dma_start3A_397, %dma_start3A_398] : memref<2x16x128xi32, #tpu.memory_space<vmem>> -> memref<1x16x128xi32, #tpu.memory_space<vmem>>
      %dma_start3A_400 = tpu.memref_squeeze %dma_start3A_399 : memref<1x16x128xi32, #tpu.memory_space<vmem>> -> memref<16x128xi32, #tpu.memory_space<vmem>>
      %dma_start3A_401 = arith.constant 0 : i32
      %dma_start3A_402 = tpu.memref_slice %dma_start3A_400[%dma_start3A_396, %dma_start3A_401] : memref<16x128xi32, #tpu.memory_space<vmem>> -> memref<1x128xi32, #tpu.memory_space<vmem>>
      %dma_start3A_403 = tpu.memref_squeeze %dma_start3A_402 : memref<1x128xi32, #tpu.memory_space<vmem>> -> memref<128xi32, #tpu.memory_space<vmem>>
      %dma_start3A_404 = arith.constant 0 : i32
      %dma_start3A_405 = arith.constant 0 : i32
      %dma_start3A_406 = tpu.memref_slice %arg7[%dma_start3A_404, %dma_start3A_405] : memref<10240x128xf32, #tpu.memory_space<vmem_shared>> -> memref<10240x128xf32, #tpu.memory_space<vmem_shared>>
      tpu.enqueue_indirect_dma source(%arg10 : memref<128x128xf32, #tpu.memory_space<vmem>>) target(%dma_start3A_406 : memref<10240x128xf32, #tpu.memory_space<vmem_shared>>) offsets(%dma_start3A_403 : memref<128xi32, #tpu.memory_space<vmem>>) semaphore(%arg14 : memref<!tpu.dma_semaphore, #tpu.memory_space<semaphore_mem>>) {add = true}
      %dma_wait3A_407 = arith.constant 7 : i32
      %dma_wait3A_408 = arith.constant 0 : i32
      %dma_wait3A_409 = arith.constant 0 : i32
      %dma_wait3A_410 = tpu.memref_slice %arg9[%rem3A_21, %dma_wait3A_408, %dma_wait3A_409] : memref<2x16x128xi32, #tpu.memory_space<vmem>> -> memref<1x16x128xi32, #tpu.memory_space<vmem>>
      %dma_wait3A_411 = tpu.memref_squeeze %dma_wait3A_410 : memref<1x16x128xi32, #tpu.memory_space<vmem>> -> memref<16x128xi32, #tpu.memory_space<vmem>>
      %dma_wait3A_412 = arith.constant 0 : i32
      %dma_wait3A_413 = tpu.memref_slice %dma_wait3A_411[%dma_wait3A_407, %dma_wait3A_412] : memref<16x128xi32, #tpu.memory_space<vmem>> -> memref<1x128xi32, #tpu.memory_space<vmem>>
      %dma_wait3A_414 = tpu.memref_squeeze %dma_wait3A_413 : memref<1x128xi32, #tpu.memory_space<vmem>> -> memref<128xi32, #tpu.memory_space<vmem>>
      %dma_wait3A_415 = arith.constant 0 : i32
      %dma_wait3A_416 = arith.constant 0 : i32
      %dma_wait3A_417 = tpu.memref_slice %arg7[%dma_wait3A_415, %dma_wait3A_416] : memref<10240x128xf32, #tpu.memory_space<vmem_shared>> -> memref<10240x128xf32, #tpu.memory_space<vmem_shared>>
      tpu.wait_indirect_dma semaphore(%arg15 : memref<!tpu.dma_semaphore, #tpu.memory_space<semaphore_mem>>) src(%arg11 : memref<128x128xf32, #tpu.memory_space<vmem>>) dst(%dma_wait3A_417 : memref<10240x128xf32, #tpu.memory_space<vmem_shared>>)
      %dma_start3A_418 = arith.constant 9 : i32
      %dma_start3A_419 = arith.constant 0 : i32
      %dma_start3A_420 = arith.constant 0 : i32
      %dma_start3A_421 = tpu.memref_slice %arg8[%rem3A_21, %dma_start3A_419, %dma_start3A_420] : memref<2x16x128xi32, #tpu.memory_space<vmem>> -> memref<1x16x128xi32, #tpu.memory_space<vmem>>
      %dma_start3A_422 = tpu.memref_squeeze %dma_start3A_421 : memref<1x16x128xi32, #tpu.memory_space<vmem>> -> memref<16x128xi32, #tpu.memory_space<vmem>>
      %dma_start3A_423 = arith.constant 0 : i32
      %dma_start3A_424 = tpu.memref_slice %dma_start3A_422[%dma_start3A_418, %dma_start3A_423] : memref<16x128xi32, #tpu.memory_space<vmem>> -> memref<1x128xi32, #tpu.memory_space<vmem>>
      %dma_start3A_425 = tpu.memref_squeeze %dma_start3A_424 : memref<1x128xi32, #tpu.memory_space<vmem>> -> memref<128xi32, #tpu.memory_space<vmem>>
      %dma_start3A_426 = arith.constant 0 : i32
      %dma_start3A_427 = arith.constant 0 : i32
      %dma_start3A_428 = tpu.memref_slice %arg2[%dma_start3A_426, %dma_start3A_427] : memref<10000x128xf32, #tpu.memory_space<hbm>> -> memref<10000x128xf32, #tpu.memory_space<hbm>>
      tpu.enqueue_indirect_dma source(%dma_start3A_428 : memref<10000x128xf32, #tpu.memory_space<hbm>>) target(%arg11 : memref<128x128xf32, #tpu.memory_space<vmem>>) offsets(%dma_start3A_425 : memref<128xi32, #tpu.memory_space<vmem>>) semaphore(%arg13 : memref<!tpu.dma_semaphore, #tpu.memory_space<semaphore_mem>>)
      %dma_wait3A_429 = arith.constant 9 : i32
      %dma_wait3A_430 = arith.constant 0 : i32
      %dma_wait3A_431 = arith.constant 0 : i32
      %dma_wait3A_432 = tpu.memref_slice %arg8[%rem3A_21, %dma_wait3A_430, %dma_wait3A_431] : memref<2x16x128xi32, #tpu.memory_space<vmem>> -> memref<1x16x128xi32, #tpu.memory_space<vmem>>
      %dma_wait3A_433 = tpu.memref_squeeze %dma_wait3A_432 : memref<1x16x128xi32, #tpu.memory_space<vmem>> -> memref<16x128xi32, #tpu.memory_space<vmem>>
      %dma_wait3A_434 = arith.constant 0 : i32
      %dma_wait3A_435 = tpu.memref_slice %dma_wait3A_433[%dma_wait3A_429, %dma_wait3A_434] : memref<16x128xi32, #tpu.memory_space<vmem>> -> memref<1x128xi32, #tpu.memory_space<vmem>>
      %dma_wait3A_436 = tpu.memref_squeeze %dma_wait3A_435 : memref<1x128xi32, #tpu.memory_space<vmem>> -> memref<128xi32, #tpu.memory_space<vmem>>
      %dma_wait3A_437 = arith.constant 0 : i32
      %dma_wait3A_438 = arith.constant 0 : i32
      %dma_wait3A_439 = tpu.memref_slice %arg2[%dma_wait3A_437, %dma_wait3A_438] : memref<10000x128xf32, #tpu.memory_space<hbm>> -> memref<10000x128xf32, #tpu.memory_space<hbm>>
      tpu.wait_indirect_dma semaphore(%arg13 : memref<!tpu.dma_semaphore, #tpu.memory_space<semaphore_mem>>) src(%dma_wait3A_439 : memref<10000x128xf32, #tpu.memory_space<hbm>>) dst(%arg11 : memref<128x128xf32, #tpu.memory_space<vmem>>)
      %dma_start3A_440 = arith.constant 9 : i32
      %dma_start3A_441 = arith.constant 0 : i32
      %dma_start3A_442 = arith.constant 0 : i32
      %dma_start3A_443 = tpu.memref_slice %arg9[%rem3A_21, %dma_start3A_441, %dma_start3A_442] : memref<2x16x128xi32, #tpu.memory_space<vmem>> -> memref<1x16x128xi32, #tpu.memory_space<vmem>>
      %dma_start3A_444 = tpu.memref_squeeze %dma_start3A_443 : memref<1x16x128xi32, #tpu.memory_space<vmem>> -> memref<16x128xi32, #tpu.memory_space<vmem>>
      %dma_start3A_445 = arith.constant 0 : i32
      %dma_start3A_446 = tpu.memref_slice %dma_start3A_444[%dma_start3A_440, %dma_start3A_445] : memref<16x128xi32, #tpu.memory_space<vmem>> -> memref<1x128xi32, #tpu.memory_space<vmem>>
      %dma_start3A_447 = tpu.memref_squeeze %dma_start3A_446 : memref<1x128xi32, #tpu.memory_space<vmem>> -> memref<128xi32, #tpu.memory_space<vmem>>
      %dma_start3A_448 = arith.constant 0 : i32
      %dma_start3A_449 = arith.constant 0 : i32
      %dma_start3A_450 = tpu.memref_slice %arg7[%dma_start3A_448, %dma_start3A_449] : memref<10240x128xf32, #tpu.memory_space<vmem_shared>> -> memref<10240x128xf32, #tpu.memory_space<vmem_shared>>
      tpu.enqueue_indirect_dma source(%arg11 : memref<128x128xf32, #tpu.memory_space<vmem>>) target(%dma_start3A_450 : memref<10240x128xf32, #tpu.memory_space<vmem_shared>>) offsets(%dma_start3A_447 : memref<128xi32, #tpu.memory_space<vmem>>) semaphore(%arg15 : memref<!tpu.dma_semaphore, #tpu.memory_space<semaphore_mem>>) {add = true}
      %dma_wait3A_451 = arith.constant 8 : i32
      %dma_wait3A_452 = arith.constant 0 : i32
      %dma_wait3A_453 = arith.constant 0 : i32
      %dma_wait3A_454 = tpu.memref_slice %arg9[%rem3A_21, %dma_wait3A_452, %dma_wait3A_453] : memref<2x16x128xi32, #tpu.memory_space<vmem>> -> memref<1x16x128xi32, #tpu.memory_space<vmem>>
      %dma_wait3A_455 = tpu.memref_squeeze %dma_wait3A_454 : memref<1x16x128xi32, #tpu.memory_space<vmem>> -> memref<16x128xi32, #tpu.memory_space<vmem>>
      %dma_wait3A_456 = arith.constant 0 : i32
      %dma_wait3A_457 = tpu.memref_slice %dma_wait3A_455[%dma_wait3A_451, %dma_wait3A_456] : memref<16x128xi32, #tpu.memory_space<vmem>> -> memref<1x128xi32, #tpu.memory_space<vmem>>
      %dma_wait3A_458 = tpu.memref_squeeze %dma_wait3A_457 : memref<1x128xi32, #tpu.memory_space<vmem>> -> memref<128xi32, #tpu.memory_space<vmem>>
      %dma_wait3A_459 = arith.constant 0 : i32
      %dma_wait3A_460 = arith.constant 0 : i32
      %dma_wait3A_461 = tpu.memref_slice %arg7[%dma_wait3A_459, %dma_wait3A_460] : memref<10240x128xf32, #tpu.memory_space<vmem_shared>> -> memref<10240x128xf32, #tpu.memory_space<vmem_shared>>
      tpu.wait_indirect_dma semaphore(%arg14 : memref<!tpu.dma_semaphore, #tpu.memory_space<semaphore_mem>>) src(%arg10 : memref<128x128xf32, #tpu.memory_space<vmem>>) dst(%dma_wait3A_461 : memref<10240x128xf32, #tpu.memory_space<vmem_shared>>)
      %dma_start3A_462 = arith.constant 10 : i32
      %dma_start3A_463 = arith.constant 0 : i32
      %dma_start3A_464 = arith.constant 0 : i32
      %dma_start3A_465 = tpu.memref_slice %arg8[%rem3A_21, %dma_start3A_463, %dma_start3A_464] : memref<2x16x128xi32, #tpu.memory_space<vmem>> -> memref<1x16x128xi32, #tpu.memory_space<vmem>>
      %dma_start3A_466 = tpu.memref_squeeze %dma_start3A_465 : memref<1x16x128xi32, #tpu.memory_space<vmem>> -> memref<16x128xi32, #tpu.memory_space<vmem>>
      %dma_start3A_467 = arith.constant 0 : i32
      %dma_start3A_468 = tpu.memref_slice %dma_start3A_466[%dma_start3A_462, %dma_start3A_467] : memref<16x128xi32, #tpu.memory_space<vmem>> -> memref<1x128xi32, #tpu.memory_space<vmem>>
      %dma_start3A_469 = tpu.memref_squeeze %dma_start3A_468 : memref<1x128xi32, #tpu.memory_space<vmem>> -> memref<128xi32, #tpu.memory_space<vmem>>
      %dma_start3A_470 = arith.constant 0 : i32
      %dma_start3A_471 = arith.constant 0 : i32
      %dma_start3A_472 = tpu.memref_slice %arg2[%dma_start3A_470, %dma_start3A_471] : memref<10000x128xf32, #tpu.memory_space<hbm>> -> memref<10000x128xf32, #tpu.memory_space<hbm>>
      tpu.enqueue_indirect_dma source(%dma_start3A_472 : memref<10000x128xf32, #tpu.memory_space<hbm>>) target(%arg10 : memref<128x128xf32, #tpu.memory_space<vmem>>) offsets(%dma_start3A_469 : memref<128xi32, #tpu.memory_space<vmem>>) semaphore(%arg12 : memref<!tpu.dma_semaphore, #tpu.memory_space<semaphore_mem>>)
      %dma_wait3A_473 = arith.constant 10 : i32
      %dma_wait3A_474 = arith.constant 0 : i32
      %dma_wait3A_475 = arith.constant 0 : i32
      %dma_wait3A_476 = tpu.memref_slice %arg8[%rem3A_21, %dma_wait3A_474, %dma_wait3A_475] : memref<2x16x128xi32, #tpu.memory_space<vmem>> -> memref<1x16x128xi32, #tpu.memory_space<vmem>>
      %dma_wait3A_477 = tpu.memref_squeeze %dma_wait3A_476 : memref<1x16x128xi32, #tpu.memory_space<vmem>> -> memref<16x128xi32, #tpu.memory_space<vmem>>
      %dma_wait3A_478 = arith.constant 0 : i32
      %dma_wait3A_479 = tpu.memref_slice %dma_wait3A_477[%dma_wait3A_473, %dma_wait3A_478] : memref<16x128xi32, #tpu.memory_space<vmem>> -> memref<1x128xi32, #tpu.memory_space<vmem>>
      %dma_wait3A_480 = tpu.memref_squeeze %dma_wait3A_479 : memref<1x128xi32, #tpu.memory_space<vmem>> -> memref<128xi32, #tpu.memory_space<vmem>>
      %dma_wait3A_481 = arith.constant 0 : i32
      %dma_wait3A_482 = arith.constant 0 : i32
      %dma_wait3A_483 = tpu.memref_slice %arg2[%dma_wait3A_481, %dma_wait3A_482] : memref<10000x128xf32, #tpu.memory_space<hbm>> -> memref<10000x128xf32, #tpu.memory_space<hbm>>
      tpu.wait_indirect_dma semaphore(%arg12 : memref<!tpu.dma_semaphore, #tpu.memory_space<semaphore_mem>>) src(%dma_wait3A_483 : memref<10000x128xf32, #tpu.memory_space<hbm>>) dst(%arg10 : memref<128x128xf32, #tpu.memory_space<vmem>>)
      %dma_start3A_484 = arith.constant 10 : i32
      %dma_start3A_485 = arith.constant 0 : i32
      %dma_start3A_486 = arith.constant 0 : i32
      %dma_start3A_487 = tpu.memref_slice %arg9[%rem3A_21, %dma_start3A_485, %dma_start3A_486] : memref<2x16x128xi32, #tpu.memory_space<vmem>> -> memref<1x16x128xi32, #tpu.memory_space<vmem>>
      %dma_start3A_488 = tpu.memref_squeeze %dma_start3A_487 : memref<1x16x128xi32, #tpu.memory_space<vmem>> -> memref<16x128xi32, #tpu.memory_space<vmem>>
      %dma_start3A_489 = arith.constant 0 : i32
      %dma_start3A_490 = tpu.memref_slice %dma_start3A_488[%dma_start3A_484, %dma_start3A_489] : memref<16x128xi32, #tpu.memory_space<vmem>> -> memref<1x128xi32, #tpu.memory_space<vmem>>
      %dma_start3A_491 = tpu.memref_squeeze %dma_start3A_490 : memref<1x128xi32, #tpu.memory_space<vmem>> -> memref<128xi32, #tpu.memory_space<vmem>>
      %dma_start3A_492 = arith.constant 0 : i32
      %dma_start3A_493 = arith.constant 0 : i32
      %dma_start3A_494 = tpu.memref_slice %arg7[%dma_start3A_492, %dma_start3A_493] : memref<10240x128xf32, #tpu.memory_space<vmem_shared>> -> memref<10240x128xf32, #tpu.memory_space<vmem_shared>>
      tpu.enqueue_indirect_dma source(%arg10 : memref<128x128xf32, #tpu.memory_space<vmem>>) target(%dma_start3A_494 : memref<10240x128xf32, #tpu.memory_space<vmem_shared>>) offsets(%dma_start3A_491 : memref<128xi32, #tpu.memory_space<vmem>>) semaphore(%arg14 : memref<!tpu.dma_semaphore, #tpu.memory_space<semaphore_mem>>) {add = true}
      %dma_wait3A_495 = arith.constant 9 : i32
      %dma_wait3A_496 = arith.constant 0 : i32
      %dma_wait3A_497 = arith.constant 0 : i32
      %dma_wait3A_498 = tpu.memref_slice %arg9[%rem3A_21, %dma_wait3A_496, %dma_wait3A_497] : memref<2x16x128xi32, #tpu.memory_space<vmem>> -> memref<1x16x128xi32, #tpu.memory_space<vmem>>
      %dma_wait3A_499 = tpu.memref_squeeze %dma_wait3A_498 : memref<1x16x128xi32, #tpu.memory_space<vmem>> -> memref<16x128xi32, #tpu.memory_space<vmem>>
      %dma_wait3A_500 = arith.constant 0 : i32
      %dma_wait3A_501 = tpu.memref_slice %dma_wait3A_499[%dma_wait3A_495, %dma_wait3A_500] : memref<16x128xi32, #tpu.memory_space<vmem>> -> memref<1x128xi32, #tpu.memory_space<vmem>>
      %dma_wait3A_502 = tpu.memref_squeeze %dma_wait3A_501 : memref<1x128xi32, #tpu.memory_space<vmem>> -> memref<128xi32, #tpu.memory_space<vmem>>
      %dma_wait3A_503 = arith.constant 0 : i32
      %dma_wait3A_504 = arith.constant 0 : i32
      %dma_wait3A_505 = tpu.memref_slice %arg7[%dma_wait3A_503, %dma_wait3A_504] : memref<10240x128xf32, #tpu.memory_space<vmem_shared>> -> memref<10240x128xf32, #tpu.memory_space<vmem_shared>>
      tpu.wait_indirect_dma semaphore(%arg15 : memref<!tpu.dma_semaphore, #tpu.memory_space<semaphore_mem>>) src(%arg11 : memref<128x128xf32, #tpu.memory_space<vmem>>) dst(%dma_wait3A_505 : memref<10240x128xf32, #tpu.memory_space<vmem_shared>>)
      %dma_start3A_506 = arith.constant 11 : i32
      %dma_start3A_507 = arith.constant 0 : i32
      %dma_start3A_508 = arith.constant 0 : i32
      %dma_start3A_509 = tpu.memref_slice %arg8[%rem3A_21, %dma_start3A_507, %dma_start3A_508] : memref<2x16x128xi32, #tpu.memory_space<vmem>> -> memref<1x16x128xi32, #tpu.memory_space<vmem>>
      %dma_start3A_510 = tpu.memref_squeeze %dma_start3A_509 : memref<1x16x128xi32, #tpu.memory_space<vmem>> -> memref<16x128xi32, #tpu.memory_space<vmem>>
      %dma_start3A_511 = arith.constant 0 : i32
      %dma_start3A_512 = tpu.memref_slice %dma_start3A_510[%dma_start3A_506, %dma_start3A_511] : memref<16x128xi32, #tpu.memory_space<vmem>> -> memref<1x128xi32, #tpu.memory_space<vmem>>
      %dma_start3A_513 = tpu.memref_squeeze %dma_start3A_512 : memref<1x128xi32, #tpu.memory_space<vmem>> -> memref<128xi32, #tpu.memory_space<vmem>>
      %dma_start3A_514 = arith.constant 0 : i32
      %dma_start3A_515 = arith.constant 0 : i32
      %dma_start3A_516 = tpu.memref_slice %arg2[%dma_start3A_514, %dma_start3A_515] : memref<10000x128xf32, #tpu.memory_space<hbm>> -> memref<10000x128xf32, #tpu.memory_space<hbm>>
      tpu.enqueue_indirect_dma source(%dma_start3A_516 : memref<10000x128xf32, #tpu.memory_space<hbm>>) target(%arg11 : memref<128x128xf32, #tpu.memory_space<vmem>>) offsets(%dma_start3A_513 : memref<128xi32, #tpu.memory_space<vmem>>) semaphore(%arg13 : memref<!tpu.dma_semaphore, #tpu.memory_space<semaphore_mem>>)
      %dma_wait3A_517 = arith.constant 11 : i32
      %dma_wait3A_518 = arith.constant 0 : i32
      %dma_wait3A_519 = arith.constant 0 : i32
      %dma_wait3A_520 = tpu.memref_slice %arg8[%rem3A_21, %dma_wait3A_518, %dma_wait3A_519] : memref<2x16x128xi32, #tpu.memory_space<vmem>> -> memref<1x16x128xi32, #tpu.memory_space<vmem>>
      %dma_wait3A_521 = tpu.memref_squeeze %dma_wait3A_520 : memref<1x16x128xi32, #tpu.memory_space<vmem>> -> memref<16x128xi32, #tpu.memory_space<vmem>>
      %dma_wait3A_522 = arith.constant 0 : i32
      %dma_wait3A_523 = tpu.memref_slice %dma_wait3A_521[%dma_wait3A_517, %dma_wait3A_522] : memref<16x128xi32, #tpu.memory_space<vmem>> -> memref<1x128xi32, #tpu.memory_space<vmem>>
      %dma_wait3A_524 = tpu.memref_squeeze %dma_wait3A_523 : memref<1x128xi32, #tpu.memory_space<vmem>> -> memref<128xi32, #tpu.memory_space<vmem>>
      %dma_wait3A_525 = arith.constant 0 : i32
      %dma_wait3A_526 = arith.constant 0 : i32
      %dma_wait3A_527 = tpu.memref_slice %arg2[%dma_wait3A_525, %dma_wait3A_526] : memref<10000x128xf32, #tpu.memory_space<hbm>> -> memref<10000x128xf32, #tpu.memory_space<hbm>>
      tpu.wait_indirect_dma semaphore(%arg13 : memref<!tpu.dma_semaphore, #tpu.memory_space<semaphore_mem>>) src(%dma_wait3A_527 : memref<10000x128xf32, #tpu.memory_space<hbm>>) dst(%arg11 : memref<128x128xf32, #tpu.memory_space<vmem>>)
      %dma_start3A_528 = arith.constant 11 : i32
      %dma_start3A_529 = arith.constant 0 : i32
      %dma_start3A_530 = arith.constant 0 : i32
      %dma_start3A_531 = tpu.memref_slice %arg9[%rem3A_21, %dma_start3A_529, %dma_start3A_530] : memref<2x16x128xi32, #tpu.memory_space<vmem>> -> memref<1x16x128xi32, #tpu.memory_space<vmem>>
      %dma_start3A_532 = tpu.memref_squeeze %dma_start3A_531 : memref<1x16x128xi32, #tpu.memory_space<vmem>> -> memref<16x128xi32, #tpu.memory_space<vmem>>
      %dma_start3A_533 = arith.constant 0 : i32
      %dma_start3A_534 = tpu.memref_slice %dma_start3A_532[%dma_start3A_528, %dma_start3A_533] : memref<16x128xi32, #tpu.memory_space<vmem>> -> memref<1x128xi32, #tpu.memory_space<vmem>>
      %dma_start3A_535 = tpu.memref_squeeze %dma_start3A_534 : memref<1x128xi32, #tpu.memory_space<vmem>> -> memref<128xi32, #tpu.memory_space<vmem>>
      %dma_start3A_536 = arith.constant 0 : i32
      %dma_start3A_537 = arith.constant 0 : i32
      %dma_start3A_538 = tpu.memref_slice %arg7[%dma_start3A_536, %dma_start3A_537] : memref<10240x128xf32, #tpu.memory_space<vmem_shared>> -> memref<10240x128xf32, #tpu.memory_space<vmem_shared>>
      tpu.enqueue_indirect_dma source(%arg11 : memref<128x128xf32, #tpu.memory_space<vmem>>) target(%dma_start3A_538 : memref<10240x128xf32, #tpu.memory_space<vmem_shared>>) offsets(%dma_start3A_535 : memref<128xi32, #tpu.memory_space<vmem>>) semaphore(%arg15 : memref<!tpu.dma_semaphore, #tpu.memory_space<semaphore_mem>>) {add = true}
      %dma_wait3A_539 = arith.constant 10 : i32
      %dma_wait3A_540 = arith.constant 0 : i32
      %dma_wait3A_541 = arith.constant 0 : i32
      %dma_wait3A_542 = tpu.memref_slice %arg9[%rem3A_21, %dma_wait3A_540, %dma_wait3A_541] : memref<2x16x128xi32, #tpu.memory_space<vmem>> -> memref<1x16x128xi32, #tpu.memory_space<vmem>>
      %dma_wait3A_543 = tpu.memref_squeeze %dma_wait3A_542 : memref<1x16x128xi32, #tpu.memory_space<vmem>> -> memref<16x128xi32, #tpu.memory_space<vmem>>
      %dma_wait3A_544 = arith.constant 0 : i32
      %dma_wait3A_545 = tpu.memref_slice %dma_wait3A_543[%dma_wait3A_539, %dma_wait3A_544] : memref<16x128xi32, #tpu.memory_space<vmem>> -> memref<1x128xi32, #tpu.memory_space<vmem>>
      %dma_wait3A_546 = tpu.memref_squeeze %dma_wait3A_545 : memref<1x128xi32, #tpu.memory_space<vmem>> -> memref<128xi32, #tpu.memory_space<vmem>>
      %dma_wait3A_547 = arith.constant 0 : i32
      %dma_wait3A_548 = arith.constant 0 : i32
      %dma_wait3A_549 = tpu.memref_slice %arg7[%dma_wait3A_547, %dma_wait3A_548] : memref<10240x128xf32, #tpu.memory_space<vmem_shared>> -> memref<10240x128xf32, #tpu.memory_space<vmem_shared>>
      tpu.wait_indirect_dma semaphore(%arg14 : memref<!tpu.dma_semaphore, #tpu.memory_space<semaphore_mem>>) src(%arg10 : memref<128x128xf32, #tpu.memory_space<vmem>>) dst(%dma_wait3A_549 : memref<10240x128xf32, #tpu.memory_space<vmem_shared>>)
      %dma_start3A_550 = arith.constant 12 : i32
      %dma_start3A_551 = arith.constant 0 : i32
      %dma_start3A_552 = arith.constant 0 : i32
      %dma_start3A_553 = tpu.memref_slice %arg8[%rem3A_21, %dma_start3A_551, %dma_start3A_552] : memref<2x16x128xi32, #tpu.memory_space<vmem>> -> memref<1x16x128xi32, #tpu.memory_space<vmem>>
      %dma_start3A_554 = tpu.memref_squeeze %dma_start3A_553 : memref<1x16x128xi32, #tpu.memory_space<vmem>> -> memref<16x128xi32, #tpu.memory_space<vmem>>
      %dma_start3A_555 = arith.constant 0 : i32
      %dma_start3A_556 = tpu.memref_slice %dma_start3A_554[%dma_start3A_550, %dma_start3A_555] : memref<16x128xi32, #tpu.memory_space<vmem>> -> memref<1x128xi32, #tpu.memory_space<vmem>>
      %dma_start3A_557 = tpu.memref_squeeze %dma_start3A_556 : memref<1x128xi32, #tpu.memory_space<vmem>> -> memref<128xi32, #tpu.memory_space<vmem>>
      %dma_start3A_558 = arith.constant 0 : i32
      %dma_start3A_559 = arith.constant 0 : i32
      %dma_start3A_560 = tpu.memref_slice %arg2[%dma_start3A_558, %dma_start3A_559] : memref<10000x128xf32, #tpu.memory_space<hbm>> -> memref<10000x128xf32, #tpu.memory_space<hbm>>
      tpu.enqueue_indirect_dma source(%dma_start3A_560 : memref<10000x128xf32, #tpu.memory_space<hbm>>) target(%arg10 : memref<128x128xf32, #tpu.memory_space<vmem>>) offsets(%dma_start3A_557 : memref<128xi32, #tpu.memory_space<vmem>>) semaphore(%arg12 : memref<!tpu.dma_semaphore, #tpu.memory_space<semaphore_mem>>)
      %dma_wait3A_561 = arith.constant 12 : i32
      %dma_wait3A_562 = arith.constant 0 : i32
      %dma_wait3A_563 = arith.constant 0 : i32
      %dma_wait3A_564 = tpu.memref_slice %arg8[%rem3A_21, %dma_wait3A_562, %dma_wait3A_563] : memref<2x16x128xi32, #tpu.memory_space<vmem>> -> memref<1x16x128xi32, #tpu.memory_space<vmem>>
      %dma_wait3A_565 = tpu.memref_squeeze %dma_wait3A_564 : memref<1x16x128xi32, #tpu.memory_space<vmem>> -> memref<16x128xi32, #tpu.memory_space<vmem>>
      %dma_wait3A_566 = arith.constant 0 : i32
      %dma_wait3A_567 = tpu.memref_slice %dma_wait3A_565[%dma_wait3A_561, %dma_wait3A_566] : memref<16x128xi32, #tpu.memory_space<vmem>> -> memref<1x128xi32, #tpu.memory_space<vmem>>
      %dma_wait3A_568 = tpu.memref_squeeze %dma_wait3A_567 : memref<1x128xi32, #tpu.memory_space<vmem>> -> memref<128xi32, #tpu.memory_space<vmem>>
      %dma_wait3A_569 = arith.constant 0 : i32
      %dma_wait3A_570 = arith.constant 0 : i32
      %dma_wait3A_571 = tpu.memref_slice %arg2[%dma_wait3A_569, %dma_wait3A_570] : memref<10000x128xf32, #tpu.memory_space<hbm>> -> memref<10000x128xf32, #tpu.memory_space<hbm>>
      tpu.wait_indirect_dma semaphore(%arg12 : memref<!tpu.dma_semaphore, #tpu.memory_space<semaphore_mem>>) src(%dma_wait3A_571 : memref<10000x128xf32, #tpu.memory_space<hbm>>) dst(%arg10 : memref<128x128xf32, #tpu.memory_space<vmem>>)
      %dma_start3A_572 = arith.constant 12 : i32
      %dma_start3A_573 = arith.constant 0 : i32
      %dma_start3A_574 = arith.constant 0 : i32
      %dma_start3A_575 = tpu.memref_slice %arg9[%rem3A_21, %dma_start3A_573, %dma_start3A_574] : memref<2x16x128xi32, #tpu.memory_space<vmem>> -> memref<1x16x128xi32, #tpu.memory_space<vmem>>
      %dma_start3A_576 = tpu.memref_squeeze %dma_start3A_575 : memref<1x16x128xi32, #tpu.memory_space<vmem>> -> memref<16x128xi32, #tpu.memory_space<vmem>>
      %dma_start3A_577 = arith.constant 0 : i32
      %dma_start3A_578 = tpu.memref_slice %dma_start3A_576[%dma_start3A_572, %dma_start3A_577] : memref<16x128xi32, #tpu.memory_space<vmem>> -> memref<1x128xi32, #tpu.memory_space<vmem>>
      %dma_start3A_579 = tpu.memref_squeeze %dma_start3A_578 : memref<1x128xi32, #tpu.memory_space<vmem>> -> memref<128xi32, #tpu.memory_space<vmem>>
      %dma_start3A_580 = arith.constant 0 : i32
      %dma_start3A_581 = arith.constant 0 : i32
      %dma_start3A_582 = tpu.memref_slice %arg7[%dma_start3A_580, %dma_start3A_581] : memref<10240x128xf32, #tpu.memory_space<vmem_shared>> -> memref<10240x128xf32, #tpu.memory_space<vmem_shared>>
      tpu.enqueue_indirect_dma source(%arg10 : memref<128x128xf32, #tpu.memory_space<vmem>>) target(%dma_start3A_582 : memref<10240x128xf32, #tpu.memory_space<vmem_shared>>) offsets(%dma_start3A_579 : memref<128xi32, #tpu.memory_space<vmem>>) semaphore(%arg14 : memref<!tpu.dma_semaphore, #tpu.memory_space<semaphore_mem>>) {add = true}
      %dma_wait3A_583 = arith.constant 11 : i32
      %dma_wait3A_584 = arith.constant 0 : i32
      %dma_wait3A_585 = arith.constant 0 : i32
      %dma_wait3A_586 = tpu.memref_slice %arg9[%rem3A_21, %dma_wait3A_584, %dma_wait3A_585] : memref<2x16x128xi32, #tpu.memory_space<vmem>> -> memref<1x16x128xi32, #tpu.memory_space<vmem>>
      %dma_wait3A_587 = tpu.memref_squeeze %dma_wait3A_586 : memref<1x16x128xi32, #tpu.memory_space<vmem>> -> memref<16x128xi32, #tpu.memory_space<vmem>>
      %dma_wait3A_588 = arith.constant 0 : i32
      %dma_wait3A_589 = tpu.memref_slice %dma_wait3A_587[%dma_wait3A_583, %dma_wait3A_588] : memref<16x128xi32, #tpu.memory_space<vmem>> -> memref<1x128xi32, #tpu.memory_space<vmem>>
      %dma_wait3A_590 = tpu.memref_squeeze %dma_wait3A_589 : memref<1x128xi32, #tpu.memory_space<vmem>> -> memref<128xi32, #tpu.memory_space<vmem>>
      %dma_wait3A_591 = arith.constant 0 : i32
      %dma_wait3A_592 = arith.constant 0 : i32
      %dma_wait3A_593 = tpu.memref_slice %arg7[%dma_wait3A_591, %dma_wait3A_592] : memref<10240x128xf32, #tpu.memory_space<vmem_shared>> -> memref<10240x128xf32, #tpu.memory_space<vmem_shared>>
      tpu.wait_indirect_dma semaphore(%arg15 : memref<!tpu.dma_semaphore, #tpu.memory_space<semaphore_mem>>) src(%arg11 : memref<128x128xf32, #tpu.memory_space<vmem>>) dst(%dma_wait3A_593 : memref<10240x128xf32, #tpu.memory_space<vmem_shared>>)
      %dma_start3A_594 = arith.constant 13 : i32
      %dma_start3A_595 = arith.constant 0 : i32
      %dma_start3A_596 = arith.constant 0 : i32
      %dma_start3A_597 = tpu.memref_slice %arg8[%rem3A_21, %dma_start3A_595, %dma_start3A_596] : memref<2x16x128xi32, #tpu.memory_space<vmem>> -> memref<1x16x128xi32, #tpu.memory_space<vmem>>
      %dma_start3A_598 = tpu.memref_squeeze %dma_start3A_597 : memref<1x16x128xi32, #tpu.memory_space<vmem>> -> memref<16x128xi32, #tpu.memory_space<vmem>>
      %dma_start3A_599 = arith.constant 0 : i32
      %dma_start3A_600 = tpu.memref_slice %dma_start3A_598[%dma_start3A_594, %dma_start3A_599] : memref<16x128xi32, #tpu.memory_space<vmem>> -> memref<1x128xi32, #tpu.memory_space<vmem>>
      %dma_start3A_601 = tpu.memref_squeeze %dma_start3A_600 : memref<1x128xi32, #tpu.memory_space<vmem>> -> memref<128xi32, #tpu.memory_space<vmem>>
      %dma_start3A_602 = arith.constant 0 : i32
      %dma_start3A_603 = arith.constant 0 : i32
      %dma_start3A_604 = tpu.memref_slice %arg2[%dma_start3A_602, %dma_start3A_603] : memref<10000x128xf32, #tpu.memory_space<hbm>> -> memref<10000x128xf32, #tpu.memory_space<hbm>>
      tpu.enqueue_indirect_dma source(%dma_start3A_604 : memref<10000x128xf32, #tpu.memory_space<hbm>>) target(%arg11 : memref<128x128xf32, #tpu.memory_space<vmem>>) offsets(%dma_start3A_601 : memref<128xi32, #tpu.memory_space<vmem>>) semaphore(%arg13 : memref<!tpu.dma_semaphore, #tpu.memory_space<semaphore_mem>>)
      %dma_wait3A_605 = arith.constant 13 : i32
      %dma_wait3A_606 = arith.constant 0 : i32
      %dma_wait3A_607 = arith.constant 0 : i32
      %dma_wait3A_608 = tpu.memref_slice %arg8[%rem3A_21, %dma_wait3A_606, %dma_wait3A_607] : memref<2x16x128xi32, #tpu.memory_space<vmem>> -> memref<1x16x128xi32, #tpu.memory_space<vmem>>
      %dma_wait3A_609 = tpu.memref_squeeze %dma_wait3A_608 : memref<1x16x128xi32, #tpu.memory_space<vmem>> -> memref<16x128xi32, #tpu.memory_space<vmem>>
      %dma_wait3A_610 = arith.constant 0 : i32
      %dma_wait3A_611 = tpu.memref_slice %dma_wait3A_609[%dma_wait3A_605, %dma_wait3A_610] : memref<16x128xi32, #tpu.memory_space<vmem>> -> memref<1x128xi32, #tpu.memory_space<vmem>>
      %dma_wait3A_612 = tpu.memref_squeeze %dma_wait3A_611 : memref<1x128xi32, #tpu.memory_space<vmem>> -> memref<128xi32, #tpu.memory_space<vmem>>
      %dma_wait3A_613 = arith.constant 0 : i32
      %dma_wait3A_614 = arith.constant 0 : i32
      %dma_wait3A_615 = tpu.memref_slice %arg2[%dma_wait3A_613, %dma_wait3A_614] : memref<10000x128xf32, #tpu.memory_space<hbm>> -> memref<10000x128xf32, #tpu.memory_space<hbm>>
      tpu.wait_indirect_dma semaphore(%arg13 : memref<!tpu.dma_semaphore, #tpu.memory_space<semaphore_mem>>) src(%dma_wait3A_615 : memref<10000x128xf32, #tpu.memory_space<hbm>>) dst(%arg11 : memref<128x128xf32, #tpu.memory_space<vmem>>)
      %dma_start3A_616 = arith.constant 13 : i32
      %dma_start3A_617 = arith.constant 0 : i32
      %dma_start3A_618 = arith.constant 0 : i32
      %dma_start3A_619 = tpu.memref_slice %arg9[%rem3A_21, %dma_start3A_617, %dma_start3A_618] : memref<2x16x128xi32, #tpu.memory_space<vmem>> -> memref<1x16x128xi32, #tpu.memory_space<vmem>>
      %dma_start3A_620 = tpu.memref_squeeze %dma_start3A_619 : memref<1x16x128xi32, #tpu.memory_space<vmem>> -> memref<16x128xi32, #tpu.memory_space<vmem>>
      %dma_start3A_621 = arith.constant 0 : i32
      %dma_start3A_622 = tpu.memref_slice %dma_start3A_620[%dma_start3A_616, %dma_start3A_621] : memref<16x128xi32, #tpu.memory_space<vmem>> -> memref<1x128xi32, #tpu.memory_space<vmem>>
      %dma_start3A_623 = tpu.memref_squeeze %dma_start3A_622 : memref<1x128xi32, #tpu.memory_space<vmem>> -> memref<128xi32, #tpu.memory_space<vmem>>
      %dma_start3A_624 = arith.constant 0 : i32
      %dma_start3A_625 = arith.constant 0 : i32
      %dma_start3A_626 = tpu.memref_slice %arg7[%dma_start3A_624, %dma_start3A_625] : memref<10240x128xf32, #tpu.memory_space<vmem_shared>> -> memref<10240x128xf32, #tpu.memory_space<vmem_shared>>
      tpu.enqueue_indirect_dma source(%arg11 : memref<128x128xf32, #tpu.memory_space<vmem>>) target(%dma_start3A_626 : memref<10240x128xf32, #tpu.memory_space<vmem_shared>>) offsets(%dma_start3A_623 : memref<128xi32, #tpu.memory_space<vmem>>) semaphore(%arg15 : memref<!tpu.dma_semaphore, #tpu.memory_space<semaphore_mem>>) {add = true}
      %dma_wait3A_627 = arith.constant 12 : i32
      %dma_wait3A_628 = arith.constant 0 : i32
      %dma_wait3A_629 = arith.constant 0 : i32
      %dma_wait3A_630 = tpu.memref_slice %arg9[%rem3A_21, %dma_wait3A_628, %dma_wait3A_629] : memref<2x16x128xi32, #tpu.memory_space<vmem>> -> memref<1x16x128xi32, #tpu.memory_space<vmem>>
      %dma_wait3A_631 = tpu.memref_squeeze %dma_wait3A_630 : memref<1x16x128xi32, #tpu.memory_space<vmem>> -> memref<16x128xi32, #tpu.memory_space<vmem>>
      %dma_wait3A_632 = arith.constant 0 : i32
      %dma_wait3A_633 = tpu.memref_slice %dma_wait3A_631[%dma_wait3A_627, %dma_wait3A_632] : memref<16x128xi32, #tpu.memory_space<vmem>> -> memref<1x128xi32, #tpu.memory_space<vmem>>
      %dma_wait3A_634 = tpu.memref_squeeze %dma_wait3A_633 : memref<1x128xi32, #tpu.memory_space<vmem>> -> memref<128xi32, #tpu.memory_space<vmem>>
      %dma_wait3A_635 = arith.constant 0 : i32
      %dma_wait3A_636 = arith.constant 0 : i32
      %dma_wait3A_637 = tpu.memref_slice %arg7[%dma_wait3A_635, %dma_wait3A_636] : memref<10240x128xf32, #tpu.memory_space<vmem_shared>> -> memref<10240x128xf32, #tpu.memory_space<vmem_shared>>
      tpu.wait_indirect_dma semaphore(%arg14 : memref<!tpu.dma_semaphore, #tpu.memory_space<semaphore_mem>>) src(%arg10 : memref<128x128xf32, #tpu.memory_space<vmem>>) dst(%dma_wait3A_637 : memref<10240x128xf32, #tpu.memory_space<vmem_shared>>)
      %dma_start3A_638 = arith.constant 14 : i32
      %dma_start3A_639 = arith.constant 0 : i32
      %dma_start3A_640 = arith.constant 0 : i32
      %dma_start3A_641 = tpu.memref_slice %arg8[%rem3A_21, %dma_start3A_639, %dma_start3A_640] : memref<2x16x128xi32, #tpu.memory_space<vmem>> -> memref<1x16x128xi32, #tpu.memory_space<vmem>>
      %dma_start3A_642 = tpu.memref_squeeze %dma_start3A_641 : memref<1x16x128xi32, #tpu.memory_space<vmem>> -> memref<16x128xi32, #tpu.memory_space<vmem>>
      %dma_start3A_643 = arith.constant 0 : i32
      %dma_start3A_644 = tpu.memref_slice %dma_start3A_642[%dma_start3A_638, %dma_start3A_643] : memref<16x128xi32, #tpu.memory_space<vmem>> -> memref<1x128xi32, #tpu.memory_space<vmem>>
      %dma_start3A_645 = tpu.memref_squeeze %dma_start3A_644 : memref<1x128xi32, #tpu.memory_space<vmem>> -> memref<128xi32, #tpu.memory_space<vmem>>
      %dma_start3A_646 = arith.constant 0 : i32
      %dma_start3A_647 = arith.constant 0 : i32
      %dma_start3A_648 = tpu.memref_slice %arg2[%dma_start3A_646, %dma_start3A_647] : memref<10000x128xf32, #tpu.memory_space<hbm>> -> memref<10000x128xf32, #tpu.memory_space<hbm>>
      tpu.enqueue_indirect_dma source(%dma_start3A_648 : memref<10000x128xf32, #tpu.memory_space<hbm>>) target(%arg10 : memref<128x128xf32, #tpu.memory_space<vmem>>) offsets(%dma_start3A_645 : memref<128xi32, #tpu.memory_space<vmem>>) semaphore(%arg12 : memref<!tpu.dma_semaphore, #tpu.memory_space<semaphore_mem>>)
      %dma_wait3A_649 = arith.constant 14 : i32
      %dma_wait3A_650 = arith.constant 0 : i32
      %dma_wait3A_651 = arith.constant 0 : i32
      %dma_wait3A_652 = tpu.memref_slice %arg8[%rem3A_21, %dma_wait3A_650, %dma_wait3A_651] : memref<2x16x128xi32, #tpu.memory_space<vmem>> -> memref<1x16x128xi32, #tpu.memory_space<vmem>>
      %dma_wait3A_653 = tpu.memref_squeeze %dma_wait3A_652 : memref<1x16x128xi32, #tpu.memory_space<vmem>> -> memref<16x128xi32, #tpu.memory_space<vmem>>
      %dma_wait3A_654 = arith.constant 0 : i32
      %dma_wait3A_655 = tpu.memref_slice %dma_wait3A_653[%dma_wait3A_649, %dma_wait3A_654] : memref<16x128xi32, #tpu.memory_space<vmem>> -> memref<1x128xi32, #tpu.memory_space<vmem>>
      %dma_wait3A_656 = tpu.memref_squeeze %dma_wait3A_655 : memref<1x128xi32, #tpu.memory_space<vmem>> -> memref<128xi32, #tpu.memory_space<vmem>>
      %dma_wait3A_657 = arith.constant 0 : i32
      %dma_wait3A_658 = arith.constant 0 : i32
      %dma_wait3A_659 = tpu.memref_slice %arg2[%dma_wait3A_657, %dma_wait3A_658] : memref<10000x128xf32, #tpu.memory_space<hbm>> -> memref<10000x128xf32, #tpu.memory_space<hbm>>
      tpu.wait_indirect_dma semaphore(%arg12 : memref<!tpu.dma_semaphore, #tpu.memory_space<semaphore_mem>>) src(%dma_wait3A_659 : memref<10000x128xf32, #tpu.memory_space<hbm>>) dst(%arg10 : memref<128x128xf32, #tpu.memory_space<vmem>>)
      %dma_start3A_660 = arith.constant 14 : i32
      %dma_start3A_661 = arith.constant 0 : i32
      %dma_start3A_662 = arith.constant 0 : i32
      %dma_start3A_663 = tpu.memref_slice %arg9[%rem3A_21, %dma_start3A_661, %dma_start3A_662] : memref<2x16x128xi32, #tpu.memory_space<vmem>> -> memref<1x16x128xi32, #tpu.memory_space<vmem>>
      %dma_start3A_664 = tpu.memref_squeeze %dma_start3A_663 : memref<1x16x128xi32, #tpu.memory_space<vmem>> -> memref<16x128xi32, #tpu.memory_space<vmem>>
      %dma_start3A_665 = arith.constant 0 : i32
      %dma_start3A_666 = tpu.memref_slice %dma_start3A_664[%dma_start3A_660, %dma_start3A_665] : memref<16x128xi32, #tpu.memory_space<vmem>> -> memref<1x128xi32, #tpu.memory_space<vmem>>
      %dma_start3A_667 = tpu.memref_squeeze %dma_start3A_666 : memref<1x128xi32, #tpu.memory_space<vmem>> -> memref<128xi32, #tpu.memory_space<vmem>>
      %dma_start3A_668 = arith.constant 0 : i32
      %dma_start3A_669 = arith.constant 0 : i32
      %dma_start3A_670 = tpu.memref_slice %arg7[%dma_start3A_668, %dma_start3A_669] : memref<10240x128xf32, #tpu.memory_space<vmem_shared>> -> memref<10240x128xf32, #tpu.memory_space<vmem_shared>>
      tpu.enqueue_indirect_dma source(%arg10 : memref<128x128xf32, #tpu.memory_space<vmem>>) target(%dma_start3A_670 : memref<10240x128xf32, #tpu.memory_space<vmem_shared>>) offsets(%dma_start3A_667 : memref<128xi32, #tpu.memory_space<vmem>>) semaphore(%arg14 : memref<!tpu.dma_semaphore, #tpu.memory_space<semaphore_mem>>) {add = true}
      %dma_wait3A_671 = arith.constant 13 : i32
      %dma_wait3A_672 = arith.constant 0 : i32
      %dma_wait3A_673 = arith.constant 0 : i32
      %dma_wait3A_674 = tpu.memref_slice %arg9[%rem3A_21, %dma_wait3A_672, %dma_wait3A_673] : memref<2x16x128xi32, #tpu.memory_space<vmem>> -> memref<1x16x128xi32, #tpu.memory_space<vmem>>
      %dma_wait3A_675 = tpu.memref_squeeze %dma_wait3A_674 : memref<1x16x128xi32, #tpu.memory_space<vmem>> -> memref<16x128xi32, #tpu.memory_space<vmem>>
      %dma_wait3A_676 = arith.constant 0 : i32
      %dma_wait3A_677 = tpu.memref_slice %dma_wait3A_675[%dma_wait3A_671, %dma_wait3A_676] : memref<16x128xi32, #tpu.memory_space<vmem>> -> memref<1x128xi32, #tpu.memory_space<vmem>>
      %dma_wait3A_678 = tpu.memref_squeeze %dma_wait3A_677 : memref<1x128xi32, #tpu.memory_space<vmem>> -> memref<128xi32, #tpu.memory_space<vmem>>
      %dma_wait3A_679 = arith.constant 0 : i32
      %dma_wait3A_680 = arith.constant 0 : i32
      %dma_wait3A_681 = tpu.memref_slice %arg7[%dma_wait3A_679, %dma_wait3A_680] : memref<10240x128xf32, #tpu.memory_space<vmem_shared>> -> memref<10240x128xf32, #tpu.memory_space<vmem_shared>>
      tpu.wait_indirect_dma semaphore(%arg15 : memref<!tpu.dma_semaphore, #tpu.memory_space<semaphore_mem>>) src(%arg11 : memref<128x128xf32, #tpu.memory_space<vmem>>) dst(%dma_wait3A_681 : memref<10240x128xf32, #tpu.memory_space<vmem_shared>>)
      %dma_start3A_682 = arith.constant 15 : i32
      %dma_start3A_683 = arith.constant 0 : i32
      %dma_start3A_684 = arith.constant 0 : i32
      %dma_start3A_685 = tpu.memref_slice %arg8[%rem3A_21, %dma_start3A_683, %dma_start3A_684] : memref<2x16x128xi32, #tpu.memory_space<vmem>> -> memref<1x16x128xi32, #tpu.memory_space<vmem>>
      %dma_start3A_686 = tpu.memref_squeeze %dma_start3A_685 : memref<1x16x128xi32, #tpu.memory_space<vmem>> -> memref<16x128xi32, #tpu.memory_space<vmem>>
      %dma_start3A_687 = arith.constant 0 : i32
      %dma_start3A_688 = tpu.memref_slice %dma_start3A_686[%dma_start3A_682, %dma_start3A_687] : memref<16x128xi32, #tpu.memory_space<vmem>> -> memref<1x128xi32, #tpu.memory_space<vmem>>
      %dma_start3A_689 = tpu.memref_squeeze %dma_start3A_688 : memref<1x128xi32, #tpu.memory_space<vmem>> -> memref<128xi32, #tpu.memory_space<vmem>>
      %dma_start3A_690 = arith.constant 0 : i32
      %dma_start3A_691 = arith.constant 0 : i32
      %dma_start3A_692 = tpu.memref_slice %arg2[%dma_start3A_690, %dma_start3A_691] : memref<10000x128xf32, #tpu.memory_space<hbm>> -> memref<10000x128xf32, #tpu.memory_space<hbm>>
      tpu.enqueue_indirect_dma source(%dma_start3A_692 : memref<10000x128xf32, #tpu.memory_space<hbm>>) target(%arg11 : memref<128x128xf32, #tpu.memory_space<vmem>>) offsets(%dma_start3A_689 : memref<128xi32, #tpu.memory_space<vmem>>) semaphore(%arg13 : memref<!tpu.dma_semaphore, #tpu.memory_space<semaphore_mem>>)
      %dma_wait3A_693 = arith.constant 15 : i32
      %dma_wait3A_694 = arith.constant 0 : i32
      %dma_wait3A_695 = arith.constant 0 : i32
      %dma_wait3A_696 = tpu.memref_slice %arg8[%rem3A_21, %dma_wait3A_694, %dma_wait3A_695] : memref<2x16x128xi32, #tpu.memory_space<vmem>> -> memref<1x16x128xi32, #tpu.memory_space<vmem>>
      %dma_wait3A_697 = tpu.memref_squeeze %dma_wait3A_696 : memref<1x16x128xi32, #tpu.memory_space<vmem>> -> memref<16x128xi32, #tpu.memory_space<vmem>>
      %dma_wait3A_698 = arith.constant 0 : i32
      %dma_wait3A_699 = tpu.memref_slice %dma_wait3A_697[%dma_wait3A_693, %dma_wait3A_698] : memref<16x128xi32, #tpu.memory_space<vmem>> -> memref<1x128xi32, #tpu.memory_space<vmem>>
      %dma_wait3A_700 = tpu.memref_squeeze %dma_wait3A_699 : memref<1x128xi32, #tpu.memory_space<vmem>> -> memref<128xi32, #tpu.memory_space<vmem>>
      %dma_wait3A_701 = arith.constant 0 : i32
      %dma_wait3A_702 = arith.constant 0 : i32
      %dma_wait3A_703 = tpu.memref_slice %arg2[%dma_wait3A_701, %dma_wait3A_702] : memref<10000x128xf32, #tpu.memory_space<hbm>> -> memref<10000x128xf32, #tpu.memory_space<hbm>>
      tpu.wait_indirect_dma semaphore(%arg13 : memref<!tpu.dma_semaphore, #tpu.memory_space<semaphore_mem>>) src(%dma_wait3A_703 : memref<10000x128xf32, #tpu.memory_space<hbm>>) dst(%arg11 : memref<128x128xf32, #tpu.memory_space<vmem>>)
      %dma_start3A_704 = arith.constant 15 : i32
      %dma_start3A_705 = arith.constant 0 : i32
      %dma_start3A_706 = arith.constant 0 : i32
      %dma_start3A_707 = tpu.memref_slice %arg9[%rem3A_21, %dma_start3A_705, %dma_start3A_706] : memref<2x16x128xi32, #tpu.memory_space<vmem>> -> memref<1x16x128xi32, #tpu.memory_space<vmem>>
      %dma_start3A_708 = tpu.memref_squeeze %dma_start3A_707 : memref<1x16x128xi32, #tpu.memory_space<vmem>> -> memref<16x128xi32, #tpu.memory_space<vmem>>
      %dma_start3A_709 = arith.constant 0 : i32
      %dma_start3A_710 = tpu.memref_slice %dma_start3A_708[%dma_start3A_704, %dma_start3A_709] : memref<16x128xi32, #tpu.memory_space<vmem>> -> memref<1x128xi32, #tpu.memory_space<vmem>>
      %dma_start3A_711 = tpu.memref_squeeze %dma_start3A_710 : memref<1x128xi32, #tpu.memory_space<vmem>> -> memref<128xi32, #tpu.memory_space<vmem>>
      %dma_start3A_712 = arith.constant 0 : i32
      %dma_start3A_713 = arith.constant 0 : i32
      %dma_start3A_714 = tpu.memref_slice %arg7[%dma_start3A_712, %dma_start3A_713] : memref<10240x128xf32, #tpu.memory_space<vmem_shared>> -> memref<10240x128xf32, #tpu.memory_space<vmem_shared>>
      tpu.enqueue_indirect_dma source(%arg11 : memref<128x128xf32, #tpu.memory_space<vmem>>) target(%dma_start3A_714 : memref<10240x128xf32, #tpu.memory_space<vmem_shared>>) offsets(%dma_start3A_711 : memref<128xi32, #tpu.memory_space<vmem>>) semaphore(%arg15 : memref<!tpu.dma_semaphore, #tpu.memory_space<semaphore_mem>>) {add = true}
      %dma_wait3A_715 = arith.constant 14 : i32
      %dma_wait3A_716 = arith.constant 0 : i32
      %dma_wait3A_717 = arith.constant 0 : i32
      %dma_wait3A_718 = tpu.memref_slice %arg9[%rem3A_21, %dma_wait3A_716, %dma_wait3A_717] : memref<2x16x128xi32, #tpu.memory_space<vmem>> -> memref<1x16x128xi32, #tpu.memory_space<vmem>>
      %dma_wait3A_719 = tpu.memref_squeeze %dma_wait3A_718 : memref<1x16x128xi32, #tpu.memory_space<vmem>> -> memref<16x128xi32, #tpu.memory_space<vmem>>
      %dma_wait3A_720 = arith.constant 0 : i32
      %dma_wait3A_721 = tpu.memref_slice %dma_wait3A_719[%dma_wait3A_715, %dma_wait3A_720] : memref<16x128xi32, #tpu.memory_space<vmem>> -> memref<1x128xi32, #tpu.memory_space<vmem>>
      %dma_wait3A_722 = tpu.memref_squeeze %dma_wait3A_721 : memref<1x128xi32, #tpu.memory_space<vmem>> -> memref<128xi32, #tpu.memory_space<vmem>>
      %dma_wait3A_723 = arith.constant 0 : i32
      %dma_wait3A_724 = arith.constant 0 : i32
      %dma_wait3A_725 = tpu.memref_slice %arg7[%dma_wait3A_723, %dma_wait3A_724] : memref<10240x128xf32, #tpu.memory_space<vmem_shared>> -> memref<10240x128xf32, #tpu.memory_space<vmem_shared>>
      tpu.wait_indirect_dma semaphore(%arg14 : memref<!tpu.dma_semaphore, #tpu.memory_space<semaphore_mem>>) src(%arg10 : memref<128x128xf32, #tpu.memory_space<vmem>>) dst(%dma_wait3A_725 : memref<10240x128xf32, #tpu.memory_space<vmem_shared>>)
      %dma_wait3A_726 = arith.constant 15 : i32
      %dma_wait3A_727 = arith.constant 0 : i32
      %dma_wait3A_728 = arith.constant 0 : i32
      %dma_wait3A_729 = tpu.memref_slice %arg9[%rem3A_21, %dma_wait3A_727, %dma_wait3A_728] : memref<2x16x128xi32, #tpu.memory_space<vmem>> -> memref<1x16x128xi32, #tpu.memory_space<vmem>>
      %dma_wait3A_730 = tpu.memref_squeeze %dma_wait3A_729 : memref<1x16x128xi32, #tpu.memory_space<vmem>> -> memref<16x128xi32, #tpu.memory_space<vmem>>
      %dma_wait3A_731 = arith.constant 0 : i32
      %dma_wait3A_732 = tpu.memref_slice %dma_wait3A_730[%dma_wait3A_726, %dma_wait3A_731] : memref<16x128xi32, #tpu.memory_space<vmem>> -> memref<1x128xi32, #tpu.memory_space<vmem>>
      %dma_wait3A_733 = tpu.memref_squeeze %dma_wait3A_732 : memref<1x128xi32, #tpu.memory_space<vmem>> -> memref<128xi32, #tpu.memory_space<vmem>>
      %dma_wait3A_734 = arith.constant 0 : i32
      %dma_wait3A_735 = arith.constant 0 : i32
      %dma_wait3A_736 = tpu.memref_slice %arg7[%dma_wait3A_734, %dma_wait3A_735] : memref<10240x128xf32, #tpu.memory_space<vmem_shared>> -> memref<10240x128xf32, #tpu.memory_space<vmem_shared>>
      tpu.wait_indirect_dma semaphore(%arg15 : memref<!tpu.dma_semaphore, #tpu.memory_space<semaphore_mem>>) src(%arg11 : memref<128x128xf32, #tpu.memory_space<vmem>>) dst(%dma_wait3A_736 : memref<10240x128xf32, #tpu.memory_space<vmem_shared>>)
      %add3A_737 = arith.constant 1 : i32
      %add3A_738 = arith.addi %scan3A_20, %add3A_737 : i32
      %lt3A_739 = arith.constant 5 : i32
      %lt3A_740 = arith.cmpi slt, %add3A_738, %lt3A_739 : i32
      %convert_element_type3A_741 = arith.extui %lt3A_740 : i1 to i32
      %cond3A_742 = arith.constant 0 : i32
      %cond3A_743 = arith.cmpi ne, %convert_element_type3A_741, %cond3A_742 : i32
      scf.if %cond3A_743 {
        %dma_wait3A_744 = arith.constant 0 : i32
        %dma_wait3A_745 = arith.constant 0 : i32
        %dma_wait3A_746 = tpu.memref_slice %arg8[%rem3A_25, %dma_wait3A_744, %dma_wait3A_745] : memref<2x16x128xi32, #tpu.memory_space<vmem>> -> memref<1x16x128xi32, #tpu.memory_space<vmem>>
        %dma_wait3A_747 = tpu.memref_squeeze %dma_wait3A_746 : memref<1x16x128xi32, #tpu.memory_space<vmem>> -> memref<16x128xi32, #tpu.memory_space<vmem>>
        %dma_wait3A_748 = arith.constant 0 : i32
        %dma_wait3A_749 = tpu.memref_slice %arg3[%add3A_30, %dma_wait3A_748] : memref<2560x128xi32, #tpu.memory_space<hbm>> -> memref<16x128xi32, #tpu.memory_space<hbm>>
        %dma_wait3A_750 = arith.constant 0 : i32
        %dma_wait3A_751 = arith.constant 0 : i32
        %dma_wait3A_752 = tpu.memref_slice %arg8[%rem3A_25, %dma_wait3A_750, %dma_wait3A_751] : memref<2x16x128xi32, #tpu.memory_space<vmem>> -> memref<1x16x128xi32, #tpu.memory_space<vmem>>
        %dma_wait3A_753 = tpu.memref_squeeze %dma_wait3A_752 : memref<1x16x128xi32, #tpu.memory_space<vmem>> -> memref<16x128xi32, #tpu.memory_space<vmem>>
        %dma_wait3A_754 = arith.constant 0 : i32
        %dma_wait3A_755 = tpu.memref_slice %arg3[%add3A_30, %dma_wait3A_754] : memref<2560x128xi32, #tpu.memory_space<hbm>> -> memref<16x128xi32, #tpu.memory_space<hbm>>
        tpu.wait_dma2 semaphore(%arg16 : memref<!tpu.dma_semaphore, #tpu.memory_space<semaphore_mem>>) src(%dma_wait3A_755 : memref<16x128xi32, #tpu.memory_space<hbm>>) dst(%dma_wait3A_753 : memref<16x128xi32, #tpu.memory_space<vmem>>)
        %dma_wait3A_756 = arith.constant 0 : i32
        %dma_wait3A_757 = arith.constant 0 : i32
        %dma_wait3A_758 = tpu.memref_slice %arg9[%rem3A_25, %dma_wait3A_756, %dma_wait3A_757] : memref<2x16x128xi32, #tpu.memory_space<vmem>> -> memref<1x16x128xi32, #tpu.memory_space<vmem>>
        %dma_wait3A_759 = tpu.memref_squeeze %dma_wait3A_758 : memref<1x16x128xi32, #tpu.memory_space<vmem>> -> memref<16x128xi32, #tpu.memory_space<vmem>>
        %dma_wait3A_760 = arith.constant 0 : i32
        %dma_wait3A_761 = tpu.memref_slice %arg4[%add3A_30, %dma_wait3A_760] : memref<2560x128xi32, #tpu.memory_space<hbm>> -> memref<16x128xi32, #tpu.memory_space<hbm>>
        %dma_wait3A_762 = arith.constant 0 : i32
        %dma_wait3A_763 = arith.constant 0 : i32
        %dma_wait3A_764 = tpu.memref_slice %arg9[%rem3A_25, %dma_wait3A_762, %dma_wait3A_763] : memref<2x16x128xi32, #tpu.memory_space<vmem>> -> memref<1x16x128xi32, #tpu.memory_space<vmem>>
        %dma_wait3A_765 = tpu.memref_squeeze %dma_wait3A_764 : memref<1x16x128xi32, #tpu.memory_space<vmem>> -> memref<16x128xi32, #tpu.memory_space<vmem>>
        %dma_wait3A_766 = arith.constant 0 : i32
        %dma_wait3A_767 = tpu.memref_slice %arg4[%add3A_30, %dma_wait3A_766] : memref<2560x128xi32, #tpu.memory_space<hbm>> -> memref<16x128xi32, #tpu.memory_space<hbm>>
        tpu.wait_dma2 semaphore(%arg17 : memref<!tpu.dma_semaphore, #tpu.memory_space<semaphore_mem>>) src(%dma_wait3A_767 : memref<16x128xi32, #tpu.memory_space<hbm>>) dst(%dma_wait3A_765 : memref<16x128xi32, #tpu.memory_space<vmem>>)
      } else {
      }
    }
    %scan3A_14 = arith.constant 5 : i32
    %barrier3A_15 = arith.constant 0 : index
    tpu.barrier barrier_id(%barrier3A_15)
    %add3A_16 = arith.constant 0 : i32
    %add3A_17 = arith.addi %mul3A_4, %add3A_16 : i32
    "tpu.region"() ({
      %run_scoped3A_20 = tpu.sem_alloc : memref<!tpu.dma_semaphore, #tpu.memory_space<semaphore_mem>>
      %dma_start3A = arith.constant 0 : i32
      %dma_start3A_21 = tpu.memref_slice %arg6[%arg0, %add3A_17, %dma_start3A] : memref<2x10240x128xf32, #tpu.memory_space<hbm>> -> memref<1x320x128xf32, #tpu.memory_space<hbm>>
      %dma_start3A_22 = tpu.memref_squeeze %dma_start3A_21 : memref<1x320x128xf32, #tpu.memory_space<hbm>> -> memref<320x128xf32, #tpu.memory_space<hbm>>
      %dma_start3A_23 = arith.constant 0 : i32
      %dma_start3A_24 = tpu.memref_slice %arg7[%add3A_17, %dma_start3A_23] : memref<10240x128xf32, #tpu.memory_space<vmem_shared>> -> memref<320x128xf32, #tpu.memory_space<vmem_shared>>
      tpu.enqueue_dma source(%dma_start3A_24 : memref<320x128xf32, #tpu.memory_space<vmem_shared>>) target(%dma_start3A_22 : memref<320x128xf32, #tpu.memory_space<hbm>>) target_semaphore(%run_scoped3A_20 : memref<!tpu.dma_semaphore, #tpu.memory_space<semaphore_mem>>)
      %dma_wait3A = arith.constant 0 : i32
      %dma_wait3A_25 = tpu.memref_slice %arg6[%arg0, %add3A_17, %dma_wait3A] : memref<2x10240x128xf32, #tpu.memory_space<hbm>> -> memref<1x320x128xf32, #tpu.memory_space<hbm>>
      %dma_wait3A_26 = tpu.memref_squeeze %dma_wait3A_25 : memref<1x320x128xf32, #tpu.memory_space<hbm>> -> memref<320x128xf32, #tpu.memory_space<hbm>>
      %dma_wait3A_27 = arith.constant 0 : i32
      %dma_wait3A_28 = tpu.memref_slice %arg7[%add3A_17, %dma_wait3A_27] : memref<10240x128xf32, #tpu.memory_space<vmem_shared>> -> memref<320x128xf32, #tpu.memory_space<vmem_shared>>
      tpu.wait_dma2 semaphore(%run_scoped3A_20 : memref<!tpu.dma_semaphore, #tpu.memory_space<semaphore_mem>>) src(%dma_wait3A_28 : memref<320x128xf32, #tpu.memory_space<vmem_shared>>) dst(%dma_wait3A_26 : memref<320x128xf32, #tpu.memory_space<hbm>>)
      tpu.yield
    }) : () -> ()
    %add3A_18 = arith.constant 320 : i32
    %add3A_19 = arith.addi %mul3A_4, %add3A_18 : i32
    "tpu.region"() ({
      %run_scoped3A_20 = tpu.sem_alloc : memref<!tpu.dma_semaphore, #tpu.memory_space<semaphore_mem>>
      %dma_start3A = arith.constant 0 : i32
      %dma_start3A_21 = tpu.memref_slice %arg6[%arg0, %add3A_19, %dma_start3A] : memref<2x10240x128xf32, #tpu.memory_space<hbm>> -> memref<1x320x128xf32, #tpu.memory_space<hbm>>
      %dma_start3A_22 = tpu.memref_squeeze %dma_start3A_21 : memref<1x320x128xf32, #tpu.memory_space<hbm>> -> memref<320x128xf32, #tpu.memory_space<hbm>>
      %dma_start3A_23 = arith.constant 0 : i32
      %dma_start3A_24 = tpu.memref_slice %arg7[%add3A_19, %dma_start3A_23] : memref<10240x128xf32, #tpu.memory_space<vmem_shared>> -> memref<320x128xf32, #tpu.memory_space<vmem_shared>>
      tpu.enqueue_dma source(%dma_start3A_24 : memref<320x128xf32, #tpu.memory_space<vmem_shared>>) target(%dma_start3A_22 : memref<320x128xf32, #tpu.memory_space<hbm>>) target_semaphore(%run_scoped3A_20 : memref<!tpu.dma_semaphore, #tpu.memory_space<semaphore_mem>>)
      %dma_wait3A = arith.constant 0 : i32
      %dma_wait3A_25 = tpu.memref_slice %arg6[%arg0, %add3A_19, %dma_wait3A] : memref<2x10240x128xf32, #tpu.memory_space<hbm>> -> memref<1x320x128xf32, #tpu.memory_space<hbm>>
      %dma_wait3A_26 = tpu.memref_squeeze %dma_wait3A_25 : memref<1x320x128xf32, #tpu.memory_space<hbm>> -> memref<320x128xf32, #tpu.memory_space<hbm>>
      %dma_wait3A_27 = arith.constant 0 : i32
      %dma_wait3A_28 = tpu.memref_slice %arg7[%add3A_19, %dma_wait3A_27] : memref<10240x128xf32, #tpu.memory_space<vmem_shared>> -> memref<320x128xf32, #tpu.memory_space<vmem_shared>>
      tpu.wait_dma2 semaphore(%run_scoped3A_20 : memref<!tpu.dma_semaphore, #tpu.memory_space<semaphore_mem>>) src(%dma_wait3A_28 : memref<320x128xf32, #tpu.memory_space<vmem_shared>>) dst(%dma_wait3A_26 : memref<320x128xf32, #tpu.memory_space<hbm>>)
      tpu.yield
    }) : () -> ()
    return
  }
}

#map = affine_map<(d0, d1) -> (0, 0)>
#map1 = affine_map<(d0, d1) -> (0, 0, 0)>
module attributes {stable_mosaic.version = 14 : i64} {
  func.func @_deg_body(%arg0: i32, %arg1: i32, %arg2: memref<2560x128xi32, #tpu.memory_space<hbm>>, %arg3: memref<128x128xf32, #tpu.memory_space<hbm>>, %arg4: memref<320x128xf32, #tpu.memory_space<hbm>>, %arg5: memref<2x10240x128xf32, #tpu.memory_space<hbm>>, %arg6: memref<10240x128xf32, #tpu.memory_space<vmem_shared>>, %arg7: memref<80x128xi32, #tpu.memory_space<vmem>>, %arg8: memref<128x128xf32, #tpu.memory_space<vmem>>) attributes {dimension_semantics = [#tpu.dimension_semantics<core_parallel>, #tpu.dimension_semantics<subcore_parallel>], iteration_bounds = array<i64: 2, 16>, scalar_prefetch = 0 : i64, scratch_operands = 3 : i64, tpu.core_type = #tpu.core_type<sc_vector_subcore>, window_params = [{transform_indices = #map}, {transform_indices = #map}, {transform_indices = #map}, {transform_indices = #map1}]} {
    %mul3A = arith.constant 16 : i32
    %mul3A_0 = arith.muli %arg0, %mul3A : i32
    %add3A = arith.addi %mul3A_0, %arg1 : i32
    %mul3A_1 = arith.constant 80 : i32
    %mul3A_2 = arith.muli %add3A, %mul3A_1 : i32
    "tpu.region"() ({
      %run_scoped3A = tpu.sem_alloc : memref<!tpu.dma_semaphore, #tpu.memory_space<semaphore_mem>>
      %dma_start3A = arith.constant 0 : i32
      %dma_start3A_19 = tpu.memref_slice %arg2[%mul3A_2, %dma_start3A] : memref<2560x128xi32, #tpu.memory_space<hbm>> -> memref<80x128xi32, #tpu.memory_space<hbm>>
      %dma_start3A_20 = arith.constant 0 : i32
      %dma_start3A_21 = tpu.memref_slice %arg2[%mul3A_2, %dma_start3A_20] : memref<2560x128xi32, #tpu.memory_space<hbm>> -> memref<80x128xi32, #tpu.memory_space<hbm>>
      tpu.enqueue_dma source(%dma_start3A_21 : memref<80x128xi32, #tpu.memory_space<hbm>>) target(%arg7 : memref<80x128xi32, #tpu.memory_space<vmem>>) target_semaphore(%run_scoped3A : memref<!tpu.dma_semaphore, #tpu.memory_space<semaphore_mem>>)
      %dma_wait3A = arith.constant 0 : i32
      %dma_wait3A_22 = tpu.memref_slice %arg2[%mul3A_2, %dma_wait3A] : memref<2560x128xi32, #tpu.memory_space<hbm>> -> memref<80x128xi32, #tpu.memory_space<hbm>>
      %dma_wait3A_23 = arith.constant 0 : i32
      %dma_wait3A_24 = tpu.memref_slice %arg2[%mul3A_2, %dma_wait3A_23] : memref<2560x128xi32, #tpu.memory_space<hbm>> -> memref<80x128xi32, #tpu.memory_space<hbm>>
      tpu.wait_dma2 semaphore(%run_scoped3A : memref<!tpu.dma_semaphore, #tpu.memory_space<semaphore_mem>>) src(%dma_wait3A_24 : memref<80x128xi32, #tpu.memory_space<hbm>>) dst(%arg7 : memref<80x128xi32, #tpu.memory_space<vmem>>)
      tpu.yield
    }) : () -> ()
    "tpu.region"() ({
      %run_scoped3A = tpu.sem_alloc : memref<!tpu.dma_semaphore, #tpu.memory_space<semaphore_mem>>
      tpu.enqueue_dma source(%arg3 : memref<128x128xf32, #tpu.memory_space<hbm>>) target(%arg8 : memref<128x128xf32, #tpu.memory_space<vmem>>) target_semaphore(%run_scoped3A : memref<!tpu.dma_semaphore, #tpu.memory_space<semaphore_mem>>)
      tpu.wait_dma2 semaphore(%run_scoped3A : memref<!tpu.dma_semaphore, #tpu.memory_space<semaphore_mem>>) src(%arg3 : memref<128x128xf32, #tpu.memory_space<hbm>>) dst(%arg8 : memref<128x128xf32, #tpu.memory_space<vmem>>)
      tpu.yield
    }) : () -> ()
    %mul3A_3 = arith.constant 640 : i32
    %mul3A_4 = arith.muli %arg1, %mul3A_3 : i32
    "tpu.region"() ({
      %run_scoped3A = tpu.sem_alloc : memref<!tpu.dma_semaphore, #tpu.memory_space<semaphore_mem>>
      %dma_start3A = arith.constant 0 : i32
      %dma_start3A_19 = tpu.memref_slice %arg6[%mul3A_4, %dma_start3A] : memref<10240x128xf32, #tpu.memory_space<vmem_shared>> -> memref<320x128xf32, #tpu.memory_space<vmem_shared>>
      tpu.enqueue_dma source(%arg4 : memref<320x128xf32, #tpu.memory_space<hbm>>) target(%dma_start3A_19 : memref<320x128xf32, #tpu.memory_space<vmem_shared>>) target_semaphore(%run_scoped3A : memref<!tpu.dma_semaphore, #tpu.memory_space<semaphore_mem>>)
      %dma_wait3A = arith.constant 0 : i32
      %dma_wait3A_20 = tpu.memref_slice %arg6[%mul3A_4, %dma_wait3A] : memref<10240x128xf32, #tpu.memory_space<vmem_shared>> -> memref<320x128xf32, #tpu.memory_space<vmem_shared>>
      tpu.wait_dma2 semaphore(%run_scoped3A : memref<!tpu.dma_semaphore, #tpu.memory_space<semaphore_mem>>) src(%arg4 : memref<320x128xf32, #tpu.memory_space<hbm>>) dst(%dma_wait3A_20 : memref<320x128xf32, #tpu.memory_space<vmem_shared>>)
      tpu.yield
    }) : () -> ()
    %add3A_5 = arith.constant 320 : i32
    %add3A_6 = arith.addi %mul3A_4, %add3A_5 : i32
    "tpu.region"() ({
      %run_scoped3A = tpu.sem_alloc : memref<!tpu.dma_semaphore, #tpu.memory_space<semaphore_mem>>
      %dma_start3A = arith.constant 0 : i32
      %dma_start3A_19 = tpu.memref_slice %arg6[%add3A_6, %dma_start3A] : memref<10240x128xf32, #tpu.memory_space<vmem_shared>> -> memref<320x128xf32, #tpu.memory_space<vmem_shared>>
      tpu.enqueue_dma source(%arg4 : memref<320x128xf32, #tpu.memory_space<hbm>>) target(%dma_start3A_19 : memref<320x128xf32, #tpu.memory_space<vmem_shared>>) target_semaphore(%run_scoped3A : memref<!tpu.dma_semaphore, #tpu.memory_space<semaphore_mem>>)
      %dma_wait3A = arith.constant 0 : i32
      %dma_wait3A_20 = tpu.memref_slice %arg6[%add3A_6, %dma_wait3A] : memref<10240x128xf32, #tpu.memory_space<vmem_shared>> -> memref<320x128xf32, #tpu.memory_space<vmem_shared>>
      tpu.wait_dma2 semaphore(%run_scoped3A : memref<!tpu.dma_semaphore, #tpu.memory_space<semaphore_mem>>) src(%arg4 : memref<320x128xf32, #tpu.memory_space<hbm>>) dst(%dma_wait3A_20 : memref<320x128xf32, #tpu.memory_space<vmem_shared>>)
      tpu.yield
    }) : () -> ()
    %barrier3A = arith.constant 0 : index
    tpu.barrier barrier_id(%barrier3A)
    %scan3A = arith.constant 0 : i32
    %scan3A_7 = arith.constant 0 : i32
    %scan3A_8 = arith.constant 80 : i32
    %scan3A_9 = arith.addi %scan3A_7, %scan3A_8 : i32
    %scan3A_10 = arith.constant 1 : i32
    scf.for %scan3A_19 = %scan3A_7 to %scan3A_9 step %scan3A_10  : i32 {
      "tpu.region"() ({
        %run_scoped3A = tpu.sem_alloc : memref<!tpu.dma_semaphore, #tpu.memory_space<semaphore_mem>>
        %dma_start3A = arith.constant 0 : i32
        %dma_start3A_20 = tpu.memref_slice %arg7[%scan3A_19, %dma_start3A] : memref<80x128xi32, #tpu.memory_space<vmem>> -> memref<1x128xi32, #tpu.memory_space<vmem>>
        %dma_start3A_21 = tpu.memref_squeeze %dma_start3A_20 : memref<1x128xi32, #tpu.memory_space<vmem>> -> memref<128xi32, #tpu.memory_space<vmem>>
        %dma_start3A_22 = arith.constant 0 : i32
        %dma_start3A_23 = arith.constant 0 : i32
        %dma_start3A_24 = tpu.memref_slice %arg6[%dma_start3A_22, %dma_start3A_23] : memref<10240x128xf32, #tpu.memory_space<vmem_shared>> -> memref<10240x128xf32, #tpu.memory_space<vmem_shared>>
        tpu.enqueue_indirect_dma source(%arg8 : memref<128x128xf32, #tpu.memory_space<vmem>>) target(%dma_start3A_24 : memref<10240x128xf32, #tpu.memory_space<vmem_shared>>) offsets(%dma_start3A_21 : memref<128xi32, #tpu.memory_space<vmem>>) semaphore(%run_scoped3A : memref<!tpu.dma_semaphore, #tpu.memory_space<semaphore_mem>>) {add = true}
        %dma_wait3A = arith.constant 0 : i32
        %dma_wait3A_25 = tpu.memref_slice %arg7[%scan3A_19, %dma_wait3A] : memref<80x128xi32, #tpu.memory_space<vmem>> -> memref<1x128xi32, #tpu.memory_space<vmem>>
        %dma_wait3A_26 = tpu.memref_squeeze %dma_wait3A_25 : memref<1x128xi32, #tpu.memory_space<vmem>> -> memref<128xi32, #tpu.memory_space<vmem>>
        %dma_wait3A_27 = arith.constant 0 : i32
        %dma_wait3A_28 = arith.constant 0 : i32
        %dma_wait3A_29 = tpu.memref_slice %arg6[%dma_wait3A_27, %dma_wait3A_28] : memref<10240x128xf32, #tpu.memory_space<vmem_shared>> -> memref<10240x128xf32, #tpu.memory_space<vmem_shared>>
        tpu.wait_indirect_dma semaphore(%run_scoped3A : memref<!tpu.dma_semaphore, #tpu.memory_space<semaphore_mem>>) src(%arg8 : memref<128x128xf32, #tpu.memory_space<vmem>>) dst(%dma_wait3A_29 : memref<10240x128xf32, #tpu.memory_space<vmem_shared>>)
        tpu.yield
      }) : () -> ()
    }
    %scan3A_11 = arith.constant 80 : i32
    %barrier3A_12 = arith.constant 0 : index
    tpu.barrier barrier_id(%barrier3A_12)
    %mul3A_13 = arith.constant 640 : i32
    %mul3A_14 = arith.muli %arg1, %mul3A_13 : i32
    %add3A_15 = arith.constant 0 : i32
    %add3A_16 = arith.addi %mul3A_14, %add3A_15 : i32
    "tpu.region"() ({
      %run_scoped3A = tpu.sem_alloc : memref<!tpu.dma_semaphore, #tpu.memory_space<semaphore_mem>>
      %dma_start3A = arith.constant 0 : i32
      %dma_start3A_19 = tpu.memref_slice %arg5[%arg0, %add3A_16, %dma_start3A] : memref<2x10240x128xf32, #tpu.memory_space<hbm>> -> memref<1x320x128xf32, #tpu.memory_space<hbm>>
      %dma_start3A_20 = tpu.memref_squeeze %dma_start3A_19 : memref<1x320x128xf32, #tpu.memory_space<hbm>> -> memref<320x128xf32, #tpu.memory_space<hbm>>
      %dma_start3A_21 = arith.constant 0 : i32
      %dma_start3A_22 = tpu.memref_slice %arg6[%add3A_16, %dma_start3A_21] : memref<10240x128xf32, #tpu.memory_space<vmem_shared>> -> memref<320x128xf32, #tpu.memory_space<vmem_shared>>
      tpu.enqueue_dma source(%dma_start3A_22 : memref<320x128xf32, #tpu.memory_space<vmem_shared>>) target(%dma_start3A_20 : memref<320x128xf32, #tpu.memory_space<hbm>>) target_semaphore(%run_scoped3A : memref<!tpu.dma_semaphore, #tpu.memory_space<semaphore_mem>>)
      %dma_wait3A = arith.constant 0 : i32
      %dma_wait3A_23 = tpu.memref_slice %arg5[%arg0, %add3A_16, %dma_wait3A] : memref<2x10240x128xf32, #tpu.memory_space<hbm>> -> memref<1x320x128xf32, #tpu.memory_space<hbm>>
      %dma_wait3A_24 = tpu.memref_squeeze %dma_wait3A_23 : memref<1x320x128xf32, #tpu.memory_space<hbm>> -> memref<320x128xf32, #tpu.memory_space<hbm>>
      %dma_wait3A_25 = arith.constant 0 : i32
      %dma_wait3A_26 = tpu.memref_slice %arg6[%add3A_16, %dma_wait3A_25] : memref<10240x128xf32, #tpu.memory_space<vmem_shared>> -> memref<320x128xf32, #tpu.memory_space<vmem_shared>>
      tpu.wait_dma2 semaphore(%run_scoped3A : memref<!tpu.dma_semaphore, #tpu.memory_space<semaphore_mem>>) src(%dma_wait3A_26 : memref<320x128xf32, #tpu.memory_space<vmem_shared>>) dst(%dma_wait3A_24 : memref<320x128xf32, #tpu.memory_space<hbm>>)
      tpu.yield
    }) : () -> ()
    %add3A_17 = arith.constant 320 : i32
    %add3A_18 = arith.addi %mul3A_14, %add3A_17 : i32
    "tpu.region"() ({
      %run_scoped3A = tpu.sem_alloc : memref<!tpu.dma_semaphore, #tpu.memory_space<semaphore_mem>>
      %dma_start3A = arith.constant 0 : i32
      %dma_start3A_19 = tpu.memref_slice %arg5[%arg0, %add3A_18, %dma_start3A] : memref<2x10240x128xf32, #tpu.memory_space<hbm>> -> memref<1x320x128xf32, #tpu.memory_space<hbm>>
      %dma_start3A_20 = tpu.memref_squeeze %dma_start3A_19 : memref<1x320x128xf32, #tpu.memory_space<hbm>> -> memref<320x128xf32, #tpu.memory_space<hbm>>
      %dma_start3A_21 = arith.constant 0 : i32
      %dma_start3A_22 = tpu.memref_slice %arg6[%add3A_18, %dma_start3A_21] : memref<10240x128xf32, #tpu.memory_space<vmem_shared>> -> memref<320x128xf32, #tpu.memory_space<vmem_shared>>
      tpu.enqueue_dma source(%dma_start3A_22 : memref<320x128xf32, #tpu.memory_space<vmem_shared>>) target(%dma_start3A_20 : memref<320x128xf32, #tpu.memory_space<hbm>>) target_semaphore(%run_scoped3A : memref<!tpu.dma_semaphore, #tpu.memory_space<semaphore_mem>>)
      %dma_wait3A = arith.constant 0 : i32
      %dma_wait3A_23 = tpu.memref_slice %arg5[%arg0, %add3A_18, %dma_wait3A] : memref<2x10240x128xf32, #tpu.memory_space<hbm>> -> memref<1x320x128xf32, #tpu.memory_space<hbm>>
      %dma_wait3A_24 = tpu.memref_squeeze %dma_wait3A_23 : memref<1x320x128xf32, #tpu.memory_space<hbm>> -> memref<320x128xf32, #tpu.memory_space<hbm>>
      %dma_wait3A_25 = arith.constant 0 : i32
      %dma_wait3A_26 = tpu.memref_slice %arg6[%add3A_18, %dma_wait3A_25] : memref<10240x128xf32, #tpu.memory_space<vmem_shared>> -> memref<320x128xf32, #tpu.memory_space<vmem_shared>>
      tpu.wait_dma2 semaphore(%run_scoped3A : memref<!tpu.dma_semaphore, #tpu.memory_space<semaphore_mem>>) src(%dma_wait3A_26 : memref<320x128xf32, #tpu.memory_space<vmem_shared>>) dst(%dma_wait3A_24 : memref<320x128xf32, #tpu.memory_space<hbm>>)
      tpu.yield
    }) : () -> ()
    return
  }
}

#map = affine_map<(d0, d1) -> (0, 0)>
#map1 = affine_map<(d0, d1) -> (0, 0, 0)>
module attributes {stable_mosaic.version = 14 : i64} {
  func.func @_mp256_body(%arg0: i32, %arg1: i32, %arg2: memref<20000x128xf32, #tpu.memory_space<hbm>>, %arg3: memref<2x2560x128xi32, #tpu.memory_space<hbm>>, %arg4: memref<2560x128xi32, #tpu.memory_space<hbm>>, %arg5: memref<320x128xf32, #tpu.memory_space<hbm>>, %arg6: memref<2x10240x128xf32, #tpu.memory_space<hbm>>, %arg7: memref<10240x128xf32, #tpu.memory_space<vmem_shared>>, %arg8: memref<2x16x128xi32, #tpu.memory_space<vmem>>, %arg9: memref<2x16x128xi32, #tpu.memory_space<vmem>>, %arg10: memref<128x128xf32, #tpu.memory_space<vmem>>, %arg11: memref<128x128xf32, #tpu.memory_space<vmem>>, %arg12: memref<!tpu.dma_semaphore, #tpu.memory_space<semaphore_mem>>, %arg13: memref<!tpu.dma_semaphore, #tpu.memory_space<semaphore_mem>>, %arg14: memref<!tpu.dma_semaphore, #tpu.memory_space<semaphore_mem>>, %arg15: memref<!tpu.dma_semaphore, #tpu.memory_space<semaphore_mem>>, %arg16: memref<!tpu.dma_semaphore, #tpu.memory_space<semaphore_mem>>, %arg17: memref<!tpu.dma_semaphore, #tpu.memory_space<semaphore_mem>>) attributes {dimension_semantics = [#tpu.dimension_semantics<core_parallel>, #tpu.dimension_semantics<subcore_parallel>], iteration_bounds = array<i64: 2, 16>, scalar_prefetch = 0 : i64, scratch_operands = 11 : i64, tpu.core_type = #tpu.core_type<sc_vector_subcore>, window_params = [{transform_indices = #map}, {transform_indices = #map1}, {transform_indices = #map}, {transform_indices = #map}, {transform_indices = #map1}]} {
    %mul3A = arith.constant 160 : i32
    %mul3A_0 = arith.muli %arg1, %mul3A : i32
    %mul3A_1 = arith.constant 640 : i32
    %mul3A_2 = arith.muli %arg1, %mul3A_1 : i32
    %run_scoped3A = arith.constant 0 : i32
    "tpu.region"() ({
      %run_scoped3A_17 = tpu.sem_alloc : memref<!tpu.dma_semaphore, #tpu.memory_space<semaphore_mem>>
      %dma_start3A = arith.constant 0 : i32
      %dma_start3A_18 = arith.constant 0 : i32
      %dma_start3A_19 = tpu.memref_slice %arg8[%run_scoped3A, %dma_start3A, %dma_start3A_18] : memref<2x16x128xi32, #tpu.memory_space<vmem>> -> memref<1x16x128xi32, #tpu.memory_space<vmem>>
      %dma_start3A_20 = tpu.memref_squeeze %dma_start3A_19 : memref<1x16x128xi32, #tpu.memory_space<vmem>> -> memref<16x128xi32, #tpu.memory_space<vmem>>
      %dma_start3A_21 = arith.constant 0 : i32
      %dma_start3A_22 = arith.constant 0 : i32
      %dma_start3A_23 = tpu.memref_slice %arg3[%arg0, %dma_start3A_21, %dma_start3A_22] : memref<2x2560x128xi32, #tpu.memory_space<hbm>> -> memref<1x2560x128xi32, #tpu.memory_space<hbm>>
      %dma_start3A_24 = tpu.memref_squeeze %dma_start3A_23 : memref<1x2560x128xi32, #tpu.memory_space<hbm>> -> memref<2560x128xi32, #tpu.memory_space<hbm>>
      %dma_start3A_25 = arith.constant 0 : i32
      %dma_start3A_26 = tpu.memref_slice %dma_start3A_24[%mul3A_0, %dma_start3A_25] : memref<2560x128xi32, #tpu.memory_space<hbm>> -> memref<16x128xi32, #tpu.memory_space<hbm>>
      %dma_start3A_27 = arith.constant 0 : i32
      %dma_start3A_28 = arith.constant 0 : i32
      %dma_start3A_29 = tpu.memref_slice %arg8[%run_scoped3A, %dma_start3A_27, %dma_start3A_28] : memref<2x16x128xi32, #tpu.memory_space<vmem>> -> memref<1x16x128xi32, #tpu.memory_space<vmem>>
      %dma_start3A_30 = tpu.memref_squeeze %dma_start3A_29 : memref<1x16x128xi32, #tpu.memory_space<vmem>> -> memref<16x128xi32, #tpu.memory_space<vmem>>
      %dma_start3A_31 = arith.constant 0 : i32
      %dma_start3A_32 = arith.constant 0 : i32
      %dma_start3A_33 = tpu.memref_slice %arg3[%arg0, %dma_start3A_31, %dma_start3A_32] : memref<2x2560x128xi32, #tpu.memory_space<hbm>> -> memref<1x2560x128xi32, #tpu.memory_space<hbm>>
      %dma_start3A_34 = tpu.memref_squeeze %dma_start3A_33 : memref<1x2560x128xi32, #tpu.memory_space<hbm>> -> memref<2560x128xi32, #tpu.memory_space<hbm>>
      %dma_start3A_35 = arith.constant 0 : i32
      %dma_start3A_36 = tpu.memref_slice %dma_start3A_34[%mul3A_0, %dma_start3A_35] : memref<2560x128xi32, #tpu.memory_space<hbm>> -> memref<16x128xi32, #tpu.memory_space<hbm>>
      tpu.enqueue_dma source(%dma_start3A_36 : memref<16x128xi32, #tpu.memory_space<hbm>>) target(%dma_start3A_30 : memref<16x128xi32, #tpu.memory_space<vmem>>) target_semaphore(%run_scoped3A_17 : memref<!tpu.dma_semaphore, #tpu.memory_space<semaphore_mem>>)
      %dma_wait3A = arith.constant 0 : i32
      %dma_wait3A_37 = arith.constant 0 : i32
      %dma_wait3A_38 = tpu.memref_slice %arg8[%run_scoped3A, %dma_wait3A, %dma_wait3A_37] : memref<2x16x128xi32, #tpu.memory_space<vmem>> -> memref<1x16x128xi32, #tpu.memory_space<vmem>>
      %dma_wait3A_39 = tpu.memref_squeeze %dma_wait3A_38 : memref<1x16x128xi32, #tpu.memory_space<vmem>> -> memref<16x128xi32, #tpu.memory_space<vmem>>
      %dma_wait3A_40 = arith.constant 0 : i32
      %dma_wait3A_41 = arith.constant 0 : i32
      %dma_wait3A_42 = tpu.memref_slice %arg3[%arg0, %dma_wait3A_40, %dma_wait3A_41] : memref<2x2560x128xi32, #tpu.memory_space<hbm>> -> memref<1x2560x128xi32, #tpu.memory_space<hbm>>
      %dma_wait3A_43 = tpu.memref_squeeze %dma_wait3A_42 : memref<1x2560x128xi32, #tpu.memory_space<hbm>> -> memref<2560x128xi32, #tpu.memory_space<hbm>>
      %dma_wait3A_44 = arith.constant 0 : i32
      %dma_wait3A_45 = tpu.memref_slice %dma_wait3A_43[%mul3A_0, %dma_wait3A_44] : memref<2560x128xi32, #tpu.memory_space<hbm>> -> memref<16x128xi32, #tpu.memory_space<hbm>>
      %dma_wait3A_46 = arith.constant 0 : i32
      %dma_wait3A_47 = arith.constant 0 : i32
      %dma_wait3A_48 = tpu.memref_slice %arg8[%run_scoped3A, %dma_wait3A_46, %dma_wait3A_47] : memref<2x16x128xi32, #tpu.memory_space<vmem>> -> memref<1x16x128xi32, #tpu.memory_space<vmem>>
      %dma_wait3A_49 = tpu.memref_squeeze %dma_wait3A_48 : memref<1x16x128xi32, #tpu.memory_space<vmem>> -> memref<16x128xi32, #tpu.memory_space<vmem>>
      %dma_wait3A_50 = arith.constant 0 : i32
      %dma_wait3A_51 = arith.constant 0 : i32
      %dma_wait3A_52 = tpu.memref_slice %arg3[%arg0, %dma_wait3A_50, %dma_wait3A_51] : memref<2x2560x128xi32, #tpu.memory_space<hbm>> -> memref<1x2560x128xi32, #tpu.memory_space<hbm>>
      %dma_wait3A_53 = tpu.memref_squeeze %dma_wait3A_52 : memref<1x2560x128xi32, #tpu.memory_space<hbm>> -> memref<2560x128xi32, #tpu.memory_space<hbm>>
      %dma_wait3A_54 = arith.constant 0 : i32
      %dma_wait3A_55 = tpu.memref_slice %dma_wait3A_53[%mul3A_0, %dma_wait3A_54] : memref<2560x128xi32, #tpu.memory_space<hbm>> -> memref<16x128xi32, #tpu.memory_space<hbm>>
      tpu.wait_dma2 semaphore(%run_scoped3A_17 : memref<!tpu.dma_semaphore, #tpu.memory_space<semaphore_mem>>) src(%dma_wait3A_55 : memref<16x128xi32, #tpu.memory_space<hbm>>) dst(%dma_wait3A_49 : memref<16x128xi32, #tpu.memory_space<vmem>>)
      tpu.yield
    }) : () -> ()
    %run_scoped3A_3 = arith.constant 0 : i32
    "tpu.region"() ({
      %run_scoped3A_17 = tpu.sem_alloc : memref<!tpu.dma_semaphore, #tpu.memory_space<semaphore_mem>>
      %dma_start3A = arith.constant 0 : i32
      %dma_start3A_18 = arith.constant 0 : i32
      %dma_start3A_19 = tpu.memref_slice %arg9[%run_scoped3A_3, %dma_start3A, %dma_start3A_18] : memref<2x16x128xi32, #tpu.memory_space<vmem>> -> memref<1x16x128xi32, #tpu.memory_space<vmem>>
      %dma_start3A_20 = tpu.memref_squeeze %dma_start3A_19 : memref<1x16x128xi32, #tpu.memory_space<vmem>> -> memref<16x128xi32, #tpu.memory_space<vmem>>
      %dma_start3A_21 = arith.constant 0 : i32
      %dma_start3A_22 = tpu.memref_slice %arg4[%mul3A_0, %dma_start3A_21] : memref<2560x128xi32, #tpu.memory_space<hbm>> -> memref<16x128xi32, #tpu.memory_space<hbm>>
      %dma_start3A_23 = arith.constant 0 : i32
      %dma_start3A_24 = arith.constant 0 : i32
      %dma_start3A_25 = tpu.memref_slice %arg9[%run_scoped3A_3, %dma_start3A_23, %dma_start3A_24] : memref<2x16x128xi32, #tpu.memory_space<vmem>> -> memref<1x16x128xi32, #tpu.memory_space<vmem>>
      %dma_start3A_26 = tpu.memref_squeeze %dma_start3A_25 : memref<1x16x128xi32, #tpu.memory_space<vmem>> -> memref<16x128xi32, #tpu.memory_space<vmem>>
      %dma_start3A_27 = arith.constant 0 : i32
      %dma_start3A_28 = tpu.memref_slice %arg4[%mul3A_0, %dma_start3A_27] : memref<2560x128xi32, #tpu.memory_space<hbm>> -> memref<16x128xi32, #tpu.memory_space<hbm>>
      tpu.enqueue_dma source(%dma_start3A_28 : memref<16x128xi32, #tpu.memory_space<hbm>>) target(%dma_start3A_26 : memref<16x128xi32, #tpu.memory_space<vmem>>) target_semaphore(%run_scoped3A_17 : memref<!tpu.dma_semaphore, #tpu.memory_space<semaphore_mem>>)
      %dma_wait3A = arith.constant 0 : i32
      %dma_wait3A_29 = arith.constant 0 : i32
      %dma_wait3A_30 = tpu.memref_slice %arg9[%run_scoped3A_3, %dma_wait3A, %dma_wait3A_29] : memref<2x16x128xi32, #tpu.memory_space<vmem>> -> memref<1x16x128xi32, #tpu.memory_space<vmem>>
      %dma_wait3A_31 = tpu.memref_squeeze %dma_wait3A_30 : memref<1x16x128xi32, #tpu.memory_space<vmem>> -> memref<16x128xi32, #tpu.memory_space<vmem>>
      %dma_wait3A_32 = arith.constant 0 : i32
      %dma_wait3A_33 = tpu.memref_slice %arg4[%mul3A_0, %dma_wait3A_32] : memref<2560x128xi32, #tpu.memory_space<hbm>> -> memref<16x128xi32, #tpu.memory_space<hbm>>
      %dma_wait3A_34 = arith.constant 0 : i32
      %dma_wait3A_35 = arith.constant 0 : i32
      %dma_wait3A_36 = tpu.memref_slice %arg9[%run_scoped3A_3, %dma_wait3A_34, %dma_wait3A_35] : memref<2x16x128xi32, #tpu.memory_space<vmem>> -> memref<1x16x128xi32, #tpu.memory_space<vmem>>
      %dma_wait3A_37 = tpu.memref_squeeze %dma_wait3A_36 : memref<1x16x128xi32, #tpu.memory_space<vmem>> -> memref<16x128xi32, #tpu.memory_space<vmem>>
      %dma_wait3A_38 = arith.constant 0 : i32
      %dma_wait3A_39 = tpu.memref_slice %arg4[%mul3A_0, %dma_wait3A_38] : memref<2560x128xi32, #tpu.memory_space<hbm>> -> memref<16x128xi32, #tpu.memory_space<hbm>>
      tpu.wait_dma2 semaphore(%run_scoped3A_17 : memref<!tpu.dma_semaphore, #tpu.memory_space<semaphore_mem>>) src(%dma_wait3A_39 : memref<16x128xi32, #tpu.memory_space<hbm>>) dst(%dma_wait3A_37 : memref<16x128xi32, #tpu.memory_space<vmem>>)
      tpu.yield
    }) : () -> ()
    %mul3A_4 = arith.constant 640 : i32
    %mul3A_5 = arith.muli %arg1, %mul3A_4 : i32
    "tpu.region"() ({
      %run_scoped3A_17 = tpu.sem_alloc : memref<!tpu.dma_semaphore, #tpu.memory_space<semaphore_mem>>
      %dma_start3A = arith.constant 0 : i32
      %dma_start3A_18 = tpu.memref_slice %arg7[%mul3A_5, %dma_start3A] : memref<10240x128xf32, #tpu.memory_space<vmem_shared>> -> memref<320x128xf32, #tpu.memory_space<vmem_shared>>
      tpu.enqueue_dma source(%arg5 : memref<320x128xf32, #tpu.memory_space<hbm>>) target(%dma_start3A_18 : memref<320x128xf32, #tpu.memory_space<vmem_shared>>) target_semaphore(%run_scoped3A_17 : memref<!tpu.dma_semaphore, #tpu.memory_space<semaphore_mem>>)
      %dma_wait3A = arith.constant 0 : i32
      %dma_wait3A_19 = tpu.memref_slice %arg7[%mul3A_5, %dma_wait3A] : memref<10240x128xf32, #tpu.memory_space<vmem_shared>> -> memref<320x128xf32, #tpu.memory_space<vmem_shared>>
      tpu.wait_dma2 semaphore(%run_scoped3A_17 : memref<!tpu.dma_semaphore, #tpu.memory_space<semaphore_mem>>) src(%arg5 : memref<320x128xf32, #tpu.memory_space<hbm>>) dst(%dma_wait3A_19 : memref<320x128xf32, #tpu.memory_space<vmem_shared>>)
      tpu.yield
    }) : () -> ()
    %add3A = arith.constant 320 : i32
    %add3A_6 = arith.addi %mul3A_5, %add3A : i32
    "tpu.region"() ({
      %run_scoped3A_17 = tpu.sem_alloc : memref<!tpu.dma_semaphore, #tpu.memory_space<semaphore_mem>>
      %dma_start3A = arith.constant 0 : i32
      %dma_start3A_18 = tpu.memref_slice %arg7[%add3A_6, %dma_start3A] : memref<10240x128xf32, #tpu.memory_space<vmem_shared>> -> memref<320x128xf32, #tpu.memory_space<vmem_shared>>
      tpu.enqueue_dma source(%arg5 : memref<320x128xf32, #tpu.memory_space<hbm>>) target(%dma_start3A_18 : memref<320x128xf32, #tpu.memory_space<vmem_shared>>) target_semaphore(%run_scoped3A_17 : memref<!tpu.dma_semaphore, #tpu.memory_space<semaphore_mem>>)
      %dma_wait3A = arith.constant 0 : i32
      %dma_wait3A_19 = tpu.memref_slice %arg7[%add3A_6, %dma_wait3A] : memref<10240x128xf32, #tpu.memory_space<vmem_shared>> -> memref<320x128xf32, #tpu.memory_space<vmem_shared>>
      tpu.wait_dma2 semaphore(%run_scoped3A_17 : memref<!tpu.dma_semaphore, #tpu.memory_space<semaphore_mem>>) src(%arg5 : memref<320x128xf32, #tpu.memory_space<hbm>>) dst(%dma_wait3A_19 : memref<320x128xf32, #tpu.memory_space<vmem_shared>>)
      tpu.yield
    }) : () -> ()
    %barrier3A = arith.constant 0 : index
    tpu.barrier barrier_id(%barrier3A)
    %scan3A = arith.constant 0 : i32
    %scan3A_7 = arith.constant 0 : i32
    %scan3A_8 = arith.constant 10 : i32
    %scan3A_9 = arith.addi %scan3A_7, %scan3A_8 : i32
    %scan3A_10 = arith.constant 1 : i32
    scf.for %scan3A_17 = %scan3A_7 to %scan3A_9 step %scan3A_10  : i32 {
      %rem3A = arith.constant 2 : i32
      %rem3A_18 = arith.remsi %scan3A_17, %rem3A : i32
      %add3A_19 = arith.constant 1 : i32
      %add3A_20 = arith.addi %scan3A_17, %add3A_19 : i32
      %rem3A_21 = arith.constant 2 : i32
      %rem3A_22 = arith.remsi %add3A_20, %rem3A_21 : i32
      %add3A_23 = arith.constant 1 : i32
      %add3A_24 = arith.addi %scan3A_17, %add3A_23 : i32
      %mul3A_25 = arith.constant 16 : i32
      %mul3A_26 = arith.muli %add3A_24, %mul3A_25 : i32
      %add3A_27 = arith.addi %mul3A_0, %mul3A_26 : i32
      %add3A_28 = arith.constant 1 : i32
      %add3A_29 = arith.addi %scan3A_17, %add3A_28 : i32
      %lt3A = arith.constant 10 : i32
      %lt3A_30 = arith.cmpi slt, %add3A_29, %lt3A : i32
      %convert_element_type3A = arith.extui %lt3A_30 : i1 to i32
      %cond3A = arith.constant 0 : i32
      %cond3A_31 = arith.cmpi ne, %convert_element_type3A, %cond3A : i32
      scf.if %cond3A_31 {
        %dma_start3A_741 = arith.constant 0 : i32
        %dma_start3A_742 = arith.constant 0 : i32
        %dma_start3A_743 = tpu.memref_slice %arg8[%rem3A_22, %dma_start3A_741, %dma_start3A_742] : memref<2x16x128xi32, #tpu.memory_space<vmem>> -> memref<1x16x128xi32, #tpu.memory_space<vmem>>
        %dma_start3A_744 = tpu.memref_squeeze %dma_start3A_743 : memref<1x16x128xi32, #tpu.memory_space<vmem>> -> memref<16x128xi32, #tpu.memory_space<vmem>>
        %dma_start3A_745 = arith.constant 0 : i32
        %dma_start3A_746 = arith.constant 0 : i32
        %dma_start3A_747 = tpu.memref_slice %arg3[%arg0, %dma_start3A_745, %dma_start3A_746] : memref<2x2560x128xi32, #tpu.memory_space<hbm>> -> memref<1x2560x128xi32, #tpu.memory_space<hbm>>
        %dma_start3A_748 = tpu.memref_squeeze %dma_start3A_747 : memref<1x2560x128xi32, #tpu.memory_space<hbm>> -> memref<2560x128xi32, #tpu.memory_space<hbm>>
        %dma_start3A_749 = arith.constant 0 : i32
        %dma_start3A_750 = tpu.memref_slice %dma_start3A_748[%add3A_27, %dma_start3A_749] : memref<2560x128xi32, #tpu.memory_space<hbm>> -> memref<16x128xi32, #tpu.memory_space<hbm>>
        %dma_start3A_751 = arith.constant 0 : i32
        %dma_start3A_752 = arith.constant 0 : i32
        %dma_start3A_753 = tpu.memref_slice %arg8[%rem3A_22, %dma_start3A_751, %dma_start3A_752] : memref<2x16x128xi32, #tpu.memory_space<vmem>> -> memref<1x16x128xi32, #tpu.memory_space<vmem>>
        %dma_start3A_754 = tpu.memref_squeeze %dma_start3A_753 : memref<1x16x128xi32, #tpu.memory_space<vmem>> -> memref<16x128xi32, #tpu.memory_space<vmem>>
        %dma_start3A_755 = arith.constant 0 : i32
        %dma_start3A_756 = arith.constant 0 : i32
        %dma_start3A_757 = tpu.memref_slice %arg3[%arg0, %dma_start3A_755, %dma_start3A_756] : memref<2x2560x128xi32, #tpu.memory_space<hbm>> -> memref<1x2560x128xi32, #tpu.memory_space<hbm>>
        %dma_start3A_758 = tpu.memref_squeeze %dma_start3A_757 : memref<1x2560x128xi32, #tpu.memory_space<hbm>> -> memref<2560x128xi32, #tpu.memory_space<hbm>>
        %dma_start3A_759 = arith.constant 0 : i32
        %dma_start3A_760 = tpu.memref_slice %dma_start3A_758[%add3A_27, %dma_start3A_759] : memref<2560x128xi32, #tpu.memory_space<hbm>> -> memref<16x128xi32, #tpu.memory_space<hbm>>
        tpu.enqueue_dma source(%dma_start3A_760 : memref<16x128xi32, #tpu.memory_space<hbm>>) target(%dma_start3A_754 : memref<16x128xi32, #tpu.memory_space<vmem>>) target_semaphore(%arg16 : memref<!tpu.dma_semaphore, #tpu.memory_space<semaphore_mem>>)
        %dma_start3A_761 = arith.constant 0 : i32
        %dma_start3A_762 = arith.constant 0 : i32
        %dma_start3A_763 = tpu.memref_slice %arg9[%rem3A_22, %dma_start3A_761, %dma_start3A_762] : memref<2x16x128xi32, #tpu.memory_space<vmem>> -> memref<1x16x128xi32, #tpu.memory_space<vmem>>
        %dma_start3A_764 = tpu.memref_squeeze %dma_start3A_763 : memref<1x16x128xi32, #tpu.memory_space<vmem>> -> memref<16x128xi32, #tpu.memory_space<vmem>>
        %dma_start3A_765 = arith.constant 0 : i32
        %dma_start3A_766 = tpu.memref_slice %arg4[%add3A_27, %dma_start3A_765] : memref<2560x128xi32, #tpu.memory_space<hbm>> -> memref<16x128xi32, #tpu.memory_space<hbm>>
        %dma_start3A_767 = arith.constant 0 : i32
        %dma_start3A_768 = arith.constant 0 : i32
        %dma_start3A_769 = tpu.memref_slice %arg9[%rem3A_22, %dma_start3A_767, %dma_start3A_768] : memref<2x16x128xi32, #tpu.memory_space<vmem>> -> memref<1x16x128xi32, #tpu.memory_space<vmem>>
        %dma_start3A_770 = tpu.memref_squeeze %dma_start3A_769 : memref<1x16x128xi32, #tpu.memory_space<vmem>> -> memref<16x128xi32, #tpu.memory_space<vmem>>
        %dma_start3A_771 = arith.constant 0 : i32
        %dma_start3A_772 = tpu.memref_slice %arg4[%add3A_27, %dma_start3A_771] : memref<2560x128xi32, #tpu.memory_space<hbm>> -> memref<16x128xi32, #tpu.memory_space<hbm>>
        tpu.enqueue_dma source(%dma_start3A_772 : memref<16x128xi32, #tpu.memory_space<hbm>>) target(%dma_start3A_770 : memref<16x128xi32, #tpu.memory_space<vmem>>) target_semaphore(%arg17 : memref<!tpu.dma_semaphore, #tpu.memory_space<semaphore_mem>>)
      } else {
      }
      %dma_start3A = arith.constant 0 : i32
      %dma_start3A_32 = arith.constant 0 : i32
      %dma_start3A_33 = arith.constant 0 : i32
      %dma_start3A_34 = tpu.memref_slice %arg8[%rem3A_18, %dma_start3A_32, %dma_start3A_33] : memref<2x16x128xi32, #tpu.memory_space<vmem>> -> memref<1x16x128xi32, #tpu.memory_space<vmem>>
      %dma_start3A_35 = tpu.memref_squeeze %dma_start3A_34 : memref<1x16x128xi32, #tpu.memory_space<vmem>> -> memref<16x128xi32, #tpu.memory_space<vmem>>
      %dma_start3A_36 = arith.constant 0 : i32
      %dma_start3A_37 = tpu.memref_slice %dma_start3A_35[%dma_start3A, %dma_start3A_36] : memref<16x128xi32, #tpu.memory_space<vmem>> -> memref<1x128xi32, #tpu.memory_space<vmem>>
      %dma_start3A_38 = tpu.memref_squeeze %dma_start3A_37 : memref<1x128xi32, #tpu.memory_space<vmem>> -> memref<128xi32, #tpu.memory_space<vmem>>
      %dma_start3A_39 = arith.constant 0 : i32
      %dma_start3A_40 = arith.constant 0 : i32
      %dma_start3A_41 = tpu.memref_slice %arg2[%dma_start3A_39, %dma_start3A_40] : memref<20000x128xf32, #tpu.memory_space<hbm>> -> memref<20000x128xf32, #tpu.memory_space<hbm>>
      tpu.enqueue_indirect_dma source(%dma_start3A_41 : memref<20000x128xf32, #tpu.memory_space<hbm>>) target(%arg10 : memref<128x128xf32, #tpu.memory_space<vmem>>) offsets(%dma_start3A_38 : memref<128xi32, #tpu.memory_space<vmem>>) semaphore(%arg12 : memref<!tpu.dma_semaphore, #tpu.memory_space<semaphore_mem>>)
      %dma_wait3A = arith.constant 0 : i32
      %dma_wait3A_42 = arith.constant 0 : i32
      %dma_wait3A_43 = arith.constant 0 : i32
      %dma_wait3A_44 = tpu.memref_slice %arg8[%rem3A_18, %dma_wait3A_42, %dma_wait3A_43] : memref<2x16x128xi32, #tpu.memory_space<vmem>> -> memref<1x16x128xi32, #tpu.memory_space<vmem>>
      %dma_wait3A_45 = tpu.memref_squeeze %dma_wait3A_44 : memref<1x16x128xi32, #tpu.memory_space<vmem>> -> memref<16x128xi32, #tpu.memory_space<vmem>>
      %dma_wait3A_46 = arith.constant 0 : i32
      %dma_wait3A_47 = tpu.memref_slice %dma_wait3A_45[%dma_wait3A, %dma_wait3A_46] : memref<16x128xi32, #tpu.memory_space<vmem>> -> memref<1x128xi32, #tpu.memory_space<vmem>>
      %dma_wait3A_48 = tpu.memref_squeeze %dma_wait3A_47 : memref<1x128xi32, #tpu.memory_space<vmem>> -> memref<128xi32, #tpu.memory_space<vmem>>
      %dma_wait3A_49 = arith.constant 0 : i32
      %dma_wait3A_50 = arith.constant 0 : i32
      %dma_wait3A_51 = tpu.memref_slice %arg2[%dma_wait3A_49, %dma_wait3A_50] : memref<20000x128xf32, #tpu.memory_space<hbm>> -> memref<20000x128xf32, #tpu.memory_space<hbm>>
      tpu.wait_indirect_dma semaphore(%arg12 : memref<!tpu.dma_semaphore, #tpu.memory_space<semaphore_mem>>) src(%dma_wait3A_51 : memref<20000x128xf32, #tpu.memory_space<hbm>>) dst(%arg10 : memref<128x128xf32, #tpu.memory_space<vmem>>)
      %dma_start3A_52 = arith.constant 0 : i32
      %dma_start3A_53 = arith.constant 0 : i32
      %dma_start3A_54 = arith.constant 0 : i32
      %dma_start3A_55 = tpu.memref_slice %arg9[%rem3A_18, %dma_start3A_53, %dma_start3A_54] : memref<2x16x128xi32, #tpu.memory_space<vmem>> -> memref<1x16x128xi32, #tpu.memory_space<vmem>>
      %dma_start3A_56 = tpu.memref_squeeze %dma_start3A_55 : memref<1x16x128xi32, #tpu.memory_space<vmem>> -> memref<16x128xi32, #tpu.memory_space<vmem>>
      %dma_start3A_57 = arith.constant 0 : i32
      %dma_start3A_58 = tpu.memref_slice %dma_start3A_56[%dma_start3A_52, %dma_start3A_57] : memref<16x128xi32, #tpu.memory_space<vmem>> -> memref<1x128xi32, #tpu.memory_space<vmem>>
      %dma_start3A_59 = tpu.memref_squeeze %dma_start3A_58 : memref<1x128xi32, #tpu.memory_space<vmem>> -> memref<128xi32, #tpu.memory_space<vmem>>
      %dma_start3A_60 = arith.constant 0 : i32
      %dma_start3A_61 = arith.constant 0 : i32
      %dma_start3A_62 = tpu.memref_slice %arg7[%dma_start3A_60, %dma_start3A_61] : memref<10240x128xf32, #tpu.memory_space<vmem_shared>> -> memref<10240x128xf32, #tpu.memory_space<vmem_shared>>
      tpu.enqueue_indirect_dma source(%arg10 : memref<128x128xf32, #tpu.memory_space<vmem>>) target(%dma_start3A_62 : memref<10240x128xf32, #tpu.memory_space<vmem_shared>>) offsets(%dma_start3A_59 : memref<128xi32, #tpu.memory_space<vmem>>) semaphore(%arg14 : memref<!tpu.dma_semaphore, #tpu.memory_space<semaphore_mem>>) {add = true}
      %dma_start3A_63 = arith.constant 1 : i32
      %dma_start3A_64 = arith.constant 0 : i32
      %dma_start3A_65 = arith.constant 0 : i32
      %dma_start3A_66 = tpu.memref_slice %arg8[%rem3A_18, %dma_start3A_64, %dma_start3A_65] : memref<2x16x128xi32, #tpu.memory_space<vmem>> -> memref<1x16x128xi32, #tpu.memory_space<vmem>>
      %dma_start3A_67 = tpu.memref_squeeze %dma_start3A_66 : memref<1x16x128xi32, #tpu.memory_space<vmem>> -> memref<16x128xi32, #tpu.memory_space<vmem>>
      %dma_start3A_68 = arith.constant 0 : i32
      %dma_start3A_69 = tpu.memref_slice %dma_start3A_67[%dma_start3A_63, %dma_start3A_68] : memref<16x128xi32, #tpu.memory_space<vmem>> -> memref<1x128xi32, #tpu.memory_space<vmem>>
      %dma_start3A_70 = tpu.memref_squeeze %dma_start3A_69 : memref<1x128xi32, #tpu.memory_space<vmem>> -> memref<128xi32, #tpu.memory_space<vmem>>
      %dma_start3A_71 = arith.constant 0 : i32
      %dma_start3A_72 = arith.constant 0 : i32
      %dma_start3A_73 = tpu.memref_slice %arg2[%dma_start3A_71, %dma_start3A_72] : memref<20000x128xf32, #tpu.memory_space<hbm>> -> memref<20000x128xf32, #tpu.memory_space<hbm>>
      tpu.enqueue_indirect_dma source(%dma_start3A_73 : memref<20000x128xf32, #tpu.memory_space<hbm>>) target(%arg11 : memref<128x128xf32, #tpu.memory_space<vmem>>) offsets(%dma_start3A_70 : memref<128xi32, #tpu.memory_space<vmem>>) semaphore(%arg13 : memref<!tpu.dma_semaphore, #tpu.memory_space<semaphore_mem>>)
      %dma_wait3A_74 = arith.constant 1 : i32
      %dma_wait3A_75 = arith.constant 0 : i32
      %dma_wait3A_76 = arith.constant 0 : i32
      %dma_wait3A_77 = tpu.memref_slice %arg8[%rem3A_18, %dma_wait3A_75, %dma_wait3A_76] : memref<2x16x128xi32, #tpu.memory_space<vmem>> -> memref<1x16x128xi32, #tpu.memory_space<vmem>>
      %dma_wait3A_78 = tpu.memref_squeeze %dma_wait3A_77 : memref<1x16x128xi32, #tpu.memory_space<vmem>> -> memref<16x128xi32, #tpu.memory_space<vmem>>
      %dma_wait3A_79 = arith.constant 0 : i32
      %dma_wait3A_80 = tpu.memref_slice %dma_wait3A_78[%dma_wait3A_74, %dma_wait3A_79] : memref<16x128xi32, #tpu.memory_space<vmem>> -> memref<1x128xi32, #tpu.memory_space<vmem>>
      %dma_wait3A_81 = tpu.memref_squeeze %dma_wait3A_80 : memref<1x128xi32, #tpu.memory_space<vmem>> -> memref<128xi32, #tpu.memory_space<vmem>>
      %dma_wait3A_82 = arith.constant 0 : i32
      %dma_wait3A_83 = arith.constant 0 : i32
      %dma_wait3A_84 = tpu.memref_slice %arg2[%dma_wait3A_82, %dma_wait3A_83] : memref<20000x128xf32, #tpu.memory_space<hbm>> -> memref<20000x128xf32, #tpu.memory_space<hbm>>
      tpu.wait_indirect_dma semaphore(%arg13 : memref<!tpu.dma_semaphore, #tpu.memory_space<semaphore_mem>>) src(%dma_wait3A_84 : memref<20000x128xf32, #tpu.memory_space<hbm>>) dst(%arg11 : memref<128x128xf32, #tpu.memory_space<vmem>>)
      %dma_start3A_85 = arith.constant 1 : i32
      %dma_start3A_86 = arith.constant 0 : i32
      %dma_start3A_87 = arith.constant 0 : i32
      %dma_start3A_88 = tpu.memref_slice %arg9[%rem3A_18, %dma_start3A_86, %dma_start3A_87] : memref<2x16x128xi32, #tpu.memory_space<vmem>> -> memref<1x16x128xi32, #tpu.memory_space<vmem>>
      %dma_start3A_89 = tpu.memref_squeeze %dma_start3A_88 : memref<1x16x128xi32, #tpu.memory_space<vmem>> -> memref<16x128xi32, #tpu.memory_space<vmem>>
      %dma_start3A_90 = arith.constant 0 : i32
      %dma_start3A_91 = tpu.memref_slice %dma_start3A_89[%dma_start3A_85, %dma_start3A_90] : memref<16x128xi32, #tpu.memory_space<vmem>> -> memref<1x128xi32, #tpu.memory_space<vmem>>
      %dma_start3A_92 = tpu.memref_squeeze %dma_start3A_91 : memref<1x128xi32, #tpu.memory_space<vmem>> -> memref<128xi32, #tpu.memory_space<vmem>>
      %dma_start3A_93 = arith.constant 0 : i32
      %dma_start3A_94 = arith.constant 0 : i32
      %dma_start3A_95 = tpu.memref_slice %arg7[%dma_start3A_93, %dma_start3A_94] : memref<10240x128xf32, #tpu.memory_space<vmem_shared>> -> memref<10240x128xf32, #tpu.memory_space<vmem_shared>>
      tpu.enqueue_indirect_dma source(%arg11 : memref<128x128xf32, #tpu.memory_space<vmem>>) target(%dma_start3A_95 : memref<10240x128xf32, #tpu.memory_space<vmem_shared>>) offsets(%dma_start3A_92 : memref<128xi32, #tpu.memory_space<vmem>>) semaphore(%arg15 : memref<!tpu.dma_semaphore, #tpu.memory_space<semaphore_mem>>) {add = true}
      %dma_wait3A_96 = arith.constant 0 : i32
      %dma_wait3A_97 = arith.constant 0 : i32
      %dma_wait3A_98 = arith.constant 0 : i32
      %dma_wait3A_99 = tpu.memref_slice %arg9[%rem3A_18, %dma_wait3A_97, %dma_wait3A_98] : memref<2x16x128xi32, #tpu.memory_space<vmem>> -> memref<1x16x128xi32, #tpu.memory_space<vmem>>
      %dma_wait3A_100 = tpu.memref_squeeze %dma_wait3A_99 : memref<1x16x128xi32, #tpu.memory_space<vmem>> -> memref<16x128xi32, #tpu.memory_space<vmem>>
      %dma_wait3A_101 = arith.constant 0 : i32
      %dma_wait3A_102 = tpu.memref_slice %dma_wait3A_100[%dma_wait3A_96, %dma_wait3A_101] : memref<16x128xi32, #tpu.memory_space<vmem>> -> memref<1x128xi32, #tpu.memory_space<vmem>>
      %dma_wait3A_103 = tpu.memref_squeeze %dma_wait3A_102 : memref<1x128xi32, #tpu.memory_space<vmem>> -> memref<128xi32, #tpu.memory_space<vmem>>
      %dma_wait3A_104 = arith.constant 0 : i32
      %dma_wait3A_105 = arith.constant 0 : i32
      %dma_wait3A_106 = tpu.memref_slice %arg7[%dma_wait3A_104, %dma_wait3A_105] : memref<10240x128xf32, #tpu.memory_space<vmem_shared>> -> memref<10240x128xf32, #tpu.memory_space<vmem_shared>>
      tpu.wait_indirect_dma semaphore(%arg14 : memref<!tpu.dma_semaphore, #tpu.memory_space<semaphore_mem>>) src(%arg10 : memref<128x128xf32, #tpu.memory_space<vmem>>) dst(%dma_wait3A_106 : memref<10240x128xf32, #tpu.memory_space<vmem_shared>>)
      %dma_start3A_107 = arith.constant 2 : i32
      %dma_start3A_108 = arith.constant 0 : i32
      %dma_start3A_109 = arith.constant 0 : i32
      %dma_start3A_110 = tpu.memref_slice %arg8[%rem3A_18, %dma_start3A_108, %dma_start3A_109] : memref<2x16x128xi32, #tpu.memory_space<vmem>> -> memref<1x16x128xi32, #tpu.memory_space<vmem>>
      %dma_start3A_111 = tpu.memref_squeeze %dma_start3A_110 : memref<1x16x128xi32, #tpu.memory_space<vmem>> -> memref<16x128xi32, #tpu.memory_space<vmem>>
      %dma_start3A_112 = arith.constant 0 : i32
      %dma_start3A_113 = tpu.memref_slice %dma_start3A_111[%dma_start3A_107, %dma_start3A_112] : memref<16x128xi32, #tpu.memory_space<vmem>> -> memref<1x128xi32, #tpu.memory_space<vmem>>
      %dma_start3A_114 = tpu.memref_squeeze %dma_start3A_113 : memref<1x128xi32, #tpu.memory_space<vmem>> -> memref<128xi32, #tpu.memory_space<vmem>>
      %dma_start3A_115 = arith.constant 0 : i32
      %dma_start3A_116 = arith.constant 0 : i32
      %dma_start3A_117 = tpu.memref_slice %arg2[%dma_start3A_115, %dma_start3A_116] : memref<20000x128xf32, #tpu.memory_space<hbm>> -> memref<20000x128xf32, #tpu.memory_space<hbm>>
      tpu.enqueue_indirect_dma source(%dma_start3A_117 : memref<20000x128xf32, #tpu.memory_space<hbm>>) target(%arg10 : memref<128x128xf32, #tpu.memory_space<vmem>>) offsets(%dma_start3A_114 : memref<128xi32, #tpu.memory_space<vmem>>) semaphore(%arg12 : memref<!tpu.dma_semaphore, #tpu.memory_space<semaphore_mem>>)
      %dma_wait3A_118 = arith.constant 2 : i32
      %dma_wait3A_119 = arith.constant 0 : i32
      %dma_wait3A_120 = arith.constant 0 : i32
      %dma_wait3A_121 = tpu.memref_slice %arg8[%rem3A_18, %dma_wait3A_119, %dma_wait3A_120] : memref<2x16x128xi32, #tpu.memory_space<vmem>> -> memref<1x16x128xi32, #tpu.memory_space<vmem>>
      %dma_wait3A_122 = tpu.memref_squeeze %dma_wait3A_121 : memref<1x16x128xi32, #tpu.memory_space<vmem>> -> memref<16x128xi32, #tpu.memory_space<vmem>>
      %dma_wait3A_123 = arith.constant 0 : i32
      %dma_wait3A_124 = tpu.memref_slice %dma_wait3A_122[%dma_wait3A_118, %dma_wait3A_123] : memref<16x128xi32, #tpu.memory_space<vmem>> -> memref<1x128xi32, #tpu.memory_space<vmem>>
      %dma_wait3A_125 = tpu.memref_squeeze %dma_wait3A_124 : memref<1x128xi32, #tpu.memory_space<vmem>> -> memref<128xi32, #tpu.memory_space<vmem>>
      %dma_wait3A_126 = arith.constant 0 : i32
      %dma_wait3A_127 = arith.constant 0 : i32
      %dma_wait3A_128 = tpu.memref_slice %arg2[%dma_wait3A_126, %dma_wait3A_127] : memref<20000x128xf32, #tpu.memory_space<hbm>> -> memref<20000x128xf32, #tpu.memory_space<hbm>>
      tpu.wait_indirect_dma semaphore(%arg12 : memref<!tpu.dma_semaphore, #tpu.memory_space<semaphore_mem>>) src(%dma_wait3A_128 : memref<20000x128xf32, #tpu.memory_space<hbm>>) dst(%arg10 : memref<128x128xf32, #tpu.memory_space<vmem>>)
      %dma_start3A_129 = arith.constant 2 : i32
      %dma_start3A_130 = arith.constant 0 : i32
      %dma_start3A_131 = arith.constant 0 : i32
      %dma_start3A_132 = tpu.memref_slice %arg9[%rem3A_18, %dma_start3A_130, %dma_start3A_131] : memref<2x16x128xi32, #tpu.memory_space<vmem>> -> memref<1x16x128xi32, #tpu.memory_space<vmem>>
      %dma_start3A_133 = tpu.memref_squeeze %dma_start3A_132 : memref<1x16x128xi32, #tpu.memory_space<vmem>> -> memref<16x128xi32, #tpu.memory_space<vmem>>
      %dma_start3A_134 = arith.constant 0 : i32
      %dma_start3A_135 = tpu.memref_slice %dma_start3A_133[%dma_start3A_129, %dma_start3A_134] : memref<16x128xi32, #tpu.memory_space<vmem>> -> memref<1x128xi32, #tpu.memory_space<vmem>>
      %dma_start3A_136 = tpu.memref_squeeze %dma_start3A_135 : memref<1x128xi32, #tpu.memory_space<vmem>> -> memref<128xi32, #tpu.memory_space<vmem>>
      %dma_start3A_137 = arith.constant 0 : i32
      %dma_start3A_138 = arith.constant 0 : i32
      %dma_start3A_139 = tpu.memref_slice %arg7[%dma_start3A_137, %dma_start3A_138] : memref<10240x128xf32, #tpu.memory_space<vmem_shared>> -> memref<10240x128xf32, #tpu.memory_space<vmem_shared>>
      tpu.enqueue_indirect_dma source(%arg10 : memref<128x128xf32, #tpu.memory_space<vmem>>) target(%dma_start3A_139 : memref<10240x128xf32, #tpu.memory_space<vmem_shared>>) offsets(%dma_start3A_136 : memref<128xi32, #tpu.memory_space<vmem>>) semaphore(%arg14 : memref<!tpu.dma_semaphore, #tpu.memory_space<semaphore_mem>>) {add = true}
      %dma_wait3A_140 = arith.constant 1 : i32
      %dma_wait3A_141 = arith.constant 0 : i32
      %dma_wait3A_142 = arith.constant 0 : i32
      %dma_wait3A_143 = tpu.memref_slice %arg9[%rem3A_18, %dma_wait3A_141, %dma_wait3A_142] : memref<2x16x128xi32, #tpu.memory_space<vmem>> -> memref<1x16x128xi32, #tpu.memory_space<vmem>>
      %dma_wait3A_144 = tpu.memref_squeeze %dma_wait3A_143 : memref<1x16x128xi32, #tpu.memory_space<vmem>> -> memref<16x128xi32, #tpu.memory_space<vmem>>
      %dma_wait3A_145 = arith.constant 0 : i32
      %dma_wait3A_146 = tpu.memref_slice %dma_wait3A_144[%dma_wait3A_140, %dma_wait3A_145] : memref<16x128xi32, #tpu.memory_space<vmem>> -> memref<1x128xi32, #tpu.memory_space<vmem>>
      %dma_wait3A_147 = tpu.memref_squeeze %dma_wait3A_146 : memref<1x128xi32, #tpu.memory_space<vmem>> -> memref<128xi32, #tpu.memory_space<vmem>>
      %dma_wait3A_148 = arith.constant 0 : i32
      %dma_wait3A_149 = arith.constant 0 : i32
      %dma_wait3A_150 = tpu.memref_slice %arg7[%dma_wait3A_148, %dma_wait3A_149] : memref<10240x128xf32, #tpu.memory_space<vmem_shared>> -> memref<10240x128xf32, #tpu.memory_space<vmem_shared>>
      tpu.wait_indirect_dma semaphore(%arg15 : memref<!tpu.dma_semaphore, #tpu.memory_space<semaphore_mem>>) src(%arg11 : memref<128x128xf32, #tpu.memory_space<vmem>>) dst(%dma_wait3A_150 : memref<10240x128xf32, #tpu.memory_space<vmem_shared>>)
      %dma_start3A_151 = arith.constant 3 : i32
      %dma_start3A_152 = arith.constant 0 : i32
      %dma_start3A_153 = arith.constant 0 : i32
      %dma_start3A_154 = tpu.memref_slice %arg8[%rem3A_18, %dma_start3A_152, %dma_start3A_153] : memref<2x16x128xi32, #tpu.memory_space<vmem>> -> memref<1x16x128xi32, #tpu.memory_space<vmem>>
      %dma_start3A_155 = tpu.memref_squeeze %dma_start3A_154 : memref<1x16x128xi32, #tpu.memory_space<vmem>> -> memref<16x128xi32, #tpu.memory_space<vmem>>
      %dma_start3A_156 = arith.constant 0 : i32
      %dma_start3A_157 = tpu.memref_slice %dma_start3A_155[%dma_start3A_151, %dma_start3A_156] : memref<16x128xi32, #tpu.memory_space<vmem>> -> memref<1x128xi32, #tpu.memory_space<vmem>>
      %dma_start3A_158 = tpu.memref_squeeze %dma_start3A_157 : memref<1x128xi32, #tpu.memory_space<vmem>> -> memref<128xi32, #tpu.memory_space<vmem>>
      %dma_start3A_159 = arith.constant 0 : i32
      %dma_start3A_160 = arith.constant 0 : i32
      %dma_start3A_161 = tpu.memref_slice %arg2[%dma_start3A_159, %dma_start3A_160] : memref<20000x128xf32, #tpu.memory_space<hbm>> -> memref<20000x128xf32, #tpu.memory_space<hbm>>
      tpu.enqueue_indirect_dma source(%dma_start3A_161 : memref<20000x128xf32, #tpu.memory_space<hbm>>) target(%arg11 : memref<128x128xf32, #tpu.memory_space<vmem>>) offsets(%dma_start3A_158 : memref<128xi32, #tpu.memory_space<vmem>>) semaphore(%arg13 : memref<!tpu.dma_semaphore, #tpu.memory_space<semaphore_mem>>)
      %dma_wait3A_162 = arith.constant 3 : i32
      %dma_wait3A_163 = arith.constant 0 : i32
      %dma_wait3A_164 = arith.constant 0 : i32
      %dma_wait3A_165 = tpu.memref_slice %arg8[%rem3A_18, %dma_wait3A_163, %dma_wait3A_164] : memref<2x16x128xi32, #tpu.memory_space<vmem>> -> memref<1x16x128xi32, #tpu.memory_space<vmem>>
      %dma_wait3A_166 = tpu.memref_squeeze %dma_wait3A_165 : memref<1x16x128xi32, #tpu.memory_space<vmem>> -> memref<16x128xi32, #tpu.memory_space<vmem>>
      %dma_wait3A_167 = arith.constant 0 : i32
      %dma_wait3A_168 = tpu.memref_slice %dma_wait3A_166[%dma_wait3A_162, %dma_wait3A_167] : memref<16x128xi32, #tpu.memory_space<vmem>> -> memref<1x128xi32, #tpu.memory_space<vmem>>
      %dma_wait3A_169 = tpu.memref_squeeze %dma_wait3A_168 : memref<1x128xi32, #tpu.memory_space<vmem>> -> memref<128xi32, #tpu.memory_space<vmem>>
      %dma_wait3A_170 = arith.constant 0 : i32
      %dma_wait3A_171 = arith.constant 0 : i32
      %dma_wait3A_172 = tpu.memref_slice %arg2[%dma_wait3A_170, %dma_wait3A_171] : memref<20000x128xf32, #tpu.memory_space<hbm>> -> memref<20000x128xf32, #tpu.memory_space<hbm>>
      tpu.wait_indirect_dma semaphore(%arg13 : memref<!tpu.dma_semaphore, #tpu.memory_space<semaphore_mem>>) src(%dma_wait3A_172 : memref<20000x128xf32, #tpu.memory_space<hbm>>) dst(%arg11 : memref<128x128xf32, #tpu.memory_space<vmem>>)
      %dma_start3A_173 = arith.constant 3 : i32
      %dma_start3A_174 = arith.constant 0 : i32
      %dma_start3A_175 = arith.constant 0 : i32
      %dma_start3A_176 = tpu.memref_slice %arg9[%rem3A_18, %dma_start3A_174, %dma_start3A_175] : memref<2x16x128xi32, #tpu.memory_space<vmem>> -> memref<1x16x128xi32, #tpu.memory_space<vmem>>
      %dma_start3A_177 = tpu.memref_squeeze %dma_start3A_176 : memref<1x16x128xi32, #tpu.memory_space<vmem>> -> memref<16x128xi32, #tpu.memory_space<vmem>>
      %dma_start3A_178 = arith.constant 0 : i32
      %dma_start3A_179 = tpu.memref_slice %dma_start3A_177[%dma_start3A_173, %dma_start3A_178] : memref<16x128xi32, #tpu.memory_space<vmem>> -> memref<1x128xi32, #tpu.memory_space<vmem>>
      %dma_start3A_180 = tpu.memref_squeeze %dma_start3A_179 : memref<1x128xi32, #tpu.memory_space<vmem>> -> memref<128xi32, #tpu.memory_space<vmem>>
      %dma_start3A_181 = arith.constant 0 : i32
      %dma_start3A_182 = arith.constant 0 : i32
      %dma_start3A_183 = tpu.memref_slice %arg7[%dma_start3A_181, %dma_start3A_182] : memref<10240x128xf32, #tpu.memory_space<vmem_shared>> -> memref<10240x128xf32, #tpu.memory_space<vmem_shared>>
      tpu.enqueue_indirect_dma source(%arg11 : memref<128x128xf32, #tpu.memory_space<vmem>>) target(%dma_start3A_183 : memref<10240x128xf32, #tpu.memory_space<vmem_shared>>) offsets(%dma_start3A_180 : memref<128xi32, #tpu.memory_space<vmem>>) semaphore(%arg15 : memref<!tpu.dma_semaphore, #tpu.memory_space<semaphore_mem>>) {add = true}
      %dma_wait3A_184 = arith.constant 2 : i32
      %dma_wait3A_185 = arith.constant 0 : i32
      %dma_wait3A_186 = arith.constant 0 : i32
      %dma_wait3A_187 = tpu.memref_slice %arg9[%rem3A_18, %dma_wait3A_185, %dma_wait3A_186] : memref<2x16x128xi32, #tpu.memory_space<vmem>> -> memref<1x16x128xi32, #tpu.memory_space<vmem>>
      %dma_wait3A_188 = tpu.memref_squeeze %dma_wait3A_187 : memref<1x16x128xi32, #tpu.memory_space<vmem>> -> memref<16x128xi32, #tpu.memory_space<vmem>>
      %dma_wait3A_189 = arith.constant 0 : i32
      %dma_wait3A_190 = tpu.memref_slice %dma_wait3A_188[%dma_wait3A_184, %dma_wait3A_189] : memref<16x128xi32, #tpu.memory_space<vmem>> -> memref<1x128xi32, #tpu.memory_space<vmem>>
      %dma_wait3A_191 = tpu.memref_squeeze %dma_wait3A_190 : memref<1x128xi32, #tpu.memory_space<vmem>> -> memref<128xi32, #tpu.memory_space<vmem>>
      %dma_wait3A_192 = arith.constant 0 : i32
      %dma_wait3A_193 = arith.constant 0 : i32
      %dma_wait3A_194 = tpu.memref_slice %arg7[%dma_wait3A_192, %dma_wait3A_193] : memref<10240x128xf32, #tpu.memory_space<vmem_shared>> -> memref<10240x128xf32, #tpu.memory_space<vmem_shared>>
      tpu.wait_indirect_dma semaphore(%arg14 : memref<!tpu.dma_semaphore, #tpu.memory_space<semaphore_mem>>) src(%arg10 : memref<128x128xf32, #tpu.memory_space<vmem>>) dst(%dma_wait3A_194 : memref<10240x128xf32, #tpu.memory_space<vmem_shared>>)
      %dma_start3A_195 = arith.constant 4 : i32
      %dma_start3A_196 = arith.constant 0 : i32
      %dma_start3A_197 = arith.constant 0 : i32
      %dma_start3A_198 = tpu.memref_slice %arg8[%rem3A_18, %dma_start3A_196, %dma_start3A_197] : memref<2x16x128xi32, #tpu.memory_space<vmem>> -> memref<1x16x128xi32, #tpu.memory_space<vmem>>
      %dma_start3A_199 = tpu.memref_squeeze %dma_start3A_198 : memref<1x16x128xi32, #tpu.memory_space<vmem>> -> memref<16x128xi32, #tpu.memory_space<vmem>>
      %dma_start3A_200 = arith.constant 0 : i32
      %dma_start3A_201 = tpu.memref_slice %dma_start3A_199[%dma_start3A_195, %dma_start3A_200] : memref<16x128xi32, #tpu.memory_space<vmem>> -> memref<1x128xi32, #tpu.memory_space<vmem>>
      %dma_start3A_202 = tpu.memref_squeeze %dma_start3A_201 : memref<1x128xi32, #tpu.memory_space<vmem>> -> memref<128xi32, #tpu.memory_space<vmem>>
      %dma_start3A_203 = arith.constant 0 : i32
      %dma_start3A_204 = arith.constant 0 : i32
      %dma_start3A_205 = tpu.memref_slice %arg2[%dma_start3A_203, %dma_start3A_204] : memref<20000x128xf32, #tpu.memory_space<hbm>> -> memref<20000x128xf32, #tpu.memory_space<hbm>>
      tpu.enqueue_indirect_dma source(%dma_start3A_205 : memref<20000x128xf32, #tpu.memory_space<hbm>>) target(%arg10 : memref<128x128xf32, #tpu.memory_space<vmem>>) offsets(%dma_start3A_202 : memref<128xi32, #tpu.memory_space<vmem>>) semaphore(%arg12 : memref<!tpu.dma_semaphore, #tpu.memory_space<semaphore_mem>>)
      %dma_wait3A_206 = arith.constant 4 : i32
      %dma_wait3A_207 = arith.constant 0 : i32
      %dma_wait3A_208 = arith.constant 0 : i32
      %dma_wait3A_209 = tpu.memref_slice %arg8[%rem3A_18, %dma_wait3A_207, %dma_wait3A_208] : memref<2x16x128xi32, #tpu.memory_space<vmem>> -> memref<1x16x128xi32, #tpu.memory_space<vmem>>
      %dma_wait3A_210 = tpu.memref_squeeze %dma_wait3A_209 : memref<1x16x128xi32, #tpu.memory_space<vmem>> -> memref<16x128xi32, #tpu.memory_space<vmem>>
      %dma_wait3A_211 = arith.constant 0 : i32
      %dma_wait3A_212 = tpu.memref_slice %dma_wait3A_210[%dma_wait3A_206, %dma_wait3A_211] : memref<16x128xi32, #tpu.memory_space<vmem>> -> memref<1x128xi32, #tpu.memory_space<vmem>>
      %dma_wait3A_213 = tpu.memref_squeeze %dma_wait3A_212 : memref<1x128xi32, #tpu.memory_space<vmem>> -> memref<128xi32, #tpu.memory_space<vmem>>
      %dma_wait3A_214 = arith.constant 0 : i32
      %dma_wait3A_215 = arith.constant 0 : i32
      %dma_wait3A_216 = tpu.memref_slice %arg2[%dma_wait3A_214, %dma_wait3A_215] : memref<20000x128xf32, #tpu.memory_space<hbm>> -> memref<20000x128xf32, #tpu.memory_space<hbm>>
      tpu.wait_indirect_dma semaphore(%arg12 : memref<!tpu.dma_semaphore, #tpu.memory_space<semaphore_mem>>) src(%dma_wait3A_216 : memref<20000x128xf32, #tpu.memory_space<hbm>>) dst(%arg10 : memref<128x128xf32, #tpu.memory_space<vmem>>)
      %dma_start3A_217 = arith.constant 4 : i32
      %dma_start3A_218 = arith.constant 0 : i32
      %dma_start3A_219 = arith.constant 0 : i32
      %dma_start3A_220 = tpu.memref_slice %arg9[%rem3A_18, %dma_start3A_218, %dma_start3A_219] : memref<2x16x128xi32, #tpu.memory_space<vmem>> -> memref<1x16x128xi32, #tpu.memory_space<vmem>>
      %dma_start3A_221 = tpu.memref_squeeze %dma_start3A_220 : memref<1x16x128xi32, #tpu.memory_space<vmem>> -> memref<16x128xi32, #tpu.memory_space<vmem>>
      %dma_start3A_222 = arith.constant 0 : i32
      %dma_start3A_223 = tpu.memref_slice %dma_start3A_221[%dma_start3A_217, %dma_start3A_222] : memref<16x128xi32, #tpu.memory_space<vmem>> -> memref<1x128xi32, #tpu.memory_space<vmem>>
      %dma_start3A_224 = tpu.memref_squeeze %dma_start3A_223 : memref<1x128xi32, #tpu.memory_space<vmem>> -> memref<128xi32, #tpu.memory_space<vmem>>
      %dma_start3A_225 = arith.constant 0 : i32
      %dma_start3A_226 = arith.constant 0 : i32
      %dma_start3A_227 = tpu.memref_slice %arg7[%dma_start3A_225, %dma_start3A_226] : memref<10240x128xf32, #tpu.memory_space<vmem_shared>> -> memref<10240x128xf32, #tpu.memory_space<vmem_shared>>
      tpu.enqueue_indirect_dma source(%arg10 : memref<128x128xf32, #tpu.memory_space<vmem>>) target(%dma_start3A_227 : memref<10240x128xf32, #tpu.memory_space<vmem_shared>>) offsets(%dma_start3A_224 : memref<128xi32, #tpu.memory_space<vmem>>) semaphore(%arg14 : memref<!tpu.dma_semaphore, #tpu.memory_space<semaphore_mem>>) {add = true}
      %dma_wait3A_228 = arith.constant 3 : i32
      %dma_wait3A_229 = arith.constant 0 : i32
      %dma_wait3A_230 = arith.constant 0 : i32
      %dma_wait3A_231 = tpu.memref_slice %arg9[%rem3A_18, %dma_wait3A_229, %dma_wait3A_230] : memref<2x16x128xi32, #tpu.memory_space<vmem>> -> memref<1x16x128xi32, #tpu.memory_space<vmem>>
      %dma_wait3A_232 = tpu.memref_squeeze %dma_wait3A_231 : memref<1x16x128xi32, #tpu.memory_space<vmem>> -> memref<16x128xi32, #tpu.memory_space<vmem>>
      %dma_wait3A_233 = arith.constant 0 : i32
      %dma_wait3A_234 = tpu.memref_slice %dma_wait3A_232[%dma_wait3A_228, %dma_wait3A_233] : memref<16x128xi32, #tpu.memory_space<vmem>> -> memref<1x128xi32, #tpu.memory_space<vmem>>
      %dma_wait3A_235 = tpu.memref_squeeze %dma_wait3A_234 : memref<1x128xi32, #tpu.memory_space<vmem>> -> memref<128xi32, #tpu.memory_space<vmem>>
      %dma_wait3A_236 = arith.constant 0 : i32
      %dma_wait3A_237 = arith.constant 0 : i32
      %dma_wait3A_238 = tpu.memref_slice %arg7[%dma_wait3A_236, %dma_wait3A_237] : memref<10240x128xf32, #tpu.memory_space<vmem_shared>> -> memref<10240x128xf32, #tpu.memory_space<vmem_shared>>
      tpu.wait_indirect_dma semaphore(%arg15 : memref<!tpu.dma_semaphore, #tpu.memory_space<semaphore_mem>>) src(%arg11 : memref<128x128xf32, #tpu.memory_space<vmem>>) dst(%dma_wait3A_238 : memref<10240x128xf32, #tpu.memory_space<vmem_shared>>)
      %dma_start3A_239 = arith.constant 5 : i32
      %dma_start3A_240 = arith.constant 0 : i32
      %dma_start3A_241 = arith.constant 0 : i32
      %dma_start3A_242 = tpu.memref_slice %arg8[%rem3A_18, %dma_start3A_240, %dma_start3A_241] : memref<2x16x128xi32, #tpu.memory_space<vmem>> -> memref<1x16x128xi32, #tpu.memory_space<vmem>>
      %dma_start3A_243 = tpu.memref_squeeze %dma_start3A_242 : memref<1x16x128xi32, #tpu.memory_space<vmem>> -> memref<16x128xi32, #tpu.memory_space<vmem>>
      %dma_start3A_244 = arith.constant 0 : i32
      %dma_start3A_245 = tpu.memref_slice %dma_start3A_243[%dma_start3A_239, %dma_start3A_244] : memref<16x128xi32, #tpu.memory_space<vmem>> -> memref<1x128xi32, #tpu.memory_space<vmem>>
      %dma_start3A_246 = tpu.memref_squeeze %dma_start3A_245 : memref<1x128xi32, #tpu.memory_space<vmem>> -> memref<128xi32, #tpu.memory_space<vmem>>
      %dma_start3A_247 = arith.constant 0 : i32
      %dma_start3A_248 = arith.constant 0 : i32
      %dma_start3A_249 = tpu.memref_slice %arg2[%dma_start3A_247, %dma_start3A_248] : memref<20000x128xf32, #tpu.memory_space<hbm>> -> memref<20000x128xf32, #tpu.memory_space<hbm>>
      tpu.enqueue_indirect_dma source(%dma_start3A_249 : memref<20000x128xf32, #tpu.memory_space<hbm>>) target(%arg11 : memref<128x128xf32, #tpu.memory_space<vmem>>) offsets(%dma_start3A_246 : memref<128xi32, #tpu.memory_space<vmem>>) semaphore(%arg13 : memref<!tpu.dma_semaphore, #tpu.memory_space<semaphore_mem>>)
      %dma_wait3A_250 = arith.constant 5 : i32
      %dma_wait3A_251 = arith.constant 0 : i32
      %dma_wait3A_252 = arith.constant 0 : i32
      %dma_wait3A_253 = tpu.memref_slice %arg8[%rem3A_18, %dma_wait3A_251, %dma_wait3A_252] : memref<2x16x128xi32, #tpu.memory_space<vmem>> -> memref<1x16x128xi32, #tpu.memory_space<vmem>>
      %dma_wait3A_254 = tpu.memref_squeeze %dma_wait3A_253 : memref<1x16x128xi32, #tpu.memory_space<vmem>> -> memref<16x128xi32, #tpu.memory_space<vmem>>
      %dma_wait3A_255 = arith.constant 0 : i32
      %dma_wait3A_256 = tpu.memref_slice %dma_wait3A_254[%dma_wait3A_250, %dma_wait3A_255] : memref<16x128xi32, #tpu.memory_space<vmem>> -> memref<1x128xi32, #tpu.memory_space<vmem>>
      %dma_wait3A_257 = tpu.memref_squeeze %dma_wait3A_256 : memref<1x128xi32, #tpu.memory_space<vmem>> -> memref<128xi32, #tpu.memory_space<vmem>>
      %dma_wait3A_258 = arith.constant 0 : i32
      %dma_wait3A_259 = arith.constant 0 : i32
      %dma_wait3A_260 = tpu.memref_slice %arg2[%dma_wait3A_258, %dma_wait3A_259] : memref<20000x128xf32, #tpu.memory_space<hbm>> -> memref<20000x128xf32, #tpu.memory_space<hbm>>
      tpu.wait_indirect_dma semaphore(%arg13 : memref<!tpu.dma_semaphore, #tpu.memory_space<semaphore_mem>>) src(%dma_wait3A_260 : memref<20000x128xf32, #tpu.memory_space<hbm>>) dst(%arg11 : memref<128x128xf32, #tpu.memory_space<vmem>>)
      %dma_start3A_261 = arith.constant 5 : i32
      %dma_start3A_262 = arith.constant 0 : i32
      %dma_start3A_263 = arith.constant 0 : i32
      %dma_start3A_264 = tpu.memref_slice %arg9[%rem3A_18, %dma_start3A_262, %dma_start3A_263] : memref<2x16x128xi32, #tpu.memory_space<vmem>> -> memref<1x16x128xi32, #tpu.memory_space<vmem>>
      %dma_start3A_265 = tpu.memref_squeeze %dma_start3A_264 : memref<1x16x128xi32, #tpu.memory_space<vmem>> -> memref<16x128xi32, #tpu.memory_space<vmem>>
      %dma_start3A_266 = arith.constant 0 : i32
      %dma_start3A_267 = tpu.memref_slice %dma_start3A_265[%dma_start3A_261, %dma_start3A_266] : memref<16x128xi32, #tpu.memory_space<vmem>> -> memref<1x128xi32, #tpu.memory_space<vmem>>
      %dma_start3A_268 = tpu.memref_squeeze %dma_start3A_267 : memref<1x128xi32, #tpu.memory_space<vmem>> -> memref<128xi32, #tpu.memory_space<vmem>>
      %dma_start3A_269 = arith.constant 0 : i32
      %dma_start3A_270 = arith.constant 0 : i32
      %dma_start3A_271 = tpu.memref_slice %arg7[%dma_start3A_269, %dma_start3A_270] : memref<10240x128xf32, #tpu.memory_space<vmem_shared>> -> memref<10240x128xf32, #tpu.memory_space<vmem_shared>>
      tpu.enqueue_indirect_dma source(%arg11 : memref<128x128xf32, #tpu.memory_space<vmem>>) target(%dma_start3A_271 : memref<10240x128xf32, #tpu.memory_space<vmem_shared>>) offsets(%dma_start3A_268 : memref<128xi32, #tpu.memory_space<vmem>>) semaphore(%arg15 : memref<!tpu.dma_semaphore, #tpu.memory_space<semaphore_mem>>) {add = true}
      %dma_wait3A_272 = arith.constant 4 : i32
      %dma_wait3A_273 = arith.constant 0 : i32
      %dma_wait3A_274 = arith.constant 0 : i32
      %dma_wait3A_275 = tpu.memref_slice %arg9[%rem3A_18, %dma_wait3A_273, %dma_wait3A_274] : memref<2x16x128xi32, #tpu.memory_space<vmem>> -> memref<1x16x128xi32, #tpu.memory_space<vmem>>
      %dma_wait3A_276 = tpu.memref_squeeze %dma_wait3A_275 : memref<1x16x128xi32, #tpu.memory_space<vmem>> -> memref<16x128xi32, #tpu.memory_space<vmem>>
      %dma_wait3A_277 = arith.constant 0 : i32
      %dma_wait3A_278 = tpu.memref_slice %dma_wait3A_276[%dma_wait3A_272, %dma_wait3A_277] : memref<16x128xi32, #tpu.memory_space<vmem>> -> memref<1x128xi32, #tpu.memory_space<vmem>>
      %dma_wait3A_279 = tpu.memref_squeeze %dma_wait3A_278 : memref<1x128xi32, #tpu.memory_space<vmem>> -> memref<128xi32, #tpu.memory_space<vmem>>
      %dma_wait3A_280 = arith.constant 0 : i32
      %dma_wait3A_281 = arith.constant 0 : i32
      %dma_wait3A_282 = tpu.memref_slice %arg7[%dma_wait3A_280, %dma_wait3A_281] : memref<10240x128xf32, #tpu.memory_space<vmem_shared>> -> memref<10240x128xf32, #tpu.memory_space<vmem_shared>>
      tpu.wait_indirect_dma semaphore(%arg14 : memref<!tpu.dma_semaphore, #tpu.memory_space<semaphore_mem>>) src(%arg10 : memref<128x128xf32, #tpu.memory_space<vmem>>) dst(%dma_wait3A_282 : memref<10240x128xf32, #tpu.memory_space<vmem_shared>>)
      %dma_start3A_283 = arith.constant 6 : i32
      %dma_start3A_284 = arith.constant 0 : i32
      %dma_start3A_285 = arith.constant 0 : i32
      %dma_start3A_286 = tpu.memref_slice %arg8[%rem3A_18, %dma_start3A_284, %dma_start3A_285] : memref<2x16x128xi32, #tpu.memory_space<vmem>> -> memref<1x16x128xi32, #tpu.memory_space<vmem>>
      %dma_start3A_287 = tpu.memref_squeeze %dma_start3A_286 : memref<1x16x128xi32, #tpu.memory_space<vmem>> -> memref<16x128xi32, #tpu.memory_space<vmem>>
      %dma_start3A_288 = arith.constant 0 : i32
      %dma_start3A_289 = tpu.memref_slice %dma_start3A_287[%dma_start3A_283, %dma_start3A_288] : memref<16x128xi32, #tpu.memory_space<vmem>> -> memref<1x128xi32, #tpu.memory_space<vmem>>
      %dma_start3A_290 = tpu.memref_squeeze %dma_start3A_289 : memref<1x128xi32, #tpu.memory_space<vmem>> -> memref<128xi32, #tpu.memory_space<vmem>>
      %dma_start3A_291 = arith.constant 0 : i32
      %dma_start3A_292 = arith.constant 0 : i32
      %dma_start3A_293 = tpu.memref_slice %arg2[%dma_start3A_291, %dma_start3A_292] : memref<20000x128xf32, #tpu.memory_space<hbm>> -> memref<20000x128xf32, #tpu.memory_space<hbm>>
      tpu.enqueue_indirect_dma source(%dma_start3A_293 : memref<20000x128xf32, #tpu.memory_space<hbm>>) target(%arg10 : memref<128x128xf32, #tpu.memory_space<vmem>>) offsets(%dma_start3A_290 : memref<128xi32, #tpu.memory_space<vmem>>) semaphore(%arg12 : memref<!tpu.dma_semaphore, #tpu.memory_space<semaphore_mem>>)
      %dma_wait3A_294 = arith.constant 6 : i32
      %dma_wait3A_295 = arith.constant 0 : i32
      %dma_wait3A_296 = arith.constant 0 : i32
      %dma_wait3A_297 = tpu.memref_slice %arg8[%rem3A_18, %dma_wait3A_295, %dma_wait3A_296] : memref<2x16x128xi32, #tpu.memory_space<vmem>> -> memref<1x16x128xi32, #tpu.memory_space<vmem>>
      %dma_wait3A_298 = tpu.memref_squeeze %dma_wait3A_297 : memref<1x16x128xi32, #tpu.memory_space<vmem>> -> memref<16x128xi32, #tpu.memory_space<vmem>>
      %dma_wait3A_299 = arith.constant 0 : i32
      %dma_wait3A_300 = tpu.memref_slice %dma_wait3A_298[%dma_wait3A_294, %dma_wait3A_299] : memref<16x128xi32, #tpu.memory_space<vmem>> -> memref<1x128xi32, #tpu.memory_space<vmem>>
      %dma_wait3A_301 = tpu.memref_squeeze %dma_wait3A_300 : memref<1x128xi32, #tpu.memory_space<vmem>> -> memref<128xi32, #tpu.memory_space<vmem>>
      %dma_wait3A_302 = arith.constant 0 : i32
      %dma_wait3A_303 = arith.constant 0 : i32
      %dma_wait3A_304 = tpu.memref_slice %arg2[%dma_wait3A_302, %dma_wait3A_303] : memref<20000x128xf32, #tpu.memory_space<hbm>> -> memref<20000x128xf32, #tpu.memory_space<hbm>>
      tpu.wait_indirect_dma semaphore(%arg12 : memref<!tpu.dma_semaphore, #tpu.memory_space<semaphore_mem>>) src(%dma_wait3A_304 : memref<20000x128xf32, #tpu.memory_space<hbm>>) dst(%arg10 : memref<128x128xf32, #tpu.memory_space<vmem>>)
      %dma_start3A_305 = arith.constant 6 : i32
      %dma_start3A_306 = arith.constant 0 : i32
      %dma_start3A_307 = arith.constant 0 : i32
      %dma_start3A_308 = tpu.memref_slice %arg9[%rem3A_18, %dma_start3A_306, %dma_start3A_307] : memref<2x16x128xi32, #tpu.memory_space<vmem>> -> memref<1x16x128xi32, #tpu.memory_space<vmem>>
      %dma_start3A_309 = tpu.memref_squeeze %dma_start3A_308 : memref<1x16x128xi32, #tpu.memory_space<vmem>> -> memref<16x128xi32, #tpu.memory_space<vmem>>
      %dma_start3A_310 = arith.constant 0 : i32
      %dma_start3A_311 = tpu.memref_slice %dma_start3A_309[%dma_start3A_305, %dma_start3A_310] : memref<16x128xi32, #tpu.memory_space<vmem>> -> memref<1x128xi32, #tpu.memory_space<vmem>>
      %dma_start3A_312 = tpu.memref_squeeze %dma_start3A_311 : memref<1x128xi32, #tpu.memory_space<vmem>> -> memref<128xi32, #tpu.memory_space<vmem>>
      %dma_start3A_313 = arith.constant 0 : i32
      %dma_start3A_314 = arith.constant 0 : i32
      %dma_start3A_315 = tpu.memref_slice %arg7[%dma_start3A_313, %dma_start3A_314] : memref<10240x128xf32, #tpu.memory_space<vmem_shared>> -> memref<10240x128xf32, #tpu.memory_space<vmem_shared>>
      tpu.enqueue_indirect_dma source(%arg10 : memref<128x128xf32, #tpu.memory_space<vmem>>) target(%dma_start3A_315 : memref<10240x128xf32, #tpu.memory_space<vmem_shared>>) offsets(%dma_start3A_312 : memref<128xi32, #tpu.memory_space<vmem>>) semaphore(%arg14 : memref<!tpu.dma_semaphore, #tpu.memory_space<semaphore_mem>>) {add = true}
      %dma_wait3A_316 = arith.constant 5 : i32
      %dma_wait3A_317 = arith.constant 0 : i32
      %dma_wait3A_318 = arith.constant 0 : i32
      %dma_wait3A_319 = tpu.memref_slice %arg9[%rem3A_18, %dma_wait3A_317, %dma_wait3A_318] : memref<2x16x128xi32, #tpu.memory_space<vmem>> -> memref<1x16x128xi32, #tpu.memory_space<vmem>>
      %dma_wait3A_320 = tpu.memref_squeeze %dma_wait3A_319 : memref<1x16x128xi32, #tpu.memory_space<vmem>> -> memref<16x128xi32, #tpu.memory_space<vmem>>
      %dma_wait3A_321 = arith.constant 0 : i32
      %dma_wait3A_322 = tpu.memref_slice %dma_wait3A_320[%dma_wait3A_316, %dma_wait3A_321] : memref<16x128xi32, #tpu.memory_space<vmem>> -> memref<1x128xi32, #tpu.memory_space<vmem>>
      %dma_wait3A_323 = tpu.memref_squeeze %dma_wait3A_322 : memref<1x128xi32, #tpu.memory_space<vmem>> -> memref<128xi32, #tpu.memory_space<vmem>>
      %dma_wait3A_324 = arith.constant 0 : i32
      %dma_wait3A_325 = arith.constant 0 : i32
      %dma_wait3A_326 = tpu.memref_slice %arg7[%dma_wait3A_324, %dma_wait3A_325] : memref<10240x128xf32, #tpu.memory_space<vmem_shared>> -> memref<10240x128xf32, #tpu.memory_space<vmem_shared>>
      tpu.wait_indirect_dma semaphore(%arg15 : memref<!tpu.dma_semaphore, #tpu.memory_space<semaphore_mem>>) src(%arg11 : memref<128x128xf32, #tpu.memory_space<vmem>>) dst(%dma_wait3A_326 : memref<10240x128xf32, #tpu.memory_space<vmem_shared>>)
      %dma_start3A_327 = arith.constant 7 : i32
      %dma_start3A_328 = arith.constant 0 : i32
      %dma_start3A_329 = arith.constant 0 : i32
      %dma_start3A_330 = tpu.memref_slice %arg8[%rem3A_18, %dma_start3A_328, %dma_start3A_329] : memref<2x16x128xi32, #tpu.memory_space<vmem>> -> memref<1x16x128xi32, #tpu.memory_space<vmem>>
      %dma_start3A_331 = tpu.memref_squeeze %dma_start3A_330 : memref<1x16x128xi32, #tpu.memory_space<vmem>> -> memref<16x128xi32, #tpu.memory_space<vmem>>
      %dma_start3A_332 = arith.constant 0 : i32
      %dma_start3A_333 = tpu.memref_slice %dma_start3A_331[%dma_start3A_327, %dma_start3A_332] : memref<16x128xi32, #tpu.memory_space<vmem>> -> memref<1x128xi32, #tpu.memory_space<vmem>>
      %dma_start3A_334 = tpu.memref_squeeze %dma_start3A_333 : memref<1x128xi32, #tpu.memory_space<vmem>> -> memref<128xi32, #tpu.memory_space<vmem>>
      %dma_start3A_335 = arith.constant 0 : i32
      %dma_start3A_336 = arith.constant 0 : i32
      %dma_start3A_337 = tpu.memref_slice %arg2[%dma_start3A_335, %dma_start3A_336] : memref<20000x128xf32, #tpu.memory_space<hbm>> -> memref<20000x128xf32, #tpu.memory_space<hbm>>
      tpu.enqueue_indirect_dma source(%dma_start3A_337 : memref<20000x128xf32, #tpu.memory_space<hbm>>) target(%arg11 : memref<128x128xf32, #tpu.memory_space<vmem>>) offsets(%dma_start3A_334 : memref<128xi32, #tpu.memory_space<vmem>>) semaphore(%arg13 : memref<!tpu.dma_semaphore, #tpu.memory_space<semaphore_mem>>)
      %dma_wait3A_338 = arith.constant 7 : i32
      %dma_wait3A_339 = arith.constant 0 : i32
      %dma_wait3A_340 = arith.constant 0 : i32
      %dma_wait3A_341 = tpu.memref_slice %arg8[%rem3A_18, %dma_wait3A_339, %dma_wait3A_340] : memref<2x16x128xi32, #tpu.memory_space<vmem>> -> memref<1x16x128xi32, #tpu.memory_space<vmem>>
      %dma_wait3A_342 = tpu.memref_squeeze %dma_wait3A_341 : memref<1x16x128xi32, #tpu.memory_space<vmem>> -> memref<16x128xi32, #tpu.memory_space<vmem>>
      %dma_wait3A_343 = arith.constant 0 : i32
      %dma_wait3A_344 = tpu.memref_slice %dma_wait3A_342[%dma_wait3A_338, %dma_wait3A_343] : memref<16x128xi32, #tpu.memory_space<vmem>> -> memref<1x128xi32, #tpu.memory_space<vmem>>
      %dma_wait3A_345 = tpu.memref_squeeze %dma_wait3A_344 : memref<1x128xi32, #tpu.memory_space<vmem>> -> memref<128xi32, #tpu.memory_space<vmem>>
      %dma_wait3A_346 = arith.constant 0 : i32
      %dma_wait3A_347 = arith.constant 0 : i32
      %dma_wait3A_348 = tpu.memref_slice %arg2[%dma_wait3A_346, %dma_wait3A_347] : memref<20000x128xf32, #tpu.memory_space<hbm>> -> memref<20000x128xf32, #tpu.memory_space<hbm>>
      tpu.wait_indirect_dma semaphore(%arg13 : memref<!tpu.dma_semaphore, #tpu.memory_space<semaphore_mem>>) src(%dma_wait3A_348 : memref<20000x128xf32, #tpu.memory_space<hbm>>) dst(%arg11 : memref<128x128xf32, #tpu.memory_space<vmem>>)
      %dma_start3A_349 = arith.constant 7 : i32
      %dma_start3A_350 = arith.constant 0 : i32
      %dma_start3A_351 = arith.constant 0 : i32
      %dma_start3A_352 = tpu.memref_slice %arg9[%rem3A_18, %dma_start3A_350, %dma_start3A_351] : memref<2x16x128xi32, #tpu.memory_space<vmem>> -> memref<1x16x128xi32, #tpu.memory_space<vmem>>
      %dma_start3A_353 = tpu.memref_squeeze %dma_start3A_352 : memref<1x16x128xi32, #tpu.memory_space<vmem>> -> memref<16x128xi32, #tpu.memory_space<vmem>>
      %dma_start3A_354 = arith.constant 0 : i32
      %dma_start3A_355 = tpu.memref_slice %dma_start3A_353[%dma_start3A_349, %dma_start3A_354] : memref<16x128xi32, #tpu.memory_space<vmem>> -> memref<1x128xi32, #tpu.memory_space<vmem>>
      %dma_start3A_356 = tpu.memref_squeeze %dma_start3A_355 : memref<1x128xi32, #tpu.memory_space<vmem>> -> memref<128xi32, #tpu.memory_space<vmem>>
      %dma_start3A_357 = arith.constant 0 : i32
      %dma_start3A_358 = arith.constant 0 : i32
      %dma_start3A_359 = tpu.memref_slice %arg7[%dma_start3A_357, %dma_start3A_358] : memref<10240x128xf32, #tpu.memory_space<vmem_shared>> -> memref<10240x128xf32, #tpu.memory_space<vmem_shared>>
      tpu.enqueue_indirect_dma source(%arg11 : memref<128x128xf32, #tpu.memory_space<vmem>>) target(%dma_start3A_359 : memref<10240x128xf32, #tpu.memory_space<vmem_shared>>) offsets(%dma_start3A_356 : memref<128xi32, #tpu.memory_space<vmem>>) semaphore(%arg15 : memref<!tpu.dma_semaphore, #tpu.memory_space<semaphore_mem>>) {add = true}
      %dma_wait3A_360 = arith.constant 6 : i32
      %dma_wait3A_361 = arith.constant 0 : i32
      %dma_wait3A_362 = arith.constant 0 : i32
      %dma_wait3A_363 = tpu.memref_slice %arg9[%rem3A_18, %dma_wait3A_361, %dma_wait3A_362] : memref<2x16x128xi32, #tpu.memory_space<vmem>> -> memref<1x16x128xi32, #tpu.memory_space<vmem>>
      %dma_wait3A_364 = tpu.memref_squeeze %dma_wait3A_363 : memref<1x16x128xi32, #tpu.memory_space<vmem>> -> memref<16x128xi32, #tpu.memory_space<vmem>>
      %dma_wait3A_365 = arith.constant 0 : i32
      %dma_wait3A_366 = tpu.memref_slice %dma_wait3A_364[%dma_wait3A_360, %dma_wait3A_365] : memref<16x128xi32, #tpu.memory_space<vmem>> -> memref<1x128xi32, #tpu.memory_space<vmem>>
      %dma_wait3A_367 = tpu.memref_squeeze %dma_wait3A_366 : memref<1x128xi32, #tpu.memory_space<vmem>> -> memref<128xi32, #tpu.memory_space<vmem>>
      %dma_wait3A_368 = arith.constant 0 : i32
      %dma_wait3A_369 = arith.constant 0 : i32
      %dma_wait3A_370 = tpu.memref_slice %arg7[%dma_wait3A_368, %dma_wait3A_369] : memref<10240x128xf32, #tpu.memory_space<vmem_shared>> -> memref<10240x128xf32, #tpu.memory_space<vmem_shared>>
      tpu.wait_indirect_dma semaphore(%arg14 : memref<!tpu.dma_semaphore, #tpu.memory_space<semaphore_mem>>) src(%arg10 : memref<128x128xf32, #tpu.memory_space<vmem>>) dst(%dma_wait3A_370 : memref<10240x128xf32, #tpu.memory_space<vmem_shared>>)
      %dma_start3A_371 = arith.constant 8 : i32
      %dma_start3A_372 = arith.constant 0 : i32
      %dma_start3A_373 = arith.constant 0 : i32
      %dma_start3A_374 = tpu.memref_slice %arg8[%rem3A_18, %dma_start3A_372, %dma_start3A_373] : memref<2x16x128xi32, #tpu.memory_space<vmem>> -> memref<1x16x128xi32, #tpu.memory_space<vmem>>
      %dma_start3A_375 = tpu.memref_squeeze %dma_start3A_374 : memref<1x16x128xi32, #tpu.memory_space<vmem>> -> memref<16x128xi32, #tpu.memory_space<vmem>>
      %dma_start3A_376 = arith.constant 0 : i32
      %dma_start3A_377 = tpu.memref_slice %dma_start3A_375[%dma_start3A_371, %dma_start3A_376] : memref<16x128xi32, #tpu.memory_space<vmem>> -> memref<1x128xi32, #tpu.memory_space<vmem>>
      %dma_start3A_378 = tpu.memref_squeeze %dma_start3A_377 : memref<1x128xi32, #tpu.memory_space<vmem>> -> memref<128xi32, #tpu.memory_space<vmem>>
      %dma_start3A_379 = arith.constant 0 : i32
      %dma_start3A_380 = arith.constant 0 : i32
      %dma_start3A_381 = tpu.memref_slice %arg2[%dma_start3A_379, %dma_start3A_380] : memref<20000x128xf32, #tpu.memory_space<hbm>> -> memref<20000x128xf32, #tpu.memory_space<hbm>>
      tpu.enqueue_indirect_dma source(%dma_start3A_381 : memref<20000x128xf32, #tpu.memory_space<hbm>>) target(%arg10 : memref<128x128xf32, #tpu.memory_space<vmem>>) offsets(%dma_start3A_378 : memref<128xi32, #tpu.memory_space<vmem>>) semaphore(%arg12 : memref<!tpu.dma_semaphore, #tpu.memory_space<semaphore_mem>>)
      %dma_wait3A_382 = arith.constant 8 : i32
      %dma_wait3A_383 = arith.constant 0 : i32
      %dma_wait3A_384 = arith.constant 0 : i32
      %dma_wait3A_385 = tpu.memref_slice %arg8[%rem3A_18, %dma_wait3A_383, %dma_wait3A_384] : memref<2x16x128xi32, #tpu.memory_space<vmem>> -> memref<1x16x128xi32, #tpu.memory_space<vmem>>
      %dma_wait3A_386 = tpu.memref_squeeze %dma_wait3A_385 : memref<1x16x128xi32, #tpu.memory_space<vmem>> -> memref<16x128xi32, #tpu.memory_space<vmem>>
      %dma_wait3A_387 = arith.constant 0 : i32
      %dma_wait3A_388 = tpu.memref_slice %dma_wait3A_386[%dma_wait3A_382, %dma_wait3A_387] : memref<16x128xi32, #tpu.memory_space<vmem>> -> memref<1x128xi32, #tpu.memory_space<vmem>>
      %dma_wait3A_389 = tpu.memref_squeeze %dma_wait3A_388 : memref<1x128xi32, #tpu.memory_space<vmem>> -> memref<128xi32, #tpu.memory_space<vmem>>
      %dma_wait3A_390 = arith.constant 0 : i32
      %dma_wait3A_391 = arith.constant 0 : i32
      %dma_wait3A_392 = tpu.memref_slice %arg2[%dma_wait3A_390, %dma_wait3A_391] : memref<20000x128xf32, #tpu.memory_space<hbm>> -> memref<20000x128xf32, #tpu.memory_space<hbm>>
      tpu.wait_indirect_dma semaphore(%arg12 : memref<!tpu.dma_semaphore, #tpu.memory_space<semaphore_mem>>) src(%dma_wait3A_392 : memref<20000x128xf32, #tpu.memory_space<hbm>>) dst(%arg10 : memref<128x128xf32, #tpu.memory_space<vmem>>)
      %dma_start3A_393 = arith.constant 8 : i32
      %dma_start3A_394 = arith.constant 0 : i32
      %dma_start3A_395 = arith.constant 0 : i32
      %dma_start3A_396 = tpu.memref_slice %arg9[%rem3A_18, %dma_start3A_394, %dma_start3A_395] : memref<2x16x128xi32, #tpu.memory_space<vmem>> -> memref<1x16x128xi32, #tpu.memory_space<vmem>>
      %dma_start3A_397 = tpu.memref_squeeze %dma_start3A_396 : memref<1x16x128xi32, #tpu.memory_space<vmem>> -> memref<16x128xi32, #tpu.memory_space<vmem>>
      %dma_start3A_398 = arith.constant 0 : i32
      %dma_start3A_399 = tpu.memref_slice %dma_start3A_397[%dma_start3A_393, %dma_start3A_398] : memref<16x128xi32, #tpu.memory_space<vmem>> -> memref<1x128xi32, #tpu.memory_space<vmem>>
      %dma_start3A_400 = tpu.memref_squeeze %dma_start3A_399 : memref<1x128xi32, #tpu.memory_space<vmem>> -> memref<128xi32, #tpu.memory_space<vmem>>
      %dma_start3A_401 = arith.constant 0 : i32
      %dma_start3A_402 = arith.constant 0 : i32
      %dma_start3A_403 = tpu.memref_slice %arg7[%dma_start3A_401, %dma_start3A_402] : memref<10240x128xf32, #tpu.memory_space<vmem_shared>> -> memref<10240x128xf32, #tpu.memory_space<vmem_shared>>
      tpu.enqueue_indirect_dma source(%arg10 : memref<128x128xf32, #tpu.memory_space<vmem>>) target(%dma_start3A_403 : memref<10240x128xf32, #tpu.memory_space<vmem_shared>>) offsets(%dma_start3A_400 : memref<128xi32, #tpu.memory_space<vmem>>) semaphore(%arg14 : memref<!tpu.dma_semaphore, #tpu.memory_space<semaphore_mem>>) {add = true}
      %dma_wait3A_404 = arith.constant 7 : i32
      %dma_wait3A_405 = arith.constant 0 : i32
      %dma_wait3A_406 = arith.constant 0 : i32
      %dma_wait3A_407 = tpu.memref_slice %arg9[%rem3A_18, %dma_wait3A_405, %dma_wait3A_406] : memref<2x16x128xi32, #tpu.memory_space<vmem>> -> memref<1x16x128xi32, #tpu.memory_space<vmem>>
      %dma_wait3A_408 = tpu.memref_squeeze %dma_wait3A_407 : memref<1x16x128xi32, #tpu.memory_space<vmem>> -> memref<16x128xi32, #tpu.memory_space<vmem>>
      %dma_wait3A_409 = arith.constant 0 : i32
      %dma_wait3A_410 = tpu.memref_slice %dma_wait3A_408[%dma_wait3A_404, %dma_wait3A_409] : memref<16x128xi32, #tpu.memory_space<vmem>> -> memref<1x128xi32, #tpu.memory_space<vmem>>
      %dma_wait3A_411 = tpu.memref_squeeze %dma_wait3A_410 : memref<1x128xi32, #tpu.memory_space<vmem>> -> memref<128xi32, #tpu.memory_space<vmem>>
      %dma_wait3A_412 = arith.constant 0 : i32
      %dma_wait3A_413 = arith.constant 0 : i32
      %dma_wait3A_414 = tpu.memref_slice %arg7[%dma_wait3A_412, %dma_wait3A_413] : memref<10240x128xf32, #tpu.memory_space<vmem_shared>> -> memref<10240x128xf32, #tpu.memory_space<vmem_shared>>
      tpu.wait_indirect_dma semaphore(%arg15 : memref<!tpu.dma_semaphore, #tpu.memory_space<semaphore_mem>>) src(%arg11 : memref<128x128xf32, #tpu.memory_space<vmem>>) dst(%dma_wait3A_414 : memref<10240x128xf32, #tpu.memory_space<vmem_shared>>)
      %dma_start3A_415 = arith.constant 9 : i32
      %dma_start3A_416 = arith.constant 0 : i32
      %dma_start3A_417 = arith.constant 0 : i32
      %dma_start3A_418 = tpu.memref_slice %arg8[%rem3A_18, %dma_start3A_416, %dma_start3A_417] : memref<2x16x128xi32, #tpu.memory_space<vmem>> -> memref<1x16x128xi32, #tpu.memory_space<vmem>>
      %dma_start3A_419 = tpu.memref_squeeze %dma_start3A_418 : memref<1x16x128xi32, #tpu.memory_space<vmem>> -> memref<16x128xi32, #tpu.memory_space<vmem>>
      %dma_start3A_420 = arith.constant 0 : i32
      %dma_start3A_421 = tpu.memref_slice %dma_start3A_419[%dma_start3A_415, %dma_start3A_420] : memref<16x128xi32, #tpu.memory_space<vmem>> -> memref<1x128xi32, #tpu.memory_space<vmem>>
      %dma_start3A_422 = tpu.memref_squeeze %dma_start3A_421 : memref<1x128xi32, #tpu.memory_space<vmem>> -> memref<128xi32, #tpu.memory_space<vmem>>
      %dma_start3A_423 = arith.constant 0 : i32
      %dma_start3A_424 = arith.constant 0 : i32
      %dma_start3A_425 = tpu.memref_slice %arg2[%dma_start3A_423, %dma_start3A_424] : memref<20000x128xf32, #tpu.memory_space<hbm>> -> memref<20000x128xf32, #tpu.memory_space<hbm>>
      tpu.enqueue_indirect_dma source(%dma_start3A_425 : memref<20000x128xf32, #tpu.memory_space<hbm>>) target(%arg11 : memref<128x128xf32, #tpu.memory_space<vmem>>) offsets(%dma_start3A_422 : memref<128xi32, #tpu.memory_space<vmem>>) semaphore(%arg13 : memref<!tpu.dma_semaphore, #tpu.memory_space<semaphore_mem>>)
      %dma_wait3A_426 = arith.constant 9 : i32
      %dma_wait3A_427 = arith.constant 0 : i32
      %dma_wait3A_428 = arith.constant 0 : i32
      %dma_wait3A_429 = tpu.memref_slice %arg8[%rem3A_18, %dma_wait3A_427, %dma_wait3A_428] : memref<2x16x128xi32, #tpu.memory_space<vmem>> -> memref<1x16x128xi32, #tpu.memory_space<vmem>>
      %dma_wait3A_430 = tpu.memref_squeeze %dma_wait3A_429 : memref<1x16x128xi32, #tpu.memory_space<vmem>> -> memref<16x128xi32, #tpu.memory_space<vmem>>
      %dma_wait3A_431 = arith.constant 0 : i32
      %dma_wait3A_432 = tpu.memref_slice %dma_wait3A_430[%dma_wait3A_426, %dma_wait3A_431] : memref<16x128xi32, #tpu.memory_space<vmem>> -> memref<1x128xi32, #tpu.memory_space<vmem>>
      %dma_wait3A_433 = tpu.memref_squeeze %dma_wait3A_432 : memref<1x128xi32, #tpu.memory_space<vmem>> -> memref<128xi32, #tpu.memory_space<vmem>>
      %dma_wait3A_434 = arith.constant 0 : i32
      %dma_wait3A_435 = arith.constant 0 : i32
      %dma_wait3A_436 = tpu.memref_slice %arg2[%dma_wait3A_434, %dma_wait3A_435] : memref<20000x128xf32, #tpu.memory_space<hbm>> -> memref<20000x128xf32, #tpu.memory_space<hbm>>
      tpu.wait_indirect_dma semaphore(%arg13 : memref<!tpu.dma_semaphore, #tpu.memory_space<semaphore_mem>>) src(%dma_wait3A_436 : memref<20000x128xf32, #tpu.memory_space<hbm>>) dst(%arg11 : memref<128x128xf32, #tpu.memory_space<vmem>>)
      %dma_start3A_437 = arith.constant 9 : i32
      %dma_start3A_438 = arith.constant 0 : i32
      %dma_start3A_439 = arith.constant 0 : i32
      %dma_start3A_440 = tpu.memref_slice %arg9[%rem3A_18, %dma_start3A_438, %dma_start3A_439] : memref<2x16x128xi32, #tpu.memory_space<vmem>> -> memref<1x16x128xi32, #tpu.memory_space<vmem>>
      %dma_start3A_441 = tpu.memref_squeeze %dma_start3A_440 : memref<1x16x128xi32, #tpu.memory_space<vmem>> -> memref<16x128xi32, #tpu.memory_space<vmem>>
      %dma_start3A_442 = arith.constant 0 : i32
      %dma_start3A_443 = tpu.memref_slice %dma_start3A_441[%dma_start3A_437, %dma_start3A_442] : memref<16x128xi32, #tpu.memory_space<vmem>> -> memref<1x128xi32, #tpu.memory_space<vmem>>
      %dma_start3A_444 = tpu.memref_squeeze %dma_start3A_443 : memref<1x128xi32, #tpu.memory_space<vmem>> -> memref<128xi32, #tpu.memory_space<vmem>>
      %dma_start3A_445 = arith.constant 0 : i32
      %dma_start3A_446 = arith.constant 0 : i32
      %dma_start3A_447 = tpu.memref_slice %arg7[%dma_start3A_445, %dma_start3A_446] : memref<10240x128xf32, #tpu.memory_space<vmem_shared>> -> memref<10240x128xf32, #tpu.memory_space<vmem_shared>>
      tpu.enqueue_indirect_dma source(%arg11 : memref<128x128xf32, #tpu.memory_space<vmem>>) target(%dma_start3A_447 : memref<10240x128xf32, #tpu.memory_space<vmem_shared>>) offsets(%dma_start3A_444 : memref<128xi32, #tpu.memory_space<vmem>>) semaphore(%arg15 : memref<!tpu.dma_semaphore, #tpu.memory_space<semaphore_mem>>) {add = true}
      %dma_wait3A_448 = arith.constant 8 : i32
      %dma_wait3A_449 = arith.constant 0 : i32
      %dma_wait3A_450 = arith.constant 0 : i32
      %dma_wait3A_451 = tpu.memref_slice %arg9[%rem3A_18, %dma_wait3A_449, %dma_wait3A_450] : memref<2x16x128xi32, #tpu.memory_space<vmem>> -> memref<1x16x128xi32, #tpu.memory_space<vmem>>
      %dma_wait3A_452 = tpu.memref_squeeze %dma_wait3A_451 : memref<1x16x128xi32, #tpu.memory_space<vmem>> -> memref<16x128xi32, #tpu.memory_space<vmem>>
      %dma_wait3A_453 = arith.constant 0 : i32
      %dma_wait3A_454 = tpu.memref_slice %dma_wait3A_452[%dma_wait3A_448, %dma_wait3A_453] : memref<16x128xi32, #tpu.memory_space<vmem>> -> memref<1x128xi32, #tpu.memory_space<vmem>>
      %dma_wait3A_455 = tpu.memref_squeeze %dma_wait3A_454 : memref<1x128xi32, #tpu.memory_space<vmem>> -> memref<128xi32, #tpu.memory_space<vmem>>
      %dma_wait3A_456 = arith.constant 0 : i32
      %dma_wait3A_457 = arith.constant 0 : i32
      %dma_wait3A_458 = tpu.memref_slice %arg7[%dma_wait3A_456, %dma_wait3A_457] : memref<10240x128xf32, #tpu.memory_space<vmem_shared>> -> memref<10240x128xf32, #tpu.memory_space<vmem_shared>>
      tpu.wait_indirect_dma semaphore(%arg14 : memref<!tpu.dma_semaphore, #tpu.memory_space<semaphore_mem>>) src(%arg10 : memref<128x128xf32, #tpu.memory_space<vmem>>) dst(%dma_wait3A_458 : memref<10240x128xf32, #tpu.memory_space<vmem_shared>>)
      %dma_start3A_459 = arith.constant 10 : i32
      %dma_start3A_460 = arith.constant 0 : i32
      %dma_start3A_461 = arith.constant 0 : i32
      %dma_start3A_462 = tpu.memref_slice %arg8[%rem3A_18, %dma_start3A_460, %dma_start3A_461] : memref<2x16x128xi32, #tpu.memory_space<vmem>> -> memref<1x16x128xi32, #tpu.memory_space<vmem>>
      %dma_start3A_463 = tpu.memref_squeeze %dma_start3A_462 : memref<1x16x128xi32, #tpu.memory_space<vmem>> -> memref<16x128xi32, #tpu.memory_space<vmem>>
      %dma_start3A_464 = arith.constant 0 : i32
      %dma_start3A_465 = tpu.memref_slice %dma_start3A_463[%dma_start3A_459, %dma_start3A_464] : memref<16x128xi32, #tpu.memory_space<vmem>> -> memref<1x128xi32, #tpu.memory_space<vmem>>
      %dma_start3A_466 = tpu.memref_squeeze %dma_start3A_465 : memref<1x128xi32, #tpu.memory_space<vmem>> -> memref<128xi32, #tpu.memory_space<vmem>>
      %dma_start3A_467 = arith.constant 0 : i32
      %dma_start3A_468 = arith.constant 0 : i32
      %dma_start3A_469 = tpu.memref_slice %arg2[%dma_start3A_467, %dma_start3A_468] : memref<20000x128xf32, #tpu.memory_space<hbm>> -> memref<20000x128xf32, #tpu.memory_space<hbm>>
      tpu.enqueue_indirect_dma source(%dma_start3A_469 : memref<20000x128xf32, #tpu.memory_space<hbm>>) target(%arg10 : memref<128x128xf32, #tpu.memory_space<vmem>>) offsets(%dma_start3A_466 : memref<128xi32, #tpu.memory_space<vmem>>) semaphore(%arg12 : memref<!tpu.dma_semaphore, #tpu.memory_space<semaphore_mem>>)
      %dma_wait3A_470 = arith.constant 10 : i32
      %dma_wait3A_471 = arith.constant 0 : i32
      %dma_wait3A_472 = arith.constant 0 : i32
      %dma_wait3A_473 = tpu.memref_slice %arg8[%rem3A_18, %dma_wait3A_471, %dma_wait3A_472] : memref<2x16x128xi32, #tpu.memory_space<vmem>> -> memref<1x16x128xi32, #tpu.memory_space<vmem>>
      %dma_wait3A_474 = tpu.memref_squeeze %dma_wait3A_473 : memref<1x16x128xi32, #tpu.memory_space<vmem>> -> memref<16x128xi32, #tpu.memory_space<vmem>>
      %dma_wait3A_475 = arith.constant 0 : i32
      %dma_wait3A_476 = tpu.memref_slice %dma_wait3A_474[%dma_wait3A_470, %dma_wait3A_475] : memref<16x128xi32, #tpu.memory_space<vmem>> -> memref<1x128xi32, #tpu.memory_space<vmem>>
      %dma_wait3A_477 = tpu.memref_squeeze %dma_wait3A_476 : memref<1x128xi32, #tpu.memory_space<vmem>> -> memref<128xi32, #tpu.memory_space<vmem>>
      %dma_wait3A_478 = arith.constant 0 : i32
      %dma_wait3A_479 = arith.constant 0 : i32
      %dma_wait3A_480 = tpu.memref_slice %arg2[%dma_wait3A_478, %dma_wait3A_479] : memref<20000x128xf32, #tpu.memory_space<hbm>> -> memref<20000x128xf32, #tpu.memory_space<hbm>>
      tpu.wait_indirect_dma semaphore(%arg12 : memref<!tpu.dma_semaphore, #tpu.memory_space<semaphore_mem>>) src(%dma_wait3A_480 : memref<20000x128xf32, #tpu.memory_space<hbm>>) dst(%arg10 : memref<128x128xf32, #tpu.memory_space<vmem>>)
      %dma_start3A_481 = arith.constant 10 : i32
      %dma_start3A_482 = arith.constant 0 : i32
      %dma_start3A_483 = arith.constant 0 : i32
      %dma_start3A_484 = tpu.memref_slice %arg9[%rem3A_18, %dma_start3A_482, %dma_start3A_483] : memref<2x16x128xi32, #tpu.memory_space<vmem>> -> memref<1x16x128xi32, #tpu.memory_space<vmem>>
      %dma_start3A_485 = tpu.memref_squeeze %dma_start3A_484 : memref<1x16x128xi32, #tpu.memory_space<vmem>> -> memref<16x128xi32, #tpu.memory_space<vmem>>
      %dma_start3A_486 = arith.constant 0 : i32
      %dma_start3A_487 = tpu.memref_slice %dma_start3A_485[%dma_start3A_481, %dma_start3A_486] : memref<16x128xi32, #tpu.memory_space<vmem>> -> memref<1x128xi32, #tpu.memory_space<vmem>>
      %dma_start3A_488 = tpu.memref_squeeze %dma_start3A_487 : memref<1x128xi32, #tpu.memory_space<vmem>> -> memref<128xi32, #tpu.memory_space<vmem>>
      %dma_start3A_489 = arith.constant 0 : i32
      %dma_start3A_490 = arith.constant 0 : i32
      %dma_start3A_491 = tpu.memref_slice %arg7[%dma_start3A_489, %dma_start3A_490] : memref<10240x128xf32, #tpu.memory_space<vmem_shared>> -> memref<10240x128xf32, #tpu.memory_space<vmem_shared>>
      tpu.enqueue_indirect_dma source(%arg10 : memref<128x128xf32, #tpu.memory_space<vmem>>) target(%dma_start3A_491 : memref<10240x128xf32, #tpu.memory_space<vmem_shared>>) offsets(%dma_start3A_488 : memref<128xi32, #tpu.memory_space<vmem>>) semaphore(%arg14 : memref<!tpu.dma_semaphore, #tpu.memory_space<semaphore_mem>>) {add = true}
      %dma_wait3A_492 = arith.constant 9 : i32
      %dma_wait3A_493 = arith.constant 0 : i32
      %dma_wait3A_494 = arith.constant 0 : i32
      %dma_wait3A_495 = tpu.memref_slice %arg9[%rem3A_18, %dma_wait3A_493, %dma_wait3A_494] : memref<2x16x128xi32, #tpu.memory_space<vmem>> -> memref<1x16x128xi32, #tpu.memory_space<vmem>>
      %dma_wait3A_496 = tpu.memref_squeeze %dma_wait3A_495 : memref<1x16x128xi32, #tpu.memory_space<vmem>> -> memref<16x128xi32, #tpu.memory_space<vmem>>
      %dma_wait3A_497 = arith.constant 0 : i32
      %dma_wait3A_498 = tpu.memref_slice %dma_wait3A_496[%dma_wait3A_492, %dma_wait3A_497] : memref<16x128xi32, #tpu.memory_space<vmem>> -> memref<1x128xi32, #tpu.memory_space<vmem>>
      %dma_wait3A_499 = tpu.memref_squeeze %dma_wait3A_498 : memref<1x128xi32, #tpu.memory_space<vmem>> -> memref<128xi32, #tpu.memory_space<vmem>>
      %dma_wait3A_500 = arith.constant 0 : i32
      %dma_wait3A_501 = arith.constant 0 : i32
      %dma_wait3A_502 = tpu.memref_slice %arg7[%dma_wait3A_500, %dma_wait3A_501] : memref<10240x128xf32, #tpu.memory_space<vmem_shared>> -> memref<10240x128xf32, #tpu.memory_space<vmem_shared>>
      tpu.wait_indirect_dma semaphore(%arg15 : memref<!tpu.dma_semaphore, #tpu.memory_space<semaphore_mem>>) src(%arg11 : memref<128x128xf32, #tpu.memory_space<vmem>>) dst(%dma_wait3A_502 : memref<10240x128xf32, #tpu.memory_space<vmem_shared>>)
      %dma_start3A_503 = arith.constant 11 : i32
      %dma_start3A_504 = arith.constant 0 : i32
      %dma_start3A_505 = arith.constant 0 : i32
      %dma_start3A_506 = tpu.memref_slice %arg8[%rem3A_18, %dma_start3A_504, %dma_start3A_505] : memref<2x16x128xi32, #tpu.memory_space<vmem>> -> memref<1x16x128xi32, #tpu.memory_space<vmem>>
      %dma_start3A_507 = tpu.memref_squeeze %dma_start3A_506 : memref<1x16x128xi32, #tpu.memory_space<vmem>> -> memref<16x128xi32, #tpu.memory_space<vmem>>
      %dma_start3A_508 = arith.constant 0 : i32
      %dma_start3A_509 = tpu.memref_slice %dma_start3A_507[%dma_start3A_503, %dma_start3A_508] : memref<16x128xi32, #tpu.memory_space<vmem>> -> memref<1x128xi32, #tpu.memory_space<vmem>>
      %dma_start3A_510 = tpu.memref_squeeze %dma_start3A_509 : memref<1x128xi32, #tpu.memory_space<vmem>> -> memref<128xi32, #tpu.memory_space<vmem>>
      %dma_start3A_511 = arith.constant 0 : i32
      %dma_start3A_512 = arith.constant 0 : i32
      %dma_start3A_513 = tpu.memref_slice %arg2[%dma_start3A_511, %dma_start3A_512] : memref<20000x128xf32, #tpu.memory_space<hbm>> -> memref<20000x128xf32, #tpu.memory_space<hbm>>
      tpu.enqueue_indirect_dma source(%dma_start3A_513 : memref<20000x128xf32, #tpu.memory_space<hbm>>) target(%arg11 : memref<128x128xf32, #tpu.memory_space<vmem>>) offsets(%dma_start3A_510 : memref<128xi32, #tpu.memory_space<vmem>>) semaphore(%arg13 : memref<!tpu.dma_semaphore, #tpu.memory_space<semaphore_mem>>)
      %dma_wait3A_514 = arith.constant 11 : i32
      %dma_wait3A_515 = arith.constant 0 : i32
      %dma_wait3A_516 = arith.constant 0 : i32
      %dma_wait3A_517 = tpu.memref_slice %arg8[%rem3A_18, %dma_wait3A_515, %dma_wait3A_516] : memref<2x16x128xi32, #tpu.memory_space<vmem>> -> memref<1x16x128xi32, #tpu.memory_space<vmem>>
      %dma_wait3A_518 = tpu.memref_squeeze %dma_wait3A_517 : memref<1x16x128xi32, #tpu.memory_space<vmem>> -> memref<16x128xi32, #tpu.memory_space<vmem>>
      %dma_wait3A_519 = arith.constant 0 : i32
      %dma_wait3A_520 = tpu.memref_slice %dma_wait3A_518[%dma_wait3A_514, %dma_wait3A_519] : memref<16x128xi32, #tpu.memory_space<vmem>> -> memref<1x128xi32, #tpu.memory_space<vmem>>
      %dma_wait3A_521 = tpu.memref_squeeze %dma_wait3A_520 : memref<1x128xi32, #tpu.memory_space<vmem>> -> memref<128xi32, #tpu.memory_space<vmem>>
      %dma_wait3A_522 = arith.constant 0 : i32
      %dma_wait3A_523 = arith.constant 0 : i32
      %dma_wait3A_524 = tpu.memref_slice %arg2[%dma_wait3A_522, %dma_wait3A_523] : memref<20000x128xf32, #tpu.memory_space<hbm>> -> memref<20000x128xf32, #tpu.memory_space<hbm>>
      tpu.wait_indirect_dma semaphore(%arg13 : memref<!tpu.dma_semaphore, #tpu.memory_space<semaphore_mem>>) src(%dma_wait3A_524 : memref<20000x128xf32, #tpu.memory_space<hbm>>) dst(%arg11 : memref<128x128xf32, #tpu.memory_space<vmem>>)
      %dma_start3A_525 = arith.constant 11 : i32
      %dma_start3A_526 = arith.constant 0 : i32
      %dma_start3A_527 = arith.constant 0 : i32
      %dma_start3A_528 = tpu.memref_slice %arg9[%rem3A_18, %dma_start3A_526, %dma_start3A_527] : memref<2x16x128xi32, #tpu.memory_space<vmem>> -> memref<1x16x128xi32, #tpu.memory_space<vmem>>
      %dma_start3A_529 = tpu.memref_squeeze %dma_start3A_528 : memref<1x16x128xi32, #tpu.memory_space<vmem>> -> memref<16x128xi32, #tpu.memory_space<vmem>>
      %dma_start3A_530 = arith.constant 0 : i32
      %dma_start3A_531 = tpu.memref_slice %dma_start3A_529[%dma_start3A_525, %dma_start3A_530] : memref<16x128xi32, #tpu.memory_space<vmem>> -> memref<1x128xi32, #tpu.memory_space<vmem>>
      %dma_start3A_532 = tpu.memref_squeeze %dma_start3A_531 : memref<1x128xi32, #tpu.memory_space<vmem>> -> memref<128xi32, #tpu.memory_space<vmem>>
      %dma_start3A_533 = arith.constant 0 : i32
      %dma_start3A_534 = arith.constant 0 : i32
      %dma_start3A_535 = tpu.memref_slice %arg7[%dma_start3A_533, %dma_start3A_534] : memref<10240x128xf32, #tpu.memory_space<vmem_shared>> -> memref<10240x128xf32, #tpu.memory_space<vmem_shared>>
      tpu.enqueue_indirect_dma source(%arg11 : memref<128x128xf32, #tpu.memory_space<vmem>>) target(%dma_start3A_535 : memref<10240x128xf32, #tpu.memory_space<vmem_shared>>) offsets(%dma_start3A_532 : memref<128xi32, #tpu.memory_space<vmem>>) semaphore(%arg15 : memref<!tpu.dma_semaphore, #tpu.memory_space<semaphore_mem>>) {add = true}
      %dma_wait3A_536 = arith.constant 10 : i32
      %dma_wait3A_537 = arith.constant 0 : i32
      %dma_wait3A_538 = arith.constant 0 : i32
      %dma_wait3A_539 = tpu.memref_slice %arg9[%rem3A_18, %dma_wait3A_537, %dma_wait3A_538] : memref<2x16x128xi32, #tpu.memory_space<vmem>> -> memref<1x16x128xi32, #tpu.memory_space<vmem>>
      %dma_wait3A_540 = tpu.memref_squeeze %dma_wait3A_539 : memref<1x16x128xi32, #tpu.memory_space<vmem>> -> memref<16x128xi32, #tpu.memory_space<vmem>>
      %dma_wait3A_541 = arith.constant 0 : i32
      %dma_wait3A_542 = tpu.memref_slice %dma_wait3A_540[%dma_wait3A_536, %dma_wait3A_541] : memref<16x128xi32, #tpu.memory_space<vmem>> -> memref<1x128xi32, #tpu.memory_space<vmem>>
      %dma_wait3A_543 = tpu.memref_squeeze %dma_wait3A_542 : memref<1x128xi32, #tpu.memory_space<vmem>> -> memref<128xi32, #tpu.memory_space<vmem>>
      %dma_wait3A_544 = arith.constant 0 : i32
      %dma_wait3A_545 = arith.constant 0 : i32
      %dma_wait3A_546 = tpu.memref_slice %arg7[%dma_wait3A_544, %dma_wait3A_545] : memref<10240x128xf32, #tpu.memory_space<vmem_shared>> -> memref<10240x128xf32, #tpu.memory_space<vmem_shared>>
      tpu.wait_indirect_dma semaphore(%arg14 : memref<!tpu.dma_semaphore, #tpu.memory_space<semaphore_mem>>) src(%arg10 : memref<128x128xf32, #tpu.memory_space<vmem>>) dst(%dma_wait3A_546 : memref<10240x128xf32, #tpu.memory_space<vmem_shared>>)
      %dma_start3A_547 = arith.constant 12 : i32
      %dma_start3A_548 = arith.constant 0 : i32
      %dma_start3A_549 = arith.constant 0 : i32
      %dma_start3A_550 = tpu.memref_slice %arg8[%rem3A_18, %dma_start3A_548, %dma_start3A_549] : memref<2x16x128xi32, #tpu.memory_space<vmem>> -> memref<1x16x128xi32, #tpu.memory_space<vmem>>
      %dma_start3A_551 = tpu.memref_squeeze %dma_start3A_550 : memref<1x16x128xi32, #tpu.memory_space<vmem>> -> memref<16x128xi32, #tpu.memory_space<vmem>>
      %dma_start3A_552 = arith.constant 0 : i32
      %dma_start3A_553 = tpu.memref_slice %dma_start3A_551[%dma_start3A_547, %dma_start3A_552] : memref<16x128xi32, #tpu.memory_space<vmem>> -> memref<1x128xi32, #tpu.memory_space<vmem>>
      %dma_start3A_554 = tpu.memref_squeeze %dma_start3A_553 : memref<1x128xi32, #tpu.memory_space<vmem>> -> memref<128xi32, #tpu.memory_space<vmem>>
      %dma_start3A_555 = arith.constant 0 : i32
      %dma_start3A_556 = arith.constant 0 : i32
      %dma_start3A_557 = tpu.memref_slice %arg2[%dma_start3A_555, %dma_start3A_556] : memref<20000x128xf32, #tpu.memory_space<hbm>> -> memref<20000x128xf32, #tpu.memory_space<hbm>>
      tpu.enqueue_indirect_dma source(%dma_start3A_557 : memref<20000x128xf32, #tpu.memory_space<hbm>>) target(%arg10 : memref<128x128xf32, #tpu.memory_space<vmem>>) offsets(%dma_start3A_554 : memref<128xi32, #tpu.memory_space<vmem>>) semaphore(%arg12 : memref<!tpu.dma_semaphore, #tpu.memory_space<semaphore_mem>>)
      %dma_wait3A_558 = arith.constant 12 : i32
      %dma_wait3A_559 = arith.constant 0 : i32
      %dma_wait3A_560 = arith.constant 0 : i32
      %dma_wait3A_561 = tpu.memref_slice %arg8[%rem3A_18, %dma_wait3A_559, %dma_wait3A_560] : memref<2x16x128xi32, #tpu.memory_space<vmem>> -> memref<1x16x128xi32, #tpu.memory_space<vmem>>
      %dma_wait3A_562 = tpu.memref_squeeze %dma_wait3A_561 : memref<1x16x128xi32, #tpu.memory_space<vmem>> -> memref<16x128xi32, #tpu.memory_space<vmem>>
      %dma_wait3A_563 = arith.constant 0 : i32
      %dma_wait3A_564 = tpu.memref_slice %dma_wait3A_562[%dma_wait3A_558, %dma_wait3A_563] : memref<16x128xi32, #tpu.memory_space<vmem>> -> memref<1x128xi32, #tpu.memory_space<vmem>>
      %dma_wait3A_565 = tpu.memref_squeeze %dma_wait3A_564 : memref<1x128xi32, #tpu.memory_space<vmem>> -> memref<128xi32, #tpu.memory_space<vmem>>
      %dma_wait3A_566 = arith.constant 0 : i32
      %dma_wait3A_567 = arith.constant 0 : i32
      %dma_wait3A_568 = tpu.memref_slice %arg2[%dma_wait3A_566, %dma_wait3A_567] : memref<20000x128xf32, #tpu.memory_space<hbm>> -> memref<20000x128xf32, #tpu.memory_space<hbm>>
      tpu.wait_indirect_dma semaphore(%arg12 : memref<!tpu.dma_semaphore, #tpu.memory_space<semaphore_mem>>) src(%dma_wait3A_568 : memref<20000x128xf32, #tpu.memory_space<hbm>>) dst(%arg10 : memref<128x128xf32, #tpu.memory_space<vmem>>)
      %dma_start3A_569 = arith.constant 12 : i32
      %dma_start3A_570 = arith.constant 0 : i32
      %dma_start3A_571 = arith.constant 0 : i32
      %dma_start3A_572 = tpu.memref_slice %arg9[%rem3A_18, %dma_start3A_570, %dma_start3A_571] : memref<2x16x128xi32, #tpu.memory_space<vmem>> -> memref<1x16x128xi32, #tpu.memory_space<vmem>>
      %dma_start3A_573 = tpu.memref_squeeze %dma_start3A_572 : memref<1x16x128xi32, #tpu.memory_space<vmem>> -> memref<16x128xi32, #tpu.memory_space<vmem>>
      %dma_start3A_574 = arith.constant 0 : i32
      %dma_start3A_575 = tpu.memref_slice %dma_start3A_573[%dma_start3A_569, %dma_start3A_574] : memref<16x128xi32, #tpu.memory_space<vmem>> -> memref<1x128xi32, #tpu.memory_space<vmem>>
      %dma_start3A_576 = tpu.memref_squeeze %dma_start3A_575 : memref<1x128xi32, #tpu.memory_space<vmem>> -> memref<128xi32, #tpu.memory_space<vmem>>
      %dma_start3A_577 = arith.constant 0 : i32
      %dma_start3A_578 = arith.constant 0 : i32
      %dma_start3A_579 = tpu.memref_slice %arg7[%dma_start3A_577, %dma_start3A_578] : memref<10240x128xf32, #tpu.memory_space<vmem_shared>> -> memref<10240x128xf32, #tpu.memory_space<vmem_shared>>
      tpu.enqueue_indirect_dma source(%arg10 : memref<128x128xf32, #tpu.memory_space<vmem>>) target(%dma_start3A_579 : memref<10240x128xf32, #tpu.memory_space<vmem_shared>>) offsets(%dma_start3A_576 : memref<128xi32, #tpu.memory_space<vmem>>) semaphore(%arg14 : memref<!tpu.dma_semaphore, #tpu.memory_space<semaphore_mem>>) {add = true}
      %dma_wait3A_580 = arith.constant 11 : i32
      %dma_wait3A_581 = arith.constant 0 : i32
      %dma_wait3A_582 = arith.constant 0 : i32
      %dma_wait3A_583 = tpu.memref_slice %arg9[%rem3A_18, %dma_wait3A_581, %dma_wait3A_582] : memref<2x16x128xi32, #tpu.memory_space<vmem>> -> memref<1x16x128xi32, #tpu.memory_space<vmem>>
      %dma_wait3A_584 = tpu.memref_squeeze %dma_wait3A_583 : memref<1x16x128xi32, #tpu.memory_space<vmem>> -> memref<16x128xi32, #tpu.memory_space<vmem>>
      %dma_wait3A_585 = arith.constant 0 : i32
      %dma_wait3A_586 = tpu.memref_slice %dma_wait3A_584[%dma_wait3A_580, %dma_wait3A_585] : memref<16x128xi32, #tpu.memory_space<vmem>> -> memref<1x128xi32, #tpu.memory_space<vmem>>
      %dma_wait3A_587 = tpu.memref_squeeze %dma_wait3A_586 : memref<1x128xi32, #tpu.memory_space<vmem>> -> memref<128xi32, #tpu.memory_space<vmem>>
      %dma_wait3A_588 = arith.constant 0 : i32
      %dma_wait3A_589 = arith.constant 0 : i32
      %dma_wait3A_590 = tpu.memref_slice %arg7[%dma_wait3A_588, %dma_wait3A_589] : memref<10240x128xf32, #tpu.memory_space<vmem_shared>> -> memref<10240x128xf32, #tpu.memory_space<vmem_shared>>
      tpu.wait_indirect_dma semaphore(%arg15 : memref<!tpu.dma_semaphore, #tpu.memory_space<semaphore_mem>>) src(%arg11 : memref<128x128xf32, #tpu.memory_space<vmem>>) dst(%dma_wait3A_590 : memref<10240x128xf32, #tpu.memory_space<vmem_shared>>)
      %dma_start3A_591 = arith.constant 13 : i32
      %dma_start3A_592 = arith.constant 0 : i32
      %dma_start3A_593 = arith.constant 0 : i32
      %dma_start3A_594 = tpu.memref_slice %arg8[%rem3A_18, %dma_start3A_592, %dma_start3A_593] : memref<2x16x128xi32, #tpu.memory_space<vmem>> -> memref<1x16x128xi32, #tpu.memory_space<vmem>>
      %dma_start3A_595 = tpu.memref_squeeze %dma_start3A_594 : memref<1x16x128xi32, #tpu.memory_space<vmem>> -> memref<16x128xi32, #tpu.memory_space<vmem>>
      %dma_start3A_596 = arith.constant 0 : i32
      %dma_start3A_597 = tpu.memref_slice %dma_start3A_595[%dma_start3A_591, %dma_start3A_596] : memref<16x128xi32, #tpu.memory_space<vmem>> -> memref<1x128xi32, #tpu.memory_space<vmem>>
      %dma_start3A_598 = tpu.memref_squeeze %dma_start3A_597 : memref<1x128xi32, #tpu.memory_space<vmem>> -> memref<128xi32, #tpu.memory_space<vmem>>
      %dma_start3A_599 = arith.constant 0 : i32
      %dma_start3A_600 = arith.constant 0 : i32
      %dma_start3A_601 = tpu.memref_slice %arg2[%dma_start3A_599, %dma_start3A_600] : memref<20000x128xf32, #tpu.memory_space<hbm>> -> memref<20000x128xf32, #tpu.memory_space<hbm>>
      tpu.enqueue_indirect_dma source(%dma_start3A_601 : memref<20000x128xf32, #tpu.memory_space<hbm>>) target(%arg11 : memref<128x128xf32, #tpu.memory_space<vmem>>) offsets(%dma_start3A_598 : memref<128xi32, #tpu.memory_space<vmem>>) semaphore(%arg13 : memref<!tpu.dma_semaphore, #tpu.memory_space<semaphore_mem>>)
      %dma_wait3A_602 = arith.constant 13 : i32
      %dma_wait3A_603 = arith.constant 0 : i32
      %dma_wait3A_604 = arith.constant 0 : i32
      %dma_wait3A_605 = tpu.memref_slice %arg8[%rem3A_18, %dma_wait3A_603, %dma_wait3A_604] : memref<2x16x128xi32, #tpu.memory_space<vmem>> -> memref<1x16x128xi32, #tpu.memory_space<vmem>>
      %dma_wait3A_606 = tpu.memref_squeeze %dma_wait3A_605 : memref<1x16x128xi32, #tpu.memory_space<vmem>> -> memref<16x128xi32, #tpu.memory_space<vmem>>
      %dma_wait3A_607 = arith.constant 0 : i32
      %dma_wait3A_608 = tpu.memref_slice %dma_wait3A_606[%dma_wait3A_602, %dma_wait3A_607] : memref<16x128xi32, #tpu.memory_space<vmem>> -> memref<1x128xi32, #tpu.memory_space<vmem>>
      %dma_wait3A_609 = tpu.memref_squeeze %dma_wait3A_608 : memref<1x128xi32, #tpu.memory_space<vmem>> -> memref<128xi32, #tpu.memory_space<vmem>>
      %dma_wait3A_610 = arith.constant 0 : i32
      %dma_wait3A_611 = arith.constant 0 : i32
      %dma_wait3A_612 = tpu.memref_slice %arg2[%dma_wait3A_610, %dma_wait3A_611] : memref<20000x128xf32, #tpu.memory_space<hbm>> -> memref<20000x128xf32, #tpu.memory_space<hbm>>
      tpu.wait_indirect_dma semaphore(%arg13 : memref<!tpu.dma_semaphore, #tpu.memory_space<semaphore_mem>>) src(%dma_wait3A_612 : memref<20000x128xf32, #tpu.memory_space<hbm>>) dst(%arg11 : memref<128x128xf32, #tpu.memory_space<vmem>>)
      %dma_start3A_613 = arith.constant 13 : i32
      %dma_start3A_614 = arith.constant 0 : i32
      %dma_start3A_615 = arith.constant 0 : i32
      %dma_start3A_616 = tpu.memref_slice %arg9[%rem3A_18, %dma_start3A_614, %dma_start3A_615] : memref<2x16x128xi32, #tpu.memory_space<vmem>> -> memref<1x16x128xi32, #tpu.memory_space<vmem>>
      %dma_start3A_617 = tpu.memref_squeeze %dma_start3A_616 : memref<1x16x128xi32, #tpu.memory_space<vmem>> -> memref<16x128xi32, #tpu.memory_space<vmem>>
      %dma_start3A_618 = arith.constant 0 : i32
      %dma_start3A_619 = tpu.memref_slice %dma_start3A_617[%dma_start3A_613, %dma_start3A_618] : memref<16x128xi32, #tpu.memory_space<vmem>> -> memref<1x128xi32, #tpu.memory_space<vmem>>
      %dma_start3A_620 = tpu.memref_squeeze %dma_start3A_619 : memref<1x128xi32, #tpu.memory_space<vmem>> -> memref<128xi32, #tpu.memory_space<vmem>>
      %dma_start3A_621 = arith.constant 0 : i32
      %dma_start3A_622 = arith.constant 0 : i32
      %dma_start3A_623 = tpu.memref_slice %arg7[%dma_start3A_621, %dma_start3A_622] : memref<10240x128xf32, #tpu.memory_space<vmem_shared>> -> memref<10240x128xf32, #tpu.memory_space<vmem_shared>>
      tpu.enqueue_indirect_dma source(%arg11 : memref<128x128xf32, #tpu.memory_space<vmem>>) target(%dma_start3A_623 : memref<10240x128xf32, #tpu.memory_space<vmem_shared>>) offsets(%dma_start3A_620 : memref<128xi32, #tpu.memory_space<vmem>>) semaphore(%arg15 : memref<!tpu.dma_semaphore, #tpu.memory_space<semaphore_mem>>) {add = true}
      %dma_wait3A_624 = arith.constant 12 : i32
      %dma_wait3A_625 = arith.constant 0 : i32
      %dma_wait3A_626 = arith.constant 0 : i32
      %dma_wait3A_627 = tpu.memref_slice %arg9[%rem3A_18, %dma_wait3A_625, %dma_wait3A_626] : memref<2x16x128xi32, #tpu.memory_space<vmem>> -> memref<1x16x128xi32, #tpu.memory_space<vmem>>
      %dma_wait3A_628 = tpu.memref_squeeze %dma_wait3A_627 : memref<1x16x128xi32, #tpu.memory_space<vmem>> -> memref<16x128xi32, #tpu.memory_space<vmem>>
      %dma_wait3A_629 = arith.constant 0 : i32
      %dma_wait3A_630 = tpu.memref_slice %dma_wait3A_628[%dma_wait3A_624, %dma_wait3A_629] : memref<16x128xi32, #tpu.memory_space<vmem>> -> memref<1x128xi32, #tpu.memory_space<vmem>>
      %dma_wait3A_631 = tpu.memref_squeeze %dma_wait3A_630 : memref<1x128xi32, #tpu.memory_space<vmem>> -> memref<128xi32, #tpu.memory_space<vmem>>
      %dma_wait3A_632 = arith.constant 0 : i32
      %dma_wait3A_633 = arith.constant 0 : i32
      %dma_wait3A_634 = tpu.memref_slice %arg7[%dma_wait3A_632, %dma_wait3A_633] : memref<10240x128xf32, #tpu.memory_space<vmem_shared>> -> memref<10240x128xf32, #tpu.memory_space<vmem_shared>>
      tpu.wait_indirect_dma semaphore(%arg14 : memref<!tpu.dma_semaphore, #tpu.memory_space<semaphore_mem>>) src(%arg10 : memref<128x128xf32, #tpu.memory_space<vmem>>) dst(%dma_wait3A_634 : memref<10240x128xf32, #tpu.memory_space<vmem_shared>>)
      %dma_start3A_635 = arith.constant 14 : i32
      %dma_start3A_636 = arith.constant 0 : i32
      %dma_start3A_637 = arith.constant 0 : i32
      %dma_start3A_638 = tpu.memref_slice %arg8[%rem3A_18, %dma_start3A_636, %dma_start3A_637] : memref<2x16x128xi32, #tpu.memory_space<vmem>> -> memref<1x16x128xi32, #tpu.memory_space<vmem>>
      %dma_start3A_639 = tpu.memref_squeeze %dma_start3A_638 : memref<1x16x128xi32, #tpu.memory_space<vmem>> -> memref<16x128xi32, #tpu.memory_space<vmem>>
      %dma_start3A_640 = arith.constant 0 : i32
      %dma_start3A_641 = tpu.memref_slice %dma_start3A_639[%dma_start3A_635, %dma_start3A_640] : memref<16x128xi32, #tpu.memory_space<vmem>> -> memref<1x128xi32, #tpu.memory_space<vmem>>
      %dma_start3A_642 = tpu.memref_squeeze %dma_start3A_641 : memref<1x128xi32, #tpu.memory_space<vmem>> -> memref<128xi32, #tpu.memory_space<vmem>>
      %dma_start3A_643 = arith.constant 0 : i32
      %dma_start3A_644 = arith.constant 0 : i32
      %dma_start3A_645 = tpu.memref_slice %arg2[%dma_start3A_643, %dma_start3A_644] : memref<20000x128xf32, #tpu.memory_space<hbm>> -> memref<20000x128xf32, #tpu.memory_space<hbm>>
      tpu.enqueue_indirect_dma source(%dma_start3A_645 : memref<20000x128xf32, #tpu.memory_space<hbm>>) target(%arg10 : memref<128x128xf32, #tpu.memory_space<vmem>>) offsets(%dma_start3A_642 : memref<128xi32, #tpu.memory_space<vmem>>) semaphore(%arg12 : memref<!tpu.dma_semaphore, #tpu.memory_space<semaphore_mem>>)
      %dma_wait3A_646 = arith.constant 14 : i32
      %dma_wait3A_647 = arith.constant 0 : i32
      %dma_wait3A_648 = arith.constant 0 : i32
      %dma_wait3A_649 = tpu.memref_slice %arg8[%rem3A_18, %dma_wait3A_647, %dma_wait3A_648] : memref<2x16x128xi32, #tpu.memory_space<vmem>> -> memref<1x16x128xi32, #tpu.memory_space<vmem>>
      %dma_wait3A_650 = tpu.memref_squeeze %dma_wait3A_649 : memref<1x16x128xi32, #tpu.memory_space<vmem>> -> memref<16x128xi32, #tpu.memory_space<vmem>>
      %dma_wait3A_651 = arith.constant 0 : i32
      %dma_wait3A_652 = tpu.memref_slice %dma_wait3A_650[%dma_wait3A_646, %dma_wait3A_651] : memref<16x128xi32, #tpu.memory_space<vmem>> -> memref<1x128xi32, #tpu.memory_space<vmem>>
      %dma_wait3A_653 = tpu.memref_squeeze %dma_wait3A_652 : memref<1x128xi32, #tpu.memory_space<vmem>> -> memref<128xi32, #tpu.memory_space<vmem>>
      %dma_wait3A_654 = arith.constant 0 : i32
      %dma_wait3A_655 = arith.constant 0 : i32
      %dma_wait3A_656 = tpu.memref_slice %arg2[%dma_wait3A_654, %dma_wait3A_655] : memref<20000x128xf32, #tpu.memory_space<hbm>> -> memref<20000x128xf32, #tpu.memory_space<hbm>>
      tpu.wait_indirect_dma semaphore(%arg12 : memref<!tpu.dma_semaphore, #tpu.memory_space<semaphore_mem>>) src(%dma_wait3A_656 : memref<20000x128xf32, #tpu.memory_space<hbm>>) dst(%arg10 : memref<128x128xf32, #tpu.memory_space<vmem>>)
      %dma_start3A_657 = arith.constant 14 : i32
      %dma_start3A_658 = arith.constant 0 : i32
      %dma_start3A_659 = arith.constant 0 : i32
      %dma_start3A_660 = tpu.memref_slice %arg9[%rem3A_18, %dma_start3A_658, %dma_start3A_659] : memref<2x16x128xi32, #tpu.memory_space<vmem>> -> memref<1x16x128xi32, #tpu.memory_space<vmem>>
      %dma_start3A_661 = tpu.memref_squeeze %dma_start3A_660 : memref<1x16x128xi32, #tpu.memory_space<vmem>> -> memref<16x128xi32, #tpu.memory_space<vmem>>
      %dma_start3A_662 = arith.constant 0 : i32
      %dma_start3A_663 = tpu.memref_slice %dma_start3A_661[%dma_start3A_657, %dma_start3A_662] : memref<16x128xi32, #tpu.memory_space<vmem>> -> memref<1x128xi32, #tpu.memory_space<vmem>>
      %dma_start3A_664 = tpu.memref_squeeze %dma_start3A_663 : memref<1x128xi32, #tpu.memory_space<vmem>> -> memref<128xi32, #tpu.memory_space<vmem>>
      %dma_start3A_665 = arith.constant 0 : i32
      %dma_start3A_666 = arith.constant 0 : i32
      %dma_start3A_667 = tpu.memref_slice %arg7[%dma_start3A_665, %dma_start3A_666] : memref<10240x128xf32, #tpu.memory_space<vmem_shared>> -> memref<10240x128xf32, #tpu.memory_space<vmem_shared>>
      tpu.enqueue_indirect_dma source(%arg10 : memref<128x128xf32, #tpu.memory_space<vmem>>) target(%dma_start3A_667 : memref<10240x128xf32, #tpu.memory_space<vmem_shared>>) offsets(%dma_start3A_664 : memref<128xi32, #tpu.memory_space<vmem>>) semaphore(%arg14 : memref<!tpu.dma_semaphore, #tpu.memory_space<semaphore_mem>>) {add = true}
      %dma_wait3A_668 = arith.constant 13 : i32
      %dma_wait3A_669 = arith.constant 0 : i32
      %dma_wait3A_670 = arith.constant 0 : i32
      %dma_wait3A_671 = tpu.memref_slice %arg9[%rem3A_18, %dma_wait3A_669, %dma_wait3A_670] : memref<2x16x128xi32, #tpu.memory_space<vmem>> -> memref<1x16x128xi32, #tpu.memory_space<vmem>>
      %dma_wait3A_672 = tpu.memref_squeeze %dma_wait3A_671 : memref<1x16x128xi32, #tpu.memory_space<vmem>> -> memref<16x128xi32, #tpu.memory_space<vmem>>
      %dma_wait3A_673 = arith.constant 0 : i32
      %dma_wait3A_674 = tpu.memref_slice %dma_wait3A_672[%dma_wait3A_668, %dma_wait3A_673] : memref<16x128xi32, #tpu.memory_space<vmem>> -> memref<1x128xi32, #tpu.memory_space<vmem>>
      %dma_wait3A_675 = tpu.memref_squeeze %dma_wait3A_674 : memref<1x128xi32, #tpu.memory_space<vmem>> -> memref<128xi32, #tpu.memory_space<vmem>>
      %dma_wait3A_676 = arith.constant 0 : i32
      %dma_wait3A_677 = arith.constant 0 : i32
      %dma_wait3A_678 = tpu.memref_slice %arg7[%dma_wait3A_676, %dma_wait3A_677] : memref<10240x128xf32, #tpu.memory_space<vmem_shared>> -> memref<10240x128xf32, #tpu.memory_space<vmem_shared>>
      tpu.wait_indirect_dma semaphore(%arg15 : memref<!tpu.dma_semaphore, #tpu.memory_space<semaphore_mem>>) src(%arg11 : memref<128x128xf32, #tpu.memory_space<vmem>>) dst(%dma_wait3A_678 : memref<10240x128xf32, #tpu.memory_space<vmem_shared>>)
      %dma_start3A_679 = arith.constant 15 : i32
      %dma_start3A_680 = arith.constant 0 : i32
      %dma_start3A_681 = arith.constant 0 : i32
      %dma_start3A_682 = tpu.memref_slice %arg8[%rem3A_18, %dma_start3A_680, %dma_start3A_681] : memref<2x16x128xi32, #tpu.memory_space<vmem>> -> memref<1x16x128xi32, #tpu.memory_space<vmem>>
      %dma_start3A_683 = tpu.memref_squeeze %dma_start3A_682 : memref<1x16x128xi32, #tpu.memory_space<vmem>> -> memref<16x128xi32, #tpu.memory_space<vmem>>
      %dma_start3A_684 = arith.constant 0 : i32
      %dma_start3A_685 = tpu.memref_slice %dma_start3A_683[%dma_start3A_679, %dma_start3A_684] : memref<16x128xi32, #tpu.memory_space<vmem>> -> memref<1x128xi32, #tpu.memory_space<vmem>>
      %dma_start3A_686 = tpu.memref_squeeze %dma_start3A_685 : memref<1x128xi32, #tpu.memory_space<vmem>> -> memref<128xi32, #tpu.memory_space<vmem>>
      %dma_start3A_687 = arith.constant 0 : i32
      %dma_start3A_688 = arith.constant 0 : i32
      %dma_start3A_689 = tpu.memref_slice %arg2[%dma_start3A_687, %dma_start3A_688] : memref<20000x128xf32, #tpu.memory_space<hbm>> -> memref<20000x128xf32, #tpu.memory_space<hbm>>
      tpu.enqueue_indirect_dma source(%dma_start3A_689 : memref<20000x128xf32, #tpu.memory_space<hbm>>) target(%arg11 : memref<128x128xf32, #tpu.memory_space<vmem>>) offsets(%dma_start3A_686 : memref<128xi32, #tpu.memory_space<vmem>>) semaphore(%arg13 : memref<!tpu.dma_semaphore, #tpu.memory_space<semaphore_mem>>)
      %dma_wait3A_690 = arith.constant 15 : i32
      %dma_wait3A_691 = arith.constant 0 : i32
      %dma_wait3A_692 = arith.constant 0 : i32
      %dma_wait3A_693 = tpu.memref_slice %arg8[%rem3A_18, %dma_wait3A_691, %dma_wait3A_692] : memref<2x16x128xi32, #tpu.memory_space<vmem>> -> memref<1x16x128xi32, #tpu.memory_space<vmem>>
      %dma_wait3A_694 = tpu.memref_squeeze %dma_wait3A_693 : memref<1x16x128xi32, #tpu.memory_space<vmem>> -> memref<16x128xi32, #tpu.memory_space<vmem>>
      %dma_wait3A_695 = arith.constant 0 : i32
      %dma_wait3A_696 = tpu.memref_slice %dma_wait3A_694[%dma_wait3A_690, %dma_wait3A_695] : memref<16x128xi32, #tpu.memory_space<vmem>> -> memref<1x128xi32, #tpu.memory_space<vmem>>
      %dma_wait3A_697 = tpu.memref_squeeze %dma_wait3A_696 : memref<1x128xi32, #tpu.memory_space<vmem>> -> memref<128xi32, #tpu.memory_space<vmem>>
      %dma_wait3A_698 = arith.constant 0 : i32
      %dma_wait3A_699 = arith.constant 0 : i32
      %dma_wait3A_700 = tpu.memref_slice %arg2[%dma_wait3A_698, %dma_wait3A_699] : memref<20000x128xf32, #tpu.memory_space<hbm>> -> memref<20000x128xf32, #tpu.memory_space<hbm>>
      tpu.wait_indirect_dma semaphore(%arg13 : memref<!tpu.dma_semaphore, #tpu.memory_space<semaphore_mem>>) src(%dma_wait3A_700 : memref<20000x128xf32, #tpu.memory_space<hbm>>) dst(%arg11 : memref<128x128xf32, #tpu.memory_space<vmem>>)
      %dma_start3A_701 = arith.constant 15 : i32
      %dma_start3A_702 = arith.constant 0 : i32
      %dma_start3A_703 = arith.constant 0 : i32
      %dma_start3A_704 = tpu.memref_slice %arg9[%rem3A_18, %dma_start3A_702, %dma_start3A_703] : memref<2x16x128xi32, #tpu.memory_space<vmem>> -> memref<1x16x128xi32, #tpu.memory_space<vmem>>
      %dma_start3A_705 = tpu.memref_squeeze %dma_start3A_704 : memref<1x16x128xi32, #tpu.memory_space<vmem>> -> memref<16x128xi32, #tpu.memory_space<vmem>>
      %dma_start3A_706 = arith.constant 0 : i32
      %dma_start3A_707 = tpu.memref_slice %dma_start3A_705[%dma_start3A_701, %dma_start3A_706] : memref<16x128xi32, #tpu.memory_space<vmem>> -> memref<1x128xi32, #tpu.memory_space<vmem>>
      %dma_start3A_708 = tpu.memref_squeeze %dma_start3A_707 : memref<1x128xi32, #tpu.memory_space<vmem>> -> memref<128xi32, #tpu.memory_space<vmem>>
      %dma_start3A_709 = arith.constant 0 : i32
      %dma_start3A_710 = arith.constant 0 : i32
      %dma_start3A_711 = tpu.memref_slice %arg7[%dma_start3A_709, %dma_start3A_710] : memref<10240x128xf32, #tpu.memory_space<vmem_shared>> -> memref<10240x128xf32, #tpu.memory_space<vmem_shared>>
      tpu.enqueue_indirect_dma source(%arg11 : memref<128x128xf32, #tpu.memory_space<vmem>>) target(%dma_start3A_711 : memref<10240x128xf32, #tpu.memory_space<vmem_shared>>) offsets(%dma_start3A_708 : memref<128xi32, #tpu.memory_space<vmem>>) semaphore(%arg15 : memref<!tpu.dma_semaphore, #tpu.memory_space<semaphore_mem>>) {add = true}
      %dma_wait3A_712 = arith.constant 14 : i32
      %dma_wait3A_713 = arith.constant 0 : i32
      %dma_wait3A_714 = arith.constant 0 : i32
      %dma_wait3A_715 = tpu.memref_slice %arg9[%rem3A_18, %dma_wait3A_713, %dma_wait3A_714] : memref<2x16x128xi32, #tpu.memory_space<vmem>> -> memref<1x16x128xi32, #tpu.memory_space<vmem>>
      %dma_wait3A_716 = tpu.memref_squeeze %dma_wait3A_715 : memref<1x16x128xi32, #tpu.memory_space<vmem>> -> memref<16x128xi32, #tpu.memory_space<vmem>>
      %dma_wait3A_717 = arith.constant 0 : i32
      %dma_wait3A_718 = tpu.memref_slice %dma_wait3A_716[%dma_wait3A_712, %dma_wait3A_717] : memref<16x128xi32, #tpu.memory_space<vmem>> -> memref<1x128xi32, #tpu.memory_space<vmem>>
      %dma_wait3A_719 = tpu.memref_squeeze %dma_wait3A_718 : memref<1x128xi32, #tpu.memory_space<vmem>> -> memref<128xi32, #tpu.memory_space<vmem>>
      %dma_wait3A_720 = arith.constant 0 : i32
      %dma_wait3A_721 = arith.constant 0 : i32
      %dma_wait3A_722 = tpu.memref_slice %arg7[%dma_wait3A_720, %dma_wait3A_721] : memref<10240x128xf32, #tpu.memory_space<vmem_shared>> -> memref<10240x128xf32, #tpu.memory_space<vmem_shared>>
      tpu.wait_indirect_dma semaphore(%arg14 : memref<!tpu.dma_semaphore, #tpu.memory_space<semaphore_mem>>) src(%arg10 : memref<128x128xf32, #tpu.memory_space<vmem>>) dst(%dma_wait3A_722 : memref<10240x128xf32, #tpu.memory_space<vmem_shared>>)
      %dma_wait3A_723 = arith.constant 15 : i32
      %dma_wait3A_724 = arith.constant 0 : i32
      %dma_wait3A_725 = arith.constant 0 : i32
      %dma_wait3A_726 = tpu.memref_slice %arg9[%rem3A_18, %dma_wait3A_724, %dma_wait3A_725] : memref<2x16x128xi32, #tpu.memory_space<vmem>> -> memref<1x16x128xi32, #tpu.memory_space<vmem>>
      %dma_wait3A_727 = tpu.memref_squeeze %dma_wait3A_726 : memref<1x16x128xi32, #tpu.memory_space<vmem>> -> memref<16x128xi32, #tpu.memory_space<vmem>>
      %dma_wait3A_728 = arith.constant 0 : i32
      %dma_wait3A_729 = tpu.memref_slice %dma_wait3A_727[%dma_wait3A_723, %dma_wait3A_728] : memref<16x128xi32, #tpu.memory_space<vmem>> -> memref<1x128xi32, #tpu.memory_space<vmem>>
      %dma_wait3A_730 = tpu.memref_squeeze %dma_wait3A_729 : memref<1x128xi32, #tpu.memory_space<vmem>> -> memref<128xi32, #tpu.memory_space<vmem>>
      %dma_wait3A_731 = arith.constant 0 : i32
      %dma_wait3A_732 = arith.constant 0 : i32
      %dma_wait3A_733 = tpu.memref_slice %arg7[%dma_wait3A_731, %dma_wait3A_732] : memref<10240x128xf32, #tpu.memory_space<vmem_shared>> -> memref<10240x128xf32, #tpu.memory_space<vmem_shared>>
      tpu.wait_indirect_dma semaphore(%arg15 : memref<!tpu.dma_semaphore, #tpu.memory_space<semaphore_mem>>) src(%arg11 : memref<128x128xf32, #tpu.memory_space<vmem>>) dst(%dma_wait3A_733 : memref<10240x128xf32, #tpu.memory_space<vmem_shared>>)
      %add3A_734 = arith.constant 1 : i32
      %add3A_735 = arith.addi %scan3A_17, %add3A_734 : i32
      %lt3A_736 = arith.constant 10 : i32
      %lt3A_737 = arith.cmpi slt, %add3A_735, %lt3A_736 : i32
      %convert_element_type3A_738 = arith.extui %lt3A_737 : i1 to i32
      %cond3A_739 = arith.constant 0 : i32
      %cond3A_740 = arith.cmpi ne, %convert_element_type3A_738, %cond3A_739 : i32
      scf.if %cond3A_740 {
        %dma_wait3A_741 = arith.constant 0 : i32
        %dma_wait3A_742 = arith.constant 0 : i32
        %dma_wait3A_743 = tpu.memref_slice %arg8[%rem3A_22, %dma_wait3A_741, %dma_wait3A_742] : memref<2x16x128xi32, #tpu.memory_space<vmem>> -> memref<1x16x128xi32, #tpu.memory_space<vmem>>
        %dma_wait3A_744 = tpu.memref_squeeze %dma_wait3A_743 : memref<1x16x128xi32, #tpu.memory_space<vmem>> -> memref<16x128xi32, #tpu.memory_space<vmem>>
        %dma_wait3A_745 = arith.constant 0 : i32
        %dma_wait3A_746 = arith.constant 0 : i32
        %dma_wait3A_747 = tpu.memref_slice %arg3[%arg0, %dma_wait3A_745, %dma_wait3A_746] : memref<2x2560x128xi32, #tpu.memory_space<hbm>> -> memref<1x2560x128xi32, #tpu.memory_space<hbm>>
        %dma_wait3A_748 = tpu.memref_squeeze %dma_wait3A_747 : memref<1x2560x128xi32, #tpu.memory_space<hbm>> -> memref<2560x128xi32, #tpu.memory_space<hbm>>
        %dma_wait3A_749 = arith.constant 0 : i32
        %dma_wait3A_750 = tpu.memref_slice %dma_wait3A_748[%add3A_27, %dma_wait3A_749] : memref<2560x128xi32, #tpu.memory_space<hbm>> -> memref<16x128xi32, #tpu.memory_space<hbm>>
        %dma_wait3A_751 = arith.constant 0 : i32
        %dma_wait3A_752 = arith.constant 0 : i32
        %dma_wait3A_753 = tpu.memref_slice %arg8[%rem3A_22, %dma_wait3A_751, %dma_wait3A_752] : memref<2x16x128xi32, #tpu.memory_space<vmem>> -> memref<1x16x128xi32, #tpu.memory_space<vmem>>
        %dma_wait3A_754 = tpu.memref_squeeze %dma_wait3A_753 : memref<1x16x128xi32, #tpu.memory_space<vmem>> -> memref<16x128xi32, #tpu.memory_space<vmem>>
        %dma_wait3A_755 = arith.constant 0 : i32
        %dma_wait3A_756 = arith.constant 0 : i32
        %dma_wait3A_757 = tpu.memref_slice %arg3[%arg0, %dma_wait3A_755, %dma_wait3A_756] : memref<2x2560x128xi32, #tpu.memory_space<hbm>> -> memref<1x2560x128xi32, #tpu.memory_space<hbm>>
        %dma_wait3A_758 = tpu.memref_squeeze %dma_wait3A_757 : memref<1x2560x128xi32, #tpu.memory_space<hbm>> -> memref<2560x128xi32, #tpu.memory_space<hbm>>
        %dma_wait3A_759 = arith.constant 0 : i32
        %dma_wait3A_760 = tpu.memref_slice %dma_wait3A_758[%add3A_27, %dma_wait3A_759] : memref<2560x128xi32, #tpu.memory_space<hbm>> -> memref<16x128xi32, #tpu.memory_space<hbm>>
        tpu.wait_dma2 semaphore(%arg16 : memref<!tpu.dma_semaphore, #tpu.memory_space<semaphore_mem>>) src(%dma_wait3A_760 : memref<16x128xi32, #tpu.memory_space<hbm>>) dst(%dma_wait3A_754 : memref<16x128xi32, #tpu.memory_space<vmem>>)
        %dma_wait3A_761 = arith.constant 0 : i32
        %dma_wait3A_762 = arith.constant 0 : i32
        %dma_wait3A_763 = tpu.memref_slice %arg9[%rem3A_22, %dma_wait3A_761, %dma_wait3A_762] : memref<2x16x128xi32, #tpu.memory_space<vmem>> -> memref<1x16x128xi32, #tpu.memory_space<vmem>>
        %dma_wait3A_764 = tpu.memref_squeeze %dma_wait3A_763 : memref<1x16x128xi32, #tpu.memory_space<vmem>> -> memref<16x128xi32, #tpu.memory_space<vmem>>
        %dma_wait3A_765 = arith.constant 0 : i32
        %dma_wait3A_766 = tpu.memref_slice %arg4[%add3A_27, %dma_wait3A_765] : memref<2560x128xi32, #tpu.memory_space<hbm>> -> memref<16x128xi32, #tpu.memory_space<hbm>>
        %dma_wait3A_767 = arith.constant 0 : i32
        %dma_wait3A_768 = arith.constant 0 : i32
        %dma_wait3A_769 = tpu.memref_slice %arg9[%rem3A_22, %dma_wait3A_767, %dma_wait3A_768] : memref<2x16x128xi32, #tpu.memory_space<vmem>> -> memref<1x16x128xi32, #tpu.memory_space<vmem>>
        %dma_wait3A_770 = tpu.memref_squeeze %dma_wait3A_769 : memref<1x16x128xi32, #tpu.memory_space<vmem>> -> memref<16x128xi32, #tpu.memory_space<vmem>>
        %dma_wait3A_771 = arith.constant 0 : i32
        %dma_wait3A_772 = tpu.memref_slice %arg4[%add3A_27, %dma_wait3A_771] : memref<2560x128xi32, #tpu.memory_space<hbm>> -> memref<16x128xi32, #tpu.memory_space<hbm>>
        tpu.wait_dma2 semaphore(%arg17 : memref<!tpu.dma_semaphore, #tpu.memory_space<semaphore_mem>>) src(%dma_wait3A_772 : memref<16x128xi32, #tpu.memory_space<hbm>>) dst(%dma_wait3A_770 : memref<16x128xi32, #tpu.memory_space<vmem>>)
      } else {
      }
    }
    %scan3A_11 = arith.constant 10 : i32
    %barrier3A_12 = arith.constant 0 : index
    tpu.barrier barrier_id(%barrier3A_12)
    %add3A_13 = arith.constant 0 : i32
    %add3A_14 = arith.addi %mul3A_2, %add3A_13 : i32
    "tpu.region"() ({
      %run_scoped3A_17 = tpu.sem_alloc : memref<!tpu.dma_semaphore, #tpu.memory_space<semaphore_mem>>
      %dma_start3A = arith.constant 0 : i32
      %dma_start3A_18 = tpu.memref_slice %arg6[%arg0, %add3A_14, %dma_start3A] : memref<2x10240x128xf32, #tpu.memory_space<hbm>> -> memref<1x320x128xf32, #tpu.memory_space<hbm>>
      %dma_start3A_19 = tpu.memref_squeeze %dma_start3A_18 : memref<1x320x128xf32, #tpu.memory_space<hbm>> -> memref<320x128xf32, #tpu.memory_space<hbm>>
      %dma_start3A_20 = arith.constant 0 : i32
      %dma_start3A_21 = tpu.memref_slice %arg7[%add3A_14, %dma_start3A_20] : memref<10240x128xf32, #tpu.memory_space<vmem_shared>> -> memref<320x128xf32, #tpu.memory_space<vmem_shared>>
      tpu.enqueue_dma source(%dma_start3A_21 : memref<320x128xf32, #tpu.memory_space<vmem_shared>>) target(%dma_start3A_19 : memref<320x128xf32, #tpu.memory_space<hbm>>) target_semaphore(%run_scoped3A_17 : memref<!tpu.dma_semaphore, #tpu.memory_space<semaphore_mem>>)
      %dma_wait3A = arith.constant 0 : i32
      %dma_wait3A_22 = tpu.memref_slice %arg6[%arg0, %add3A_14, %dma_wait3A] : memref<2x10240x128xf32, #tpu.memory_space<hbm>> -> memref<1x320x128xf32, #tpu.memory_space<hbm>>
      %dma_wait3A_23 = tpu.memref_squeeze %dma_wait3A_22 : memref<1x320x128xf32, #tpu.memory_space<hbm>> -> memref<320x128xf32, #tpu.memory_space<hbm>>
      %dma_wait3A_24 = arith.constant 0 : i32
      %dma_wait3A_25 = tpu.memref_slice %arg7[%add3A_14, %dma_wait3A_24] : memref<10240x128xf32, #tpu.memory_space<vmem_shared>> -> memref<320x128xf32, #tpu.memory_space<vmem_shared>>
      tpu.wait_dma2 semaphore(%run_scoped3A_17 : memref<!tpu.dma_semaphore, #tpu.memory_space<semaphore_mem>>) src(%dma_wait3A_25 : memref<320x128xf32, #tpu.memory_space<vmem_shared>>) dst(%dma_wait3A_23 : memref<320x128xf32, #tpu.memory_space<hbm>>)
      tpu.yield
    }) : () -> ()
    %add3A_15 = arith.constant 320 : i32
    %add3A_16 = arith.addi %mul3A_2, %add3A_15 : i32
    "tpu.region"() ({
      %run_scoped3A_17 = tpu.sem_alloc : memref<!tpu.dma_semaphore, #tpu.memory_space<semaphore_mem>>
      %dma_start3A = arith.constant 0 : i32
      %dma_start3A_18 = tpu.memref_slice %arg6[%arg0, %add3A_16, %dma_start3A] : memref<2x10240x128xf32, #tpu.memory_space<hbm>> -> memref<1x320x128xf32, #tpu.memory_space<hbm>>
      %dma_start3A_19 = tpu.memref_squeeze %dma_start3A_18 : memref<1x320x128xf32, #tpu.memory_space<hbm>> -> memref<320x128xf32, #tpu.memory_space<hbm>>
      %dma_start3A_20 = arith.constant 0 : i32
      %dma_start3A_21 = tpu.memref_slice %arg7[%add3A_16, %dma_start3A_20] : memref<10240x128xf32, #tpu.memory_space<vmem_shared>> -> memref<320x128xf32, #tpu.memory_space<vmem_shared>>
      tpu.enqueue_dma source(%dma_start3A_21 : memref<320x128xf32, #tpu.memory_space<vmem_shared>>) target(%dma_start3A_19 : memref<320x128xf32, #tpu.memory_space<hbm>>) target_semaphore(%run_scoped3A_17 : memref<!tpu.dma_semaphore, #tpu.memory_space<semaphore_mem>>)
      %dma_wait3A = arith.constant 0 : i32
      %dma_wait3A_22 = tpu.memref_slice %arg6[%arg0, %add3A_16, %dma_wait3A] : memref<2x10240x128xf32, #tpu.memory_space<hbm>> -> memref<1x320x128xf32, #tpu.memory_space<hbm>>
      %dma_wait3A_23 = tpu.memref_squeeze %dma_wait3A_22 : memref<1x320x128xf32, #tpu.memory_space<hbm>> -> memref<320x128xf32, #tpu.memory_space<hbm>>
      %dma_wait3A_24 = arith.constant 0 : i32
      %dma_wait3A_25 = tpu.memref_slice %arg7[%add3A_16, %dma_wait3A_24] : memref<10240x128xf32, #tpu.memory_space<vmem_shared>> -> memref<320x128xf32, #tpu.memory_space<vmem_shared>>
      tpu.wait_dma2 semaphore(%run_scoped3A_17 : memref<!tpu.dma_semaphore, #tpu.memory_space<semaphore_mem>>) src(%dma_wait3A_25 : memref<320x128xf32, #tpu.memory_space<vmem_shared>>) dst(%dma_wait3A_23 : memref<320x128xf32, #tpu.memory_space<hbm>>)
      tpu.yield
    }) : () -> ()
    return
  }
}

#map = affine_map<(d0, d1) -> (0, 0)>
#map1 = affine_map<(d0, d1) -> (0, 0, 0)>
module attributes {stable_mosaic.version = 14 : i64} {
  func.func @_mp128_body(%arg0: i32, %arg1: i32, %arg2: memref<10000x128xf32, #tpu.memory_space<hbm>>, %arg3: memref<2560x128xi32, #tpu.memory_space<hbm>>, %arg4: memref<2560x128xi32, #tpu.memory_space<hbm>>, %arg5: memref<320x128xf32, #tpu.memory_space<hbm>>, %arg6: memref<2x10240x128xf32, #tpu.memory_space<hbm>>, %arg7: memref<10240x128xf32, #tpu.memory_space<vmem_shared>>, %arg8: memref<2x16x128xi32, #tpu.memory_space<vmem>>, %arg9: memref<2x16x128xi32, #tpu.memory_space<vmem>>, %arg10: memref<128x128xf32, #tpu.memory_space<vmem>>, %arg11: memref<128x128xf32, #tpu.memory_space<vmem>>, %arg12: memref<!tpu.dma_semaphore, #tpu.memory_space<semaphore_mem>>, %arg13: memref<!tpu.dma_semaphore, #tpu.memory_space<semaphore_mem>>, %arg14: memref<!tpu.dma_semaphore, #tpu.memory_space<semaphore_mem>>, %arg15: memref<!tpu.dma_semaphore, #tpu.memory_space<semaphore_mem>>, %arg16: memref<!tpu.dma_semaphore, #tpu.memory_space<semaphore_mem>>, %arg17: memref<!tpu.dma_semaphore, #tpu.memory_space<semaphore_mem>>) attributes {dimension_semantics = [#tpu.dimension_semantics<core_parallel>, #tpu.dimension_semantics<subcore_parallel>], iteration_bounds = array<i64: 2, 16>, scalar_prefetch = 0 : i64, scratch_operands = 11 : i64, tpu.core_type = #tpu.core_type<sc_vector_subcore>, window_params = [{transform_indices = #map}, {transform_indices = #map}, {transform_indices = #map}, {transform_indices = #map}, {transform_indices = #map1}]} {
    %mul3A = arith.constant 16 : i32
    %mul3A_0 = arith.muli %arg0, %mul3A : i32
    %add3A = arith.addi %mul3A_0, %arg1 : i32
    %mul3A_1 = arith.constant 80 : i32
    %mul3A_2 = arith.muli %add3A, %mul3A_1 : i32
    %mul3A_3 = arith.constant 640 : i32
    %mul3A_4 = arith.muli %arg1, %mul3A_3 : i32
    %run_scoped3A = arith.constant 0 : i32
    "tpu.region"() ({
      %run_scoped3A_20 = tpu.sem_alloc : memref<!tpu.dma_semaphore, #tpu.memory_space<semaphore_mem>>
      %dma_start3A = arith.constant 0 : i32
      %dma_start3A_21 = arith.constant 0 : i32
      %dma_start3A_22 = tpu.memref_slice %arg8[%run_scoped3A, %dma_start3A, %dma_start3A_21] : memref<2x16x128xi32, #tpu.memory_space<vmem>> -> memref<1x16x128xi32, #tpu.memory_space<vmem>>
      %dma_start3A_23 = tpu.memref_squeeze %dma_start3A_22 : memref<1x16x128xi32, #tpu.memory_space<vmem>> -> memref<16x128xi32, #tpu.memory_space<vmem>>
      %dma_start3A_24 = arith.constant 0 : i32
      %dma_start3A_25 = tpu.memref_slice %arg3[%mul3A_2, %dma_start3A_24] : memref<2560x128xi32, #tpu.memory_space<hbm>> -> memref<16x128xi32, #tpu.memory_space<hbm>>
      %dma_start3A_26 = arith.constant 0 : i32
      %dma_start3A_27 = arith.constant 0 : i32
      %dma_start3A_28 = tpu.memref_slice %arg8[%run_scoped3A, %dma_start3A_26, %dma_start3A_27] : memref<2x16x128xi32, #tpu.memory_space<vmem>> -> memref<1x16x128xi32, #tpu.memory_space<vmem>>
      %dma_start3A_29 = tpu.memref_squeeze %dma_start3A_28 : memref<1x16x128xi32, #tpu.memory_space<vmem>> -> memref<16x128xi32, #tpu.memory_space<vmem>>
      %dma_start3A_30 = arith.constant 0 : i32
      %dma_start3A_31 = tpu.memref_slice %arg3[%mul3A_2, %dma_start3A_30] : memref<2560x128xi32, #tpu.memory_space<hbm>> -> memref<16x128xi32, #tpu.memory_space<hbm>>
      tpu.enqueue_dma source(%dma_start3A_31 : memref<16x128xi32, #tpu.memory_space<hbm>>) target(%dma_start3A_29 : memref<16x128xi32, #tpu.memory_space<vmem>>) target_semaphore(%run_scoped3A_20 : memref<!tpu.dma_semaphore, #tpu.memory_space<semaphore_mem>>)
      %dma_wait3A = arith.constant 0 : i32
      %dma_wait3A_32 = arith.constant 0 : i32
      %dma_wait3A_33 = tpu.memref_slice %arg8[%run_scoped3A, %dma_wait3A, %dma_wait3A_32] : memref<2x16x128xi32, #tpu.memory_space<vmem>> -> memref<1x16x128xi32, #tpu.memory_space<vmem>>
      %dma_wait3A_34 = tpu.memref_squeeze %dma_wait3A_33 : memref<1x16x128xi32, #tpu.memory_space<vmem>> -> memref<16x128xi32, #tpu.memory_space<vmem>>
      %dma_wait3A_35 = arith.constant 0 : i32
      %dma_wait3A_36 = tpu.memref_slice %arg3[%mul3A_2, %dma_wait3A_35] : memref<2560x128xi32, #tpu.memory_space<hbm>> -> memref<16x128xi32, #tpu.memory_space<hbm>>
      %dma_wait3A_37 = arith.constant 0 : i32
      %dma_wait3A_38 = arith.constant 0 : i32
      %dma_wait3A_39 = tpu.memref_slice %arg8[%run_scoped3A, %dma_wait3A_37, %dma_wait3A_38] : memref<2x16x128xi32, #tpu.memory_space<vmem>> -> memref<1x16x128xi32, #tpu.memory_space<vmem>>
      %dma_wait3A_40 = tpu.memref_squeeze %dma_wait3A_39 : memref<1x16x128xi32, #tpu.memory_space<vmem>> -> memref<16x128xi32, #tpu.memory_space<vmem>>
      %dma_wait3A_41 = arith.constant 0 : i32
      %dma_wait3A_42 = tpu.memref_slice %arg3[%mul3A_2, %dma_wait3A_41] : memref<2560x128xi32, #tpu.memory_space<hbm>> -> memref<16x128xi32, #tpu.memory_space<hbm>>
      tpu.wait_dma2 semaphore(%run_scoped3A_20 : memref<!tpu.dma_semaphore, #tpu.memory_space<semaphore_mem>>) src(%dma_wait3A_42 : memref<16x128xi32, #tpu.memory_space<hbm>>) dst(%dma_wait3A_40 : memref<16x128xi32, #tpu.memory_space<vmem>>)
      tpu.yield
    }) : () -> ()
    %run_scoped3A_5 = arith.constant 0 : i32
    "tpu.region"() ({
      %run_scoped3A_20 = tpu.sem_alloc : memref<!tpu.dma_semaphore, #tpu.memory_space<semaphore_mem>>
      %dma_start3A = arith.constant 0 : i32
      %dma_start3A_21 = arith.constant 0 : i32
      %dma_start3A_22 = tpu.memref_slice %arg9[%run_scoped3A_5, %dma_start3A, %dma_start3A_21] : memref<2x16x128xi32, #tpu.memory_space<vmem>> -> memref<1x16x128xi32, #tpu.memory_space<vmem>>
      %dma_start3A_23 = tpu.memref_squeeze %dma_start3A_22 : memref<1x16x128xi32, #tpu.memory_space<vmem>> -> memref<16x128xi32, #tpu.memory_space<vmem>>
      %dma_start3A_24 = arith.constant 0 : i32
      %dma_start3A_25 = tpu.memref_slice %arg4[%mul3A_2, %dma_start3A_24] : memref<2560x128xi32, #tpu.memory_space<hbm>> -> memref<16x128xi32, #tpu.memory_space<hbm>>
      %dma_start3A_26 = arith.constant 0 : i32
      %dma_start3A_27 = arith.constant 0 : i32
      %dma_start3A_28 = tpu.memref_slice %arg9[%run_scoped3A_5, %dma_start3A_26, %dma_start3A_27] : memref<2x16x128xi32, #tpu.memory_space<vmem>> -> memref<1x16x128xi32, #tpu.memory_space<vmem>>
      %dma_start3A_29 = tpu.memref_squeeze %dma_start3A_28 : memref<1x16x128xi32, #tpu.memory_space<vmem>> -> memref<16x128xi32, #tpu.memory_space<vmem>>
      %dma_start3A_30 = arith.constant 0 : i32
      %dma_start3A_31 = tpu.memref_slice %arg4[%mul3A_2, %dma_start3A_30] : memref<2560x128xi32, #tpu.memory_space<hbm>> -> memref<16x128xi32, #tpu.memory_space<hbm>>
      tpu.enqueue_dma source(%dma_start3A_31 : memref<16x128xi32, #tpu.memory_space<hbm>>) target(%dma_start3A_29 : memref<16x128xi32, #tpu.memory_space<vmem>>) target_semaphore(%run_scoped3A_20 : memref<!tpu.dma_semaphore, #tpu.memory_space<semaphore_mem>>)
      %dma_wait3A = arith.constant 0 : i32
      %dma_wait3A_32 = arith.constant 0 : i32
      %dma_wait3A_33 = tpu.memref_slice %arg9[%run_scoped3A_5, %dma_wait3A, %dma_wait3A_32] : memref<2x16x128xi32, #tpu.memory_space<vmem>> -> memref<1x16x128xi32, #tpu.memory_space<vmem>>
      %dma_wait3A_34 = tpu.memref_squeeze %dma_wait3A_33 : memref<1x16x128xi32, #tpu.memory_space<vmem>> -> memref<16x128xi32, #tpu.memory_space<vmem>>
      %dma_wait3A_35 = arith.constant 0 : i32
      %dma_wait3A_36 = tpu.memref_slice %arg4[%mul3A_2, %dma_wait3A_35] : memref<2560x128xi32, #tpu.memory_space<hbm>> -> memref<16x128xi32, #tpu.memory_space<hbm>>
      %dma_wait3A_37 = arith.constant 0 : i32
      %dma_wait3A_38 = arith.constant 0 : i32
      %dma_wait3A_39 = tpu.memref_slice %arg9[%run_scoped3A_5, %dma_wait3A_37, %dma_wait3A_38] : memref<2x16x128xi32, #tpu.memory_space<vmem>> -> memref<1x16x128xi32, #tpu.memory_space<vmem>>
      %dma_wait3A_40 = tpu.memref_squeeze %dma_wait3A_39 : memref<1x16x128xi32, #tpu.memory_space<vmem>> -> memref<16x128xi32, #tpu.memory_space<vmem>>
      %dma_wait3A_41 = arith.constant 0 : i32
      %dma_wait3A_42 = tpu.memref_slice %arg4[%mul3A_2, %dma_wait3A_41] : memref<2560x128xi32, #tpu.memory_space<hbm>> -> memref<16x128xi32, #tpu.memory_space<hbm>>
      tpu.wait_dma2 semaphore(%run_scoped3A_20 : memref<!tpu.dma_semaphore, #tpu.memory_space<semaphore_mem>>) src(%dma_wait3A_42 : memref<16x128xi32, #tpu.memory_space<hbm>>) dst(%dma_wait3A_40 : memref<16x128xi32, #tpu.memory_space<vmem>>)
      tpu.yield
    }) : () -> ()
    %mul3A_6 = arith.constant 640 : i32
    %mul3A_7 = arith.muli %arg1, %mul3A_6 : i32
    "tpu.region"() ({
      %run_scoped3A_20 = tpu.sem_alloc : memref<!tpu.dma_semaphore, #tpu.memory_space<semaphore_mem>>
      %dma_start3A = arith.constant 0 : i32
      %dma_start3A_21 = tpu.memref_slice %arg7[%mul3A_7, %dma_start3A] : memref<10240x128xf32, #tpu.memory_space<vmem_shared>> -> memref<320x128xf32, #tpu.memory_space<vmem_shared>>
      tpu.enqueue_dma source(%arg5 : memref<320x128xf32, #tpu.memory_space<hbm>>) target(%dma_start3A_21 : memref<320x128xf32, #tpu.memory_space<vmem_shared>>) target_semaphore(%run_scoped3A_20 : memref<!tpu.dma_semaphore, #tpu.memory_space<semaphore_mem>>)
      %dma_wait3A = arith.constant 0 : i32
      %dma_wait3A_22 = tpu.memref_slice %arg7[%mul3A_7, %dma_wait3A] : memref<10240x128xf32, #tpu.memory_space<vmem_shared>> -> memref<320x128xf32, #tpu.memory_space<vmem_shared>>
      tpu.wait_dma2 semaphore(%run_scoped3A_20 : memref<!tpu.dma_semaphore, #tpu.memory_space<semaphore_mem>>) src(%arg5 : memref<320x128xf32, #tpu.memory_space<hbm>>) dst(%dma_wait3A_22 : memref<320x128xf32, #tpu.memory_space<vmem_shared>>)
      tpu.yield
    }) : () -> ()
    %add3A_8 = arith.constant 320 : i32
    %add3A_9 = arith.addi %mul3A_7, %add3A_8 : i32
    "tpu.region"() ({
      %run_scoped3A_20 = tpu.sem_alloc : memref<!tpu.dma_semaphore, #tpu.memory_space<semaphore_mem>>
      %dma_start3A = arith.constant 0 : i32
      %dma_start3A_21 = tpu.memref_slice %arg7[%add3A_9, %dma_start3A] : memref<10240x128xf32, #tpu.memory_space<vmem_shared>> -> memref<320x128xf32, #tpu.memory_space<vmem_shared>>
      tpu.enqueue_dma source(%arg5 : memref<320x128xf32, #tpu.memory_space<hbm>>) target(%dma_start3A_21 : memref<320x128xf32, #tpu.memory_space<vmem_shared>>) target_semaphore(%run_scoped3A_20 : memref<!tpu.dma_semaphore, #tpu.memory_space<semaphore_mem>>)
      %dma_wait3A = arith.constant 0 : i32
      %dma_wait3A_22 = tpu.memref_slice %arg7[%add3A_9, %dma_wait3A] : memref<10240x128xf32, #tpu.memory_space<vmem_shared>> -> memref<320x128xf32, #tpu.memory_space<vmem_shared>>
      tpu.wait_dma2 semaphore(%run_scoped3A_20 : memref<!tpu.dma_semaphore, #tpu.memory_space<semaphore_mem>>) src(%arg5 : memref<320x128xf32, #tpu.memory_space<hbm>>) dst(%dma_wait3A_22 : memref<320x128xf32, #tpu.memory_space<vmem_shared>>)
      tpu.yield
    }) : () -> ()
    %barrier3A = arith.constant 0 : index
    tpu.barrier barrier_id(%barrier3A)
    %scan3A = arith.constant 0 : i32
    %scan3A_10 = arith.constant 0 : i32
    %scan3A_11 = arith.constant 5 : i32
    %scan3A_12 = arith.addi %scan3A_10, %scan3A_11 : i32
    %scan3A_13 = arith.constant 1 : i32
    scf.for %scan3A_20 = %scan3A_10 to %scan3A_12 step %scan3A_13  : i32 {
      %rem3A = arith.constant 2 : i32
      %rem3A_21 = arith.remsi %scan3A_20, %rem3A : i32
      %add3A_22 = arith.constant 1 : i32
      %add3A_23 = arith.addi %scan3A_20, %add3A_22 : i32
      %rem3A_24 = arith.constant 2 : i32
      %rem3A_25 = arith.remsi %add3A_23, %rem3A_24 : i32
      %add3A_26 = arith.constant 1 : i32
      %add3A_27 = arith.addi %scan3A_20, %add3A_26 : i32
      %mul3A_28 = arith.constant 16 : i32
      %mul3A_29 = arith.muli %add3A_27, %mul3A_28 : i32
      %add3A_30 = arith.addi %mul3A_2, %mul3A_29 : i32
      %add3A_31 = arith.constant 1 : i32
      %add3A_32 = arith.addi %scan3A_20, %add3A_31 : i32
      %lt3A = arith.constant 5 : i32
      %lt3A_33 = arith.cmpi slt, %add3A_32, %lt3A : i32
      %convert_element_type3A = arith.extui %lt3A_33 : i1 to i32
      %cond3A = arith.constant 0 : i32
      %cond3A_34 = arith.cmpi ne, %convert_element_type3A, %cond3A : i32
      scf.if %cond3A_34 {
        %dma_start3A_744 = arith.constant 0 : i32
        %dma_start3A_745 = arith.constant 0 : i32
        %dma_start3A_746 = tpu.memref_slice %arg8[%rem3A_25, %dma_start3A_744, %dma_start3A_745] : memref<2x16x128xi32, #tpu.memory_space<vmem>> -> memref<1x16x128xi32, #tpu.memory_space<vmem>>
        %dma_start3A_747 = tpu.memref_squeeze %dma_start3A_746 : memref<1x16x128xi32, #tpu.memory_space<vmem>> -> memref<16x128xi32, #tpu.memory_space<vmem>>
        %dma_start3A_748 = arith.constant 0 : i32
        %dma_start3A_749 = tpu.memref_slice %arg3[%add3A_30, %dma_start3A_748] : memref<2560x128xi32, #tpu.memory_space<hbm>> -> memref<16x128xi32, #tpu.memory_space<hbm>>
        %dma_start3A_750 = arith.constant 0 : i32
        %dma_start3A_751 = arith.constant 0 : i32
        %dma_start3A_752 = tpu.memref_slice %arg8[%rem3A_25, %dma_start3A_750, %dma_start3A_751] : memref<2x16x128xi32, #tpu.memory_space<vmem>> -> memref<1x16x128xi32, #tpu.memory_space<vmem>>
        %dma_start3A_753 = tpu.memref_squeeze %dma_start3A_752 : memref<1x16x128xi32, #tpu.memory_space<vmem>> -> memref<16x128xi32, #tpu.memory_space<vmem>>
        %dma_start3A_754 = arith.constant 0 : i32
        %dma_start3A_755 = tpu.memref_slice %arg3[%add3A_30, %dma_start3A_754] : memref<2560x128xi32, #tpu.memory_space<hbm>> -> memref<16x128xi32, #tpu.memory_space<hbm>>
        tpu.enqueue_dma source(%dma_start3A_755 : memref<16x128xi32, #tpu.memory_space<hbm>>) target(%dma_start3A_753 : memref<16x128xi32, #tpu.memory_space<vmem>>) target_semaphore(%arg16 : memref<!tpu.dma_semaphore, #tpu.memory_space<semaphore_mem>>)
        %dma_start3A_756 = arith.constant 0 : i32
        %dma_start3A_757 = arith.constant 0 : i32
        %dma_start3A_758 = tpu.memref_slice %arg9[%rem3A_25, %dma_start3A_756, %dma_start3A_757] : memref<2x16x128xi32, #tpu.memory_space<vmem>> -> memref<1x16x128xi32, #tpu.memory_space<vmem>>
        %dma_start3A_759 = tpu.memref_squeeze %dma_start3A_758 : memref<1x16x128xi32, #tpu.memory_space<vmem>> -> memref<16x128xi32, #tpu.memory_space<vmem>>
        %dma_start3A_760 = arith.constant 0 : i32
        %dma_start3A_761 = tpu.memref_slice %arg4[%add3A_30, %dma_start3A_760] : memref<2560x128xi32, #tpu.memory_space<hbm>> -> memref<16x128xi32, #tpu.memory_space<hbm>>
        %dma_start3A_762 = arith.constant 0 : i32
        %dma_start3A_763 = arith.constant 0 : i32
        %dma_start3A_764 = tpu.memref_slice %arg9[%rem3A_25, %dma_start3A_762, %dma_start3A_763] : memref<2x16x128xi32, #tpu.memory_space<vmem>> -> memref<1x16x128xi32, #tpu.memory_space<vmem>>
        %dma_start3A_765 = tpu.memref_squeeze %dma_start3A_764 : memref<1x16x128xi32, #tpu.memory_space<vmem>> -> memref<16x128xi32, #tpu.memory_space<vmem>>
        %dma_start3A_766 = arith.constant 0 : i32
        %dma_start3A_767 = tpu.memref_slice %arg4[%add3A_30, %dma_start3A_766] : memref<2560x128xi32, #tpu.memory_space<hbm>> -> memref<16x128xi32, #tpu.memory_space<hbm>>
        tpu.enqueue_dma source(%dma_start3A_767 : memref<16x128xi32, #tpu.memory_space<hbm>>) target(%dma_start3A_765 : memref<16x128xi32, #tpu.memory_space<vmem>>) target_semaphore(%arg17 : memref<!tpu.dma_semaphore, #tpu.memory_space<semaphore_mem>>)
      } else {
      }
      %dma_start3A = arith.constant 0 : i32
      %dma_start3A_35 = arith.constant 0 : i32
      %dma_start3A_36 = arith.constant 0 : i32
      %dma_start3A_37 = tpu.memref_slice %arg8[%rem3A_21, %dma_start3A_35, %dma_start3A_36] : memref<2x16x128xi32, #tpu.memory_space<vmem>> -> memref<1x16x128xi32, #tpu.memory_space<vmem>>
      %dma_start3A_38 = tpu.memref_squeeze %dma_start3A_37 : memref<1x16x128xi32, #tpu.memory_space<vmem>> -> memref<16x128xi32, #tpu.memory_space<vmem>>
      %dma_start3A_39 = arith.constant 0 : i32
      %dma_start3A_40 = tpu.memref_slice %dma_start3A_38[%dma_start3A, %dma_start3A_39] : memref<16x128xi32, #tpu.memory_space<vmem>> -> memref<1x128xi32, #tpu.memory_space<vmem>>
      %dma_start3A_41 = tpu.memref_squeeze %dma_start3A_40 : memref<1x128xi32, #tpu.memory_space<vmem>> -> memref<128xi32, #tpu.memory_space<vmem>>
      %dma_start3A_42 = arith.constant 0 : i32
      %dma_start3A_43 = arith.constant 0 : i32
      %dma_start3A_44 = tpu.memref_slice %arg2[%dma_start3A_42, %dma_start3A_43] : memref<10000x128xf32, #tpu.memory_space<hbm>> -> memref<10000x128xf32, #tpu.memory_space<hbm>>
      tpu.enqueue_indirect_dma source(%dma_start3A_44 : memref<10000x128xf32, #tpu.memory_space<hbm>>) target(%arg10 : memref<128x128xf32, #tpu.memory_space<vmem>>) offsets(%dma_start3A_41 : memref<128xi32, #tpu.memory_space<vmem>>) semaphore(%arg12 : memref<!tpu.dma_semaphore, #tpu.memory_space<semaphore_mem>>)
      %dma_wait3A = arith.constant 0 : i32
      %dma_wait3A_45 = arith.constant 0 : i32
      %dma_wait3A_46 = arith.constant 0 : i32
      %dma_wait3A_47 = tpu.memref_slice %arg8[%rem3A_21, %dma_wait3A_45, %dma_wait3A_46] : memref<2x16x128xi32, #tpu.memory_space<vmem>> -> memref<1x16x128xi32, #tpu.memory_space<vmem>>
      %dma_wait3A_48 = tpu.memref_squeeze %dma_wait3A_47 : memref<1x16x128xi32, #tpu.memory_space<vmem>> -> memref<16x128xi32, #tpu.memory_space<vmem>>
      %dma_wait3A_49 = arith.constant 0 : i32
      %dma_wait3A_50 = tpu.memref_slice %dma_wait3A_48[%dma_wait3A, %dma_wait3A_49] : memref<16x128xi32, #tpu.memory_space<vmem>> -> memref<1x128xi32, #tpu.memory_space<vmem>>
      %dma_wait3A_51 = tpu.memref_squeeze %dma_wait3A_50 : memref<1x128xi32, #tpu.memory_space<vmem>> -> memref<128xi32, #tpu.memory_space<vmem>>
      %dma_wait3A_52 = arith.constant 0 : i32
      %dma_wait3A_53 = arith.constant 0 : i32
      %dma_wait3A_54 = tpu.memref_slice %arg2[%dma_wait3A_52, %dma_wait3A_53] : memref<10000x128xf32, #tpu.memory_space<hbm>> -> memref<10000x128xf32, #tpu.memory_space<hbm>>
      tpu.wait_indirect_dma semaphore(%arg12 : memref<!tpu.dma_semaphore, #tpu.memory_space<semaphore_mem>>) src(%dma_wait3A_54 : memref<10000x128xf32, #tpu.memory_space<hbm>>) dst(%arg10 : memref<128x128xf32, #tpu.memory_space<vmem>>)
      %dma_start3A_55 = arith.constant 0 : i32
      %dma_start3A_56 = arith.constant 0 : i32
      %dma_start3A_57 = arith.constant 0 : i32
      %dma_start3A_58 = tpu.memref_slice %arg9[%rem3A_21, %dma_start3A_56, %dma_start3A_57] : memref<2x16x128xi32, #tpu.memory_space<vmem>> -> memref<1x16x128xi32, #tpu.memory_space<vmem>>
      %dma_start3A_59 = tpu.memref_squeeze %dma_start3A_58 : memref<1x16x128xi32, #tpu.memory_space<vmem>> -> memref<16x128xi32, #tpu.memory_space<vmem>>
      %dma_start3A_60 = arith.constant 0 : i32
      %dma_start3A_61 = tpu.memref_slice %dma_start3A_59[%dma_start3A_55, %dma_start3A_60] : memref<16x128xi32, #tpu.memory_space<vmem>> -> memref<1x128xi32, #tpu.memory_space<vmem>>
      %dma_start3A_62 = tpu.memref_squeeze %dma_start3A_61 : memref<1x128xi32, #tpu.memory_space<vmem>> -> memref<128xi32, #tpu.memory_space<vmem>>
      %dma_start3A_63 = arith.constant 0 : i32
      %dma_start3A_64 = arith.constant 0 : i32
      %dma_start3A_65 = tpu.memref_slice %arg7[%dma_start3A_63, %dma_start3A_64] : memref<10240x128xf32, #tpu.memory_space<vmem_shared>> -> memref<10240x128xf32, #tpu.memory_space<vmem_shared>>
      tpu.enqueue_indirect_dma source(%arg10 : memref<128x128xf32, #tpu.memory_space<vmem>>) target(%dma_start3A_65 : memref<10240x128xf32, #tpu.memory_space<vmem_shared>>) offsets(%dma_start3A_62 : memref<128xi32, #tpu.memory_space<vmem>>) semaphore(%arg14 : memref<!tpu.dma_semaphore, #tpu.memory_space<semaphore_mem>>) {add = true}
      %dma_start3A_66 = arith.constant 1 : i32
      %dma_start3A_67 = arith.constant 0 : i32
      %dma_start3A_68 = arith.constant 0 : i32
      %dma_start3A_69 = tpu.memref_slice %arg8[%rem3A_21, %dma_start3A_67, %dma_start3A_68] : memref<2x16x128xi32, #tpu.memory_space<vmem>> -> memref<1x16x128xi32, #tpu.memory_space<vmem>>
      %dma_start3A_70 = tpu.memref_squeeze %dma_start3A_69 : memref<1x16x128xi32, #tpu.memory_space<vmem>> -> memref<16x128xi32, #tpu.memory_space<vmem>>
      %dma_start3A_71 = arith.constant 0 : i32
      %dma_start3A_72 = tpu.memref_slice %dma_start3A_70[%dma_start3A_66, %dma_start3A_71] : memref<16x128xi32, #tpu.memory_space<vmem>> -> memref<1x128xi32, #tpu.memory_space<vmem>>
      %dma_start3A_73 = tpu.memref_squeeze %dma_start3A_72 : memref<1x128xi32, #tpu.memory_space<vmem>> -> memref<128xi32, #tpu.memory_space<vmem>>
      %dma_start3A_74 = arith.constant 0 : i32
      %dma_start3A_75 = arith.constant 0 : i32
      %dma_start3A_76 = tpu.memref_slice %arg2[%dma_start3A_74, %dma_start3A_75] : memref<10000x128xf32, #tpu.memory_space<hbm>> -> memref<10000x128xf32, #tpu.memory_space<hbm>>
      tpu.enqueue_indirect_dma source(%dma_start3A_76 : memref<10000x128xf32, #tpu.memory_space<hbm>>) target(%arg11 : memref<128x128xf32, #tpu.memory_space<vmem>>) offsets(%dma_start3A_73 : memref<128xi32, #tpu.memory_space<vmem>>) semaphore(%arg13 : memref<!tpu.dma_semaphore, #tpu.memory_space<semaphore_mem>>)
      %dma_wait3A_77 = arith.constant 1 : i32
      %dma_wait3A_78 = arith.constant 0 : i32
      %dma_wait3A_79 = arith.constant 0 : i32
      %dma_wait3A_80 = tpu.memref_slice %arg8[%rem3A_21, %dma_wait3A_78, %dma_wait3A_79] : memref<2x16x128xi32, #tpu.memory_space<vmem>> -> memref<1x16x128xi32, #tpu.memory_space<vmem>>
      %dma_wait3A_81 = tpu.memref_squeeze %dma_wait3A_80 : memref<1x16x128xi32, #tpu.memory_space<vmem>> -> memref<16x128xi32, #tpu.memory_space<vmem>>
      %dma_wait3A_82 = arith.constant 0 : i32
      %dma_wait3A_83 = tpu.memref_slice %dma_wait3A_81[%dma_wait3A_77, %dma_wait3A_82] : memref<16x128xi32, #tpu.memory_space<vmem>> -> memref<1x128xi32, #tpu.memory_space<vmem>>
      %dma_wait3A_84 = tpu.memref_squeeze %dma_wait3A_83 : memref<1x128xi32, #tpu.memory_space<vmem>> -> memref<128xi32, #tpu.memory_space<vmem>>
      %dma_wait3A_85 = arith.constant 0 : i32
      %dma_wait3A_86 = arith.constant 0 : i32
      %dma_wait3A_87 = tpu.memref_slice %arg2[%dma_wait3A_85, %dma_wait3A_86] : memref<10000x128xf32, #tpu.memory_space<hbm>> -> memref<10000x128xf32, #tpu.memory_space<hbm>>
      tpu.wait_indirect_dma semaphore(%arg13 : memref<!tpu.dma_semaphore, #tpu.memory_space<semaphore_mem>>) src(%dma_wait3A_87 : memref<10000x128xf32, #tpu.memory_space<hbm>>) dst(%arg11 : memref<128x128xf32, #tpu.memory_space<vmem>>)
      %dma_start3A_88 = arith.constant 1 : i32
      %dma_start3A_89 = arith.constant 0 : i32
      %dma_start3A_90 = arith.constant 0 : i32
      %dma_start3A_91 = tpu.memref_slice %arg9[%rem3A_21, %dma_start3A_89, %dma_start3A_90] : memref<2x16x128xi32, #tpu.memory_space<vmem>> -> memref<1x16x128xi32, #tpu.memory_space<vmem>>
      %dma_start3A_92 = tpu.memref_squeeze %dma_start3A_91 : memref<1x16x128xi32, #tpu.memory_space<vmem>> -> memref<16x128xi32, #tpu.memory_space<vmem>>
      %dma_start3A_93 = arith.constant 0 : i32
      %dma_start3A_94 = tpu.memref_slice %dma_start3A_92[%dma_start3A_88, %dma_start3A_93] : memref<16x128xi32, #tpu.memory_space<vmem>> -> memref<1x128xi32, #tpu.memory_space<vmem>>
      %dma_start3A_95 = tpu.memref_squeeze %dma_start3A_94 : memref<1x128xi32, #tpu.memory_space<vmem>> -> memref<128xi32, #tpu.memory_space<vmem>>
      %dma_start3A_96 = arith.constant 0 : i32
      %dma_start3A_97 = arith.constant 0 : i32
      %dma_start3A_98 = tpu.memref_slice %arg7[%dma_start3A_96, %dma_start3A_97] : memref<10240x128xf32, #tpu.memory_space<vmem_shared>> -> memref<10240x128xf32, #tpu.memory_space<vmem_shared>>
      tpu.enqueue_indirect_dma source(%arg11 : memref<128x128xf32, #tpu.memory_space<vmem>>) target(%dma_start3A_98 : memref<10240x128xf32, #tpu.memory_space<vmem_shared>>) offsets(%dma_start3A_95 : memref<128xi32, #tpu.memory_space<vmem>>) semaphore(%arg15 : memref<!tpu.dma_semaphore, #tpu.memory_space<semaphore_mem>>) {add = true}
      %dma_wait3A_99 = arith.constant 0 : i32
      %dma_wait3A_100 = arith.constant 0 : i32
      %dma_wait3A_101 = arith.constant 0 : i32
      %dma_wait3A_102 = tpu.memref_slice %arg9[%rem3A_21, %dma_wait3A_100, %dma_wait3A_101] : memref<2x16x128xi32, #tpu.memory_space<vmem>> -> memref<1x16x128xi32, #tpu.memory_space<vmem>>
      %dma_wait3A_103 = tpu.memref_squeeze %dma_wait3A_102 : memref<1x16x128xi32, #tpu.memory_space<vmem>> -> memref<16x128xi32, #tpu.memory_space<vmem>>
      %dma_wait3A_104 = arith.constant 0 : i32
      %dma_wait3A_105 = tpu.memref_slice %dma_wait3A_103[%dma_wait3A_99, %dma_wait3A_104] : memref<16x128xi32, #tpu.memory_space<vmem>> -> memref<1x128xi32, #tpu.memory_space<vmem>>
      %dma_wait3A_106 = tpu.memref_squeeze %dma_wait3A_105 : memref<1x128xi32, #tpu.memory_space<vmem>> -> memref<128xi32, #tpu.memory_space<vmem>>
      %dma_wait3A_107 = arith.constant 0 : i32
      %dma_wait3A_108 = arith.constant 0 : i32
      %dma_wait3A_109 = tpu.memref_slice %arg7[%dma_wait3A_107, %dma_wait3A_108] : memref<10240x128xf32, #tpu.memory_space<vmem_shared>> -> memref<10240x128xf32, #tpu.memory_space<vmem_shared>>
      tpu.wait_indirect_dma semaphore(%arg14 : memref<!tpu.dma_semaphore, #tpu.memory_space<semaphore_mem>>) src(%arg10 : memref<128x128xf32, #tpu.memory_space<vmem>>) dst(%dma_wait3A_109 : memref<10240x128xf32, #tpu.memory_space<vmem_shared>>)
      %dma_start3A_110 = arith.constant 2 : i32
      %dma_start3A_111 = arith.constant 0 : i32
      %dma_start3A_112 = arith.constant 0 : i32
      %dma_start3A_113 = tpu.memref_slice %arg8[%rem3A_21, %dma_start3A_111, %dma_start3A_112] : memref<2x16x128xi32, #tpu.memory_space<vmem>> -> memref<1x16x128xi32, #tpu.memory_space<vmem>>
      %dma_start3A_114 = tpu.memref_squeeze %dma_start3A_113 : memref<1x16x128xi32, #tpu.memory_space<vmem>> -> memref<16x128xi32, #tpu.memory_space<vmem>>
      %dma_start3A_115 = arith.constant 0 : i32
      %dma_start3A_116 = tpu.memref_slice %dma_start3A_114[%dma_start3A_110, %dma_start3A_115] : memref<16x128xi32, #tpu.memory_space<vmem>> -> memref<1x128xi32, #tpu.memory_space<vmem>>
      %dma_start3A_117 = tpu.memref_squeeze %dma_start3A_116 : memref<1x128xi32, #tpu.memory_space<vmem>> -> memref<128xi32, #tpu.memory_space<vmem>>
      %dma_start3A_118 = arith.constant 0 : i32
      %dma_start3A_119 = arith.constant 0 : i32
      %dma_start3A_120 = tpu.memref_slice %arg2[%dma_start3A_118, %dma_start3A_119] : memref<10000x128xf32, #tpu.memory_space<hbm>> -> memref<10000x128xf32, #tpu.memory_space<hbm>>
      tpu.enqueue_indirect_dma source(%dma_start3A_120 : memref<10000x128xf32, #tpu.memory_space<hbm>>) target(%arg10 : memref<128x128xf32, #tpu.memory_space<vmem>>) offsets(%dma_start3A_117 : memref<128xi32, #tpu.memory_space<vmem>>) semaphore(%arg12 : memref<!tpu.dma_semaphore, #tpu.memory_space<semaphore_mem>>)
      %dma_wait3A_121 = arith.constant 2 : i32
      %dma_wait3A_122 = arith.constant 0 : i32
      %dma_wait3A_123 = arith.constant 0 : i32
      %dma_wait3A_124 = tpu.memref_slice %arg8[%rem3A_21, %dma_wait3A_122, %dma_wait3A_123] : memref<2x16x128xi32, #tpu.memory_space<vmem>> -> memref<1x16x128xi32, #tpu.memory_space<vmem>>
      %dma_wait3A_125 = tpu.memref_squeeze %dma_wait3A_124 : memref<1x16x128xi32, #tpu.memory_space<vmem>> -> memref<16x128xi32, #tpu.memory_space<vmem>>
      %dma_wait3A_126 = arith.constant 0 : i32
      %dma_wait3A_127 = tpu.memref_slice %dma_wait3A_125[%dma_wait3A_121, %dma_wait3A_126] : memref<16x128xi32, #tpu.memory_space<vmem>> -> memref<1x128xi32, #tpu.memory_space<vmem>>
      %dma_wait3A_128 = tpu.memref_squeeze %dma_wait3A_127 : memref<1x128xi32, #tpu.memory_space<vmem>> -> memref<128xi32, #tpu.memory_space<vmem>>
      %dma_wait3A_129 = arith.constant 0 : i32
      %dma_wait3A_130 = arith.constant 0 : i32
      %dma_wait3A_131 = tpu.memref_slice %arg2[%dma_wait3A_129, %dma_wait3A_130] : memref<10000x128xf32, #tpu.memory_space<hbm>> -> memref<10000x128xf32, #tpu.memory_space<hbm>>
      tpu.wait_indirect_dma semaphore(%arg12 : memref<!tpu.dma_semaphore, #tpu.memory_space<semaphore_mem>>) src(%dma_wait3A_131 : memref<10000x128xf32, #tpu.memory_space<hbm>>) dst(%arg10 : memref<128x128xf32, #tpu.memory_space<vmem>>)
      %dma_start3A_132 = arith.constant 2 : i32
      %dma_start3A_133 = arith.constant 0 : i32
      %dma_start3A_134 = arith.constant 0 : i32
      %dma_start3A_135 = tpu.memref_slice %arg9[%rem3A_21, %dma_start3A_133, %dma_start3A_134] : memref<2x16x128xi32, #tpu.memory_space<vmem>> -> memref<1x16x128xi32, #tpu.memory_space<vmem>>
      %dma_start3A_136 = tpu.memref_squeeze %dma_start3A_135 : memref<1x16x128xi32, #tpu.memory_space<vmem>> -> memref<16x128xi32, #tpu.memory_space<vmem>>
      %dma_start3A_137 = arith.constant 0 : i32
      %dma_start3A_138 = tpu.memref_slice %dma_start3A_136[%dma_start3A_132, %dma_start3A_137] : memref<16x128xi32, #tpu.memory_space<vmem>> -> memref<1x128xi32, #tpu.memory_space<vmem>>
      %dma_start3A_139 = tpu.memref_squeeze %dma_start3A_138 : memref<1x128xi32, #tpu.memory_space<vmem>> -> memref<128xi32, #tpu.memory_space<vmem>>
      %dma_start3A_140 = arith.constant 0 : i32
      %dma_start3A_141 = arith.constant 0 : i32
      %dma_start3A_142 = tpu.memref_slice %arg7[%dma_start3A_140, %dma_start3A_141] : memref<10240x128xf32, #tpu.memory_space<vmem_shared>> -> memref<10240x128xf32, #tpu.memory_space<vmem_shared>>
      tpu.enqueue_indirect_dma source(%arg10 : memref<128x128xf32, #tpu.memory_space<vmem>>) target(%dma_start3A_142 : memref<10240x128xf32, #tpu.memory_space<vmem_shared>>) offsets(%dma_start3A_139 : memref<128xi32, #tpu.memory_space<vmem>>) semaphore(%arg14 : memref<!tpu.dma_semaphore, #tpu.memory_space<semaphore_mem>>) {add = true}
      %dma_wait3A_143 = arith.constant 1 : i32
      %dma_wait3A_144 = arith.constant 0 : i32
      %dma_wait3A_145 = arith.constant 0 : i32
      %dma_wait3A_146 = tpu.memref_slice %arg9[%rem3A_21, %dma_wait3A_144, %dma_wait3A_145] : memref<2x16x128xi32, #tpu.memory_space<vmem>> -> memref<1x16x128xi32, #tpu.memory_space<vmem>>
      %dma_wait3A_147 = tpu.memref_squeeze %dma_wait3A_146 : memref<1x16x128xi32, #tpu.memory_space<vmem>> -> memref<16x128xi32, #tpu.memory_space<vmem>>
      %dma_wait3A_148 = arith.constant 0 : i32
      %dma_wait3A_149 = tpu.memref_slice %dma_wait3A_147[%dma_wait3A_143, %dma_wait3A_148] : memref<16x128xi32, #tpu.memory_space<vmem>> -> memref<1x128xi32, #tpu.memory_space<vmem>>
      %dma_wait3A_150 = tpu.memref_squeeze %dma_wait3A_149 : memref<1x128xi32, #tpu.memory_space<vmem>> -> memref<128xi32, #tpu.memory_space<vmem>>
      %dma_wait3A_151 = arith.constant 0 : i32
      %dma_wait3A_152 = arith.constant 0 : i32
      %dma_wait3A_153 = tpu.memref_slice %arg7[%dma_wait3A_151, %dma_wait3A_152] : memref<10240x128xf32, #tpu.memory_space<vmem_shared>> -> memref<10240x128xf32, #tpu.memory_space<vmem_shared>>
      tpu.wait_indirect_dma semaphore(%arg15 : memref<!tpu.dma_semaphore, #tpu.memory_space<semaphore_mem>>) src(%arg11 : memref<128x128xf32, #tpu.memory_space<vmem>>) dst(%dma_wait3A_153 : memref<10240x128xf32, #tpu.memory_space<vmem_shared>>)
      %dma_start3A_154 = arith.constant 3 : i32
      %dma_start3A_155 = arith.constant 0 : i32
      %dma_start3A_156 = arith.constant 0 : i32
      %dma_start3A_157 = tpu.memref_slice %arg8[%rem3A_21, %dma_start3A_155, %dma_start3A_156] : memref<2x16x128xi32, #tpu.memory_space<vmem>> -> memref<1x16x128xi32, #tpu.memory_space<vmem>>
      %dma_start3A_158 = tpu.memref_squeeze %dma_start3A_157 : memref<1x16x128xi32, #tpu.memory_space<vmem>> -> memref<16x128xi32, #tpu.memory_space<vmem>>
      %dma_start3A_159 = arith.constant 0 : i32
      %dma_start3A_160 = tpu.memref_slice %dma_start3A_158[%dma_start3A_154, %dma_start3A_159] : memref<16x128xi32, #tpu.memory_space<vmem>> -> memref<1x128xi32, #tpu.memory_space<vmem>>
      %dma_start3A_161 = tpu.memref_squeeze %dma_start3A_160 : memref<1x128xi32, #tpu.memory_space<vmem>> -> memref<128xi32, #tpu.memory_space<vmem>>
      %dma_start3A_162 = arith.constant 0 : i32
      %dma_start3A_163 = arith.constant 0 : i32
      %dma_start3A_164 = tpu.memref_slice %arg2[%dma_start3A_162, %dma_start3A_163] : memref<10000x128xf32, #tpu.memory_space<hbm>> -> memref<10000x128xf32, #tpu.memory_space<hbm>>
      tpu.enqueue_indirect_dma source(%dma_start3A_164 : memref<10000x128xf32, #tpu.memory_space<hbm>>) target(%arg11 : memref<128x128xf32, #tpu.memory_space<vmem>>) offsets(%dma_start3A_161 : memref<128xi32, #tpu.memory_space<vmem>>) semaphore(%arg13 : memref<!tpu.dma_semaphore, #tpu.memory_space<semaphore_mem>>)
      %dma_wait3A_165 = arith.constant 3 : i32
      %dma_wait3A_166 = arith.constant 0 : i32
      %dma_wait3A_167 = arith.constant 0 : i32
      %dma_wait3A_168 = tpu.memref_slice %arg8[%rem3A_21, %dma_wait3A_166, %dma_wait3A_167] : memref<2x16x128xi32, #tpu.memory_space<vmem>> -> memref<1x16x128xi32, #tpu.memory_space<vmem>>
      %dma_wait3A_169 = tpu.memref_squeeze %dma_wait3A_168 : memref<1x16x128xi32, #tpu.memory_space<vmem>> -> memref<16x128xi32, #tpu.memory_space<vmem>>
      %dma_wait3A_170 = arith.constant 0 : i32
      %dma_wait3A_171 = tpu.memref_slice %dma_wait3A_169[%dma_wait3A_165, %dma_wait3A_170] : memref<16x128xi32, #tpu.memory_space<vmem>> -> memref<1x128xi32, #tpu.memory_space<vmem>>
      %dma_wait3A_172 = tpu.memref_squeeze %dma_wait3A_171 : memref<1x128xi32, #tpu.memory_space<vmem>> -> memref<128xi32, #tpu.memory_space<vmem>>
      %dma_wait3A_173 = arith.constant 0 : i32
      %dma_wait3A_174 = arith.constant 0 : i32
      %dma_wait3A_175 = tpu.memref_slice %arg2[%dma_wait3A_173, %dma_wait3A_174] : memref<10000x128xf32, #tpu.memory_space<hbm>> -> memref<10000x128xf32, #tpu.memory_space<hbm>>
      tpu.wait_indirect_dma semaphore(%arg13 : memref<!tpu.dma_semaphore, #tpu.memory_space<semaphore_mem>>) src(%dma_wait3A_175 : memref<10000x128xf32, #tpu.memory_space<hbm>>) dst(%arg11 : memref<128x128xf32, #tpu.memory_space<vmem>>)
      %dma_start3A_176 = arith.constant 3 : i32
      %dma_start3A_177 = arith.constant 0 : i32
      %dma_start3A_178 = arith.constant 0 : i32
      %dma_start3A_179 = tpu.memref_slice %arg9[%rem3A_21, %dma_start3A_177, %dma_start3A_178] : memref<2x16x128xi32, #tpu.memory_space<vmem>> -> memref<1x16x128xi32, #tpu.memory_space<vmem>>
      %dma_start3A_180 = tpu.memref_squeeze %dma_start3A_179 : memref<1x16x128xi32, #tpu.memory_space<vmem>> -> memref<16x128xi32, #tpu.memory_space<vmem>>
      %dma_start3A_181 = arith.constant 0 : i32
      %dma_start3A_182 = tpu.memref_slice %dma_start3A_180[%dma_start3A_176, %dma_start3A_181] : memref<16x128xi32, #tpu.memory_space<vmem>> -> memref<1x128xi32, #tpu.memory_space<vmem>>
      %dma_start3A_183 = tpu.memref_squeeze %dma_start3A_182 : memref<1x128xi32, #tpu.memory_space<vmem>> -> memref<128xi32, #tpu.memory_space<vmem>>
      %dma_start3A_184 = arith.constant 0 : i32
      %dma_start3A_185 = arith.constant 0 : i32
      %dma_start3A_186 = tpu.memref_slice %arg7[%dma_start3A_184, %dma_start3A_185] : memref<10240x128xf32, #tpu.memory_space<vmem_shared>> -> memref<10240x128xf32, #tpu.memory_space<vmem_shared>>
      tpu.enqueue_indirect_dma source(%arg11 : memref<128x128xf32, #tpu.memory_space<vmem>>) target(%dma_start3A_186 : memref<10240x128xf32, #tpu.memory_space<vmem_shared>>) offsets(%dma_start3A_183 : memref<128xi32, #tpu.memory_space<vmem>>) semaphore(%arg15 : memref<!tpu.dma_semaphore, #tpu.memory_space<semaphore_mem>>) {add = true}
      %dma_wait3A_187 = arith.constant 2 : i32
      %dma_wait3A_188 = arith.constant 0 : i32
      %dma_wait3A_189 = arith.constant 0 : i32
      %dma_wait3A_190 = tpu.memref_slice %arg9[%rem3A_21, %dma_wait3A_188, %dma_wait3A_189] : memref<2x16x128xi32, #tpu.memory_space<vmem>> -> memref<1x16x128xi32, #tpu.memory_space<vmem>>
      %dma_wait3A_191 = tpu.memref_squeeze %dma_wait3A_190 : memref<1x16x128xi32, #tpu.memory_space<vmem>> -> memref<16x128xi32, #tpu.memory_space<vmem>>
      %dma_wait3A_192 = arith.constant 0 : i32
      %dma_wait3A_193 = tpu.memref_slice %dma_wait3A_191[%dma_wait3A_187, %dma_wait3A_192] : memref<16x128xi32, #tpu.memory_space<vmem>> -> memref<1x128xi32, #tpu.memory_space<vmem>>
      %dma_wait3A_194 = tpu.memref_squeeze %dma_wait3A_193 : memref<1x128xi32, #tpu.memory_space<vmem>> -> memref<128xi32, #tpu.memory_space<vmem>>
      %dma_wait3A_195 = arith.constant 0 : i32
      %dma_wait3A_196 = arith.constant 0 : i32
      %dma_wait3A_197 = tpu.memref_slice %arg7[%dma_wait3A_195, %dma_wait3A_196] : memref<10240x128xf32, #tpu.memory_space<vmem_shared>> -> memref<10240x128xf32, #tpu.memory_space<vmem_shared>>
      tpu.wait_indirect_dma semaphore(%arg14 : memref<!tpu.dma_semaphore, #tpu.memory_space<semaphore_mem>>) src(%arg10 : memref<128x128xf32, #tpu.memory_space<vmem>>) dst(%dma_wait3A_197 : memref<10240x128xf32, #tpu.memory_space<vmem_shared>>)
      %dma_start3A_198 = arith.constant 4 : i32
      %dma_start3A_199 = arith.constant 0 : i32
      %dma_start3A_200 = arith.constant 0 : i32
      %dma_start3A_201 = tpu.memref_slice %arg8[%rem3A_21, %dma_start3A_199, %dma_start3A_200] : memref<2x16x128xi32, #tpu.memory_space<vmem>> -> memref<1x16x128xi32, #tpu.memory_space<vmem>>
      %dma_start3A_202 = tpu.memref_squeeze %dma_start3A_201 : memref<1x16x128xi32, #tpu.memory_space<vmem>> -> memref<16x128xi32, #tpu.memory_space<vmem>>
      %dma_start3A_203 = arith.constant 0 : i32
      %dma_start3A_204 = tpu.memref_slice %dma_start3A_202[%dma_start3A_198, %dma_start3A_203] : memref<16x128xi32, #tpu.memory_space<vmem>> -> memref<1x128xi32, #tpu.memory_space<vmem>>
      %dma_start3A_205 = tpu.memref_squeeze %dma_start3A_204 : memref<1x128xi32, #tpu.memory_space<vmem>> -> memref<128xi32, #tpu.memory_space<vmem>>
      %dma_start3A_206 = arith.constant 0 : i32
      %dma_start3A_207 = arith.constant 0 : i32
      %dma_start3A_208 = tpu.memref_slice %arg2[%dma_start3A_206, %dma_start3A_207] : memref<10000x128xf32, #tpu.memory_space<hbm>> -> memref<10000x128xf32, #tpu.memory_space<hbm>>
      tpu.enqueue_indirect_dma source(%dma_start3A_208 : memref<10000x128xf32, #tpu.memory_space<hbm>>) target(%arg10 : memref<128x128xf32, #tpu.memory_space<vmem>>) offsets(%dma_start3A_205 : memref<128xi32, #tpu.memory_space<vmem>>) semaphore(%arg12 : memref<!tpu.dma_semaphore, #tpu.memory_space<semaphore_mem>>)
      %dma_wait3A_209 = arith.constant 4 : i32
      %dma_wait3A_210 = arith.constant 0 : i32
      %dma_wait3A_211 = arith.constant 0 : i32
      %dma_wait3A_212 = tpu.memref_slice %arg8[%rem3A_21, %dma_wait3A_210, %dma_wait3A_211] : memref<2x16x128xi32, #tpu.memory_space<vmem>> -> memref<1x16x128xi32, #tpu.memory_space<vmem>>
      %dma_wait3A_213 = tpu.memref_squeeze %dma_wait3A_212 : memref<1x16x128xi32, #tpu.memory_space<vmem>> -> memref<16x128xi32, #tpu.memory_space<vmem>>
      %dma_wait3A_214 = arith.constant 0 : i32
      %dma_wait3A_215 = tpu.memref_slice %dma_wait3A_213[%dma_wait3A_209, %dma_wait3A_214] : memref<16x128xi32, #tpu.memory_space<vmem>> -> memref<1x128xi32, #tpu.memory_space<vmem>>
      %dma_wait3A_216 = tpu.memref_squeeze %dma_wait3A_215 : memref<1x128xi32, #tpu.memory_space<vmem>> -> memref<128xi32, #tpu.memory_space<vmem>>
      %dma_wait3A_217 = arith.constant 0 : i32
      %dma_wait3A_218 = arith.constant 0 : i32
      %dma_wait3A_219 = tpu.memref_slice %arg2[%dma_wait3A_217, %dma_wait3A_218] : memref<10000x128xf32, #tpu.memory_space<hbm>> -> memref<10000x128xf32, #tpu.memory_space<hbm>>
      tpu.wait_indirect_dma semaphore(%arg12 : memref<!tpu.dma_semaphore, #tpu.memory_space<semaphore_mem>>) src(%dma_wait3A_219 : memref<10000x128xf32, #tpu.memory_space<hbm>>) dst(%arg10 : memref<128x128xf32, #tpu.memory_space<vmem>>)
      %dma_start3A_220 = arith.constant 4 : i32
      %dma_start3A_221 = arith.constant 0 : i32
      %dma_start3A_222 = arith.constant 0 : i32
      %dma_start3A_223 = tpu.memref_slice %arg9[%rem3A_21, %dma_start3A_221, %dma_start3A_222] : memref<2x16x128xi32, #tpu.memory_space<vmem>> -> memref<1x16x128xi32, #tpu.memory_space<vmem>>
      %dma_start3A_224 = tpu.memref_squeeze %dma_start3A_223 : memref<1x16x128xi32, #tpu.memory_space<vmem>> -> memref<16x128xi32, #tpu.memory_space<vmem>>
      %dma_start3A_225 = arith.constant 0 : i32
      %dma_start3A_226 = tpu.memref_slice %dma_start3A_224[%dma_start3A_220, %dma_start3A_225] : memref<16x128xi32, #tpu.memory_space<vmem>> -> memref<1x128xi32, #tpu.memory_space<vmem>>
      %dma_start3A_227 = tpu.memref_squeeze %dma_start3A_226 : memref<1x128xi32, #tpu.memory_space<vmem>> -> memref<128xi32, #tpu.memory_space<vmem>>
      %dma_start3A_228 = arith.constant 0 : i32
      %dma_start3A_229 = arith.constant 0 : i32
      %dma_start3A_230 = tpu.memref_slice %arg7[%dma_start3A_228, %dma_start3A_229] : memref<10240x128xf32, #tpu.memory_space<vmem_shared>> -> memref<10240x128xf32, #tpu.memory_space<vmem_shared>>
      tpu.enqueue_indirect_dma source(%arg10 : memref<128x128xf32, #tpu.memory_space<vmem>>) target(%dma_start3A_230 : memref<10240x128xf32, #tpu.memory_space<vmem_shared>>) offsets(%dma_start3A_227 : memref<128xi32, #tpu.memory_space<vmem>>) semaphore(%arg14 : memref<!tpu.dma_semaphore, #tpu.memory_space<semaphore_mem>>) {add = true}
      %dma_wait3A_231 = arith.constant 3 : i32
      %dma_wait3A_232 = arith.constant 0 : i32
      %dma_wait3A_233 = arith.constant 0 : i32
      %dma_wait3A_234 = tpu.memref_slice %arg9[%rem3A_21, %dma_wait3A_232, %dma_wait3A_233] : memref<2x16x128xi32, #tpu.memory_space<vmem>> -> memref<1x16x128xi32, #tpu.memory_space<vmem>>
      %dma_wait3A_235 = tpu.memref_squeeze %dma_wait3A_234 : memref<1x16x128xi32, #tpu.memory_space<vmem>> -> memref<16x128xi32, #tpu.memory_space<vmem>>
      %dma_wait3A_236 = arith.constant 0 : i32
      %dma_wait3A_237 = tpu.memref_slice %dma_wait3A_235[%dma_wait3A_231, %dma_wait3A_236] : memref<16x128xi32, #tpu.memory_space<vmem>> -> memref<1x128xi32, #tpu.memory_space<vmem>>
      %dma_wait3A_238 = tpu.memref_squeeze %dma_wait3A_237 : memref<1x128xi32, #tpu.memory_space<vmem>> -> memref<128xi32, #tpu.memory_space<vmem>>
      %dma_wait3A_239 = arith.constant 0 : i32
      %dma_wait3A_240 = arith.constant 0 : i32
      %dma_wait3A_241 = tpu.memref_slice %arg7[%dma_wait3A_239, %dma_wait3A_240] : memref<10240x128xf32, #tpu.memory_space<vmem_shared>> -> memref<10240x128xf32, #tpu.memory_space<vmem_shared>>
      tpu.wait_indirect_dma semaphore(%arg15 : memref<!tpu.dma_semaphore, #tpu.memory_space<semaphore_mem>>) src(%arg11 : memref<128x128xf32, #tpu.memory_space<vmem>>) dst(%dma_wait3A_241 : memref<10240x128xf32, #tpu.memory_space<vmem_shared>>)
      %dma_start3A_242 = arith.constant 5 : i32
      %dma_start3A_243 = arith.constant 0 : i32
      %dma_start3A_244 = arith.constant 0 : i32
      %dma_start3A_245 = tpu.memref_slice %arg8[%rem3A_21, %dma_start3A_243, %dma_start3A_244] : memref<2x16x128xi32, #tpu.memory_space<vmem>> -> memref<1x16x128xi32, #tpu.memory_space<vmem>>
      %dma_start3A_246 = tpu.memref_squeeze %dma_start3A_245 : memref<1x16x128xi32, #tpu.memory_space<vmem>> -> memref<16x128xi32, #tpu.memory_space<vmem>>
      %dma_start3A_247 = arith.constant 0 : i32
      %dma_start3A_248 = tpu.memref_slice %dma_start3A_246[%dma_start3A_242, %dma_start3A_247] : memref<16x128xi32, #tpu.memory_space<vmem>> -> memref<1x128xi32, #tpu.memory_space<vmem>>
      %dma_start3A_249 = tpu.memref_squeeze %dma_start3A_248 : memref<1x128xi32, #tpu.memory_space<vmem>> -> memref<128xi32, #tpu.memory_space<vmem>>
      %dma_start3A_250 = arith.constant 0 : i32
      %dma_start3A_251 = arith.constant 0 : i32
      %dma_start3A_252 = tpu.memref_slice %arg2[%dma_start3A_250, %dma_start3A_251] : memref<10000x128xf32, #tpu.memory_space<hbm>> -> memref<10000x128xf32, #tpu.memory_space<hbm>>
      tpu.enqueue_indirect_dma source(%dma_start3A_252 : memref<10000x128xf32, #tpu.memory_space<hbm>>) target(%arg11 : memref<128x128xf32, #tpu.memory_space<vmem>>) offsets(%dma_start3A_249 : memref<128xi32, #tpu.memory_space<vmem>>) semaphore(%arg13 : memref<!tpu.dma_semaphore, #tpu.memory_space<semaphore_mem>>)
      %dma_wait3A_253 = arith.constant 5 : i32
      %dma_wait3A_254 = arith.constant 0 : i32
      %dma_wait3A_255 = arith.constant 0 : i32
      %dma_wait3A_256 = tpu.memref_slice %arg8[%rem3A_21, %dma_wait3A_254, %dma_wait3A_255] : memref<2x16x128xi32, #tpu.memory_space<vmem>> -> memref<1x16x128xi32, #tpu.memory_space<vmem>>
      %dma_wait3A_257 = tpu.memref_squeeze %dma_wait3A_256 : memref<1x16x128xi32, #tpu.memory_space<vmem>> -> memref<16x128xi32, #tpu.memory_space<vmem>>
      %dma_wait3A_258 = arith.constant 0 : i32
      %dma_wait3A_259 = tpu.memref_slice %dma_wait3A_257[%dma_wait3A_253, %dma_wait3A_258] : memref<16x128xi32, #tpu.memory_space<vmem>> -> memref<1x128xi32, #tpu.memory_space<vmem>>
      %dma_wait3A_260 = tpu.memref_squeeze %dma_wait3A_259 : memref<1x128xi32, #tpu.memory_space<vmem>> -> memref<128xi32, #tpu.memory_space<vmem>>
      %dma_wait3A_261 = arith.constant 0 : i32
      %dma_wait3A_262 = arith.constant 0 : i32
      %dma_wait3A_263 = tpu.memref_slice %arg2[%dma_wait3A_261, %dma_wait3A_262] : memref<10000x128xf32, #tpu.memory_space<hbm>> -> memref<10000x128xf32, #tpu.memory_space<hbm>>
      tpu.wait_indirect_dma semaphore(%arg13 : memref<!tpu.dma_semaphore, #tpu.memory_space<semaphore_mem>>) src(%dma_wait3A_263 : memref<10000x128xf32, #tpu.memory_space<hbm>>) dst(%arg11 : memref<128x128xf32, #tpu.memory_space<vmem>>)
      %dma_start3A_264 = arith.constant 5 : i32
      %dma_start3A_265 = arith.constant 0 : i32
      %dma_start3A_266 = arith.constant 0 : i32
      %dma_start3A_267 = tpu.memref_slice %arg9[%rem3A_21, %dma_start3A_265, %dma_start3A_266] : memref<2x16x128xi32, #tpu.memory_space<vmem>> -> memref<1x16x128xi32, #tpu.memory_space<vmem>>
      %dma_start3A_268 = tpu.memref_squeeze %dma_start3A_267 : memref<1x16x128xi32, #tpu.memory_space<vmem>> -> memref<16x128xi32, #tpu.memory_space<vmem>>
      %dma_start3A_269 = arith.constant 0 : i32
      %dma_start3A_270 = tpu.memref_slice %dma_start3A_268[%dma_start3A_264, %dma_start3A_269] : memref<16x128xi32, #tpu.memory_space<vmem>> -> memref<1x128xi32, #tpu.memory_space<vmem>>
      %dma_start3A_271 = tpu.memref_squeeze %dma_start3A_270 : memref<1x128xi32, #tpu.memory_space<vmem>> -> memref<128xi32, #tpu.memory_space<vmem>>
      %dma_start3A_272 = arith.constant 0 : i32
      %dma_start3A_273 = arith.constant 0 : i32
      %dma_start3A_274 = tpu.memref_slice %arg7[%dma_start3A_272, %dma_start3A_273] : memref<10240x128xf32, #tpu.memory_space<vmem_shared>> -> memref<10240x128xf32, #tpu.memory_space<vmem_shared>>
      tpu.enqueue_indirect_dma source(%arg11 : memref<128x128xf32, #tpu.memory_space<vmem>>) target(%dma_start3A_274 : memref<10240x128xf32, #tpu.memory_space<vmem_shared>>) offsets(%dma_start3A_271 : memref<128xi32, #tpu.memory_space<vmem>>) semaphore(%arg15 : memref<!tpu.dma_semaphore, #tpu.memory_space<semaphore_mem>>) {add = true}
      %dma_wait3A_275 = arith.constant 4 : i32
      %dma_wait3A_276 = arith.constant 0 : i32
      %dma_wait3A_277 = arith.constant 0 : i32
      %dma_wait3A_278 = tpu.memref_slice %arg9[%rem3A_21, %dma_wait3A_276, %dma_wait3A_277] : memref<2x16x128xi32, #tpu.memory_space<vmem>> -> memref<1x16x128xi32, #tpu.memory_space<vmem>>
      %dma_wait3A_279 = tpu.memref_squeeze %dma_wait3A_278 : memref<1x16x128xi32, #tpu.memory_space<vmem>> -> memref<16x128xi32, #tpu.memory_space<vmem>>
      %dma_wait3A_280 = arith.constant 0 : i32
      %dma_wait3A_281 = tpu.memref_slice %dma_wait3A_279[%dma_wait3A_275, %dma_wait3A_280] : memref<16x128xi32, #tpu.memory_space<vmem>> -> memref<1x128xi32, #tpu.memory_space<vmem>>
      %dma_wait3A_282 = tpu.memref_squeeze %dma_wait3A_281 : memref<1x128xi32, #tpu.memory_space<vmem>> -> memref<128xi32, #tpu.memory_space<vmem>>
      %dma_wait3A_283 = arith.constant 0 : i32
      %dma_wait3A_284 = arith.constant 0 : i32
      %dma_wait3A_285 = tpu.memref_slice %arg7[%dma_wait3A_283, %dma_wait3A_284] : memref<10240x128xf32, #tpu.memory_space<vmem_shared>> -> memref<10240x128xf32, #tpu.memory_space<vmem_shared>>
      tpu.wait_indirect_dma semaphore(%arg14 : memref<!tpu.dma_semaphore, #tpu.memory_space<semaphore_mem>>) src(%arg10 : memref<128x128xf32, #tpu.memory_space<vmem>>) dst(%dma_wait3A_285 : memref<10240x128xf32, #tpu.memory_space<vmem_shared>>)
      %dma_start3A_286 = arith.constant 6 : i32
      %dma_start3A_287 = arith.constant 0 : i32
      %dma_start3A_288 = arith.constant 0 : i32
      %dma_start3A_289 = tpu.memref_slice %arg8[%rem3A_21, %dma_start3A_287, %dma_start3A_288] : memref<2x16x128xi32, #tpu.memory_space<vmem>> -> memref<1x16x128xi32, #tpu.memory_space<vmem>>
      %dma_start3A_290 = tpu.memref_squeeze %dma_start3A_289 : memref<1x16x128xi32, #tpu.memory_space<vmem>> -> memref<16x128xi32, #tpu.memory_space<vmem>>
      %dma_start3A_291 = arith.constant 0 : i32
      %dma_start3A_292 = tpu.memref_slice %dma_start3A_290[%dma_start3A_286, %dma_start3A_291] : memref<16x128xi32, #tpu.memory_space<vmem>> -> memref<1x128xi32, #tpu.memory_space<vmem>>
      %dma_start3A_293 = tpu.memref_squeeze %dma_start3A_292 : memref<1x128xi32, #tpu.memory_space<vmem>> -> memref<128xi32, #tpu.memory_space<vmem>>
      %dma_start3A_294 = arith.constant 0 : i32
      %dma_start3A_295 = arith.constant 0 : i32
      %dma_start3A_296 = tpu.memref_slice %arg2[%dma_start3A_294, %dma_start3A_295] : memref<10000x128xf32, #tpu.memory_space<hbm>> -> memref<10000x128xf32, #tpu.memory_space<hbm>>
      tpu.enqueue_indirect_dma source(%dma_start3A_296 : memref<10000x128xf32, #tpu.memory_space<hbm>>) target(%arg10 : memref<128x128xf32, #tpu.memory_space<vmem>>) offsets(%dma_start3A_293 : memref<128xi32, #tpu.memory_space<vmem>>) semaphore(%arg12 : memref<!tpu.dma_semaphore, #tpu.memory_space<semaphore_mem>>)
      %dma_wait3A_297 = arith.constant 6 : i32
      %dma_wait3A_298 = arith.constant 0 : i32
      %dma_wait3A_299 = arith.constant 0 : i32
      %dma_wait3A_300 = tpu.memref_slice %arg8[%rem3A_21, %dma_wait3A_298, %dma_wait3A_299] : memref<2x16x128xi32, #tpu.memory_space<vmem>> -> memref<1x16x128xi32, #tpu.memory_space<vmem>>
      %dma_wait3A_301 = tpu.memref_squeeze %dma_wait3A_300 : memref<1x16x128xi32, #tpu.memory_space<vmem>> -> memref<16x128xi32, #tpu.memory_space<vmem>>
      %dma_wait3A_302 = arith.constant 0 : i32
      %dma_wait3A_303 = tpu.memref_slice %dma_wait3A_301[%dma_wait3A_297, %dma_wait3A_302] : memref<16x128xi32, #tpu.memory_space<vmem>> -> memref<1x128xi32, #tpu.memory_space<vmem>>
      %dma_wait3A_304 = tpu.memref_squeeze %dma_wait3A_303 : memref<1x128xi32, #tpu.memory_space<vmem>> -> memref<128xi32, #tpu.memory_space<vmem>>
      %dma_wait3A_305 = arith.constant 0 : i32
      %dma_wait3A_306 = arith.constant 0 : i32
      %dma_wait3A_307 = tpu.memref_slice %arg2[%dma_wait3A_305, %dma_wait3A_306] : memref<10000x128xf32, #tpu.memory_space<hbm>> -> memref<10000x128xf32, #tpu.memory_space<hbm>>
      tpu.wait_indirect_dma semaphore(%arg12 : memref<!tpu.dma_semaphore, #tpu.memory_space<semaphore_mem>>) src(%dma_wait3A_307 : memref<10000x128xf32, #tpu.memory_space<hbm>>) dst(%arg10 : memref<128x128xf32, #tpu.memory_space<vmem>>)
      %dma_start3A_308 = arith.constant 6 : i32
      %dma_start3A_309 = arith.constant 0 : i32
      %dma_start3A_310 = arith.constant 0 : i32
      %dma_start3A_311 = tpu.memref_slice %arg9[%rem3A_21, %dma_start3A_309, %dma_start3A_310] : memref<2x16x128xi32, #tpu.memory_space<vmem>> -> memref<1x16x128xi32, #tpu.memory_space<vmem>>
      %dma_start3A_312 = tpu.memref_squeeze %dma_start3A_311 : memref<1x16x128xi32, #tpu.memory_space<vmem>> -> memref<16x128xi32, #tpu.memory_space<vmem>>
      %dma_start3A_313 = arith.constant 0 : i32
      %dma_start3A_314 = tpu.memref_slice %dma_start3A_312[%dma_start3A_308, %dma_start3A_313] : memref<16x128xi32, #tpu.memory_space<vmem>> -> memref<1x128xi32, #tpu.memory_space<vmem>>
      %dma_start3A_315 = tpu.memref_squeeze %dma_start3A_314 : memref<1x128xi32, #tpu.memory_space<vmem>> -> memref<128xi32, #tpu.memory_space<vmem>>
      %dma_start3A_316 = arith.constant 0 : i32
      %dma_start3A_317 = arith.constant 0 : i32
      %dma_start3A_318 = tpu.memref_slice %arg7[%dma_start3A_316, %dma_start3A_317] : memref<10240x128xf32, #tpu.memory_space<vmem_shared>> -> memref<10240x128xf32, #tpu.memory_space<vmem_shared>>
      tpu.enqueue_indirect_dma source(%arg10 : memref<128x128xf32, #tpu.memory_space<vmem>>) target(%dma_start3A_318 : memref<10240x128xf32, #tpu.memory_space<vmem_shared>>) offsets(%dma_start3A_315 : memref<128xi32, #tpu.memory_space<vmem>>) semaphore(%arg14 : memref<!tpu.dma_semaphore, #tpu.memory_space<semaphore_mem>>) {add = true}
      %dma_wait3A_319 = arith.constant 5 : i32
      %dma_wait3A_320 = arith.constant 0 : i32
      %dma_wait3A_321 = arith.constant 0 : i32
      %dma_wait3A_322 = tpu.memref_slice %arg9[%rem3A_21, %dma_wait3A_320, %dma_wait3A_321] : memref<2x16x128xi32, #tpu.memory_space<vmem>> -> memref<1x16x128xi32, #tpu.memory_space<vmem>>
      %dma_wait3A_323 = tpu.memref_squeeze %dma_wait3A_322 : memref<1x16x128xi32, #tpu.memory_space<vmem>> -> memref<16x128xi32, #tpu.memory_space<vmem>>
      %dma_wait3A_324 = arith.constant 0 : i32
      %dma_wait3A_325 = tpu.memref_slice %dma_wait3A_323[%dma_wait3A_319, %dma_wait3A_324] : memref<16x128xi32, #tpu.memory_space<vmem>> -> memref<1x128xi32, #tpu.memory_space<vmem>>
      %dma_wait3A_326 = tpu.memref_squeeze %dma_wait3A_325 : memref<1x128xi32, #tpu.memory_space<vmem>> -> memref<128xi32, #tpu.memory_space<vmem>>
      %dma_wait3A_327 = arith.constant 0 : i32
      %dma_wait3A_328 = arith.constant 0 : i32
      %dma_wait3A_329 = tpu.memref_slice %arg7[%dma_wait3A_327, %dma_wait3A_328] : memref<10240x128xf32, #tpu.memory_space<vmem_shared>> -> memref<10240x128xf32, #tpu.memory_space<vmem_shared>>
      tpu.wait_indirect_dma semaphore(%arg15 : memref<!tpu.dma_semaphore, #tpu.memory_space<semaphore_mem>>) src(%arg11 : memref<128x128xf32, #tpu.memory_space<vmem>>) dst(%dma_wait3A_329 : memref<10240x128xf32, #tpu.memory_space<vmem_shared>>)
      %dma_start3A_330 = arith.constant 7 : i32
      %dma_start3A_331 = arith.constant 0 : i32
      %dma_start3A_332 = arith.constant 0 : i32
      %dma_start3A_333 = tpu.memref_slice %arg8[%rem3A_21, %dma_start3A_331, %dma_start3A_332] : memref<2x16x128xi32, #tpu.memory_space<vmem>> -> memref<1x16x128xi32, #tpu.memory_space<vmem>>
      %dma_start3A_334 = tpu.memref_squeeze %dma_start3A_333 : memref<1x16x128xi32, #tpu.memory_space<vmem>> -> memref<16x128xi32, #tpu.memory_space<vmem>>
      %dma_start3A_335 = arith.constant 0 : i32
      %dma_start3A_336 = tpu.memref_slice %dma_start3A_334[%dma_start3A_330, %dma_start3A_335] : memref<16x128xi32, #tpu.memory_space<vmem>> -> memref<1x128xi32, #tpu.memory_space<vmem>>
      %dma_start3A_337 = tpu.memref_squeeze %dma_start3A_336 : memref<1x128xi32, #tpu.memory_space<vmem>> -> memref<128xi32, #tpu.memory_space<vmem>>
      %dma_start3A_338 = arith.constant 0 : i32
      %dma_start3A_339 = arith.constant 0 : i32
      %dma_start3A_340 = tpu.memref_slice %arg2[%dma_start3A_338, %dma_start3A_339] : memref<10000x128xf32, #tpu.memory_space<hbm>> -> memref<10000x128xf32, #tpu.memory_space<hbm>>
      tpu.enqueue_indirect_dma source(%dma_start3A_340 : memref<10000x128xf32, #tpu.memory_space<hbm>>) target(%arg11 : memref<128x128xf32, #tpu.memory_space<vmem>>) offsets(%dma_start3A_337 : memref<128xi32, #tpu.memory_space<vmem>>) semaphore(%arg13 : memref<!tpu.dma_semaphore, #tpu.memory_space<semaphore_mem>>)
      %dma_wait3A_341 = arith.constant 7 : i32
      %dma_wait3A_342 = arith.constant 0 : i32
      %dma_wait3A_343 = arith.constant 0 : i32
      %dma_wait3A_344 = tpu.memref_slice %arg8[%rem3A_21, %dma_wait3A_342, %dma_wait3A_343] : memref<2x16x128xi32, #tpu.memory_space<vmem>> -> memref<1x16x128xi32, #tpu.memory_space<vmem>>
      %dma_wait3A_345 = tpu.memref_squeeze %dma_wait3A_344 : memref<1x16x128xi32, #tpu.memory_space<vmem>> -> memref<16x128xi32, #tpu.memory_space<vmem>>
      %dma_wait3A_346 = arith.constant 0 : i32
      %dma_wait3A_347 = tpu.memref_slice %dma_wait3A_345[%dma_wait3A_341, %dma_wait3A_346] : memref<16x128xi32, #tpu.memory_space<vmem>> -> memref<1x128xi32, #tpu.memory_space<vmem>>
      %dma_wait3A_348 = tpu.memref_squeeze %dma_wait3A_347 : memref<1x128xi32, #tpu.memory_space<vmem>> -> memref<128xi32, #tpu.memory_space<vmem>>
      %dma_wait3A_349 = arith.constant 0 : i32
      %dma_wait3A_350 = arith.constant 0 : i32
      %dma_wait3A_351 = tpu.memref_slice %arg2[%dma_wait3A_349, %dma_wait3A_350] : memref<10000x128xf32, #tpu.memory_space<hbm>> -> memref<10000x128xf32, #tpu.memory_space<hbm>>
      tpu.wait_indirect_dma semaphore(%arg13 : memref<!tpu.dma_semaphore, #tpu.memory_space<semaphore_mem>>) src(%dma_wait3A_351 : memref<10000x128xf32, #tpu.memory_space<hbm>>) dst(%arg11 : memref<128x128xf32, #tpu.memory_space<vmem>>)
      %dma_start3A_352 = arith.constant 7 : i32
      %dma_start3A_353 = arith.constant 0 : i32
      %dma_start3A_354 = arith.constant 0 : i32
      %dma_start3A_355 = tpu.memref_slice %arg9[%rem3A_21, %dma_start3A_353, %dma_start3A_354] : memref<2x16x128xi32, #tpu.memory_space<vmem>> -> memref<1x16x128xi32, #tpu.memory_space<vmem>>
      %dma_start3A_356 = tpu.memref_squeeze %dma_start3A_355 : memref<1x16x128xi32, #tpu.memory_space<vmem>> -> memref<16x128xi32, #tpu.memory_space<vmem>>
      %dma_start3A_357 = arith.constant 0 : i32
      %dma_start3A_358 = tpu.memref_slice %dma_start3A_356[%dma_start3A_352, %dma_start3A_357] : memref<16x128xi32, #tpu.memory_space<vmem>> -> memref<1x128xi32, #tpu.memory_space<vmem>>
      %dma_start3A_359 = tpu.memref_squeeze %dma_start3A_358 : memref<1x128xi32, #tpu.memory_space<vmem>> -> memref<128xi32, #tpu.memory_space<vmem>>
      %dma_start3A_360 = arith.constant 0 : i32
      %dma_start3A_361 = arith.constant 0 : i32
      %dma_start3A_362 = tpu.memref_slice %arg7[%dma_start3A_360, %dma_start3A_361] : memref<10240x128xf32, #tpu.memory_space<vmem_shared>> -> memref<10240x128xf32, #tpu.memory_space<vmem_shared>>
      tpu.enqueue_indirect_dma source(%arg11 : memref<128x128xf32, #tpu.memory_space<vmem>>) target(%dma_start3A_362 : memref<10240x128xf32, #tpu.memory_space<vmem_shared>>) offsets(%dma_start3A_359 : memref<128xi32, #tpu.memory_space<vmem>>) semaphore(%arg15 : memref<!tpu.dma_semaphore, #tpu.memory_space<semaphore_mem>>) {add = true}
      %dma_wait3A_363 = arith.constant 6 : i32
      %dma_wait3A_364 = arith.constant 0 : i32
      %dma_wait3A_365 = arith.constant 0 : i32
      %dma_wait3A_366 = tpu.memref_slice %arg9[%rem3A_21, %dma_wait3A_364, %dma_wait3A_365] : memref<2x16x128xi32, #tpu.memory_space<vmem>> -> memref<1x16x128xi32, #tpu.memory_space<vmem>>
      %dma_wait3A_367 = tpu.memref_squeeze %dma_wait3A_366 : memref<1x16x128xi32, #tpu.memory_space<vmem>> -> memref<16x128xi32, #tpu.memory_space<vmem>>
      %dma_wait3A_368 = arith.constant 0 : i32
      %dma_wait3A_369 = tpu.memref_slice %dma_wait3A_367[%dma_wait3A_363, %dma_wait3A_368] : memref<16x128xi32, #tpu.memory_space<vmem>> -> memref<1x128xi32, #tpu.memory_space<vmem>>
      %dma_wait3A_370 = tpu.memref_squeeze %dma_wait3A_369 : memref<1x128xi32, #tpu.memory_space<vmem>> -> memref<128xi32, #tpu.memory_space<vmem>>
      %dma_wait3A_371 = arith.constant 0 : i32
      %dma_wait3A_372 = arith.constant 0 : i32
      %dma_wait3A_373 = tpu.memref_slice %arg7[%dma_wait3A_371, %dma_wait3A_372] : memref<10240x128xf32, #tpu.memory_space<vmem_shared>> -> memref<10240x128xf32, #tpu.memory_space<vmem_shared>>
      tpu.wait_indirect_dma semaphore(%arg14 : memref<!tpu.dma_semaphore, #tpu.memory_space<semaphore_mem>>) src(%arg10 : memref<128x128xf32, #tpu.memory_space<vmem>>) dst(%dma_wait3A_373 : memref<10240x128xf32, #tpu.memory_space<vmem_shared>>)
      %dma_start3A_374 = arith.constant 8 : i32
      %dma_start3A_375 = arith.constant 0 : i32
      %dma_start3A_376 = arith.constant 0 : i32
      %dma_start3A_377 = tpu.memref_slice %arg8[%rem3A_21, %dma_start3A_375, %dma_start3A_376] : memref<2x16x128xi32, #tpu.memory_space<vmem>> -> memref<1x16x128xi32, #tpu.memory_space<vmem>>
      %dma_start3A_378 = tpu.memref_squeeze %dma_start3A_377 : memref<1x16x128xi32, #tpu.memory_space<vmem>> -> memref<16x128xi32, #tpu.memory_space<vmem>>
      %dma_start3A_379 = arith.constant 0 : i32
      %dma_start3A_380 = tpu.memref_slice %dma_start3A_378[%dma_start3A_374, %dma_start3A_379] : memref<16x128xi32, #tpu.memory_space<vmem>> -> memref<1x128xi32, #tpu.memory_space<vmem>>
      %dma_start3A_381 = tpu.memref_squeeze %dma_start3A_380 : memref<1x128xi32, #tpu.memory_space<vmem>> -> memref<128xi32, #tpu.memory_space<vmem>>
      %dma_start3A_382 = arith.constant 0 : i32
      %dma_start3A_383 = arith.constant 0 : i32
      %dma_start3A_384 = tpu.memref_slice %arg2[%dma_start3A_382, %dma_start3A_383] : memref<10000x128xf32, #tpu.memory_space<hbm>> -> memref<10000x128xf32, #tpu.memory_space<hbm>>
      tpu.enqueue_indirect_dma source(%dma_start3A_384 : memref<10000x128xf32, #tpu.memory_space<hbm>>) target(%arg10 : memref<128x128xf32, #tpu.memory_space<vmem>>) offsets(%dma_start3A_381 : memref<128xi32, #tpu.memory_space<vmem>>) semaphore(%arg12 : memref<!tpu.dma_semaphore, #tpu.memory_space<semaphore_mem>>)
      %dma_wait3A_385 = arith.constant 8 : i32
      %dma_wait3A_386 = arith.constant 0 : i32
      %dma_wait3A_387 = arith.constant 0 : i32
      %dma_wait3A_388 = tpu.memref_slice %arg8[%rem3A_21, %dma_wait3A_386, %dma_wait3A_387] : memref<2x16x128xi32, #tpu.memory_space<vmem>> -> memref<1x16x128xi32, #tpu.memory_space<vmem>>
      %dma_wait3A_389 = tpu.memref_squeeze %dma_wait3A_388 : memref<1x16x128xi32, #tpu.memory_space<vmem>> -> memref<16x128xi32, #tpu.memory_space<vmem>>
      %dma_wait3A_390 = arith.constant 0 : i32
      %dma_wait3A_391 = tpu.memref_slice %dma_wait3A_389[%dma_wait3A_385, %dma_wait3A_390] : memref<16x128xi32, #tpu.memory_space<vmem>> -> memref<1x128xi32, #tpu.memory_space<vmem>>
      %dma_wait3A_392 = tpu.memref_squeeze %dma_wait3A_391 : memref<1x128xi32, #tpu.memory_space<vmem>> -> memref<128xi32, #tpu.memory_space<vmem>>
      %dma_wait3A_393 = arith.constant 0 : i32
      %dma_wait3A_394 = arith.constant 0 : i32
      %dma_wait3A_395 = tpu.memref_slice %arg2[%dma_wait3A_393, %dma_wait3A_394] : memref<10000x128xf32, #tpu.memory_space<hbm>> -> memref<10000x128xf32, #tpu.memory_space<hbm>>
      tpu.wait_indirect_dma semaphore(%arg12 : memref<!tpu.dma_semaphore, #tpu.memory_space<semaphore_mem>>) src(%dma_wait3A_395 : memref<10000x128xf32, #tpu.memory_space<hbm>>) dst(%arg10 : memref<128x128xf32, #tpu.memory_space<vmem>>)
      %dma_start3A_396 = arith.constant 8 : i32
      %dma_start3A_397 = arith.constant 0 : i32
      %dma_start3A_398 = arith.constant 0 : i32
      %dma_start3A_399 = tpu.memref_slice %arg9[%rem3A_21, %dma_start3A_397, %dma_start3A_398] : memref<2x16x128xi32, #tpu.memory_space<vmem>> -> memref<1x16x128xi32, #tpu.memory_space<vmem>>
      %dma_start3A_400 = tpu.memref_squeeze %dma_start3A_399 : memref<1x16x128xi32, #tpu.memory_space<vmem>> -> memref<16x128xi32, #tpu.memory_space<vmem>>
      %dma_start3A_401 = arith.constant 0 : i32
      %dma_start3A_402 = tpu.memref_slice %dma_start3A_400[%dma_start3A_396, %dma_start3A_401] : memref<16x128xi32, #tpu.memory_space<vmem>> -> memref<1x128xi32, #tpu.memory_space<vmem>>
      %dma_start3A_403 = tpu.memref_squeeze %dma_start3A_402 : memref<1x128xi32, #tpu.memory_space<vmem>> -> memref<128xi32, #tpu.memory_space<vmem>>
      %dma_start3A_404 = arith.constant 0 : i32
      %dma_start3A_405 = arith.constant 0 : i32
      %dma_start3A_406 = tpu.memref_slice %arg7[%dma_start3A_404, %dma_start3A_405] : memref<10240x128xf32, #tpu.memory_space<vmem_shared>> -> memref<10240x128xf32, #tpu.memory_space<vmem_shared>>
      tpu.enqueue_indirect_dma source(%arg10 : memref<128x128xf32, #tpu.memory_space<vmem>>) target(%dma_start3A_406 : memref<10240x128xf32, #tpu.memory_space<vmem_shared>>) offsets(%dma_start3A_403 : memref<128xi32, #tpu.memory_space<vmem>>) semaphore(%arg14 : memref<!tpu.dma_semaphore, #tpu.memory_space<semaphore_mem>>) {add = true}
      %dma_wait3A_407 = arith.constant 7 : i32
      %dma_wait3A_408 = arith.constant 0 : i32
      %dma_wait3A_409 = arith.constant 0 : i32
      %dma_wait3A_410 = tpu.memref_slice %arg9[%rem3A_21, %dma_wait3A_408, %dma_wait3A_409] : memref<2x16x128xi32, #tpu.memory_space<vmem>> -> memref<1x16x128xi32, #tpu.memory_space<vmem>>
      %dma_wait3A_411 = tpu.memref_squeeze %dma_wait3A_410 : memref<1x16x128xi32, #tpu.memory_space<vmem>> -> memref<16x128xi32, #tpu.memory_space<vmem>>
      %dma_wait3A_412 = arith.constant 0 : i32
      %dma_wait3A_413 = tpu.memref_slice %dma_wait3A_411[%dma_wait3A_407, %dma_wait3A_412] : memref<16x128xi32, #tpu.memory_space<vmem>> -> memref<1x128xi32, #tpu.memory_space<vmem>>
      %dma_wait3A_414 = tpu.memref_squeeze %dma_wait3A_413 : memref<1x128xi32, #tpu.memory_space<vmem>> -> memref<128xi32, #tpu.memory_space<vmem>>
      %dma_wait3A_415 = arith.constant 0 : i32
      %dma_wait3A_416 = arith.constant 0 : i32
      %dma_wait3A_417 = tpu.memref_slice %arg7[%dma_wait3A_415, %dma_wait3A_416] : memref<10240x128xf32, #tpu.memory_space<vmem_shared>> -> memref<10240x128xf32, #tpu.memory_space<vmem_shared>>
      tpu.wait_indirect_dma semaphore(%arg15 : memref<!tpu.dma_semaphore, #tpu.memory_space<semaphore_mem>>) src(%arg11 : memref<128x128xf32, #tpu.memory_space<vmem>>) dst(%dma_wait3A_417 : memref<10240x128xf32, #tpu.memory_space<vmem_shared>>)
      %dma_start3A_418 = arith.constant 9 : i32
      %dma_start3A_419 = arith.constant 0 : i32
      %dma_start3A_420 = arith.constant 0 : i32
      %dma_start3A_421 = tpu.memref_slice %arg8[%rem3A_21, %dma_start3A_419, %dma_start3A_420] : memref<2x16x128xi32, #tpu.memory_space<vmem>> -> memref<1x16x128xi32, #tpu.memory_space<vmem>>
      %dma_start3A_422 = tpu.memref_squeeze %dma_start3A_421 : memref<1x16x128xi32, #tpu.memory_space<vmem>> -> memref<16x128xi32, #tpu.memory_space<vmem>>
      %dma_start3A_423 = arith.constant 0 : i32
      %dma_start3A_424 = tpu.memref_slice %dma_start3A_422[%dma_start3A_418, %dma_start3A_423] : memref<16x128xi32, #tpu.memory_space<vmem>> -> memref<1x128xi32, #tpu.memory_space<vmem>>
      %dma_start3A_425 = tpu.memref_squeeze %dma_start3A_424 : memref<1x128xi32, #tpu.memory_space<vmem>> -> memref<128xi32, #tpu.memory_space<vmem>>
      %dma_start3A_426 = arith.constant 0 : i32
      %dma_start3A_427 = arith.constant 0 : i32
      %dma_start3A_428 = tpu.memref_slice %arg2[%dma_start3A_426, %dma_start3A_427] : memref<10000x128xf32, #tpu.memory_space<hbm>> -> memref<10000x128xf32, #tpu.memory_space<hbm>>
      tpu.enqueue_indirect_dma source(%dma_start3A_428 : memref<10000x128xf32, #tpu.memory_space<hbm>>) target(%arg11 : memref<128x128xf32, #tpu.memory_space<vmem>>) offsets(%dma_start3A_425 : memref<128xi32, #tpu.memory_space<vmem>>) semaphore(%arg13 : memref<!tpu.dma_semaphore, #tpu.memory_space<semaphore_mem>>)
      %dma_wait3A_429 = arith.constant 9 : i32
      %dma_wait3A_430 = arith.constant 0 : i32
      %dma_wait3A_431 = arith.constant 0 : i32
      %dma_wait3A_432 = tpu.memref_slice %arg8[%rem3A_21, %dma_wait3A_430, %dma_wait3A_431] : memref<2x16x128xi32, #tpu.memory_space<vmem>> -> memref<1x16x128xi32, #tpu.memory_space<vmem>>
      %dma_wait3A_433 = tpu.memref_squeeze %dma_wait3A_432 : memref<1x16x128xi32, #tpu.memory_space<vmem>> -> memref<16x128xi32, #tpu.memory_space<vmem>>
      %dma_wait3A_434 = arith.constant 0 : i32
      %dma_wait3A_435 = tpu.memref_slice %dma_wait3A_433[%dma_wait3A_429, %dma_wait3A_434] : memref<16x128xi32, #tpu.memory_space<vmem>> -> memref<1x128xi32, #tpu.memory_space<vmem>>
      %dma_wait3A_436 = tpu.memref_squeeze %dma_wait3A_435 : memref<1x128xi32, #tpu.memory_space<vmem>> -> memref<128xi32, #tpu.memory_space<vmem>>
      %dma_wait3A_437 = arith.constant 0 : i32
      %dma_wait3A_438 = arith.constant 0 : i32
      %dma_wait3A_439 = tpu.memref_slice %arg2[%dma_wait3A_437, %dma_wait3A_438] : memref<10000x128xf32, #tpu.memory_space<hbm>> -> memref<10000x128xf32, #tpu.memory_space<hbm>>
      tpu.wait_indirect_dma semaphore(%arg13 : memref<!tpu.dma_semaphore, #tpu.memory_space<semaphore_mem>>) src(%dma_wait3A_439 : memref<10000x128xf32, #tpu.memory_space<hbm>>) dst(%arg11 : memref<128x128xf32, #tpu.memory_space<vmem>>)
      %dma_start3A_440 = arith.constant 9 : i32
      %dma_start3A_441 = arith.constant 0 : i32
      %dma_start3A_442 = arith.constant 0 : i32
      %dma_start3A_443 = tpu.memref_slice %arg9[%rem3A_21, %dma_start3A_441, %dma_start3A_442] : memref<2x16x128xi32, #tpu.memory_space<vmem>> -> memref<1x16x128xi32, #tpu.memory_space<vmem>>
      %dma_start3A_444 = tpu.memref_squeeze %dma_start3A_443 : memref<1x16x128xi32, #tpu.memory_space<vmem>> -> memref<16x128xi32, #tpu.memory_space<vmem>>
      %dma_start3A_445 = arith.constant 0 : i32
      %dma_start3A_446 = tpu.memref_slice %dma_start3A_444[%dma_start3A_440, %dma_start3A_445] : memref<16x128xi32, #tpu.memory_space<vmem>> -> memref<1x128xi32, #tpu.memory_space<vmem>>
      %dma_start3A_447 = tpu.memref_squeeze %dma_start3A_446 : memref<1x128xi32, #tpu.memory_space<vmem>> -> memref<128xi32, #tpu.memory_space<vmem>>
      %dma_start3A_448 = arith.constant 0 : i32
      %dma_start3A_449 = arith.constant 0 : i32
      %dma_start3A_450 = tpu.memref_slice %arg7[%dma_start3A_448, %dma_start3A_449] : memref<10240x128xf32, #tpu.memory_space<vmem_shared>> -> memref<10240x128xf32, #tpu.memory_space<vmem_shared>>
      tpu.enqueue_indirect_dma source(%arg11 : memref<128x128xf32, #tpu.memory_space<vmem>>) target(%dma_start3A_450 : memref<10240x128xf32, #tpu.memory_space<vmem_shared>>) offsets(%dma_start3A_447 : memref<128xi32, #tpu.memory_space<vmem>>) semaphore(%arg15 : memref<!tpu.dma_semaphore, #tpu.memory_space<semaphore_mem>>) {add = true}
      %dma_wait3A_451 = arith.constant 8 : i32
      %dma_wait3A_452 = arith.constant 0 : i32
      %dma_wait3A_453 = arith.constant 0 : i32
      %dma_wait3A_454 = tpu.memref_slice %arg9[%rem3A_21, %dma_wait3A_452, %dma_wait3A_453] : memref<2x16x128xi32, #tpu.memory_space<vmem>> -> memref<1x16x128xi32, #tpu.memory_space<vmem>>
      %dma_wait3A_455 = tpu.memref_squeeze %dma_wait3A_454 : memref<1x16x128xi32, #tpu.memory_space<vmem>> -> memref<16x128xi32, #tpu.memory_space<vmem>>
      %dma_wait3A_456 = arith.constant 0 : i32
      %dma_wait3A_457 = tpu.memref_slice %dma_wait3A_455[%dma_wait3A_451, %dma_wait3A_456] : memref<16x128xi32, #tpu.memory_space<vmem>> -> memref<1x128xi32, #tpu.memory_space<vmem>>
      %dma_wait3A_458 = tpu.memref_squeeze %dma_wait3A_457 : memref<1x128xi32, #tpu.memory_space<vmem>> -> memref<128xi32, #tpu.memory_space<vmem>>
      %dma_wait3A_459 = arith.constant 0 : i32
      %dma_wait3A_460 = arith.constant 0 : i32
      %dma_wait3A_461 = tpu.memref_slice %arg7[%dma_wait3A_459, %dma_wait3A_460] : memref<10240x128xf32, #tpu.memory_space<vmem_shared>> -> memref<10240x128xf32, #tpu.memory_space<vmem_shared>>
      tpu.wait_indirect_dma semaphore(%arg14 : memref<!tpu.dma_semaphore, #tpu.memory_space<semaphore_mem>>) src(%arg10 : memref<128x128xf32, #tpu.memory_space<vmem>>) dst(%dma_wait3A_461 : memref<10240x128xf32, #tpu.memory_space<vmem_shared>>)
      %dma_start3A_462 = arith.constant 10 : i32
      %dma_start3A_463 = arith.constant 0 : i32
      %dma_start3A_464 = arith.constant 0 : i32
      %dma_start3A_465 = tpu.memref_slice %arg8[%rem3A_21, %dma_start3A_463, %dma_start3A_464] : memref<2x16x128xi32, #tpu.memory_space<vmem>> -> memref<1x16x128xi32, #tpu.memory_space<vmem>>
      %dma_start3A_466 = tpu.memref_squeeze %dma_start3A_465 : memref<1x16x128xi32, #tpu.memory_space<vmem>> -> memref<16x128xi32, #tpu.memory_space<vmem>>
      %dma_start3A_467 = arith.constant 0 : i32
      %dma_start3A_468 = tpu.memref_slice %dma_start3A_466[%dma_start3A_462, %dma_start3A_467] : memref<16x128xi32, #tpu.memory_space<vmem>> -> memref<1x128xi32, #tpu.memory_space<vmem>>
      %dma_start3A_469 = tpu.memref_squeeze %dma_start3A_468 : memref<1x128xi32, #tpu.memory_space<vmem>> -> memref<128xi32, #tpu.memory_space<vmem>>
      %dma_start3A_470 = arith.constant 0 : i32
      %dma_start3A_471 = arith.constant 0 : i32
      %dma_start3A_472 = tpu.memref_slice %arg2[%dma_start3A_470, %dma_start3A_471] : memref<10000x128xf32, #tpu.memory_space<hbm>> -> memref<10000x128xf32, #tpu.memory_space<hbm>>
      tpu.enqueue_indirect_dma source(%dma_start3A_472 : memref<10000x128xf32, #tpu.memory_space<hbm>>) target(%arg10 : memref<128x128xf32, #tpu.memory_space<vmem>>) offsets(%dma_start3A_469 : memref<128xi32, #tpu.memory_space<vmem>>) semaphore(%arg12 : memref<!tpu.dma_semaphore, #tpu.memory_space<semaphore_mem>>)
      %dma_wait3A_473 = arith.constant 10 : i32
      %dma_wait3A_474 = arith.constant 0 : i32
      %dma_wait3A_475 = arith.constant 0 : i32
      %dma_wait3A_476 = tpu.memref_slice %arg8[%rem3A_21, %dma_wait3A_474, %dma_wait3A_475] : memref<2x16x128xi32, #tpu.memory_space<vmem>> -> memref<1x16x128xi32, #tpu.memory_space<vmem>>
      %dma_wait3A_477 = tpu.memref_squeeze %dma_wait3A_476 : memref<1x16x128xi32, #tpu.memory_space<vmem>> -> memref<16x128xi32, #tpu.memory_space<vmem>>
      %dma_wait3A_478 = arith.constant 0 : i32
      %dma_wait3A_479 = tpu.memref_slice %dma_wait3A_477[%dma_wait3A_473, %dma_wait3A_478] : memref<16x128xi32, #tpu.memory_space<vmem>> -> memref<1x128xi32, #tpu.memory_space<vmem>>
      %dma_wait3A_480 = tpu.memref_squeeze %dma_wait3A_479 : memref<1x128xi32, #tpu.memory_space<vmem>> -> memref<128xi32, #tpu.memory_space<vmem>>
      %dma_wait3A_481 = arith.constant 0 : i32
      %dma_wait3A_482 = arith.constant 0 : i32
      %dma_wait3A_483 = tpu.memref_slice %arg2[%dma_wait3A_481, %dma_wait3A_482] : memref<10000x128xf32, #tpu.memory_space<hbm>> -> memref<10000x128xf32, #tpu.memory_space<hbm>>
      tpu.wait_indirect_dma semaphore(%arg12 : memref<!tpu.dma_semaphore, #tpu.memory_space<semaphore_mem>>) src(%dma_wait3A_483 : memref<10000x128xf32, #tpu.memory_space<hbm>>) dst(%arg10 : memref<128x128xf32, #tpu.memory_space<vmem>>)
      %dma_start3A_484 = arith.constant 10 : i32
      %dma_start3A_485 = arith.constant 0 : i32
      %dma_start3A_486 = arith.constant 0 : i32
      %dma_start3A_487 = tpu.memref_slice %arg9[%rem3A_21, %dma_start3A_485, %dma_start3A_486] : memref<2x16x128xi32, #tpu.memory_space<vmem>> -> memref<1x16x128xi32, #tpu.memory_space<vmem>>
      %dma_start3A_488 = tpu.memref_squeeze %dma_start3A_487 : memref<1x16x128xi32, #tpu.memory_space<vmem>> -> memref<16x128xi32, #tpu.memory_space<vmem>>
      %dma_start3A_489 = arith.constant 0 : i32
      %dma_start3A_490 = tpu.memref_slice %dma_start3A_488[%dma_start3A_484, %dma_start3A_489] : memref<16x128xi32, #tpu.memory_space<vmem>> -> memref<1x128xi32, #tpu.memory_space<vmem>>
      %dma_start3A_491 = tpu.memref_squeeze %dma_start3A_490 : memref<1x128xi32, #tpu.memory_space<vmem>> -> memref<128xi32, #tpu.memory_space<vmem>>
      %dma_start3A_492 = arith.constant 0 : i32
      %dma_start3A_493 = arith.constant 0 : i32
      %dma_start3A_494 = tpu.memref_slice %arg7[%dma_start3A_492, %dma_start3A_493] : memref<10240x128xf32, #tpu.memory_space<vmem_shared>> -> memref<10240x128xf32, #tpu.memory_space<vmem_shared>>
      tpu.enqueue_indirect_dma source(%arg10 : memref<128x128xf32, #tpu.memory_space<vmem>>) target(%dma_start3A_494 : memref<10240x128xf32, #tpu.memory_space<vmem_shared>>) offsets(%dma_start3A_491 : memref<128xi32, #tpu.memory_space<vmem>>) semaphore(%arg14 : memref<!tpu.dma_semaphore, #tpu.memory_space<semaphore_mem>>) {add = true}
      %dma_wait3A_495 = arith.constant 9 : i32
      %dma_wait3A_496 = arith.constant 0 : i32
      %dma_wait3A_497 = arith.constant 0 : i32
      %dma_wait3A_498 = tpu.memref_slice %arg9[%rem3A_21, %dma_wait3A_496, %dma_wait3A_497] : memref<2x16x128xi32, #tpu.memory_space<vmem>> -> memref<1x16x128xi32, #tpu.memory_space<vmem>>
      %dma_wait3A_499 = tpu.memref_squeeze %dma_wait3A_498 : memref<1x16x128xi32, #tpu.memory_space<vmem>> -> memref<16x128xi32, #tpu.memory_space<vmem>>
      %dma_wait3A_500 = arith.constant 0 : i32
      %dma_wait3A_501 = tpu.memref_slice %dma_wait3A_499[%dma_wait3A_495, %dma_wait3A_500] : memref<16x128xi32, #tpu.memory_space<vmem>> -> memref<1x128xi32, #tpu.memory_space<vmem>>
      %dma_wait3A_502 = tpu.memref_squeeze %dma_wait3A_501 : memref<1x128xi32, #tpu.memory_space<vmem>> -> memref<128xi32, #tpu.memory_space<vmem>>
      %dma_wait3A_503 = arith.constant 0 : i32
      %dma_wait3A_504 = arith.constant 0 : i32
      %dma_wait3A_505 = tpu.memref_slice %arg7[%dma_wait3A_503, %dma_wait3A_504] : memref<10240x128xf32, #tpu.memory_space<vmem_shared>> -> memref<10240x128xf32, #tpu.memory_space<vmem_shared>>
      tpu.wait_indirect_dma semaphore(%arg15 : memref<!tpu.dma_semaphore, #tpu.memory_space<semaphore_mem>>) src(%arg11 : memref<128x128xf32, #tpu.memory_space<vmem>>) dst(%dma_wait3A_505 : memref<10240x128xf32, #tpu.memory_space<vmem_shared>>)
      %dma_start3A_506 = arith.constant 11 : i32
      %dma_start3A_507 = arith.constant 0 : i32
      %dma_start3A_508 = arith.constant 0 : i32
      %dma_start3A_509 = tpu.memref_slice %arg8[%rem3A_21, %dma_start3A_507, %dma_start3A_508] : memref<2x16x128xi32, #tpu.memory_space<vmem>> -> memref<1x16x128xi32, #tpu.memory_space<vmem>>
      %dma_start3A_510 = tpu.memref_squeeze %dma_start3A_509 : memref<1x16x128xi32, #tpu.memory_space<vmem>> -> memref<16x128xi32, #tpu.memory_space<vmem>>
      %dma_start3A_511 = arith.constant 0 : i32
      %dma_start3A_512 = tpu.memref_slice %dma_start3A_510[%dma_start3A_506, %dma_start3A_511] : memref<16x128xi32, #tpu.memory_space<vmem>> -> memref<1x128xi32, #tpu.memory_space<vmem>>
      %dma_start3A_513 = tpu.memref_squeeze %dma_start3A_512 : memref<1x128xi32, #tpu.memory_space<vmem>> -> memref<128xi32, #tpu.memory_space<vmem>>
      %dma_start3A_514 = arith.constant 0 : i32
      %dma_start3A_515 = arith.constant 0 : i32
      %dma_start3A_516 = tpu.memref_slice %arg2[%dma_start3A_514, %dma_start3A_515] : memref<10000x128xf32, #tpu.memory_space<hbm>> -> memref<10000x128xf32, #tpu.memory_space<hbm>>
      tpu.enqueue_indirect_dma source(%dma_start3A_516 : memref<10000x128xf32, #tpu.memory_space<hbm>>) target(%arg11 : memref<128x128xf32, #tpu.memory_space<vmem>>) offsets(%dma_start3A_513 : memref<128xi32, #tpu.memory_space<vmem>>) semaphore(%arg13 : memref<!tpu.dma_semaphore, #tpu.memory_space<semaphore_mem>>)
      %dma_wait3A_517 = arith.constant 11 : i32
      %dma_wait3A_518 = arith.constant 0 : i32
      %dma_wait3A_519 = arith.constant 0 : i32
      %dma_wait3A_520 = tpu.memref_slice %arg8[%rem3A_21, %dma_wait3A_518, %dma_wait3A_519] : memref<2x16x128xi32, #tpu.memory_space<vmem>> -> memref<1x16x128xi32, #tpu.memory_space<vmem>>
      %dma_wait3A_521 = tpu.memref_squeeze %dma_wait3A_520 : memref<1x16x128xi32, #tpu.memory_space<vmem>> -> memref<16x128xi32, #tpu.memory_space<vmem>>
      %dma_wait3A_522 = arith.constant 0 : i32
      %dma_wait3A_523 = tpu.memref_slice %dma_wait3A_521[%dma_wait3A_517, %dma_wait3A_522] : memref<16x128xi32, #tpu.memory_space<vmem>> -> memref<1x128xi32, #tpu.memory_space<vmem>>
      %dma_wait3A_524 = tpu.memref_squeeze %dma_wait3A_523 : memref<1x128xi32, #tpu.memory_space<vmem>> -> memref<128xi32, #tpu.memory_space<vmem>>
      %dma_wait3A_525 = arith.constant 0 : i32
      %dma_wait3A_526 = arith.constant 0 : i32
      %dma_wait3A_527 = tpu.memref_slice %arg2[%dma_wait3A_525, %dma_wait3A_526] : memref<10000x128xf32, #tpu.memory_space<hbm>> -> memref<10000x128xf32, #tpu.memory_space<hbm>>
      tpu.wait_indirect_dma semaphore(%arg13 : memref<!tpu.dma_semaphore, #tpu.memory_space<semaphore_mem>>) src(%dma_wait3A_527 : memref<10000x128xf32, #tpu.memory_space<hbm>>) dst(%arg11 : memref<128x128xf32, #tpu.memory_space<vmem>>)
      %dma_start3A_528 = arith.constant 11 : i32
      %dma_start3A_529 = arith.constant 0 : i32
      %dma_start3A_530 = arith.constant 0 : i32
      %dma_start3A_531 = tpu.memref_slice %arg9[%rem3A_21, %dma_start3A_529, %dma_start3A_530] : memref<2x16x128xi32, #tpu.memory_space<vmem>> -> memref<1x16x128xi32, #tpu.memory_space<vmem>>
      %dma_start3A_532 = tpu.memref_squeeze %dma_start3A_531 : memref<1x16x128xi32, #tpu.memory_space<vmem>> -> memref<16x128xi32, #tpu.memory_space<vmem>>
      %dma_start3A_533 = arith.constant 0 : i32
      %dma_start3A_534 = tpu.memref_slice %dma_start3A_532[%dma_start3A_528, %dma_start3A_533] : memref<16x128xi32, #tpu.memory_space<vmem>> -> memref<1x128xi32, #tpu.memory_space<vmem>>
      %dma_start3A_535 = tpu.memref_squeeze %dma_start3A_534 : memref<1x128xi32, #tpu.memory_space<vmem>> -> memref<128xi32, #tpu.memory_space<vmem>>
      %dma_start3A_536 = arith.constant 0 : i32
      %dma_start3A_537 = arith.constant 0 : i32
      %dma_start3A_538 = tpu.memref_slice %arg7[%dma_start3A_536, %dma_start3A_537] : memref<10240x128xf32, #tpu.memory_space<vmem_shared>> -> memref<10240x128xf32, #tpu.memory_space<vmem_shared>>
      tpu.enqueue_indirect_dma source(%arg11 : memref<128x128xf32, #tpu.memory_space<vmem>>) target(%dma_start3A_538 : memref<10240x128xf32, #tpu.memory_space<vmem_shared>>) offsets(%dma_start3A_535 : memref<128xi32, #tpu.memory_space<vmem>>) semaphore(%arg15 : memref<!tpu.dma_semaphore, #tpu.memory_space<semaphore_mem>>) {add = true}
      %dma_wait3A_539 = arith.constant 10 : i32
      %dma_wait3A_540 = arith.constant 0 : i32
      %dma_wait3A_541 = arith.constant 0 : i32
      %dma_wait3A_542 = tpu.memref_slice %arg9[%rem3A_21, %dma_wait3A_540, %dma_wait3A_541] : memref<2x16x128xi32, #tpu.memory_space<vmem>> -> memref<1x16x128xi32, #tpu.memory_space<vmem>>
      %dma_wait3A_543 = tpu.memref_squeeze %dma_wait3A_542 : memref<1x16x128xi32, #tpu.memory_space<vmem>> -> memref<16x128xi32, #tpu.memory_space<vmem>>
      %dma_wait3A_544 = arith.constant 0 : i32
      %dma_wait3A_545 = tpu.memref_slice %dma_wait3A_543[%dma_wait3A_539, %dma_wait3A_544] : memref<16x128xi32, #tpu.memory_space<vmem>> -> memref<1x128xi32, #tpu.memory_space<vmem>>
      %dma_wait3A_546 = tpu.memref_squeeze %dma_wait3A_545 : memref<1x128xi32, #tpu.memory_space<vmem>> -> memref<128xi32, #tpu.memory_space<vmem>>
      %dma_wait3A_547 = arith.constant 0 : i32
      %dma_wait3A_548 = arith.constant 0 : i32
      %dma_wait3A_549 = tpu.memref_slice %arg7[%dma_wait3A_547, %dma_wait3A_548] : memref<10240x128xf32, #tpu.memory_space<vmem_shared>> -> memref<10240x128xf32, #tpu.memory_space<vmem_shared>>
      tpu.wait_indirect_dma semaphore(%arg14 : memref<!tpu.dma_semaphore, #tpu.memory_space<semaphore_mem>>) src(%arg10 : memref<128x128xf32, #tpu.memory_space<vmem>>) dst(%dma_wait3A_549 : memref<10240x128xf32, #tpu.memory_space<vmem_shared>>)
      %dma_start3A_550 = arith.constant 12 : i32
      %dma_start3A_551 = arith.constant 0 : i32
      %dma_start3A_552 = arith.constant 0 : i32
      %dma_start3A_553 = tpu.memref_slice %arg8[%rem3A_21, %dma_start3A_551, %dma_start3A_552] : memref<2x16x128xi32, #tpu.memory_space<vmem>> -> memref<1x16x128xi32, #tpu.memory_space<vmem>>
      %dma_start3A_554 = tpu.memref_squeeze %dma_start3A_553 : memref<1x16x128xi32, #tpu.memory_space<vmem>> -> memref<16x128xi32, #tpu.memory_space<vmem>>
      %dma_start3A_555 = arith.constant 0 : i32
      %dma_start3A_556 = tpu.memref_slice %dma_start3A_554[%dma_start3A_550, %dma_start3A_555] : memref<16x128xi32, #tpu.memory_space<vmem>> -> memref<1x128xi32, #tpu.memory_space<vmem>>
      %dma_start3A_557 = tpu.memref_squeeze %dma_start3A_556 : memref<1x128xi32, #tpu.memory_space<vmem>> -> memref<128xi32, #tpu.memory_space<vmem>>
      %dma_start3A_558 = arith.constant 0 : i32
      %dma_start3A_559 = arith.constant 0 : i32
      %dma_start3A_560 = tpu.memref_slice %arg2[%dma_start3A_558, %dma_start3A_559] : memref<10000x128xf32, #tpu.memory_space<hbm>> -> memref<10000x128xf32, #tpu.memory_space<hbm>>
      tpu.enqueue_indirect_dma source(%dma_start3A_560 : memref<10000x128xf32, #tpu.memory_space<hbm>>) target(%arg10 : memref<128x128xf32, #tpu.memory_space<vmem>>) offsets(%dma_start3A_557 : memref<128xi32, #tpu.memory_space<vmem>>) semaphore(%arg12 : memref<!tpu.dma_semaphore, #tpu.memory_space<semaphore_mem>>)
      %dma_wait3A_561 = arith.constant 12 : i32
      %dma_wait3A_562 = arith.constant 0 : i32
      %dma_wait3A_563 = arith.constant 0 : i32
      %dma_wait3A_564 = tpu.memref_slice %arg8[%rem3A_21, %dma_wait3A_562, %dma_wait3A_563] : memref<2x16x128xi32, #tpu.memory_space<vmem>> -> memref<1x16x128xi32, #tpu.memory_space<vmem>>
      %dma_wait3A_565 = tpu.memref_squeeze %dma_wait3A_564 : memref<1x16x128xi32, #tpu.memory_space<vmem>> -> memref<16x128xi32, #tpu.memory_space<vmem>>
      %dma_wait3A_566 = arith.constant 0 : i32
      %dma_wait3A_567 = tpu.memref_slice %dma_wait3A_565[%dma_wait3A_561, %dma_wait3A_566] : memref<16x128xi32, #tpu.memory_space<vmem>> -> memref<1x128xi32, #tpu.memory_space<vmem>>
      %dma_wait3A_568 = tpu.memref_squeeze %dma_wait3A_567 : memref<1x128xi32, #tpu.memory_space<vmem>> -> memref<128xi32, #tpu.memory_space<vmem>>
      %dma_wait3A_569 = arith.constant 0 : i32
      %dma_wait3A_570 = arith.constant 0 : i32
      %dma_wait3A_571 = tpu.memref_slice %arg2[%dma_wait3A_569, %dma_wait3A_570] : memref<10000x128xf32, #tpu.memory_space<hbm>> -> memref<10000x128xf32, #tpu.memory_space<hbm>>
      tpu.wait_indirect_dma semaphore(%arg12 : memref<!tpu.dma_semaphore, #tpu.memory_space<semaphore_mem>>) src(%dma_wait3A_571 : memref<10000x128xf32, #tpu.memory_space<hbm>>) dst(%arg10 : memref<128x128xf32, #tpu.memory_space<vmem>>)
      %dma_start3A_572 = arith.constant 12 : i32
      %dma_start3A_573 = arith.constant 0 : i32
      %dma_start3A_574 = arith.constant 0 : i32
      %dma_start3A_575 = tpu.memref_slice %arg9[%rem3A_21, %dma_start3A_573, %dma_start3A_574] : memref<2x16x128xi32, #tpu.memory_space<vmem>> -> memref<1x16x128xi32, #tpu.memory_space<vmem>>
      %dma_start3A_576 = tpu.memref_squeeze %dma_start3A_575 : memref<1x16x128xi32, #tpu.memory_space<vmem>> -> memref<16x128xi32, #tpu.memory_space<vmem>>
      %dma_start3A_577 = arith.constant 0 : i32
      %dma_start3A_578 = tpu.memref_slice %dma_start3A_576[%dma_start3A_572, %dma_start3A_577] : memref<16x128xi32, #tpu.memory_space<vmem>> -> memref<1x128xi32, #tpu.memory_space<vmem>>
      %dma_start3A_579 = tpu.memref_squeeze %dma_start3A_578 : memref<1x128xi32, #tpu.memory_space<vmem>> -> memref<128xi32, #tpu.memory_space<vmem>>
      %dma_start3A_580 = arith.constant 0 : i32
      %dma_start3A_581 = arith.constant 0 : i32
      %dma_start3A_582 = tpu.memref_slice %arg7[%dma_start3A_580, %dma_start3A_581] : memref<10240x128xf32, #tpu.memory_space<vmem_shared>> -> memref<10240x128xf32, #tpu.memory_space<vmem_shared>>
      tpu.enqueue_indirect_dma source(%arg10 : memref<128x128xf32, #tpu.memory_space<vmem>>) target(%dma_start3A_582 : memref<10240x128xf32, #tpu.memory_space<vmem_shared>>) offsets(%dma_start3A_579 : memref<128xi32, #tpu.memory_space<vmem>>) semaphore(%arg14 : memref<!tpu.dma_semaphore, #tpu.memory_space<semaphore_mem>>) {add = true}
      %dma_wait3A_583 = arith.constant 11 : i32
      %dma_wait3A_584 = arith.constant 0 : i32
      %dma_wait3A_585 = arith.constant 0 : i32
      %dma_wait3A_586 = tpu.memref_slice %arg9[%rem3A_21, %dma_wait3A_584, %dma_wait3A_585] : memref<2x16x128xi32, #tpu.memory_space<vmem>> -> memref<1x16x128xi32, #tpu.memory_space<vmem>>
      %dma_wait3A_587 = tpu.memref_squeeze %dma_wait3A_586 : memref<1x16x128xi32, #tpu.memory_space<vmem>> -> memref<16x128xi32, #tpu.memory_space<vmem>>
      %dma_wait3A_588 = arith.constant 0 : i32
      %dma_wait3A_589 = tpu.memref_slice %dma_wait3A_587[%dma_wait3A_583, %dma_wait3A_588] : memref<16x128xi32, #tpu.memory_space<vmem>> -> memref<1x128xi32, #tpu.memory_space<vmem>>
      %dma_wait3A_590 = tpu.memref_squeeze %dma_wait3A_589 : memref<1x128xi32, #tpu.memory_space<vmem>> -> memref<128xi32, #tpu.memory_space<vmem>>
      %dma_wait3A_591 = arith.constant 0 : i32
      %dma_wait3A_592 = arith.constant 0 : i32
      %dma_wait3A_593 = tpu.memref_slice %arg7[%dma_wait3A_591, %dma_wait3A_592] : memref<10240x128xf32, #tpu.memory_space<vmem_shared>> -> memref<10240x128xf32, #tpu.memory_space<vmem_shared>>
      tpu.wait_indirect_dma semaphore(%arg15 : memref<!tpu.dma_semaphore, #tpu.memory_space<semaphore_mem>>) src(%arg11 : memref<128x128xf32, #tpu.memory_space<vmem>>) dst(%dma_wait3A_593 : memref<10240x128xf32, #tpu.memory_space<vmem_shared>>)
      %dma_start3A_594 = arith.constant 13 : i32
      %dma_start3A_595 = arith.constant 0 : i32
      %dma_start3A_596 = arith.constant 0 : i32
      %dma_start3A_597 = tpu.memref_slice %arg8[%rem3A_21, %dma_start3A_595, %dma_start3A_596] : memref<2x16x128xi32, #tpu.memory_space<vmem>> -> memref<1x16x128xi32, #tpu.memory_space<vmem>>
      %dma_start3A_598 = tpu.memref_squeeze %dma_start3A_597 : memref<1x16x128xi32, #tpu.memory_space<vmem>> -> memref<16x128xi32, #tpu.memory_space<vmem>>
      %dma_start3A_599 = arith.constant 0 : i32
      %dma_start3A_600 = tpu.memref_slice %dma_start3A_598[%dma_start3A_594, %dma_start3A_599] : memref<16x128xi32, #tpu.memory_space<vmem>> -> memref<1x128xi32, #tpu.memory_space<vmem>>
      %dma_start3A_601 = tpu.memref_squeeze %dma_start3A_600 : memref<1x128xi32, #tpu.memory_space<vmem>> -> memref<128xi32, #tpu.memory_space<vmem>>
      %dma_start3A_602 = arith.constant 0 : i32
      %dma_start3A_603 = arith.constant 0 : i32
      %dma_start3A_604 = tpu.memref_slice %arg2[%dma_start3A_602, %dma_start3A_603] : memref<10000x128xf32, #tpu.memory_space<hbm>> -> memref<10000x128xf32, #tpu.memory_space<hbm>>
      tpu.enqueue_indirect_dma source(%dma_start3A_604 : memref<10000x128xf32, #tpu.memory_space<hbm>>) target(%arg11 : memref<128x128xf32, #tpu.memory_space<vmem>>) offsets(%dma_start3A_601 : memref<128xi32, #tpu.memory_space<vmem>>) semaphore(%arg13 : memref<!tpu.dma_semaphore, #tpu.memory_space<semaphore_mem>>)
      %dma_wait3A_605 = arith.constant 13 : i32
      %dma_wait3A_606 = arith.constant 0 : i32
      %dma_wait3A_607 = arith.constant 0 : i32
      %dma_wait3A_608 = tpu.memref_slice %arg8[%rem3A_21, %dma_wait3A_606, %dma_wait3A_607] : memref<2x16x128xi32, #tpu.memory_space<vmem>> -> memref<1x16x128xi32, #tpu.memory_space<vmem>>
      %dma_wait3A_609 = tpu.memref_squeeze %dma_wait3A_608 : memref<1x16x128xi32, #tpu.memory_space<vmem>> -> memref<16x128xi32, #tpu.memory_space<vmem>>
      %dma_wait3A_610 = arith.constant 0 : i32
      %dma_wait3A_611 = tpu.memref_slice %dma_wait3A_609[%dma_wait3A_605, %dma_wait3A_610] : memref<16x128xi32, #tpu.memory_space<vmem>> -> memref<1x128xi32, #tpu.memory_space<vmem>>
      %dma_wait3A_612 = tpu.memref_squeeze %dma_wait3A_611 : memref<1x128xi32, #tpu.memory_space<vmem>> -> memref<128xi32, #tpu.memory_space<vmem>>
      %dma_wait3A_613 = arith.constant 0 : i32
      %dma_wait3A_614 = arith.constant 0 : i32
      %dma_wait3A_615 = tpu.memref_slice %arg2[%dma_wait3A_613, %dma_wait3A_614] : memref<10000x128xf32, #tpu.memory_space<hbm>> -> memref<10000x128xf32, #tpu.memory_space<hbm>>
      tpu.wait_indirect_dma semaphore(%arg13 : memref<!tpu.dma_semaphore, #tpu.memory_space<semaphore_mem>>) src(%dma_wait3A_615 : memref<10000x128xf32, #tpu.memory_space<hbm>>) dst(%arg11 : memref<128x128xf32, #tpu.memory_space<vmem>>)
      %dma_start3A_616 = arith.constant 13 : i32
      %dma_start3A_617 = arith.constant 0 : i32
      %dma_start3A_618 = arith.constant 0 : i32
      %dma_start3A_619 = tpu.memref_slice %arg9[%rem3A_21, %dma_start3A_617, %dma_start3A_618] : memref<2x16x128xi32, #tpu.memory_space<vmem>> -> memref<1x16x128xi32, #tpu.memory_space<vmem>>
      %dma_start3A_620 = tpu.memref_squeeze %dma_start3A_619 : memref<1x16x128xi32, #tpu.memory_space<vmem>> -> memref<16x128xi32, #tpu.memory_space<vmem>>
      %dma_start3A_621 = arith.constant 0 : i32
      %dma_start3A_622 = tpu.memref_slice %dma_start3A_620[%dma_start3A_616, %dma_start3A_621] : memref<16x128xi32, #tpu.memory_space<vmem>> -> memref<1x128xi32, #tpu.memory_space<vmem>>
      %dma_start3A_623 = tpu.memref_squeeze %dma_start3A_622 : memref<1x128xi32, #tpu.memory_space<vmem>> -> memref<128xi32, #tpu.memory_space<vmem>>
      %dma_start3A_624 = arith.constant 0 : i32
      %dma_start3A_625 = arith.constant 0 : i32
      %dma_start3A_626 = tpu.memref_slice %arg7[%dma_start3A_624, %dma_start3A_625] : memref<10240x128xf32, #tpu.memory_space<vmem_shared>> -> memref<10240x128xf32, #tpu.memory_space<vmem_shared>>
      tpu.enqueue_indirect_dma source(%arg11 : memref<128x128xf32, #tpu.memory_space<vmem>>) target(%dma_start3A_626 : memref<10240x128xf32, #tpu.memory_space<vmem_shared>>) offsets(%dma_start3A_623 : memref<128xi32, #tpu.memory_space<vmem>>) semaphore(%arg15 : memref<!tpu.dma_semaphore, #tpu.memory_space<semaphore_mem>>) {add = true}
      %dma_wait3A_627 = arith.constant 12 : i32
      %dma_wait3A_628 = arith.constant 0 : i32
      %dma_wait3A_629 = arith.constant 0 : i32
      %dma_wait3A_630 = tpu.memref_slice %arg9[%rem3A_21, %dma_wait3A_628, %dma_wait3A_629] : memref<2x16x128xi32, #tpu.memory_space<vmem>> -> memref<1x16x128xi32, #tpu.memory_space<vmem>>
      %dma_wait3A_631 = tpu.memref_squeeze %dma_wait3A_630 : memref<1x16x128xi32, #tpu.memory_space<vmem>> -> memref<16x128xi32, #tpu.memory_space<vmem>>
      %dma_wait3A_632 = arith.constant 0 : i32
      %dma_wait3A_633 = tpu.memref_slice %dma_wait3A_631[%dma_wait3A_627, %dma_wait3A_632] : memref<16x128xi32, #tpu.memory_space<vmem>> -> memref<1x128xi32, #tpu.memory_space<vmem>>
      %dma_wait3A_634 = tpu.memref_squeeze %dma_wait3A_633 : memref<1x128xi32, #tpu.memory_space<vmem>> -> memref<128xi32, #tpu.memory_space<vmem>>
      %dma_wait3A_635 = arith.constant 0 : i32
      %dma_wait3A_636 = arith.constant 0 : i32
      %dma_wait3A_637 = tpu.memref_slice %arg7[%dma_wait3A_635, %dma_wait3A_636] : memref<10240x128xf32, #tpu.memory_space<vmem_shared>> -> memref<10240x128xf32, #tpu.memory_space<vmem_shared>>
      tpu.wait_indirect_dma semaphore(%arg14 : memref<!tpu.dma_semaphore, #tpu.memory_space<semaphore_mem>>) src(%arg10 : memref<128x128xf32, #tpu.memory_space<vmem>>) dst(%dma_wait3A_637 : memref<10240x128xf32, #tpu.memory_space<vmem_shared>>)
      %dma_start3A_638 = arith.constant 14 : i32
      %dma_start3A_639 = arith.constant 0 : i32
      %dma_start3A_640 = arith.constant 0 : i32
      %dma_start3A_641 = tpu.memref_slice %arg8[%rem3A_21, %dma_start3A_639, %dma_start3A_640] : memref<2x16x128xi32, #tpu.memory_space<vmem>> -> memref<1x16x128xi32, #tpu.memory_space<vmem>>
      %dma_start3A_642 = tpu.memref_squeeze %dma_start3A_641 : memref<1x16x128xi32, #tpu.memory_space<vmem>> -> memref<16x128xi32, #tpu.memory_space<vmem>>
      %dma_start3A_643 = arith.constant 0 : i32
      %dma_start3A_644 = tpu.memref_slice %dma_start3A_642[%dma_start3A_638, %dma_start3A_643] : memref<16x128xi32, #tpu.memory_space<vmem>> -> memref<1x128xi32, #tpu.memory_space<vmem>>
      %dma_start3A_645 = tpu.memref_squeeze %dma_start3A_644 : memref<1x128xi32, #tpu.memory_space<vmem>> -> memref<128xi32, #tpu.memory_space<vmem>>
      %dma_start3A_646 = arith.constant 0 : i32
      %dma_start3A_647 = arith.constant 0 : i32
      %dma_start3A_648 = tpu.memref_slice %arg2[%dma_start3A_646, %dma_start3A_647] : memref<10000x128xf32, #tpu.memory_space<hbm>> -> memref<10000x128xf32, #tpu.memory_space<hbm>>
      tpu.enqueue_indirect_dma source(%dma_start3A_648 : memref<10000x128xf32, #tpu.memory_space<hbm>>) target(%arg10 : memref<128x128xf32, #tpu.memory_space<vmem>>) offsets(%dma_start3A_645 : memref<128xi32, #tpu.memory_space<vmem>>) semaphore(%arg12 : memref<!tpu.dma_semaphore, #tpu.memory_space<semaphore_mem>>)
      %dma_wait3A_649 = arith.constant 14 : i32
      %dma_wait3A_650 = arith.constant 0 : i32
      %dma_wait3A_651 = arith.constant 0 : i32
      %dma_wait3A_652 = tpu.memref_slice %arg8[%rem3A_21, %dma_wait3A_650, %dma_wait3A_651] : memref<2x16x128xi32, #tpu.memory_space<vmem>> -> memref<1x16x128xi32, #tpu.memory_space<vmem>>
      %dma_wait3A_653 = tpu.memref_squeeze %dma_wait3A_652 : memref<1x16x128xi32, #tpu.memory_space<vmem>> -> memref<16x128xi32, #tpu.memory_space<vmem>>
      %dma_wait3A_654 = arith.constant 0 : i32
      %dma_wait3A_655 = tpu.memref_slice %dma_wait3A_653[%dma_wait3A_649, %dma_wait3A_654] : memref<16x128xi32, #tpu.memory_space<vmem>> -> memref<1x128xi32, #tpu.memory_space<vmem>>
      %dma_wait3A_656 = tpu.memref_squeeze %dma_wait3A_655 : memref<1x128xi32, #tpu.memory_space<vmem>> -> memref<128xi32, #tpu.memory_space<vmem>>
      %dma_wait3A_657 = arith.constant 0 : i32
      %dma_wait3A_658 = arith.constant 0 : i32
      %dma_wait3A_659 = tpu.memref_slice %arg2[%dma_wait3A_657, %dma_wait3A_658] : memref<10000x128xf32, #tpu.memory_space<hbm>> -> memref<10000x128xf32, #tpu.memory_space<hbm>>
      tpu.wait_indirect_dma semaphore(%arg12 : memref<!tpu.dma_semaphore, #tpu.memory_space<semaphore_mem>>) src(%dma_wait3A_659 : memref<10000x128xf32, #tpu.memory_space<hbm>>) dst(%arg10 : memref<128x128xf32, #tpu.memory_space<vmem>>)
      %dma_start3A_660 = arith.constant 14 : i32
      %dma_start3A_661 = arith.constant 0 : i32
      %dma_start3A_662 = arith.constant 0 : i32
      %dma_start3A_663 = tpu.memref_slice %arg9[%rem3A_21, %dma_start3A_661, %dma_start3A_662] : memref<2x16x128xi32, #tpu.memory_space<vmem>> -> memref<1x16x128xi32, #tpu.memory_space<vmem>>
      %dma_start3A_664 = tpu.memref_squeeze %dma_start3A_663 : memref<1x16x128xi32, #tpu.memory_space<vmem>> -> memref<16x128xi32, #tpu.memory_space<vmem>>
      %dma_start3A_665 = arith.constant 0 : i32
      %dma_start3A_666 = tpu.memref_slice %dma_start3A_664[%dma_start3A_660, %dma_start3A_665] : memref<16x128xi32, #tpu.memory_space<vmem>> -> memref<1x128xi32, #tpu.memory_space<vmem>>
      %dma_start3A_667 = tpu.memref_squeeze %dma_start3A_666 : memref<1x128xi32, #tpu.memory_space<vmem>> -> memref<128xi32, #tpu.memory_space<vmem>>
      %dma_start3A_668 = arith.constant 0 : i32
      %dma_start3A_669 = arith.constant 0 : i32
      %dma_start3A_670 = tpu.memref_slice %arg7[%dma_start3A_668, %dma_start3A_669] : memref<10240x128xf32, #tpu.memory_space<vmem_shared>> -> memref<10240x128xf32, #tpu.memory_space<vmem_shared>>
      tpu.enqueue_indirect_dma source(%arg10 : memref<128x128xf32, #tpu.memory_space<vmem>>) target(%dma_start3A_670 : memref<10240x128xf32, #tpu.memory_space<vmem_shared>>) offsets(%dma_start3A_667 : memref<128xi32, #tpu.memory_space<vmem>>) semaphore(%arg14 : memref<!tpu.dma_semaphore, #tpu.memory_space<semaphore_mem>>) {add = true}
      %dma_wait3A_671 = arith.constant 13 : i32
      %dma_wait3A_672 = arith.constant 0 : i32
      %dma_wait3A_673 = arith.constant 0 : i32
      %dma_wait3A_674 = tpu.memref_slice %arg9[%rem3A_21, %dma_wait3A_672, %dma_wait3A_673] : memref<2x16x128xi32, #tpu.memory_space<vmem>> -> memref<1x16x128xi32, #tpu.memory_space<vmem>>
      %dma_wait3A_675 = tpu.memref_squeeze %dma_wait3A_674 : memref<1x16x128xi32, #tpu.memory_space<vmem>> -> memref<16x128xi32, #tpu.memory_space<vmem>>
      %dma_wait3A_676 = arith.constant 0 : i32
      %dma_wait3A_677 = tpu.memref_slice %dma_wait3A_675[%dma_wait3A_671, %dma_wait3A_676] : memref<16x128xi32, #tpu.memory_space<vmem>> -> memref<1x128xi32, #tpu.memory_space<vmem>>
      %dma_wait3A_678 = tpu.memref_squeeze %dma_wait3A_677 : memref<1x128xi32, #tpu.memory_space<vmem>> -> memref<128xi32, #tpu.memory_space<vmem>>
      %dma_wait3A_679 = arith.constant 0 : i32
      %dma_wait3A_680 = arith.constant 0 : i32
      %dma_wait3A_681 = tpu.memref_slice %arg7[%dma_wait3A_679, %dma_wait3A_680] : memref<10240x128xf32, #tpu.memory_space<vmem_shared>> -> memref<10240x128xf32, #tpu.memory_space<vmem_shared>>
      tpu.wait_indirect_dma semaphore(%arg15 : memref<!tpu.dma_semaphore, #tpu.memory_space<semaphore_mem>>) src(%arg11 : memref<128x128xf32, #tpu.memory_space<vmem>>) dst(%dma_wait3A_681 : memref<10240x128xf32, #tpu.memory_space<vmem_shared>>)
      %dma_start3A_682 = arith.constant 15 : i32
      %dma_start3A_683 = arith.constant 0 : i32
      %dma_start3A_684 = arith.constant 0 : i32
      %dma_start3A_685 = tpu.memref_slice %arg8[%rem3A_21, %dma_start3A_683, %dma_start3A_684] : memref<2x16x128xi32, #tpu.memory_space<vmem>> -> memref<1x16x128xi32, #tpu.memory_space<vmem>>
      %dma_start3A_686 = tpu.memref_squeeze %dma_start3A_685 : memref<1x16x128xi32, #tpu.memory_space<vmem>> -> memref<16x128xi32, #tpu.memory_space<vmem>>
      %dma_start3A_687 = arith.constant 0 : i32
      %dma_start3A_688 = tpu.memref_slice %dma_start3A_686[%dma_start3A_682, %dma_start3A_687] : memref<16x128xi32, #tpu.memory_space<vmem>> -> memref<1x128xi32, #tpu.memory_space<vmem>>
      %dma_start3A_689 = tpu.memref_squeeze %dma_start3A_688 : memref<1x128xi32, #tpu.memory_space<vmem>> -> memref<128xi32, #tpu.memory_space<vmem>>
      %dma_start3A_690 = arith.constant 0 : i32
      %dma_start3A_691 = arith.constant 0 : i32
      %dma_start3A_692 = tpu.memref_slice %arg2[%dma_start3A_690, %dma_start3A_691] : memref<10000x128xf32, #tpu.memory_space<hbm>> -> memref<10000x128xf32, #tpu.memory_space<hbm>>
      tpu.enqueue_indirect_dma source(%dma_start3A_692 : memref<10000x128xf32, #tpu.memory_space<hbm>>) target(%arg11 : memref<128x128xf32, #tpu.memory_space<vmem>>) offsets(%dma_start3A_689 : memref<128xi32, #tpu.memory_space<vmem>>) semaphore(%arg13 : memref<!tpu.dma_semaphore, #tpu.memory_space<semaphore_mem>>)
      %dma_wait3A_693 = arith.constant 15 : i32
      %dma_wait3A_694 = arith.constant 0 : i32
      %dma_wait3A_695 = arith.constant 0 : i32
      %dma_wait3A_696 = tpu.memref_slice %arg8[%rem3A_21, %dma_wait3A_694, %dma_wait3A_695] : memref<2x16x128xi32, #tpu.memory_space<vmem>> -> memref<1x16x128xi32, #tpu.memory_space<vmem>>
      %dma_wait3A_697 = tpu.memref_squeeze %dma_wait3A_696 : memref<1x16x128xi32, #tpu.memory_space<vmem>> -> memref<16x128xi32, #tpu.memory_space<vmem>>
      %dma_wait3A_698 = arith.constant 0 : i32
      %dma_wait3A_699 = tpu.memref_slice %dma_wait3A_697[%dma_wait3A_693, %dma_wait3A_698] : memref<16x128xi32, #tpu.memory_space<vmem>> -> memref<1x128xi32, #tpu.memory_space<vmem>>
      %dma_wait3A_700 = tpu.memref_squeeze %dma_wait3A_699 : memref<1x128xi32, #tpu.memory_space<vmem>> -> memref<128xi32, #tpu.memory_space<vmem>>
      %dma_wait3A_701 = arith.constant 0 : i32
      %dma_wait3A_702 = arith.constant 0 : i32
      %dma_wait3A_703 = tpu.memref_slice %arg2[%dma_wait3A_701, %dma_wait3A_702] : memref<10000x128xf32, #tpu.memory_space<hbm>> -> memref<10000x128xf32, #tpu.memory_space<hbm>>
      tpu.wait_indirect_dma semaphore(%arg13 : memref<!tpu.dma_semaphore, #tpu.memory_space<semaphore_mem>>) src(%dma_wait3A_703 : memref<10000x128xf32, #tpu.memory_space<hbm>>) dst(%arg11 : memref<128x128xf32, #tpu.memory_space<vmem>>)
      %dma_start3A_704 = arith.constant 15 : i32
      %dma_start3A_705 = arith.constant 0 : i32
      %dma_start3A_706 = arith.constant 0 : i32
      %dma_start3A_707 = tpu.memref_slice %arg9[%rem3A_21, %dma_start3A_705, %dma_start3A_706] : memref<2x16x128xi32, #tpu.memory_space<vmem>> -> memref<1x16x128xi32, #tpu.memory_space<vmem>>
      %dma_start3A_708 = tpu.memref_squeeze %dma_start3A_707 : memref<1x16x128xi32, #tpu.memory_space<vmem>> -> memref<16x128xi32, #tpu.memory_space<vmem>>
      %dma_start3A_709 = arith.constant 0 : i32
      %dma_start3A_710 = tpu.memref_slice %dma_start3A_708[%dma_start3A_704, %dma_start3A_709] : memref<16x128xi32, #tpu.memory_space<vmem>> -> memref<1x128xi32, #tpu.memory_space<vmem>>
      %dma_start3A_711 = tpu.memref_squeeze %dma_start3A_710 : memref<1x128xi32, #tpu.memory_space<vmem>> -> memref<128xi32, #tpu.memory_space<vmem>>
      %dma_start3A_712 = arith.constant 0 : i32
      %dma_start3A_713 = arith.constant 0 : i32
      %dma_start3A_714 = tpu.memref_slice %arg7[%dma_start3A_712, %dma_start3A_713] : memref<10240x128xf32, #tpu.memory_space<vmem_shared>> -> memref<10240x128xf32, #tpu.memory_space<vmem_shared>>
      tpu.enqueue_indirect_dma source(%arg11 : memref<128x128xf32, #tpu.memory_space<vmem>>) target(%dma_start3A_714 : memref<10240x128xf32, #tpu.memory_space<vmem_shared>>) offsets(%dma_start3A_711 : memref<128xi32, #tpu.memory_space<vmem>>) semaphore(%arg15 : memref<!tpu.dma_semaphore, #tpu.memory_space<semaphore_mem>>) {add = true}
      %dma_wait3A_715 = arith.constant 14 : i32
      %dma_wait3A_716 = arith.constant 0 : i32
      %dma_wait3A_717 = arith.constant 0 : i32
      %dma_wait3A_718 = tpu.memref_slice %arg9[%rem3A_21, %dma_wait3A_716, %dma_wait3A_717] : memref<2x16x128xi32, #tpu.memory_space<vmem>> -> memref<1x16x128xi32, #tpu.memory_space<vmem>>
      %dma_wait3A_719 = tpu.memref_squeeze %dma_wait3A_718 : memref<1x16x128xi32, #tpu.memory_space<vmem>> -> memref<16x128xi32, #tpu.memory_space<vmem>>
      %dma_wait3A_720 = arith.constant 0 : i32
      %dma_wait3A_721 = tpu.memref_slice %dma_wait3A_719[%dma_wait3A_715, %dma_wait3A_720] : memref<16x128xi32, #tpu.memory_space<vmem>> -> memref<1x128xi32, #tpu.memory_space<vmem>>
      %dma_wait3A_722 = tpu.memref_squeeze %dma_wait3A_721 : memref<1x128xi32, #tpu.memory_space<vmem>> -> memref<128xi32, #tpu.memory_space<vmem>>
      %dma_wait3A_723 = arith.constant 0 : i32
      %dma_wait3A_724 = arith.constant 0 : i32
      %dma_wait3A_725 = tpu.memref_slice %arg7[%dma_wait3A_723, %dma_wait3A_724] : memref<10240x128xf32, #tpu.memory_space<vmem_shared>> -> memref<10240x128xf32, #tpu.memory_space<vmem_shared>>
      tpu.wait_indirect_dma semaphore(%arg14 : memref<!tpu.dma_semaphore, #tpu.memory_space<semaphore_mem>>) src(%arg10 : memref<128x128xf32, #tpu.memory_space<vmem>>) dst(%dma_wait3A_725 : memref<10240x128xf32, #tpu.memory_space<vmem_shared>>)
      %dma_wait3A_726 = arith.constant 15 : i32
      %dma_wait3A_727 = arith.constant 0 : i32
      %dma_wait3A_728 = arith.constant 0 : i32
      %dma_wait3A_729 = tpu.memref_slice %arg9[%rem3A_21, %dma_wait3A_727, %dma_wait3A_728] : memref<2x16x128xi32, #tpu.memory_space<vmem>> -> memref<1x16x128xi32, #tpu.memory_space<vmem>>
      %dma_wait3A_730 = tpu.memref_squeeze %dma_wait3A_729 : memref<1x16x128xi32, #tpu.memory_space<vmem>> -> memref<16x128xi32, #tpu.memory_space<vmem>>
      %dma_wait3A_731 = arith.constant 0 : i32
      %dma_wait3A_732 = tpu.memref_slice %dma_wait3A_730[%dma_wait3A_726, %dma_wait3A_731] : memref<16x128xi32, #tpu.memory_space<vmem>> -> memref<1x128xi32, #tpu.memory_space<vmem>>
      %dma_wait3A_733 = tpu.memref_squeeze %dma_wait3A_732 : memref<1x128xi32, #tpu.memory_space<vmem>> -> memref<128xi32, #tpu.memory_space<vmem>>
      %dma_wait3A_734 = arith.constant 0 : i32
      %dma_wait3A_735 = arith.constant 0 : i32
      %dma_wait3A_736 = tpu.memref_slice %arg7[%dma_wait3A_734, %dma_wait3A_735] : memref<10240x128xf32, #tpu.memory_space<vmem_shared>> -> memref<10240x128xf32, #tpu.memory_space<vmem_shared>>
      tpu.wait_indirect_dma semaphore(%arg15 : memref<!tpu.dma_semaphore, #tpu.memory_space<semaphore_mem>>) src(%arg11 : memref<128x128xf32, #tpu.memory_space<vmem>>) dst(%dma_wait3A_736 : memref<10240x128xf32, #tpu.memory_space<vmem_shared>>)
      %add3A_737 = arith.constant 1 : i32
      %add3A_738 = arith.addi %scan3A_20, %add3A_737 : i32
      %lt3A_739 = arith.constant 5 : i32
      %lt3A_740 = arith.cmpi slt, %add3A_738, %lt3A_739 : i32
      %convert_element_type3A_741 = arith.extui %lt3A_740 : i1 to i32
      %cond3A_742 = arith.constant 0 : i32
      %cond3A_743 = arith.cmpi ne, %convert_element_type3A_741, %cond3A_742 : i32
      scf.if %cond3A_743 {
        %dma_wait3A_744 = arith.constant 0 : i32
        %dma_wait3A_745 = arith.constant 0 : i32
        %dma_wait3A_746 = tpu.memref_slice %arg8[%rem3A_25, %dma_wait3A_744, %dma_wait3A_745] : memref<2x16x128xi32, #tpu.memory_space<vmem>> -> memref<1x16x128xi32, #tpu.memory_space<vmem>>
        %dma_wait3A_747 = tpu.memref_squeeze %dma_wait3A_746 : memref<1x16x128xi32, #tpu.memory_space<vmem>> -> memref<16x128xi32, #tpu.memory_space<vmem>>
        %dma_wait3A_748 = arith.constant 0 : i32
        %dma_wait3A_749 = tpu.memref_slice %arg3[%add3A_30, %dma_wait3A_748] : memref<2560x128xi32, #tpu.memory_space<hbm>> -> memref<16x128xi32, #tpu.memory_space<hbm>>
        %dma_wait3A_750 = arith.constant 0 : i32
        %dma_wait3A_751 = arith.constant 0 : i32
        %dma_wait3A_752 = tpu.memref_slice %arg8[%rem3A_25, %dma_wait3A_750, %dma_wait3A_751] : memref<2x16x128xi32, #tpu.memory_space<vmem>> -> memref<1x16x128xi32, #tpu.memory_space<vmem>>
        %dma_wait3A_753 = tpu.memref_squeeze %dma_wait3A_752 : memref<1x16x128xi32, #tpu.memory_space<vmem>> -> memref<16x128xi32, #tpu.memory_space<vmem>>
        %dma_wait3A_754 = arith.constant 0 : i32
        %dma_wait3A_755 = tpu.memref_slice %arg3[%add3A_30, %dma_wait3A_754] : memref<2560x128xi32, #tpu.memory_space<hbm>> -> memref<16x128xi32, #tpu.memory_space<hbm>>
        tpu.wait_dma2 semaphore(%arg16 : memref<!tpu.dma_semaphore, #tpu.memory_space<semaphore_mem>>) src(%dma_wait3A_755 : memref<16x128xi32, #tpu.memory_space<hbm>>) dst(%dma_wait3A_753 : memref<16x128xi32, #tpu.memory_space<vmem>>)
        %dma_wait3A_756 = arith.constant 0 : i32
        %dma_wait3A_757 = arith.constant 0 : i32
        %dma_wait3A_758 = tpu.memref_slice %arg9[%rem3A_25, %dma_wait3A_756, %dma_wait3A_757] : memref<2x16x128xi32, #tpu.memory_space<vmem>> -> memref<1x16x128xi32, #tpu.memory_space<vmem>>
        %dma_wait3A_759 = tpu.memref_squeeze %dma_wait3A_758 : memref<1x16x128xi32, #tpu.memory_space<vmem>> -> memref<16x128xi32, #tpu.memory_space<vmem>>
        %dma_wait3A_760 = arith.constant 0 : i32
        %dma_wait3A_761 = tpu.memref_slice %arg4[%add3A_30, %dma_wait3A_760] : memref<2560x128xi32, #tpu.memory_space<hbm>> -> memref<16x128xi32, #tpu.memory_space<hbm>>
        %dma_wait3A_762 = arith.constant 0 : i32
        %dma_wait3A_763 = arith.constant 0 : i32
        %dma_wait3A_764 = tpu.memref_slice %arg9[%rem3A_25, %dma_wait3A_762, %dma_wait3A_763] : memref<2x16x128xi32, #tpu.memory_space<vmem>> -> memref<1x16x128xi32, #tpu.memory_space<vmem>>
        %dma_wait3A_765 = tpu.memref_squeeze %dma_wait3A_764 : memref<1x16x128xi32, #tpu.memory_space<vmem>> -> memref<16x128xi32, #tpu.memory_space<vmem>>
        %dma_wait3A_766 = arith.constant 0 : i32
        %dma_wait3A_767 = tpu.memref_slice %arg4[%add3A_30, %dma_wait3A_766] : memref<2560x128xi32, #tpu.memory_space<hbm>> -> memref<16x128xi32, #tpu.memory_space<hbm>>
        tpu.wait_dma2 semaphore(%arg17 : memref<!tpu.dma_semaphore, #tpu.memory_space<semaphore_mem>>) src(%dma_wait3A_767 : memref<16x128xi32, #tpu.memory_space<hbm>>) dst(%dma_wait3A_765 : memref<16x128xi32, #tpu.memory_space<vmem>>)
      } else {
      }
    }
    %scan3A_14 = arith.constant 5 : i32
    %barrier3A_15 = arith.constant 0 : index
    tpu.barrier barrier_id(%barrier3A_15)
    %add3A_16 = arith.constant 0 : i32
    %add3A_17 = arith.addi %mul3A_4, %add3A_16 : i32
    "tpu.region"() ({
      %run_scoped3A_20 = tpu.sem_alloc : memref<!tpu.dma_semaphore, #tpu.memory_space<semaphore_mem>>
      %dma_start3A = arith.constant 0 : i32
      %dma_start3A_21 = tpu.memref_slice %arg6[%arg0, %add3A_17, %dma_start3A] : memref<2x10240x128xf32, #tpu.memory_space<hbm>> -> memref<1x320x128xf32, #tpu.memory_space<hbm>>
      %dma_start3A_22 = tpu.memref_squeeze %dma_start3A_21 : memref<1x320x128xf32, #tpu.memory_space<hbm>> -> memref<320x128xf32, #tpu.memory_space<hbm>>
      %dma_start3A_23 = arith.constant 0 : i32
      %dma_start3A_24 = tpu.memref_slice %arg7[%add3A_17, %dma_start3A_23] : memref<10240x128xf32, #tpu.memory_space<vmem_shared>> -> memref<320x128xf32, #tpu.memory_space<vmem_shared>>
      tpu.enqueue_dma source(%dma_start3A_24 : memref<320x128xf32, #tpu.memory_space<vmem_shared>>) target(%dma_start3A_22 : memref<320x128xf32, #tpu.memory_space<hbm>>) target_semaphore(%run_scoped3A_20 : memref<!tpu.dma_semaphore, #tpu.memory_space<semaphore_mem>>)
      %dma_wait3A = arith.constant 0 : i32
      %dma_wait3A_25 = tpu.memref_slice %arg6[%arg0, %add3A_17, %dma_wait3A] : memref<2x10240x128xf32, #tpu.memory_space<hbm>> -> memref<1x320x128xf32, #tpu.memory_space<hbm>>
      %dma_wait3A_26 = tpu.memref_squeeze %dma_wait3A_25 : memref<1x320x128xf32, #tpu.memory_space<hbm>> -> memref<320x128xf32, #tpu.memory_space<hbm>>
      %dma_wait3A_27 = arith.constant 0 : i32
      %dma_wait3A_28 = tpu.memref_slice %arg7[%add3A_17, %dma_wait3A_27] : memref<10240x128xf32, #tpu.memory_space<vmem_shared>> -> memref<320x128xf32, #tpu.memory_space<vmem_shared>>
      tpu.wait_dma2 semaphore(%run_scoped3A_20 : memref<!tpu.dma_semaphore, #tpu.memory_space<semaphore_mem>>) src(%dma_wait3A_28 : memref<320x128xf32, #tpu.memory_space<vmem_shared>>) dst(%dma_wait3A_26 : memref<320x128xf32, #tpu.memory_space<hbm>>)
      tpu.yield
    }) : () -> ()
    %add3A_18 = arith.constant 320 : i32
    %add3A_19 = arith.addi %mul3A_4, %add3A_18 : i32
    "tpu.region"() ({
      %run_scoped3A_20 = tpu.sem_alloc : memref<!tpu.dma_semaphore, #tpu.memory_space<semaphore_mem>>
      %dma_start3A = arith.constant 0 : i32
      %dma_start3A_21 = tpu.memref_slice %arg6[%arg0, %add3A_19, %dma_start3A] : memref<2x10240x128xf32, #tpu.memory_space<hbm>> -> memref<1x320x128xf32, #tpu.memory_space<hbm>>
      %dma_start3A_22 = tpu.memref_squeeze %dma_start3A_21 : memref<1x320x128xf32, #tpu.memory_space<hbm>> -> memref<320x128xf32, #tpu.memory_space<hbm>>
      %dma_start3A_23 = arith.constant 0 : i32
      %dma_start3A_24 = tpu.memref_slice %arg7[%add3A_19, %dma_start3A_23] : memref<10240x128xf32, #tpu.memory_space<vmem_shared>> -> memref<320x128xf32, #tpu.memory_space<vmem_shared>>
      tpu.enqueue_dma source(%dma_start3A_24 : memref<320x128xf32, #tpu.memory_space<vmem_shared>>) target(%dma_start3A_22 : memref<320x128xf32, #tpu.memory_space<hbm>>) target_semaphore(%run_scoped3A_20 : memref<!tpu.dma_semaphore, #tpu.memory_space<semaphore_mem>>)
      %dma_wait3A = arith.constant 0 : i32
      %dma_wait3A_25 = tpu.memref_slice %arg6[%arg0, %add3A_19, %dma_wait3A] : memref<2x10240x128xf32, #tpu.memory_space<hbm>> -> memref<1x320x128xf32, #tpu.memory_space<hbm>>
      %dma_wait3A_26 = tpu.memref_squeeze %dma_wait3A_25 : memref<1x320x128xf32, #tpu.memory_space<hbm>> -> memref<320x128xf32, #tpu.memory_space<hbm>>
      %dma_wait3A_27 = arith.constant 0 : i32
      %dma_wait3A_28 = tpu.memref_slice %arg7[%add3A_19, %dma_wait3A_27] : memref<10240x128xf32, #tpu.memory_space<vmem_shared>> -> memref<320x128xf32, #tpu.memory_space<vmem_shared>>
      tpu.wait_dma2 semaphore(%run_scoped3A_20 : memref<!tpu.dma_semaphore, #tpu.memory_space<semaphore_mem>>) src(%dma_wait3A_28 : memref<320x128xf32, #tpu.memory_space<vmem_shared>>) dst(%dma_wait3A_26 : memref<320x128xf32, #tpu.memory_space<hbm>>)
      tpu.yield
    }) : () -> ()
    return
  }
}

module attributes {stable_mosaic.version = 14 : i64} {
  func.func @_prep_body(%arg0: i32, %arg1: memref<2x256x128xi32, #tpu.memory_space<vmem>>, %arg2: memref<256x128xi32, #tpu.memory_space<vmem>>, %arg3: memref<256x128xi32, #tpu.memory_space<vmem>>, %arg4: memref<2x256x128xi32, #tpu.memory_space<vmem>>) attributes {dimension_semantics = [#tpu.dimension_semantics<arbitrary>], iteration_bounds = array<i64: 10>, scalar_prefetch = 0 : i64, scratch_operands = 0 : i64, tpu.core_type = #tpu.core_type<tc>, window_params = [{transform_indices = @transform_0, window_bounds = array<i64: 2, 256, 128>}, {transform_indices = @transform_1, window_bounds = array<i64: 256, 128>}, {transform_indices = @transform_2, window_bounds = array<i64: 256, 128>}, {transform_indices = @transform_3, window_bounds = array<i64: 2, 256, 128>}]} {
    %iota3A = tpu.iota {dimensions = array<i32: 0>} : vector<256x128xi32>
    %mul3A = arith.constant 256 : i32
    %mul3A_0 = arith.muli %arg0, %mul3A : i32
    %add3A = vector.broadcast %mul3A_0 : i32 to vector<256x128xi32>
    %add3A_1 = arith.addi %iota3A, %add3A : vector<256x128xi32>
    %iota3A_2 = tpu.iota {dimensions = array<i32: 1>} : vector<256x128xi32>
    %mul3A_3 = arith.constant 128 : i32
    %mul3A_4 = vector.broadcast %mul3A_3 : i32 to vector<256x128xi32>
    %mul3A_5 = arith.muli %add3A_1, %mul3A_4 : vector<256x128xi32>
    %add3A_6 = arith.addi %mul3A_5, %iota3A_2 : vector<256x128xi32>
    %sub3A = arith.constant 320000 : i32
    %sub3A_7 = vector.broadcast %sub3A : i32 to vector<256x128xi32>
    %sub3A_8 = arith.subi %add3A_6, %sub3A_7 : vector<256x128xi32>
    %ge3A = arith.constant 320000 : i32
    %ge3A_9 = vector.broadcast %ge3A : i32 to vector<256x128xi32>
    %ge3A_10 = arith.cmpi sge, %add3A_6, %ge3A_9 : vector<256x128xi32>
    %jit3A = arith.constant 10000 : i32
    %eq3A = arith.constant 0 : i32
    %eq3A_11 = arith.cmpi eq, %jit3A, %eq3A : i32
    %jit3A_12 = arith.constant 1 : i32
    %select_n3A = arith.select %eq3A_11, %jit3A_12, %jit3A : i32
    %rem3A = vector.broadcast %select_n3A : i32 to vector<256x128xi32>
    %rem3A_13 = arith.remsi %sub3A_8, %rem3A : vector<256x128xi32>
    %ne3A = arith.constant 0 : i32
    %ne3A_14 = vector.broadcast %ne3A : i32 to vector<256x128xi32>
    %ne3A_15 = arith.cmpi ne, %rem3A_13, %ne3A_14 : vector<256x128xi32>
    %lt3A = arith.constant 0 : i32
    %lt3A_16 = vector.broadcast %lt3A : i32 to vector<256x128xi32>
    %lt3A_17 = arith.cmpi slt, %rem3A_13, %lt3A_16 : vector<256x128xi32>
    %lt3A_18 = arith.constant 0 : i32
    %lt3A_19 = arith.cmpi slt, %select_n3A, %lt3A_18 : i32
    %ne3A_20 = vector.broadcast %lt3A_19 : i1 to vector<256x128xi1>
    %ne3A_21 = vector.broadcast %ne3A_20 : vector<256x128xi1> to vector<256x128xi1>
    %ne3A_22 = arith.xori %lt3A_17, %ne3A_21 : vector<256x128xi1>
    %and3A = arith.andi %ne3A_22, %ne3A_15 : vector<256x128xi1>
    %add3A_23 = vector.broadcast %select_n3A : i32 to vector<256x128xi32>
    %add3A_24 = arith.addi %rem3A_13, %add3A_23 : vector<256x128xi32>
    %select_n3A_25 = arith.select %and3A, %add3A_24, %rem3A_13 : vector<256x128xi1>, vector<256x128xi32>
    %get3A = arith.constant 0 : index
    %get3A_26 = arith.constant 0 : index
    %get3A_27 = arith.constant 0 : index
    %get3A_28 = vector.load %arg1[%get3A, %get3A_26, %get3A_27] : memref<2x256x128xi32, #tpu.memory_space<vmem>>, vector<1x256x128xi32>
    %get3A_29 = vector.shape_cast %get3A_28 : vector<1x256x128xi32> to vector<256x128xi32>
    %select_n3A_30 = arith.select %ge3A_10, %select_n3A_25, %get3A_29 : vector<256x128xi1>, vector<256x128xi32>
    %jit3A_31 = arith.constant 240 : i32
    %eq3A_32 = arith.constant 0 : i32
    %eq3A_33 = arith.cmpi eq, %jit3A_31, %eq3A_32 : i32
    %jit3A_34 = arith.constant 1 : i32
    %select_n3A_35 = arith.select %eq3A_33, %jit3A_34, %jit3A_31 : i32
    %rem3A_36 = vector.broadcast %select_n3A_35 : i32 to vector<256x128xi32>
    %rem3A_37 = arith.remsi %sub3A_8, %rem3A_36 : vector<256x128xi32>
    %ne3A_38 = arith.constant 0 : i32
    %ne3A_39 = vector.broadcast %ne3A_38 : i32 to vector<256x128xi32>
    %ne3A_40 = arith.cmpi ne, %rem3A_37, %ne3A_39 : vector<256x128xi32>
    %lt3A_41 = arith.constant 0 : i32
    %lt3A_42 = vector.broadcast %lt3A_41 : i32 to vector<256x128xi32>
    %lt3A_43 = arith.cmpi slt, %rem3A_37, %lt3A_42 : vector<256x128xi32>
    %lt3A_44 = arith.constant 0 : i32
    %lt3A_45 = arith.cmpi slt, %select_n3A_35, %lt3A_44 : i32
    %ne3A_46 = vector.broadcast %lt3A_45 : i1 to vector<256x128xi1>
    %ne3A_47 = vector.broadcast %ne3A_46 : vector<256x128xi1> to vector<256x128xi1>
    %ne3A_48 = arith.xori %lt3A_43, %ne3A_47 : vector<256x128xi1>
    %and3A_49 = arith.andi %ne3A_48, %ne3A_40 : vector<256x128xi1>
    %add3A_50 = vector.broadcast %select_n3A_35 : i32 to vector<256x128xi32>
    %add3A_51 = arith.addi %rem3A_37, %add3A_50 : vector<256x128xi32>
    %select_n3A_52 = arith.select %and3A_49, %add3A_51, %rem3A_37 : vector<256x128xi1>, vector<256x128xi32>
    %add3A_53 = arith.constant 10000 : i32
    %add3A_54 = vector.broadcast %add3A_53 : i32 to vector<256x128xi32>
    %add3A_55 = arith.addi %add3A_54, %select_n3A_52 : vector<256x128xi32>
    %get3A_56 = arith.constant 1 : index
    %get3A_57 = arith.constant 0 : index
    %get3A_58 = arith.constant 0 : index
    %get3A_59 = vector.load %arg1[%get3A_56, %get3A_57, %get3A_58] : memref<2x256x128xi32, #tpu.memory_space<vmem>>, vector<1x256x128xi32>
    %get3A_60 = vector.shape_cast %get3A_59 : vector<1x256x128xi32> to vector<256x128xi32>
    %select_n3A_61 = arith.select %ge3A_10, %add3A_55, %get3A_60 : vector<256x128xi1>, vector<256x128xi32>
    %swap3A = arith.constant 0 : index
    %swap3A_62 = arith.constant 0 : index
    %swap3A_63 = vector.load %arg2[%swap3A, %swap3A_62] : memref<256x128xi32, #tpu.memory_space<vmem>>, vector<256x128xi32>
    tpu.vector_store %arg2[%swap3A, %swap3A_62], %select_n3A_30 {strides = array<i32>} : memref<256x128xi32, #tpu.memory_space<vmem>>, vector<256x128xi32>,
    %swap3A_64 = arith.constant 0 : index
    %swap3A_65 = arith.constant 0 : index
    %swap3A_66 = vector.load %arg3[%swap3A_64, %swap3A_65] : memref<256x128xi32, #tpu.memory_space<vmem>>, vector<256x128xi32>
    tpu.vector_store %arg3[%swap3A_64, %swap3A_65], %select_n3A_61 {strides = array<i32>} : memref<256x128xi32, #tpu.memory_space<vmem>>, vector<256x128xi32>,
    %swap3A_67 = arith.constant 0 : index
    %swap3A_68 = arith.constant 0 : index
    %swap3A_69 = arith.constant 0 : index
    %swap3A_70 = vector.load %arg4[%swap3A_67, %swap3A_68, %swap3A_69] : memref<2x256x128xi32, #tpu.memory_space<vmem>>, vector<1x256x128xi32>
    %swap3A_71 = vector.shape_cast %swap3A_70 : vector<1x256x128xi32> to vector<256x128xi32>
    %swap3A_72 = vector.shape_cast %select_n3A_30 : vector<256x128xi32> to vector<1x256x128xi32>
    tpu.vector_store %arg4[%swap3A_67, %swap3A_68, %swap3A_69], %swap3A_72 {strides = array<i32>} : memref<2x256x128xi32, #tpu.memory_space<vmem>>, vector<1x256x128xi32>,
    %add3A_73 = arith.constant 10000 : i32
    %add3A_74 = vector.broadcast %add3A_73 : i32 to vector<256x128xi32>
    %add3A_75 = arith.addi %select_n3A_30, %add3A_74 : vector<256x128xi32>
    %swap3A_76 = arith.constant 1 : index
    %swap3A_77 = arith.constant 0 : index
    %swap3A_78 = arith.constant 0 : index
    %swap3A_79 = vector.load %arg4[%swap3A_76, %swap3A_77, %swap3A_78] : memref<2x256x128xi32, #tpu.memory_space<vmem>>, vector<1x256x128xi32>
    %swap3A_80 = vector.shape_cast %swap3A_79 : vector<1x256x128xi32> to vector<256x128xi32>
    %swap3A_81 = vector.shape_cast %add3A_75 : vector<256x128xi32> to vector<1x256x128xi32>
    tpu.vector_store %arg4[%swap3A_76, %swap3A_77, %swap3A_78], %swap3A_81 {strides = array<i32>} : memref<2x256x128xi32, #tpu.memory_space<vmem>>, vector<1x256x128xi32>,
    return
  }
  func.func @transform_0(%arg0: i32) -> (i32, i32, i32) {
    %c0_i32 = arith.constant 0 : i32
    %c0_i32_0 = arith.constant 0 : i32
    %c0_i32_1 = arith.constant 0 : i32
    return %c0_i32, %arg0, %c0_i32_0 : i32, i32, i32
  }
  func.func @transform_1(%arg0: i32) -> (i32, i32) {
    %c0_i32 = arith.constant 0 : i32
    %c0_i32_0 = arith.constant 0 : i32
    return %arg0, %c0_i32 : i32, i32
  }
  func.func @transform_2(%arg0: i32) -> (i32, i32) {
    %c0_i32 = arith.constant 0 : i32
    %c0_i32_0 = arith.constant 0 : i32
    return %arg0, %c0_i32 : i32, i32
  }
  func.func @transform_3(%arg0: i32) -> (i32, i32, i32) {
    %c0_i32 = arith.constant 0 : i32
    %c0_i32_0 = arith.constant 0 : i32
    %c0_i32_1 = arith.constant 0 : i32
    return %c0_i32, %arg0, %c0_i32_0 : i32, i32, i32
  }
}

module attributes {stable_mosaic.version = 14 : i64} {
  func.func @_tc2_body(%arg0: i32, %arg1: memref<2x1000x128xf32, #tpu.memory_space<vmem>>, %arg2: memref<1000x128xf32, #tpu.memory_space<vmem>>, %arg3: memref<1000x1xf32, #tpu.memory_space<vmem>>, %arg4: memref<1x128xf32, #tpu.memory_space<vmem>>, %arg5: memref<1x128xf32, #tpu.memory_space<vmem>>, %arg6: memref<1x128xf32, #tpu.memory_space<vmem>>, %arg7: memref<128x256xf32, #tpu.memory_space<vmem>>, %arg8: memref<2x1000x128xf32, #tpu.memory_space<vmem>>) attributes {dimension_semantics = [#tpu.dimension_semantics<arbitrary>], iteration_bounds = array<i64: 10>, scalar_prefetch = 0 : i64, scratch_operands = 0 : i64, tpu.core_type = #tpu.core_type<tc>, window_params = [{transform_indices = @transform_0, window_bounds = array<i64: 2, 1000, 128>}, {transform_indices = @transform_1, window_bounds = array<i64: 1000, 128>}, {transform_indices = @transform_2, window_bounds = array<i64: 1000, 1>}, {pipeline_mode = #tpu.pipeline_mode<synchronous>, transform_indices = @transform_3, window_bounds = array<i64: 1, 128>}, {pipeline_mode = #tpu.pipeline_mode<synchronous>, transform_indices = @transform_4, window_bounds = array<i64: 1, 128>}, {pipeline_mode = #tpu.pipeline_mode<synchronous>, transform_indices = @transform_5, window_bounds = array<i64: 1, 128>}, {pipeline_mode = #tpu.pipeline_mode<synchronous>, transform_indices = @transform_6, window_bounds = array<i64: 128, 256>}, {transform_indices = @transform_7, window_bounds = array<i64: 2, 1000, 128>}]} {
    %get3A = arith.constant 0 : index
    %get3A_0 = arith.constant 0 : index
    %get3A_1 = arith.constant 0 : index
    %get3A_2 = vector.load %arg1[%get3A, %get3A_0, %get3A_1] : memref<2x1000x128xf32, #tpu.memory_space<vmem>>, vector<1x1000x128xf32>
    %get3A_3 = vector.shape_cast %get3A_2 : vector<1x1000x128xf32> to vector<1000x128xf32>
    %get3A_4 = arith.constant 1 : index
    %get3A_5 = arith.constant 0 : index
    %get3A_6 = arith.constant 0 : index
    %get3A_7 = vector.load %arg1[%get3A_4, %get3A_5, %get3A_6] : memref<2x1000x128xf32, #tpu.memory_space<vmem>>, vector<1x1000x128xf32>
    %get3A_8 = vector.shape_cast %get3A_7 : vector<1x1000x128xf32> to vector<1000x128xf32>
    %add3A = arith.addf %get3A_3, %get3A_8 : vector<1000x128xf32>
    %get3A_9 = arith.constant 0 : index
    %get3A_10 = arith.constant 0 : index
    %get3A_11 = vector.load %arg2[%get3A_9, %get3A_10] : memref<1000x128xf32, #tpu.memory_space<vmem>>, vector<1000x128xf32>
    %add3A_12 = arith.addf %add3A, %get3A_11 : vector<1000x128xf32>
    %get3A_13 = arith.constant 0 : index
    %get3A_14 = arith.constant 0 : index
    %get3A_15 = vector.load %arg3[%get3A_13, %get3A_14] : memref<1000x1xf32, #tpu.memory_space<vmem>>, vector<1000x1xf32>
    %mul3A = vector.broadcast %get3A_15 : vector<1000x1xf32> to vector<1000x128xf32>
    %mul3A_16 = arith.mulf %add3A_12, %mul3A : vector<1000x128xf32>
    %get3A_17 = arith.constant 0 : index
    %get3A_18 = arith.constant 0 : index
    %get3A_19 = vector.load %arg4[%get3A_17, %get3A_18] : memref<1x128xf32, #tpu.memory_space<vmem>>, vector<1x128xf32>
    %add3A_20 = vector.broadcast %get3A_19 : vector<1x128xf32> to vector<1000x128xf32>
    %add3A_21 = arith.addf %mul3A_16, %add3A_20 : vector<1000x128xf32>
    %get3A_22 = arith.constant 0 : index
    %get3A_23 = arith.constant 0 : index
    %get3A_24 = vector.load %arg5[%get3A_22, %get3A_23] : memref<1x128xf32, #tpu.memory_space<vmem>>, vector<1x128xf32>
    %get3A_25 = arith.constant 0 : index
    %get3A_26 = arith.constant 0 : index
    %get3A_27 = vector.load %arg6[%get3A_25, %get3A_26] : memref<1x128xf32, #tpu.memory_space<vmem>>, vector<1x128xf32>
    %reduce_sum3A = arith.constant dense<0.000000e+00> : vector<1000xf32>
    %reduce_sum3A_28 = vector.multi_reduction <add>, %add3A_21, %reduce_sum3A [1] : vector<1000x128xf32> to vector<1000xf32>
    %broadcast_in_dim3A = vector.shape_cast %reduce_sum3A_28 : vector<1000xf32> to vector<1000x1xf32>
    %div3A = arith.constant 1.280000e+02 : f32
    %div3A_29 = vector.broadcast %div3A : f32 to vector<1000x1xf32>
    %div3A_30 = arith.divf %broadcast_in_dim3A, %div3A_29 : vector<1000x1xf32>
    %sub3A = vector.broadcast %div3A_30 : vector<1000x1xf32> to vector<1000x128xf32>
    %sub3A_31 = arith.subf %add3A_21, %sub3A : vector<1000x128xf32>
    %integer_pow3A = arith.mulf %sub3A_31, %sub3A_31 : vector<1000x128xf32>
    %reduce_sum3A_32 = arith.constant dense<0.000000e+00> : vector<1000xf32>
    %reduce_sum3A_33 = vector.multi_reduction <add>, %integer_pow3A, %reduce_sum3A_32 [1] : vector<1000x128xf32> to vector<1000xf32>
    %broadcast_in_dim3A_34 = vector.shape_cast %reduce_sum3A_33 : vector<1000xf32> to vector<1000x1xf32>
    %div3A_35 = arith.constant 1.280000e+02 : f32
    %div3A_36 = vector.broadcast %div3A_35 : f32 to vector<1000x1xf32>
    %div3A_37 = arith.divf %broadcast_in_dim3A_34, %div3A_36 : vector<1000x1xf32>
    %sub3A_38 = vector.broadcast %div3A_30 : vector<1000x1xf32> to vector<1000x128xf32>
    %sub3A_39 = arith.subf %add3A_21, %sub3A_38 : vector<1000x128xf32>
    %add3A_40 = arith.constant 9.99999974E-6 : f32
    %add3A_41 = vector.broadcast %add3A_40 : f32 to vector<1000x1xf32>
    %add3A_42 = arith.addf %div3A_37, %add3A_41 : vector<1000x1xf32>
    %rsqrt3A = math.rsqrt %add3A_42 : vector<1000x1xf32>
    %mul3A_43 = vector.broadcast %rsqrt3A : vector<1000x1xf32> to vector<1000x128xf32>
    %mul3A_44 = arith.mulf %sub3A_39, %mul3A_43 : vector<1000x128xf32>
    %mul3A_45 = vector.broadcast %get3A_24 : vector<1x128xf32> to vector<1000x128xf32>
    %mul3A_46 = arith.mulf %mul3A_44, %mul3A_45 : vector<1000x128xf32>
    %add3A_47 = vector.broadcast %get3A_27 : vector<1x128xf32> to vector<1000x128xf32>
    %add3A_48 = arith.addf %mul3A_46, %add3A_47 : vector<1000x128xf32>
    %gt3A = arith.constant 0.000000e+00 : f32
    %gt3A_49 = vector.broadcast %gt3A : f32 to vector<1000x128xf32>
    %gt3A_50 = arith.cmpf ogt, %add3A_48, %gt3A_49 : vector<1000x128xf32>
    %min3A = arith.constant 0.000000e+00 : f32
    %min3A_51 = vector.broadcast %min3A : f32 to vector<1000x128xf32>
    %min3A_52 = arith.minimumf %add3A_48, %min3A_51 : vector<1000x128xf32>
    %exp3A = math.exp %min3A_52 : vector<1000x128xf32>
    %sub3A_53 = arith.constant 1.000000e+00 : f32
    %sub3A_54 = vector.broadcast %sub3A_53 : f32 to vector<1000x128xf32>
    %sub3A_55 = arith.subf %exp3A, %sub3A_54 : vector<1000x128xf32>
    %select_n3A = arith.select %gt3A_50, %add3A_48, %sub3A_55 : vector<1000x128xi1>, vector<1000x128xf32>
    %get3A_56 = arith.constant 0 : index
    %get3A_57 = arith.constant 0 : index
    %get3A_58 = vector.load %arg7[%get3A_56, %get3A_57] : memref<128x256xf32, #tpu.memory_space<vmem>>, vector<128x256xf32>
    %dot_general3A = arith.constant dense<0.000000e+00> : vector<1000x256xf32>
    %dot_general3A_59 = tpu.matmul %select_n3A, %get3A_58, %dot_general3A {dimension_numbers = #tpu.dot_dimension_numbers<[1], [0], [0], [1], [0, 0, 1, 1], [], []>, transpose_lhs_hint = false} : vector<1000x128xf32>, vector<128x256xf32>, vector<1000x256xf32> -> vector<1000x256xf32>
    %get3A_60 = arith.constant 0 : index
    %get3A_61 = arith.constant 0 : index
    %get3A_62 = vector.load %arg3[%get3A_60, %get3A_61] : memref<1000x1xf32, #tpu.memory_space<vmem>>, vector<1000x1xf32>
    %mul3A_63 = vector.broadcast %get3A_62 : vector<1000x1xf32> to vector<1000x256xf32>
    %mul3A_64 = arith.mulf %dot_general3A_59, %mul3A_63 : vector<1000x256xf32>
    %slice3A = vector.extract_strided_slice %mul3A_64 {offsets = [0, 0], sizes = [1000, 128], strides = [1, 1]} : vector<1000x256xf32> to vector<1000x128xf32>
    %swap3A = arith.constant 0 : index
    %swap3A_65 = arith.constant 0 : index
    %swap3A_66 = arith.constant 0 : index
    %swap3A_67 = vector.load %arg8[%swap3A, %swap3A_65, %swap3A_66] : memref<2x1000x128xf32, #tpu.memory_space<vmem>>, vector<1x1000x128xf32>
    %swap3A_68 = vector.shape_cast %swap3A_67 : vector<1x1000x128xf32> to vector<1000x128xf32>
    %swap3A_69 = vector.shape_cast %slice3A : vector<1000x128xf32> to vector<1x1000x128xf32>
    tpu.vector_store %arg8[%swap3A, %swap3A_65, %swap3A_66], %swap3A_69 {strides = array<i32>} : memref<2x1000x128xf32, #tpu.memory_space<vmem>>, vector<1x1000x128xf32>,
    %slice3A_70 = vector.extract_strided_slice %mul3A_64 {offsets = [0, 128], sizes = [1000, 128], strides = [1, 1]} : vector<1000x256xf32> to vector<1000x128xf32>
    %swap3A_71 = arith.constant 1 : index
    %swap3A_72 = arith.constant 0 : index
    %swap3A_73 = arith.constant 0 : index
    %swap3A_74 = vector.load %arg8[%swap3A_71, %swap3A_72, %swap3A_73] : memref<2x1000x128xf32, #tpu.memory_space<vmem>>, vector<1x1000x128xf32>
    %swap3A_75 = vector.shape_cast %swap3A_74 : vector<1x1000x128xf32> to vector<1000x128xf32>
    %swap3A_76 = vector.shape_cast %slice3A_70 : vector<1000x128xf32> to vector<1x1000x128xf32>
    tpu.vector_store %arg8[%swap3A_71, %swap3A_72, %swap3A_73], %swap3A_76 {strides = array<i32>} : memref<2x1000x128xf32, #tpu.memory_space<vmem>>, vector<1x1000x128xf32>,
    return
  }
  func.func @transform_0(%arg0: i32) -> (i32, i32, i32) {
    %c0_i32 = arith.constant 0 : i32
    %c0_i32_0 = arith.constant 0 : i32
    %c0_i32_1 = arith.constant 0 : i32
    return %c0_i32, %arg0, %c0_i32_0 : i32, i32, i32
  }
  func.func @transform_1(%arg0: i32) -> (i32, i32) {
    %c0_i32 = arith.constant 0 : i32
    %c0_i32_0 = arith.constant 0 : i32
    return %arg0, %c0_i32 : i32, i32
  }
  func.func @transform_2(%arg0: i32) -> (i32, i32) {
    %c0_i32 = arith.constant 0 : i32
    %c0_i32_0 = arith.constant 0 : i32
    return %arg0, %c0_i32 : i32, i32
  }
  func.func @transform_3(%arg0: i32) -> (i32, i32) {
    %c0_i32 = arith.constant 0 : i32
    %c0_i32_0 = arith.constant 0 : i32
    %c0_i32_1 = arith.constant 0 : i32
    return %c0_i32, %c0_i32_0 : i32, i32
  }
  func.func @transform_4(%arg0: i32) -> (i32, i32) {
    %c0_i32 = arith.constant 0 : i32
    %c0_i32_0 = arith.constant 0 : i32
    %c0_i32_1 = arith.constant 0 : i32
    return %c0_i32, %c0_i32_0 : i32, i32
  }
  func.func @transform_5(%arg0: i32) -> (i32, i32) {
    %c0_i32 = arith.constant 0 : i32
    %c0_i32_0 = arith.constant 0 : i32
    %c0_i32_1 = arith.constant 0 : i32
    return %c0_i32, %c0_i32_0 : i32, i32
  }
  func.func @transform_6(%arg0: i32) -> (i32, i32) {
    %c0_i32 = arith.constant 0 : i32
    %c0_i32_0 = arith.constant 0 : i32
    %c0_i32_1 = arith.constant 0 : i32
    return %c0_i32, %c0_i32_0 : i32, i32
  }
  func.func @transform_7(%arg0: i32) -> (i32, i32, i32) {
    %c0_i32 = arith.constant 0 : i32
    %c0_i32_0 = arith.constant 0 : i32
    %c0_i32_1 = arith.constant 0 : i32
    return %c0_i32, %arg0, %c0_i32_0 : i32, i32, i32
  }
}

module attributes {stable_mosaic.version = 14 : i64} {
  func.func @_tc1_body(%arg0: i32, %arg1: memref<1000x128xf32, #tpu.memory_space<vmem>>, %arg2: memref<128x128xf32, #tpu.memory_space<vmem>>, %arg3: memref<2x1000x128xf32, #tpu.memory_space<vmem>>, %arg4: memref<1000x128xf32, #tpu.memory_space<vmem>>, %arg5: memref<1000x1xf32, #tpu.memory_space<vmem>>) attributes {dimension_semantics = [#tpu.dimension_semantics<arbitrary>], iteration_bounds = array<i64: 10>, scalar_prefetch = 0 : i64, scratch_operands = 0 : i64, tpu.core_type = #tpu.core_type<tc>, window_params = [{transform_indices = @transform_0, window_bounds = array<i64: 1000, 128>}, {pipeline_mode = #tpu.pipeline_mode<synchronous>, transform_indices = @transform_1, window_bounds = array<i64: 128, 128>}, {transform_indices = @transform_2, window_bounds = array<i64: 2, 1000, 128>}, {transform_indices = @transform_3, window_bounds = array<i64: 1000, 128>}, {transform_indices = @transform_4, window_bounds = array<i64: 1000, 1>}]} {
    %get3A = arith.constant 0 : index
    %get3A_0 = arith.constant 0 : index
    %get3A_1 = arith.constant 0 : index
    %get3A_2 = vector.load %arg3[%get3A, %get3A_0, %get3A_1] : memref<2x1000x128xf32, #tpu.memory_space<vmem>>, vector<1x1000x128xf32>
    %get3A_3 = vector.shape_cast %get3A_2 : vector<1x1000x128xf32> to vector<1000x128xf32>
    %slice3A = vector.extract_strided_slice %get3A_3 {offsets = [0, 0], sizes = [1000, 1], strides = [1, 1]} : vector<1000x128xf32> to vector<1000x1xf32>
    %get3A_4 = arith.constant 1 : index
    %get3A_5 = arith.constant 0 : index
    %get3A_6 = arith.constant 0 : index
    %get3A_7 = vector.load %arg3[%get3A_4, %get3A_5, %get3A_6] : memref<2x1000x128xf32, #tpu.memory_space<vmem>>, vector<1x1000x128xf32>
    %get3A_8 = vector.shape_cast %get3A_7 : vector<1x1000x128xf32> to vector<1000x128xf32>
    %slice3A_9 = vector.extract_strided_slice %get3A_8 {offsets = [0, 0], sizes = [1000, 1], strides = [1, 1]} : vector<1000x128xf32> to vector<1000x1xf32>
    %add3A = arith.addf %slice3A, %slice3A_9 : vector<1000x1xf32>
    %add3A_10 = arith.constant 1.000000e+00 : f32
    %add3A_11 = vector.broadcast %add3A_10 : f32 to vector<1000x1xf32>
    %add3A_12 = arith.addf %add3A, %add3A_11 : vector<1000x1xf32>
    %rsqrt3A = math.rsqrt %add3A_12 : vector<1000x1xf32>
    %get3A_13 = arith.constant 0 : index
    %get3A_14 = arith.constant 0 : index
    %get3A_15 = vector.load %arg1[%get3A_13, %get3A_14] : memref<1000x128xf32, #tpu.memory_space<vmem>>, vector<1000x128xf32>
    %get3A_16 = arith.constant 0 : index
    %get3A_17 = arith.constant 0 : index
    %get3A_18 = vector.load %arg2[%get3A_16, %get3A_17] : memref<128x128xf32, #tpu.memory_space<vmem>>, vector<128x128xf32>
    %dot_general3A = arith.constant dense<0.000000e+00> : vector<1000x128xf32>
    %dot_general3A_19 = tpu.matmul %get3A_15, %get3A_18, %dot_general3A {dimension_numbers = #tpu.dot_dimension_numbers<[1], [0], [0], [1], [0, 0, 1, 1], [], []>, transpose_lhs_hint = false} : vector<1000x128xf32>, vector<128x128xf32>, vector<1000x128xf32> -> vector<1000x128xf32>
    %mul3A = vector.broadcast %rsqrt3A : vector<1000x1xf32> to vector<1000x128xf32>
    %mul3A_20 = arith.mulf %dot_general3A_19, %mul3A : vector<1000x128xf32>
    %swap3A = arith.constant 0 : index
    %swap3A_21 = arith.constant 0 : index
    %swap3A_22 = vector.load %arg4[%swap3A, %swap3A_21] : memref<1000x128xf32, #tpu.memory_space<vmem>>, vector<1000x128xf32>
    tpu.vector_store %arg4[%swap3A, %swap3A_21], %mul3A_20 {strides = array<i32>} : memref<1000x128xf32, #tpu.memory_space<vmem>>, vector<1000x128xf32>,
    %swap3A_23 = arith.constant 0 : index
    %swap3A_24 = arith.constant 0 : index
    %swap3A_25 = vector.load %arg5[%swap3A_23, %swap3A_24] : memref<1000x1xf32, #tpu.memory_space<vmem>>, vector<1000x1xf32>
    tpu.vector_store %arg5[%swap3A_23, %swap3A_24], %rsqrt3A {strides = array<i32>} : memref<1000x1xf32, #tpu.memory_space<vmem>>, vector<1000x1xf32>,
    return
  }
  func.func @transform_0(%arg0: i32) -> (i32, i32) {
    %c0_i32 = arith.constant 0 : i32
    %c0_i32_0 = arith.constant 0 : i32
    return %arg0, %c0_i32 : i32, i32
  }
  func.func @transform_1(%arg0: i32) -> (i32, i32) {
    %c0_i32 = arith.constant 0 : i32
    %c0_i32_0 = arith.constant 0 : i32
    %c0_i32_1 = arith.constant 0 : i32
    return %c0_i32, %c0_i32_0 : i32, i32
  }
  func.func @transform_2(%arg0: i32) -> (i32, i32, i32) {
    %c0_i32 = arith.constant 0 : i32
    %c0_i32_0 = arith.constant 0 : i32
    %c0_i32_1 = arith.constant 0 : i32
    return %c0_i32, %arg0, %c0_i32_0 : i32, i32, i32
  }
  func.func @transform_3(%arg0: i32) -> (i32, i32) {
    %c0_i32 = arith.constant 0 : i32
    %c0_i32_0 = arith.constant 0 : i32
    return %arg0, %c0_i32 : i32, i32
  }
  func.func @transform_4(%arg0: i32) -> (i32, i32) {
    %c0_i32 = arith.constant 0 : i32
    %c0_i32_0 = arith.constant 0 : i32
    return %arg0, %c0_i32 : i32, i32
  }
}

module attributes {stable_mosaic.version = 14 : i64} {
  func.func @_tc3_body(%arg0: i32, %arg1: memref<2x1000x128xf32, #tpu.memory_space<vmem>>, %arg2: memref<2x1000x128xf32, #tpu.memory_space<vmem>>, %arg3: memref<1000x1xf32, #tpu.memory_space<vmem>>, %arg4: memref<1x256xf32, #tpu.memory_space<vmem>>, %arg5: memref<1x256xf32, #tpu.memory_space<vmem>>, %arg6: memref<1x256xf32, #tpu.memory_space<vmem>>, %arg7: memref<256x128xf32, #tpu.memory_space<vmem>>, %arg8: memref<1000x128xf32, #tpu.memory_space<vmem>>) attributes {dimension_semantics = [#tpu.dimension_semantics<arbitrary>], iteration_bounds = array<i64: 10>, scalar_prefetch = 0 : i64, scratch_operands = 0 : i64, tpu.core_type = #tpu.core_type<tc>, window_params = [{transform_indices = @transform_0, window_bounds = array<i64: 2, 1000, 128>}, {transform_indices = @transform_1, window_bounds = array<i64: 2, 1000, 128>}, {transform_indices = @transform_2, window_bounds = array<i64: 1000, 1>}, {pipeline_mode = #tpu.pipeline_mode<synchronous>, transform_indices = @transform_3, window_bounds = array<i64: 1, 256>}, {pipeline_mode = #tpu.pipeline_mode<synchronous>, transform_indices = @transform_4, window_bounds = array<i64: 1, 256>}, {pipeline_mode = #tpu.pipeline_mode<synchronous>, transform_indices = @transform_5, window_bounds = array<i64: 1, 256>}, {pipeline_mode = #tpu.pipeline_mode<synchronous>, transform_indices = @transform_6, window_bounds = array<i64: 256, 128>}, {transform_indices = @transform_7, window_bounds = array<i64: 1000, 128>}]} {
    %get3A = arith.constant 0 : index
    %get3A_0 = arith.constant 0 : index
    %get3A_1 = arith.constant 0 : index
    %get3A_2 = vector.load %arg1[%get3A, %get3A_0, %get3A_1] : memref<2x1000x128xf32, #tpu.memory_space<vmem>>, vector<1x1000x128xf32>
    %get3A_3 = vector.shape_cast %get3A_2 : vector<1x1000x128xf32> to vector<1000x128xf32>
    %get3A_4 = arith.constant 1 : index
    %get3A_5 = arith.constant 0 : index
    %get3A_6 = arith.constant 0 : index
    %get3A_7 = vector.load %arg1[%get3A_4, %get3A_5, %get3A_6] : memref<2x1000x128xf32, #tpu.memory_space<vmem>>, vector<1x1000x128xf32>
    %get3A_8 = vector.shape_cast %get3A_7 : vector<1x1000x128xf32> to vector<1000x128xf32>
    %concatenate3A = tpu.concatenate %get3A_3, %get3A_8 in 1 : vector<1000x128xf32>, vector<1000x128xf32> -> vector<1000x256xf32>
    %get3A_9 = arith.constant 0 : index
    %get3A_10 = arith.constant 0 : index
    %get3A_11 = arith.constant 0 : index
    %get3A_12 = vector.load %arg2[%get3A_9, %get3A_10, %get3A_11] : memref<2x1000x128xf32, #tpu.memory_space<vmem>>, vector<1x1000x128xf32>
    %get3A_13 = vector.shape_cast %get3A_12 : vector<1x1000x128xf32> to vector<1000x128xf32>
    %get3A_14 = arith.constant 1 : index
    %get3A_15 = arith.constant 0 : index
    %get3A_16 = arith.constant 0 : index
    %get3A_17 = vector.load %arg2[%get3A_14, %get3A_15, %get3A_16] : memref<2x1000x128xf32, #tpu.memory_space<vmem>>, vector<1x1000x128xf32>
    %get3A_18 = vector.shape_cast %get3A_17 : vector<1x1000x128xf32> to vector<1000x128xf32>
    %concatenate3A_19 = tpu.concatenate %get3A_13, %get3A_18 in 1 : vector<1000x128xf32>, vector<1000x128xf32> -> vector<1000x256xf32>
    %add3A = arith.addf %concatenate3A, %concatenate3A_19 : vector<1000x256xf32>
    %get3A_20 = arith.constant 0 : index
    %get3A_21 = arith.constant 0 : index
    %get3A_22 = vector.load %arg3[%get3A_20, %get3A_21] : memref<1000x1xf32, #tpu.memory_space<vmem>>, vector<1000x1xf32>
    %mul3A = vector.broadcast %get3A_22 : vector<1000x1xf32> to vector<1000x256xf32>
    %mul3A_23 = arith.mulf %add3A, %mul3A : vector<1000x256xf32>
    %get3A_24 = arith.constant 0 : index
    %get3A_25 = arith.constant 0 : index
    %get3A_26 = vector.load %arg4[%get3A_24, %get3A_25] : memref<1x256xf32, #tpu.memory_space<vmem>>, vector<1x256xf32>
    %add3A_27 = vector.broadcast %get3A_26 : vector<1x256xf32> to vector<1000x256xf32>
    %add3A_28 = arith.addf %mul3A_23, %add3A_27 : vector<1000x256xf32>
    %get3A_29 = arith.constant 0 : index
    %get3A_30 = arith.constant 0 : index
    %get3A_31 = vector.load %arg5[%get3A_29, %get3A_30] : memref<1x256xf32, #tpu.memory_space<vmem>>, vector<1x256xf32>
    %get3A_32 = arith.constant 0 : index
    %get3A_33 = arith.constant 0 : index
    %get3A_34 = vector.load %arg6[%get3A_32, %get3A_33] : memref<1x256xf32, #tpu.memory_space<vmem>>, vector<1x256xf32>
    %reduce_sum3A = arith.constant dense<0.000000e+00> : vector<1000xf32>
    %reduce_sum3A_35 = vector.multi_reduction <add>, %add3A_28, %reduce_sum3A [1] : vector<1000x256xf32> to vector<1000xf32>
    %broadcast_in_dim3A = vector.shape_cast %reduce_sum3A_35 : vector<1000xf32> to vector<1000x1xf32>
    %div3A = arith.constant 2.560000e+02 : f32
    %div3A_36 = vector.broadcast %div3A : f32 to vector<1000x1xf32>
    %div3A_37 = arith.divf %broadcast_in_dim3A, %div3A_36 : vector<1000x1xf32>
    %sub3A = vector.broadcast %div3A_37 : vector<1000x1xf32> to vector<1000x256xf32>
    %sub3A_38 = arith.subf %add3A_28, %sub3A : vector<1000x256xf32>
    %integer_pow3A = arith.mulf %sub3A_38, %sub3A_38 : vector<1000x256xf32>
    %reduce_sum3A_39 = arith.constant dense<0.000000e+00> : vector<1000xf32>
    %reduce_sum3A_40 = vector.multi_reduction <add>, %integer_pow3A, %reduce_sum3A_39 [1] : vector<1000x256xf32> to vector<1000xf32>
    %broadcast_in_dim3A_41 = vector.shape_cast %reduce_sum3A_40 : vector<1000xf32> to vector<1000x1xf32>
    %div3A_42 = arith.constant 2.560000e+02 : f32
    %div3A_43 = vector.broadcast %div3A_42 : f32 to vector<1000x1xf32>
    %div3A_44 = arith.divf %broadcast_in_dim3A_41, %div3A_43 : vector<1000x1xf32>
    %sub3A_45 = vector.broadcast %div3A_37 : vector<1000x1xf32> to vector<1000x256xf32>
    %sub3A_46 = arith.subf %add3A_28, %sub3A_45 : vector<1000x256xf32>
    %add3A_47 = arith.constant 9.99999974E-6 : f32
    %add3A_48 = vector.broadcast %add3A_47 : f32 to vector<1000x1xf32>
    %add3A_49 = arith.addf %div3A_44, %add3A_48 : vector<1000x1xf32>
    %rsqrt3A = math.rsqrt %add3A_49 : vector<1000x1xf32>
    %mul3A_50 = vector.broadcast %rsqrt3A : vector<1000x1xf32> to vector<1000x256xf32>
    %mul3A_51 = arith.mulf %sub3A_46, %mul3A_50 : vector<1000x256xf32>
    %mul3A_52 = vector.broadcast %get3A_31 : vector<1x256xf32> to vector<1000x256xf32>
    %mul3A_53 = arith.mulf %mul3A_51, %mul3A_52 : vector<1000x256xf32>
    %add3A_54 = vector.broadcast %get3A_34 : vector<1x256xf32> to vector<1000x256xf32>
    %add3A_55 = arith.addf %mul3A_53, %add3A_54 : vector<1000x256xf32>
    %gt3A = arith.constant 0.000000e+00 : f32
    %gt3A_56 = vector.broadcast %gt3A : f32 to vector<1000x256xf32>
    %gt3A_57 = arith.cmpf ogt, %add3A_55, %gt3A_56 : vector<1000x256xf32>
    %min3A = arith.constant 0.000000e+00 : f32
    %min3A_58 = vector.broadcast %min3A : f32 to vector<1000x256xf32>
    %min3A_59 = arith.minimumf %add3A_55, %min3A_58 : vector<1000x256xf32>
    %exp3A = math.exp %min3A_59 : vector<1000x256xf32>
    %sub3A_60 = arith.constant 1.000000e+00 : f32
    %sub3A_61 = vector.broadcast %sub3A_60 : f32 to vector<1000x256xf32>
    %sub3A_62 = arith.subf %exp3A, %sub3A_61 : vector<1000x256xf32>
    %select_n3A = arith.select %gt3A_57, %add3A_55, %sub3A_62 : vector<1000x256xi1>, vector<1000x256xf32>
    %get3A_63 = arith.constant 0 : index
    %get3A_64 = arith.constant 0 : index
    %get3A_65 = vector.load %arg7[%get3A_63, %get3A_64] : memref<256x128xf32, #tpu.memory_space<vmem>>, vector<256x128xf32>
    %dot_general3A = arith.constant dense<0.000000e+00> : vector<1000x128xf32>
    %dot_general3A_66 = tpu.matmul %select_n3A, %get3A_65, %dot_general3A {dimension_numbers = #tpu.dot_dimension_numbers<[1], [0], [0], [1], [0, 0, 1, 1], [], []>, transpose_lhs_hint = false} : vector<1000x256xf32>, vector<256x128xf32>, vector<1000x128xf32> -> vector<1000x128xf32>
    %get3A_67 = arith.constant 0 : index
    %get3A_68 = arith.constant 0 : index
    %get3A_69 = vector.load %arg3[%get3A_67, %get3A_68] : memref<1000x1xf32, #tpu.memory_space<vmem>>, vector<1000x1xf32>
    %mul3A_70 = vector.broadcast %get3A_69 : vector<1000x1xf32> to vector<1000x128xf32>
    %mul3A_71 = arith.mulf %dot_general3A_66, %mul3A_70 : vector<1000x128xf32>
    %swap3A = arith.constant 0 : index
    %swap3A_72 = arith.constant 0 : index
    %swap3A_73 = vector.load %arg8[%swap3A, %swap3A_72] : memref<1000x128xf32, #tpu.memory_space<vmem>>, vector<1000x128xf32>
    tpu.vector_store %arg8[%swap3A, %swap3A_72], %mul3A_71 {strides = array<i32>} : memref<1000x128xf32, #tpu.memory_space<vmem>>, vector<1000x128xf32>,
    return
  }
  func.func @transform_0(%arg0: i32) -> (i32, i32, i32) {
    %c0_i32 = arith.constant 0 : i32
    %c0_i32_0 = arith.constant 0 : i32
    %c0_i32_1 = arith.constant 0 : i32
    return %c0_i32, %arg0, %c0_i32_0 : i32, i32, i32
  }
  func.func @transform_1(%arg0: i32) -> (i32, i32, i32) {
    %c0_i32 = arith.constant 0 : i32
    %c0_i32_0 = arith.constant 0 : i32
    %c0_i32_1 = arith.constant 0 : i32
    return %c0_i32, %arg0, %c0_i32_0 : i32, i32, i32
  }
  func.func @transform_2(%arg0: i32) -> (i32, i32) {
    %c0_i32 = arith.constant 0 : i32
    %c0_i32_0 = arith.constant 0 : i32
    return %arg0, %c0_i32 : i32, i32
  }
  func.func @transform_3(%arg0: i32) -> (i32, i32) {
    %c0_i32 = arith.constant 0 : i32
    %c0_i32_0 = arith.constant 0 : i32
    %c0_i32_1 = arith.constant 0 : i32
    return %c0_i32, %c0_i32_0 : i32, i32
  }
  func.func @transform_4(%arg0: i32) -> (i32, i32) {
    %c0_i32 = arith.constant 0 : i32
    %c0_i32_0 = arith.constant 0 : i32
    %c0_i32_1 = arith.constant 0 : i32
    return %c0_i32, %c0_i32_0 : i32, i32
  }
  func.func @transform_5(%arg0: i32) -> (i32, i32) {
    %c0_i32 = arith.constant 0 : i32
    %c0_i32_0 = arith.constant 0 : i32
    %c0_i32_1 = arith.constant 0 : i32
    return %c0_i32, %c0_i32_0 : i32, i32
  }
  func.func @transform_6(%arg0: i32) -> (i32, i32) {
    %c0_i32 = arith.constant 0 : i32
    %c0_i32_0 = arith.constant 0 : i32
    %c0_i32_1 = arith.constant 0 : i32
    return %c0_i32, %c0_i32_0 : i32, i32
  }
  func.func @transform_7(%arg0: i32) -> (i32, i32) {
    %c0_i32 = arith.constant 0 : i32
    %c0_i32_0 = arith.constant 0 : i32
    return %arg0, %c0_i32 : i32, i32
  }
}

module attributes {stable_mosaic.version = 14 : i64} {
  func.func @_tc4_body(%arg0: i32, %arg1: memref<2x1000x128xf32, #tpu.memory_space<vmem>>, %arg2: memref<1000x128xf32, #tpu.memory_space<vmem>>, %arg3: memref<1000x1xf32, #tpu.memory_space<vmem>>, %arg4: memref<1x128xf32, #tpu.memory_space<vmem>>, %arg5: memref<1x128xf32, #tpu.memory_space<vmem>>, %arg6: memref<1x128xf32, #tpu.memory_space<vmem>>, %arg7: memref<128x64xf32, #tpu.memory_space<vmem>>, %arg8: memref<1x64xf32, #tpu.memory_space<vmem>>, %arg9: memref<1x64xf32, #tpu.memory_space<vmem>>, %arg10: memref<1x64xf32, #tpu.memory_space<vmem>>, %arg11: memref<64x32xf32, #tpu.memory_space<vmem>>, %arg12: memref<1x32xf32, #tpu.memory_space<vmem>>, %arg13: memref<1000x32xf32, #tpu.memory_space<vmem>>) attributes {dimension_semantics = [#tpu.dimension_semantics<arbitrary>], iteration_bounds = array<i64: 10>, scalar_prefetch = 0 : i64, scratch_operands = 0 : i64, tpu.core_type = #tpu.core_type<tc>, window_params = [{transform_indices = @transform_0, window_bounds = array<i64: 2, 1000, 128>}, {transform_indices = @transform_1, window_bounds = array<i64: 1000, 128>}, {transform_indices = @transform_2, window_bounds = array<i64: 1000, 1>}, {pipeline_mode = #tpu.pipeline_mode<synchronous>, transform_indices = @transform_3, window_bounds = array<i64: 1, 128>}, {pipeline_mode = #tpu.pipeline_mode<synchronous>, transform_indices = @transform_4, window_bounds = array<i64: 1, 128>}, {pipeline_mode = #tpu.pipeline_mode<synchronous>, transform_indices = @transform_5, window_bounds = array<i64: 1, 128>}, {pipeline_mode = #tpu.pipeline_mode<synchronous>, transform_indices = @transform_6, window_bounds = array<i64: 128, 64>}, {pipeline_mode = #tpu.pipeline_mode<synchronous>, transform_indices = @transform_7, window_bounds = array<i64: 1, 64>}, {pipeline_mode = #tpu.pipeline_mode<synchronous>, transform_indices = @transform_8, window_bounds = array<i64: 1, 64>}, {pipeline_mode = #tpu.pipeline_mode<synchronous>, transform_indices = @transform_9, window_bounds = array<i64: 1, 64>}, {pipeline_mode = #tpu.pipeline_mode<synchronous>, transform_indices = @transform_10, window_bounds = array<i64: 64, 32>}, {pipeline_mode = #tpu.pipeline_mode<synchronous>, transform_indices = @transform_11, window_bounds = array<i64: 1, 32>}, {transform_indices = @transform_12, window_bounds = array<i64: 1000, 32>}]} {
    %get3A = arith.constant 0 : index
    %get3A_0 = arith.constant 0 : index
    %get3A_1 = arith.constant 0 : index
    %get3A_2 = vector.load %arg1[%get3A, %get3A_0, %get3A_1] : memref<2x1000x128xf32, #tpu.memory_space<vmem>>, vector<1x1000x128xf32>
    %get3A_3 = vector.shape_cast %get3A_2 : vector<1x1000x128xf32> to vector<1000x128xf32>
    %get3A_4 = arith.constant 1 : index
    %get3A_5 = arith.constant 0 : index
    %get3A_6 = arith.constant 0 : index
    %get3A_7 = vector.load %arg1[%get3A_4, %get3A_5, %get3A_6] : memref<2x1000x128xf32, #tpu.memory_space<vmem>>, vector<1x1000x128xf32>
    %get3A_8 = vector.shape_cast %get3A_7 : vector<1x1000x128xf32> to vector<1000x128xf32>
    %add3A = arith.addf %get3A_3, %get3A_8 : vector<1000x128xf32>
    %get3A_9 = arith.constant 0 : index
    %get3A_10 = arith.constant 0 : index
    %get3A_11 = vector.load %arg2[%get3A_9, %get3A_10] : memref<1000x128xf32, #tpu.memory_space<vmem>>, vector<1000x128xf32>
    %add3A_12 = arith.addf %add3A, %get3A_11 : vector<1000x128xf32>
    %get3A_13 = arith.constant 0 : index
    %get3A_14 = arith.constant 0 : index
    %get3A_15 = vector.load %arg3[%get3A_13, %get3A_14] : memref<1000x1xf32, #tpu.memory_space<vmem>>, vector<1000x1xf32>
    %mul3A = vector.broadcast %get3A_15 : vector<1000x1xf32> to vector<1000x128xf32>
    %mul3A_16 = arith.mulf %add3A_12, %mul3A : vector<1000x128xf32>
    %get3A_17 = arith.constant 0 : index
    %get3A_18 = arith.constant 0 : index
    %get3A_19 = vector.load %arg4[%get3A_17, %get3A_18] : memref<1x128xf32, #tpu.memory_space<vmem>>, vector<1x128xf32>
    %add3A_20 = vector.broadcast %get3A_19 : vector<1x128xf32> to vector<1000x128xf32>
    %add3A_21 = arith.addf %mul3A_16, %add3A_20 : vector<1000x128xf32>
    %get3A_22 = arith.constant 0 : index
    %get3A_23 = arith.constant 0 : index
    %get3A_24 = vector.load %arg5[%get3A_22, %get3A_23] : memref<1x128xf32, #tpu.memory_space<vmem>>, vector<1x128xf32>
    %get3A_25 = arith.constant 0 : index
    %get3A_26 = arith.constant 0 : index
    %get3A_27 = vector.load %arg6[%get3A_25, %get3A_26] : memref<1x128xf32, #tpu.memory_space<vmem>>, vector<1x128xf32>
    %reduce_sum3A = arith.constant dense<0.000000e+00> : vector<1000xf32>
    %reduce_sum3A_28 = vector.multi_reduction <add>, %add3A_21, %reduce_sum3A [1] : vector<1000x128xf32> to vector<1000xf32>
    %broadcast_in_dim3A = vector.shape_cast %reduce_sum3A_28 : vector<1000xf32> to vector<1000x1xf32>
    %div3A = arith.constant 1.280000e+02 : f32
    %div3A_29 = vector.broadcast %div3A : f32 to vector<1000x1xf32>
    %div3A_30 = arith.divf %broadcast_in_dim3A, %div3A_29 : vector<1000x1xf32>
    %sub3A = vector.broadcast %div3A_30 : vector<1000x1xf32> to vector<1000x128xf32>
    %sub3A_31 = arith.subf %add3A_21, %sub3A : vector<1000x128xf32>
    %integer_pow3A = arith.mulf %sub3A_31, %sub3A_31 : vector<1000x128xf32>
    %reduce_sum3A_32 = arith.constant dense<0.000000e+00> : vector<1000xf32>
    %reduce_sum3A_33 = vector.multi_reduction <add>, %integer_pow3A, %reduce_sum3A_32 [1] : vector<1000x128xf32> to vector<1000xf32>
    %broadcast_in_dim3A_34 = vector.shape_cast %reduce_sum3A_33 : vector<1000xf32> to vector<1000x1xf32>
    %div3A_35 = arith.constant 1.280000e+02 : f32
    %div3A_36 = vector.broadcast %div3A_35 : f32 to vector<1000x1xf32>
    %div3A_37 = arith.divf %broadcast_in_dim3A_34, %div3A_36 : vector<1000x1xf32>
    %sub3A_38 = vector.broadcast %div3A_30 : vector<1000x1xf32> to vector<1000x128xf32>
    %sub3A_39 = arith.subf %add3A_21, %sub3A_38 : vector<1000x128xf32>
    %add3A_40 = arith.constant 9.99999974E-6 : f32
    %add3A_41 = vector.broadcast %add3A_40 : f32 to vector<1000x1xf32>
    %add3A_42 = arith.addf %div3A_37, %add3A_41 : vector<1000x1xf32>
    %rsqrt3A = math.rsqrt %add3A_42 : vector<1000x1xf32>
    %mul3A_43 = vector.broadcast %rsqrt3A : vector<1000x1xf32> to vector<1000x128xf32>
    %mul3A_44 = arith.mulf %sub3A_39, %mul3A_43 : vector<1000x128xf32>
    %mul3A_45 = vector.broadcast %get3A_24 : vector<1x128xf32> to vector<1000x128xf32>
    %mul3A_46 = arith.mulf %mul3A_44, %mul3A_45 : vector<1000x128xf32>
    %add3A_47 = vector.broadcast %get3A_27 : vector<1x128xf32> to vector<1000x128xf32>
    %add3A_48 = arith.addf %mul3A_46, %add3A_47 : vector<1000x128xf32>
    %gt3A = arith.constant 0.000000e+00 : f32
    %gt3A_49 = vector.broadcast %gt3A : f32 to vector<1000x128xf32>
    %gt3A_50 = arith.cmpf ogt, %add3A_48, %gt3A_49 : vector<1000x128xf32>
    %min3A = arith.constant 0.000000e+00 : f32
    %min3A_51 = vector.broadcast %min3A : f32 to vector<1000x128xf32>
    %min3A_52 = arith.minimumf %add3A_48, %min3A_51 : vector<1000x128xf32>
    %exp3A = math.exp %min3A_52 : vector<1000x128xf32>
    %sub3A_53 = arith.constant 1.000000e+00 : f32
    %sub3A_54 = vector.broadcast %sub3A_53 : f32 to vector<1000x128xf32>
    %sub3A_55 = arith.subf %exp3A, %sub3A_54 : vector<1000x128xf32>
    %select_n3A = arith.select %gt3A_50, %add3A_48, %sub3A_55 : vector<1000x128xi1>, vector<1000x128xf32>
    %get3A_56 = arith.constant 0 : index
    %get3A_57 = arith.constant 0 : index
    %get3A_58 = vector.load %arg7[%get3A_56, %get3A_57] : memref<128x64xf32, #tpu.memory_space<vmem>>, vector<128x64xf32>
    %dot_general3A = arith.constant dense<0.000000e+00> : vector<1000x64xf32>
    %dot_general3A_59 = tpu.matmul %select_n3A, %get3A_58, %dot_general3A {dimension_numbers = #tpu.dot_dimension_numbers<[1], [0], [0], [1], [0, 0, 1, 1], [], []>, transpose_lhs_hint = false} : vector<1000x128xf32>, vector<128x64xf32>, vector<1000x64xf32> -> vector<1000x64xf32>
    %get3A_60 = arith.constant 0 : index
    %get3A_61 = arith.constant 0 : index
    %get3A_62 = vector.load %arg8[%get3A_60, %get3A_61] : memref<1x64xf32, #tpu.memory_space<vmem>>, vector<1x64xf32>
    %add3A_63 = vector.broadcast %get3A_62 : vector<1x64xf32> to vector<1000x64xf32>
    %add3A_64 = arith.addf %dot_general3A_59, %add3A_63 : vector<1000x64xf32>
    %get3A_65 = arith.constant 0 : index
    %get3A_66 = arith.constant 0 : index
    %get3A_67 = vector.load %arg9[%get3A_65, %get3A_66] : memref<1x64xf32, #tpu.memory_space<vmem>>, vector<1x64xf32>
    %get3A_68 = arith.constant 0 : index
    %get3A_69 = arith.constant 0 : index
    %get3A_70 = vector.load %arg10[%get3A_68, %get3A_69] : memref<1x64xf32, #tpu.memory_space<vmem>>, vector<1x64xf32>
    %reduce_sum3A_71 = arith.constant dense<0.000000e+00> : vector<1000xf32>
    %reduce_sum3A_72 = vector.multi_reduction <add>, %add3A_64, %reduce_sum3A_71 [1] : vector<1000x64xf32> to vector<1000xf32>
    %broadcast_in_dim3A_73 = vector.shape_cast %reduce_sum3A_72 : vector<1000xf32> to vector<1000x1xf32>
    %div3A_74 = arith.constant 6.400000e+01 : f32
    %div3A_75 = vector.broadcast %div3A_74 : f32 to vector<1000x1xf32>
    %div3A_76 = arith.divf %broadcast_in_dim3A_73, %div3A_75 : vector<1000x1xf32>
    %sub3A_77 = vector.broadcast %div3A_76 : vector<1000x1xf32> to vector<1000x64xf32>
    %sub3A_78 = arith.subf %add3A_64, %sub3A_77 : vector<1000x64xf32>
    %integer_pow3A_79 = arith.mulf %sub3A_78, %sub3A_78 : vector<1000x64xf32>
    %reduce_sum3A_80 = arith.constant dense<0.000000e+00> : vector<1000xf32>
    %reduce_sum3A_81 = vector.multi_reduction <add>, %integer_pow3A_79, %reduce_sum3A_80 [1] : vector<1000x64xf32> to vector<1000xf32>
    %broadcast_in_dim3A_82 = vector.shape_cast %reduce_sum3A_81 : vector<1000xf32> to vector<1000x1xf32>
    %div3A_83 = arith.constant 6.400000e+01 : f32
    %div3A_84 = vector.broadcast %div3A_83 : f32 to vector<1000x1xf32>
    %div3A_85 = arith.divf %broadcast_in_dim3A_82, %div3A_84 : vector<1000x1xf32>
    %sub3A_86 = vector.broadcast %div3A_76 : vector<1000x1xf32> to vector<1000x64xf32>
    %sub3A_87 = arith.subf %add3A_64, %sub3A_86 : vector<1000x64xf32>
    %add3A_88 = arith.constant 9.99999974E-6 : f32
    %add3A_89 = vector.broadcast %add3A_88 : f32 to vector<1000x1xf32>
    %add3A_90 = arith.addf %div3A_85, %add3A_89 : vector<1000x1xf32>
    %rsqrt3A_91 = math.rsqrt %add3A_90 : vector<1000x1xf32>
    %mul3A_92 = vector.broadcast %rsqrt3A_91 : vector<1000x1xf32> to vector<1000x64xf32>
    %mul3A_93 = arith.mulf %sub3A_87, %mul3A_92 : vector<1000x64xf32>
    %mul3A_94 = vector.broadcast %get3A_67 : vector<1x64xf32> to vector<1000x64xf32>
    %mul3A_95 = arith.mulf %mul3A_93, %mul3A_94 : vector<1000x64xf32>
    %add3A_96 = vector.broadcast %get3A_70 : vector<1x64xf32> to vector<1000x64xf32>
    %add3A_97 = arith.addf %mul3A_95, %add3A_96 : vector<1000x64xf32>
    %gt3A_98 = arith.constant 0.000000e+00 : f32
    %gt3A_99 = vector.broadcast %gt3A_98 : f32 to vector<1000x64xf32>
    %gt3A_100 = arith.cmpf ogt, %add3A_97, %gt3A_99 : vector<1000x64xf32>
    %min3A_101 = arith.constant 0.000000e+00 : f32
    %min3A_102 = vector.broadcast %min3A_101 : f32 to vector<1000x64xf32>
    %min3A_103 = arith.minimumf %add3A_97, %min3A_102 : vector<1000x64xf32>
    %exp3A_104 = math.exp %min3A_103 : vector<1000x64xf32>
    %sub3A_105 = arith.constant 1.000000e+00 : f32
    %sub3A_106 = vector.broadcast %sub3A_105 : f32 to vector<1000x64xf32>
    %sub3A_107 = arith.subf %exp3A_104, %sub3A_106 : vector<1000x64xf32>
    %select_n3A_108 = arith.select %gt3A_100, %add3A_97, %sub3A_107 : vector<1000x64xi1>, vector<1000x64xf32>
    %get3A_109 = arith.constant 0 : index
    %get3A_110 = arith.constant 0 : index
    %get3A_111 = vector.load %arg11[%get3A_109, %get3A_110] : memref<64x32xf32, #tpu.memory_space<vmem>>, vector<64x32xf32>
    %dot_general3A_112 = arith.constant dense<0.000000e+00> : vector<1000x32xf32>
    %dot_general3A_113 = tpu.matmul %select_n3A_108, %get3A_111, %dot_general3A_112 {dimension_numbers = #tpu.dot_dimension_numbers<[1], [0], [0], [1], [0, 0, 1, 1], [], []>, transpose_lhs_hint = false} : vector<1000x64xf32>, vector<64x32xf32>, vector<1000x32xf32> -> vector<1000x32xf32>
    %get3A_114 = arith.constant 0 : index
    %get3A_115 = arith.constant 0 : index
    %get3A_116 = vector.load %arg12[%get3A_114, %get3A_115] : memref<1x32xf32, #tpu.memory_space<vmem>>, vector<1x32xf32>
    %add3A_117 = vector.broadcast %get3A_116 : vector<1x32xf32> to vector<1000x32xf32>
    %add3A_118 = arith.addf %dot_general3A_113, %add3A_117 : vector<1000x32xf32>
    %swap3A = arith.constant 0 : index
    %swap3A_119 = arith.constant 0 : index
    %swap3A_120 = vector.load %arg13[%swap3A, %swap3A_119] : memref<1000x32xf32, #tpu.memory_space<vmem>>, vector<1000x32xf32>
    tpu.vector_store %arg13[%swap3A, %swap3A_119], %add3A_118 {strides = array<i32>} : memref<1000x32xf32, #tpu.memory_space<vmem>>, vector<1000x32xf32>,
    return
  }
  func.func @transform_0(%arg0: i32) -> (i32, i32, i32) {
    %c0_i32 = arith.constant 0 : i32
    %c0_i32_0 = arith.constant 0 : i32
    %c0_i32_1 = arith.constant 0 : i32
    return %c0_i32, %arg0, %c0_i32_0 : i32, i32, i32
  }
  func.func @transform_1(%arg0: i32) -> (i32, i32) {
    %c0_i32 = arith.constant 0 : i32
    %c0_i32_0 = arith.constant 0 : i32
    return %arg0, %c0_i32 : i32, i32
  }
  func.func @transform_2(%arg0: i32) -> (i32, i32) {
    %c0_i32 = arith.constant 0 : i32
    %c0_i32_0 = arith.constant 0 : i32
    return %arg0, %c0_i32 : i32, i32
  }
  func.func @transform_3(%arg0: i32) -> (i32, i32) {
    %c0_i32 = arith.constant 0 : i32
    %c0_i32_0 = arith.constant 0 : i32
    %c0_i32_1 = arith.constant 0 : i32
    return %c0_i32, %c0_i32_0 : i32, i32
  }
  func.func @transform_4(%arg0: i32) -> (i32, i32) {
    %c0_i32 = arith.constant 0 : i32
    %c0_i32_0 = arith.constant 0 : i32
    %c0_i32_1 = arith.constant 0 : i32
    return %c0_i32, %c0_i32_0 : i32, i32
  }
  func.func @transform_5(%arg0: i32) -> (i32, i32) {
    %c0_i32 = arith.constant 0 : i32
    %c0_i32_0 = arith.constant 0 : i32
    %c0_i32_1 = arith.constant 0 : i32
    return %c0_i32, %c0_i32_0 : i32, i32
  }
  func.func @transform_6(%arg0: i32) -> (i32, i32) {
    %c0_i32 = arith.constant 0 : i32
    %c0_i32_0 = arith.constant 0 : i32
    %c0_i32_1 = arith.constant 0 : i32
    return %c0_i32, %c0_i32_0 : i32, i32
  }
  func.func @transform_7(%arg0: i32) -> (i32, i32) {
    %c0_i32 = arith.constant 0 : i32
    %c0_i32_0 = arith.constant 0 : i32
    %c0_i32_1 = arith.constant 0 : i32
    return %c0_i32, %c0_i32_0 : i32, i32
  }
  func.func @transform_8(%arg0: i32) -> (i32, i32) {
    %c0_i32 = arith.constant 0 : i32
    %c0_i32_0 = arith.constant 0 : i32
    %c0_i32_1 = arith.constant 0 : i32
    return %c0_i32, %c0_i32_0 : i32, i32
  }
  func.func @transform_9(%arg0: i32) -> (i32, i32) {
    %c0_i32 = arith.constant 0 : i32
    %c0_i32_0 = arith.constant 0 : i32
    %c0_i32_1 = arith.constant 0 : i32
    return %c0_i32, %c0_i32_0 : i32, i32
  }
  func.func @transform_10(%arg0: i32) -> (i32, i32) {
    %c0_i32 = arith.constant 0 : i32
    %c0_i32_0 = arith.constant 0 : i32
    %c0_i32_1 = arith.constant 0 : i32
    return %c0_i32, %c0_i32_0 : i32, i32
  }
  func.func @transform_11(%arg0: i32) -> (i32, i32) {
    %c0_i32 = arith.constant 0 : i32
    %c0_i32_0 = arith.constant 0 : i32
    %c0_i32_1 = arith.constant 0 : i32
    return %c0_i32, %c0_i32_0 : i32, i32
  }
  func.func @transform_12(%arg0: i32) -> (i32, i32) {
    %c0_i32 = arith.constant 0 : i32
    %c0_i32_0 = arith.constant 0 : i32
    return %arg0, %c0_i32 : i32, i32
  }
}

</mosaic_0001>

<sc_bundles>
// kernel: kernel.11.cloned.1.call-start
scs
__scs_entry_jumppad:
0x0: {  	(pc) =	sbr.rel $0x88, $3  }
0x1: {  	(tag) =	ssettag $0x0;
	lr =	simm.s32 $0x1  }
0x2: {  	[smem:$0x3F8D] =	sst lr;
	_ =	strace $0xD0000000  }
0x3: {  	_ = 	snop  }
0x4: {  	_ = 	snop  }
0x5: {  	_ = 	snop  }
0x6: {  	_ = 	snop  }
0x7: {  	_ = 	snop  }
__scs_overlays_trampoline_lowered:
0x8: {  	[smem:$0x3F9C] =	sst s0  }
0x9: {  	[smem:$0x3F9D] =	sst s1  }
0xa: {  	[smem:$0x3F9E] =	sst s2  }
0xb: {  	[smem:$0x3F9F] =	sst s3  }
0xc: {  	[smem:$0x3FA0] =	sst s4  }
0xd: {  	[smem:$0x3FA1] =	sst s5  }
0xe: {  	[smem:$0x3FA2] =	sst s6  }
0xf: {  	[smem:$0x3FA3] =	sst s7  }
0x10: {  	[smem:$0x3FA4] =	sst s8  }
0x11: {  	[smem:$0x3FA5] =	sst s9;
	s0 =	simm.s32 @!p0 $0x0  }
0x12: {  	s1 =	sld [smem:$0x3F8B];
	s0 =	simm.s32 @p0 $0x1  }
0x13: {  	[smem:$0x3FA6] =	sst s0;
	s0 =	simm.s32 @!p1 $0x0  }
0x14: {  	s2 =	sld [smem:$0x3F8A];
	s0 =	simm.s32 @p1 $0x1  }
0x15: {  	[smem:$0x3FA7] =	sst s0;
	s0 =	simm.s32 @!p2 $0x0  }
0x16: {  	s3 =	sld [smem:$0x3FDB];
	s0 =	simm.s32 @p2 $0x1  }
0x17: {  	s4 =	simm.s32 $0x1BF5;
	[smem:$0x3FA9] =	sst s0  }
0x18: {  	s0 =	sld [smem:$0x3F8C];
	_ =	swait.ge [sflag:s4], $0x0  }
0x19: {  	s7 =	sld [smem:$0x3F8D]  }
0x1a: {  	s8 =	sadd.s32 $0xFFFFE003, lr  }
0x1b: {  	s9 =	sadd.s32 $0xFFFFFEF7, lr;
	s5 =	simm.s32 $0xFFFFFFFF;
	p2 =	slt.u32 s8, $0xFFFFF086  }
0x1c: {  	p1 =	slt.u32 s9, $0xF7A;
	s5 =	simm.s32 @!p2 $0x0  }
0x1d: {  	s5 =	simm.s32 @p1 $0x1;
	p0 =	seq.s32 s7, s2  }
0x1e: {  	s7 =	smul.u32 @!p0 $0xF7A, s2;
	p2 =	seq.s32 @!p0 s5, $0x0  }
0x1f: {  	s9 =	smul.u32 $0xF7A, s1;
	s8 =	simm.s32 @!p0 $0x1BF5;
	p2 =	por !p2, p0  }
0x20: {  	[sflag:s8] =	ssyncset.s32 @!p0 $0xFFFFF086;
	s6 =	sadd.s32 @!p0 s3, s7;
	s7 =	simm.s32 @!p0 $0x108  }
0x21: {  	s3 =	sadd.s32 s3, s9;
	s6 =	sadd.s32 @!p0 $0x88, s6;
	s7 =	simm.s32 @p2 $0x1082  }
0x22: {  	[simem:s7], [sflag:s8] =	dma.local @!p0 [hbm:s6], $0xF7A  }
0x23: {  	s9 =	sor.u32 $0xD0000000, s2;
	s6 =	simm.s32 $0x108;
	_ =	swait.ge @!p0 [sflag:s8], $0x0  }
0x24: {  	s3 =	sadd.s32 $0x88, s3;
	s6 =	simm.s32 @!p1 $0x1082;
	[sflag:s4] =	ssyncset.s32 $0xFFFFF086  }
0x25: {  	[simem:s6], [sflag:s4] =	dma.local [hbm:s3], $0xF7A  }
0x26: {  	[smem:$0x3F8D] =	sst s1;
	(tag) =	ssettag s2;
	_ =	strace s9  }
0x27: {  	s1 =	sld [smem:$0x3F9D]  }
0x28: {  	s2 =	sld [smem:$0x3F9E]  }
0x29: {  	s4 =	sld [smem:$0x3FA0]  }
0x2a: {  	p0 =	seq.s32 s5, $0x0;
	s5 =	sld [smem:$0x3FA1]  }
0x2b: {  	s6 =	sld [smem:$0x3FA2]  }
0x2c: {  	s7 =	sld [smem:$0x3FA3]  }
0x2d: {  	s3 =	simm.s32 $0x108;
	s8 =	sld [smem:$0x3FA4]  }
0x2e: {  	s3 =	simm.s32 @!p0 $0x1082;
	s9 =	sld [smem:$0x3FA5]  }
0x2f: {  	lr =	sadd.s32 s0, s3;
	s0 =	sld [smem:$0x3F9C]  }
0x30: {  	s3 =	sld [smem:$0x3F9F]  }
0x31: {  	[smem:$0x3FA8] =	sst s10  }
0x32: {  	s10 =	sld [smem:$0x3FA6];
	_ =	sdelay $0x3  }
0x33: {  	p0 =	seq.s32 s10, $0x1;
	s10 =	sld [smem:$0x3FA8];
	_ =	sdelay $0x3  }
0x34: {  	[smem:$0x3FA8] =	sst s10  }
0x35: {  	s10 =	sld [smem:$0x3FA7];
	_ =	sdelay $0x3  }
0x36: {  	p1 =	seq.s32 s10, $0x1;
	s10 =	sld [smem:$0x3FA8];
	_ =	sdelay $0x3  }
0x37: {  	[smem:$0x3FA8] =	sst s10  }
0x38: {  	s10 =	sld [smem:$0x3FA9]  }
0x39: {  	_ = 	snop;
	(pc) =	sbr.ind lr, $3  }
0x3a: {  	_ = 	snop  }
0x3b: {  	_ = 	snop  }
0x3c: {  	p2 =	seq.s32 s10, $0x1;
	s10 =	sld [smem:$0x3FA8]  }
0x3d: {  	_ =	shalt  }
0x3e: {  	_ =	shalt  }
0x3f: {  	_ =	shalt  }
0x40: {  	_ =	shalt  }
0x41: {  	_ =	shalt  }
0x42: {  	_ =	shalt  }
0x43: {  	_ =	shalt  }
0x44: {  	_ =	shalt  }
0x45: {  	_ =	shalt  }
0x46: {  	_ =	shalt  }
0x47: {  	_ =	shalt  }
0x48: {  	_ =	shalt  }
0x49: {  	_ =	shalt  }
0x4a: {  	_ =	shalt  }
0x4b: {  	_ =	shalt  }
0x4c: {  	_ =	shalt  }
0x4d: {  	_ =	shalt  }
0x4e: {  	_ =	shalt  }
0x4f: {  	_ =	shalt  }
0x50: {  	_ =	shalt  }
0x51: {  	_ =	shalt  }
0x52: {  	_ =	shalt  }
0x53: {  	_ =	shalt  }
0x54: {  	_ =	shalt  }
0x55: {  	_ =	shalt  }
0x56: {  	_ =	shalt  }
0x57: {  	_ =	shalt  }
0x58: {  	_ =	shalt  }
0x59: {  	_ =	shalt  }
0x5a: {  	_ =	shalt  }
0x5b: {  	_ =	shalt  }
0x5c: {  	_ =	shalt  }
0x5d: {  	_ =	shalt  }
0x5e: {  	_ =	shalt  }
0x5f: {  	_ =	shalt  }
0x60: {  	_ =	shalt  }
0x61: {  	_ =	shalt  }
0x62: {  	_ =	shalt  }
0x63: {  	_ =	shalt  }
0x64: {  	_ =	shalt  }
0x65: {  	_ =	shalt  }
0x66: {  	_ =	shalt  }
0x67: {  	_ =	shalt  }
0x68: {  	_ =	shalt  }
0x69: {  	_ =	shalt  }
0x6a: {  	_ =	shalt  }
0x6b: {  	_ =	shalt  }
0x6c: {  	_ =	shalt  }
0x6d: {  	_ =	shalt  }
0x6e: {  	_ =	shalt  }
0x6f: {  	_ =	shalt  }
0x70: {  	_ =	shalt  }
0x71: {  	_ =	shalt  }
0x72: {  	_ =	shalt  }
0x73: {  	_ =	shalt  }
0x74: {  	_ =	shalt  }
0x75: {  	_ =	shalt  }
0x76: {  	_ =	shalt  }
0x77: {  	_ =	shalt  }
0x78: {  	_ =	shalt  }
0x79: {  	_ =	shalt  }
0x7a: {  	_ =	shalt  }
0x7b: {  	_ =	shalt  }
0x7c: {  	_ =	shalt  }
0x7d: {  	_ =	shalt  }
0x7e: {  	_ =	shalt  }
0x7f: {  	_ =	shalt  }
0x80: {  	_ =	shalt  }
0x81: {  	_ =	shalt  }
0x82: {  	_ =	shalt  }
0x83: {  	_ =	shalt  }
0x84: {  	_ =	shalt  }
0x85: {  	_ =	shalt  }
0x86: {  	_ =	shalt  }
0x87: {  	_ =	shalt  }
.Lfunc_end0:
.L_simem_size_0:
called_computation_lowered:
.L_overlay_start_0:
0x88: {  	s2 =	sld [smem:$0x3FD9]  }
0x89: {  	s3 =	sld [smem:$0x3FFE];
	_ =	sdelay $0x1  }
0x8a: {  	s1 =	srdreg.scid  }
0x8b: {  	s0 =	sand.u32 $0x1, s1  }
0x8c: {  	s17 =	sshll.u32 s0, $0xA;
	s2 =	sadd.s32 s3, s2  }
0x8d: {  	s2 =	sadd.s32 s2, s17  }
0x8e: {  	[smem:$0x3FB4] =	sst s2  }
0x8f: {  	_ = 	snop  }
0x90: {  	s2 =	sld [smem:$0x3FD0];
	(tm) =	ssettm $0x1  }
0x91: {  	s18 =	sld [smem:$0x3FFB];
	_ =	sdelay $0x3  }
0x92: {  	_ =	strace s18  }
0x93: {  	s3 =	sld [smem:$0x3FFC];
	_ =	sdelay $0x3  }
0x94: {  	_ =	strace s3  }
0x95: {  	s3 =	sld [smem:$0x3FFD];
	_ =	sdelay $0x3  }
0x96: {  	_ =	strace s3  }
0x97: {  	_ =	strace $0x8FFFFFFF  }
0x98: {  	s19 =	sld [smem:$0x3FDB];
	_ =	sdelay $0x1  }
0x99: {  	s4 =	simm.s32 $_scs_section_size  }
0x9a: {  	s5 =	simm.s32 $_size__tile_overlayer_lowered;
	s6 =	simm.s32 $_tile_overlayer_lowered  }
0x9b: {  	s22 =	simm.s32 $0x1BFF;
	s21 =	sshll.u32 s6, $0x1;
	s3 =	sadd.s32 s4, s19  }
0x9c: {  	s7 =	simm.s32 $0x0;
	s20 =	sshll.u32 s5, $0x1;
	s5 =	sadd.s32 s21, s3  }
0x9d: {  	[timem:s7], [sflag:s22] =	dma.local [hbm:s5], s20  }
0x9e: {  	_ =	swait.ge [sflag:s22], s20  }
0x9f: {  	s4 =	ssub.s32 $0x0, s20;
	[sflag:s22] =	ssyncset.done $0x0  }
0xa0: {  	[sflag:s22] =	ssyncadd.s32 s4;
	_ =	sdelay $0x1  }
0xa1: {  	s23 =	simm.s32 $0x1B8B  }
0xa2: {  	_ =	swait.ge [sflag:s23], $0x1  }
0xa3: {  	[sflag:s23] =	ssyncset.done $0x0  }
0xa4: {  	s25 =	simm.s32 $0x1B8E;
	s24 =	sld [smem:$0x3FFE];
	[sflag:s23] =	ssyncadd.s32 $0xFFFFFFFF  }
0xa5: {  	s26 =	simm.s32 $execute0_lowered;
	[smem:$0x3FD2] =	sst s25  }
0xa6: {  	s5 =	sshll.u32 s26, $0x1;
	_ =	strace $0x80000046;
	[dreg:$0x1] =	wrdreg $0xFFFFFFFF  }
0xa7: {  	s28 =	simm.s32 $_size_execute0_lowered;
	s3 =	sadd.s32 s3, s5;
	[dreg:$0x0] =	wrdreg $0x0  }
0xa8: {  	s5 =	sshll.u32 s28, $0x1;
	[dreg:$0x2] =	wrdreg s3  }
0xa9: {  	[dreg:$0x3] =	wrdreg s5  }
0xaa: {  	[dreg:$0x4] =	wrdreg $0xC0  }
0xab: {  	_ =	task [dreg:s7], $0x5FFFF  }
0xac: {  	[dreg:$0x1] =	wrdreg $0xFFFFFFFF  }
0xad: {  	[dreg:$0x0] =	wrdreg $0x60  }
0xae: {  	[dreg:$0x2] =	wrdreg s24  }
0xaf: {  	[dreg:$0x3] =	wrdreg s2  }
0xb0: {  	[dreg:$0x4] =	wrdreg $0x0  }
0xb1: {  	[dreg:$0x5] =	wrdreg $0x9  }
0xb2: {  	_ =	task.clear_ibuf [dreg:s7], $0x6FFFF;
	_ =	strace $0x90000046  }
0xb3: {  	s29 =	simm.s32 $0x9;
	_ =	strace $0x80000048  }
0xb4: {  	_ =	swait.ge [sflag:s29], $0x1  }
0xb5: {  	[sflag:s29] =	ssyncadd.s32 $0xFFFFFFFF  }
0xb6: {  	_ =	strace $0x90000048  }
0xb7: {  	_ =	sfence  }
0xb8: {  	s30 =	sld [smem:$0x0];
	_ =	sdelay $0x2  }
0xb9: {  	s31 =	sshll.u32 s1, $0xD;
	s1 =	sshrl.u32 s1, $0x2  }
0xba: {  	s3 =	sand.u32 $0x4000, s31;
	s1 =	sadd.s32 s1, s30  }
0xbb: {  	s0 =	sor.u32 s3, s0;
	s1 =	sshll.u32 s1, $0x11  }
0xbc: {  	s0 =	sor.u32 s1, s0  }
0xbd: {  	s0 =	sadd.s32 $0x8F2B, s0  }
0xbe: {  	[sflag:s0] =	ssyncadd.remote.s32 $0x1  }
0xbf: {  	_ =	sfence.sel $0xFFFF  }
0xc0: {  	[dreg:$0x0] =	wrdreg $0xFFFFFFFF;
	(pc) =	sbr.abs _section_cstart, $3  }
0xc1: {  	[dreg:$0x1] =	wrdreg $0xFFFFFFFF  }
0xc2: {  	_ =	task.clear_ibuf [dreg:s7], $0x2FFFF;
	_ =	strace $0x9FFFFFFF  }
0xc3: {  	(tm) =	ssettm $0x7FFFFFFF  }
tec
execute0_lowered:
.L_overlay_start_1:
0x0: {  	(tag) =	ssettag $0x1  }
0x1: {  	s6 =	rddreg [dreg:$0x0]  }
0x2: {  	s2 =	rddreg [dreg:$0x1]  }
0x3: {  	s0 =	srdreg.scid;
	s3 =	rddreg [dreg:$0x2]  }
0x4: {  	s1 =	stileid.u32;
	s4 =	simm.s32 $0x0;
	s16 =	simm.s32 $0x80  }
0x5: {  	s7 =	sand.u32 $0x1, s0;
	s0 =	rddreg [dreg:$0x3];
	s10 =	smul.u32 $0x50000, s1  }
0x6: {  	s17 =	simm.s32 $0x0;
	[smem:$0x7FF] =	sst s4;
	s12 =	smul.u32 $0x14000, s1  }
0x7: {  	s13 =	sadd.s32 $0x2E400, s6;
	s31 =	sshll.u32 s1, $0x6;
	s5 =	sshll.u32 s7, $0x4  }
0x8: {  	_ =	strace $0x80000047;
	s9 =	ssub.s32 $0x2, s7;
	s7 =	smul.u32 $0x140000, s7  }
0x9: {  	s5 =	sor.u32 s1, s5;
	s11 =	sshrl.u32 s9, $0x1;
	s26 =	sshrl.u32 s10, $0x2  }
0xa: {  	s28 =	sadd.s32 $0xA000, s12;
	s10 =	simm.s32 $0x14000;
	s5 =	smul.u32 $0x500, s5  }
0xb: {  	s9 =	ssub.s32 s9, s11;
	s14 =	sadd.s32 s26, s3;
	s29 =	sadd.s32 s12, s7  }
0xc: {  	s7 =	sadd.s32 s7, s28;
	s15 =	sadd.s32 s28, s3;
	s11 =	simm.s32 $0x1  }
0xd: {  	s12 =	simm.s32 $0x16800;
	s30 =	sshrl.u32 s7, $0x3;
	s9 =	smax.u32 s9, $0x1  }
0xe: {  	s14 =	sshrl.u32 s14, $0x3;
	s15 =	sshrl.u32 s15, $0x3;
	s8 =	sadd.s32 s5, s6  }
0xf: {  	s5 =	sadd.s32 $0x2DC00, s6;
	s6 =	sadd.s32 $0x5C00, s8;
	s8 =	sshrl.u32 s29, $0x3  }
0x10: {  	s7 =	sadd.s32 s13, s8;
	s8 =	sadd.s32 s13, s30;
	s13 =	sor.u32 $0x1C01, s31  }
.LBB2_1:
0x11: {  	[tilespmem:s10], [sflag:$0x1] =	stream.linear.gather [hbm4b:s6+s4], $0x2800, $0x38;
	[tilespmem:$0x1A800] =	vst v63  }
0x12: {  	_ =	swait.ge [sflag:s11], $0x2800  }
0x13: {  	[sflag:s11] =	ssyncset.done $0x0  }
0x14: {  	[sflag:s11] =	ssyncadd.s32 $0xFFFFD800  }
0x15: {  	[tilespmem:s12], [sflag:$0x1] =	stream.linear.gather [hbm4b:s5+s4], $0x4000, $0x38;
	[tilespmem:$0x1A800] =	vst v63  }
0x16: {  	_ =	swait.ge [sflag:s11], $0x4000  }
0x17: {  	[sflag:s11] =	ssyncset.done $0x0  }
0x18: {  	[sflag:s11] =	ssyncadd.s32 $0xFFFFC000  }
0x19: {  	[spmem:s14], [sflag:s13] =	dma.local [hbm:s2], $0x1400  }
0x1a: {  	_ =	swait.ge [sflag:s11], $0x1400  }
0x1b: {  	[sflag:s11] =	ssyncset.done $0x0  }
0x1c: {  	[sflag:s11] =	ssyncadd.s32 $0xFFFFEC00  }
0x1d: {  	[spmem:s15], [sflag:s13] =	dma.local [hbm:s2], $0x1400  }
0x1e: {  	_ =	swait.ge [sflag:s11], $0x1400  }
0x1f: {  	[sflag:s11] =	ssyncset.done $0x0  }
0x20: {  	[sflag:s11] =	ssyncadd.s32 $0xFFFFEC00  }
0x21: {  	s18 =	simm.s32 $0x14000;
	[bflag:$0x0] =	sbarrier.arrive $0xFFFF  }
0x22: {  	[spmem:s3] =	stream.indirect.scatter.add.f32 [tilespmem:s12], [sflag:$0x1], $0x80, s18, s16, $0xb8;
	[tilespmem:$0x1A800] =	vst v63  }
0x23: {  	s18 =	simm.s32 $0x200;
	_ =	swait.ge [sflag:s11], $0x4000  }
.LBB2_2:
0x24: {  	s19 =	sshra.s32 s18, $0x2;
	[sflag:s11] =	ssyncset.done $0x0;
	p0 =	sne.s32 s18, $0x9E00  }
.Ltmp0:
0x25: {  	s19 =	sadd.s32 $0x14000, s19;
	[sflag:s11] =	ssyncadd.s32 $0xFFFFC000;
	(pc) =	sbr.rel @p0 .LBB2_2-.Ltmp0, $3  }
0x26: {  	[spmem:s3] =	stream.indirect.scatter.add.f32 [tilespmem:s12], [sflag:$0x1], $0x80, s19, s16, $0xb8;
	[tilespmem:$0x1A800] =	vst v63  }
0x27: {  	s18 =	sadd.s32 $0x200, s18;
	_ =	sdelay $0x1  }
0x28: {  	_ =	swait.ge [sflag:s11], $0x4000  }
0x29: {  	[sflag:s11] =	ssyncset.done $0x0  }
0x2a: {  	[sflag:s11] =	ssyncadd.s32 $0xFFFFC000  }
0x2b: {  	[bflag:$0x0] =	sbarrier.arrive $0xFFFF  }
0x2c: {  	[hbm:s7], [sflag:s13] =	dma.local [spmem:s14], $0x1400  }
0x2d: {  	s17 =	sadd.s32 $0x1, s17;
	_ =	swait.ge [sflag:s11], $0x1400  }
0x2e: {  	p0 =	sne.s32 s17, s9;
	[sflag:s11] =	ssyncset.done $0x0  }
.Ltmp1:
0x2f: {  	[sflag:s11] =	ssyncadd.s32 $0xFFFFEC00;
	(pc) =	sbr.rel @p0 .LBB2_1-.Ltmp1, $4  }
0x30: {  	[hbm:s8], [sflag:s13] =	dma.local [spmem:s15], $0x1400  }
0x31: {  	_ =	swait.ge [sflag:s11], $0x1400  }
0x32: {  	[sflag:s11] =	ssyncset.done $0x0  }
0x33: {  	[sflag:s11] =	ssyncadd.s32 $0xFFFFEC00  }
0x34: {  	_ =	sfence.sel $0x180000  }
0x35: {  	[bflag:$0x0] =	sbarrier.arrive $0xFFFF  }
0x36: {  	p0 =	sne.s32 s1, $0x0;
	_ =	strace $0x90000047  }
0x37: {  	s0 =	sadd.s32 @!p0 $0x100000, s0;
	[bflag:$0x2] =	sbarrier.arrive $0xFFFF  }
0x38: {  	[sflag:s0] =	ssyncadd.tile.s32 @!p0 $0x1;
	_ =	shalt  }
.Lfunc_end2:
_tile_overlayer_lowered:
.L_overlay_start_2:
0x39: {  	(tag) =	ssettag $0x2  }
0x3a: {  	s0 =	rddreg [dreg:$0x0];
	s2 =	stileid.u32  }
0x3b: {  	s1 =	rddreg [dreg:$0x1];
	p0 =	sne.s32 s2, $0x0  }
0x3c: {  	s3 =	rddreg [dreg:$0x2];
	[bflag:$0x3] =	sbarrier.arrive $0xFFFF;
	s2 =	simm.s32 @!p0 $0x1C01  }
0x3d: {  	[timem:s3], [sflag:s2] =	dma.local @!p0 [hbm:s0], s1  }
0x3e: {  	s0 =	simm.s32 @!p0 $0x1  }
0x3f: {  	_ =	swait.ge @!p0 [sflag:s0], s1  }
0x40: {  	s1 =	ssub.s32 @!p0 $0x0, s1;
	[sflag:s0] =	ssyncset.done @!p0 $0x0  }
0x41: {  	[sflag:s0] =	ssyncadd.s32 @!p0 s1  }
0x42: {  	[bflag:$0x3] =	sbarrier.arrive $0xFFFF  }
0x43: {  	_ =	shalt  }

// kernel: kernel.14.cloned.1.call-start
scs
__scs_entry_jumppad:
0x0: {  	(pc) =	sbr.rel $0x88, $3  }
0x1: {  	(tag) =	ssettag $0x0;
	lr =	simm.s32 $0x1  }
0x2: {  	[smem:$0x3F8D] =	sst lr;
	_ =	strace $0xD0000000  }
0x3: {  	_ = 	snop  }
0x4: {  	_ = 	snop  }
0x5: {  	_ = 	snop  }
0x6: {  	_ = 	snop  }
0x7: {  	_ = 	snop  }
__scs_overlays_trampoline_lowered:
0x8: {  	[smem:$0x3F9C] =	sst s0  }
0x9: {  	[smem:$0x3F9D] =	sst s1  }
0xa: {  	[smem:$0x3F9E] =	sst s2  }
0xb: {  	[smem:$0x3F9F] =	sst s3  }
0xc: {  	[smem:$0x3FA0] =	sst s4  }
0xd: {  	[smem:$0x3FA1] =	sst s5  }
0xe: {  	[smem:$0x3FA2] =	sst s6  }
0xf: {  	[smem:$0x3FA3] =	sst s7  }
0x10: {  	[smem:$0x3FA4] =	sst s8  }
0x11: {  	[smem:$0x3FA5] =	sst s9;
	s0 =	simm.s32 @!p0 $0x0  }
0x12: {  	s1 =	sld [smem:$0x3F8B];
	s0 =	simm.s32 @p0 $0x1  }
0x13: {  	[smem:$0x3FA6] =	sst s0;
	s0 =	simm.s32 @!p1 $0x0  }
0x14: {  	s2 =	sld [smem:$0x3F8A];
	s0 =	simm.s32 @p1 $0x1  }
0x15: {  	[smem:$0x3FA7] =	sst s0;
	s0 =	simm.s32 @!p2 $0x0  }
0x16: {  	s3 =	sld [smem:$0x3FDB];
	s0 =	simm.s32 @p2 $0x1  }
0x17: {  	s4 =	simm.s32 $0x1BF5;
	[smem:$0x3FA9] =	sst s0  }
0x18: {  	s0 =	sld [smem:$0x3F8C];
	_ =	swait.ge [sflag:s4], $0x0  }
0x19: {  	s7 =	sld [smem:$0x3F8D]  }
0x1a: {  	s8 =	sadd.s32 $0xFFFFE003, lr  }
0x1b: {  	s9 =	sadd.s32 $0xFFFFFEF7, lr;
	s5 =	simm.s32 $0xFFFFFFFF;
	p2 =	slt.u32 s8, $0xFFFFF086  }
0x1c: {  	p1 =	slt.u32 s9, $0xF7A;
	s5 =	simm.s32 @!p2 $0x0  }
0x1d: {  	s5 =	simm.s32 @p1 $0x1;
	p0 =	seq.s32 s7, s2  }
0x1e: {  	s7 =	smul.u32 @!p0 $0xF7A, s2;
	p2 =	seq.s32 @!p0 s5, $0x0  }
0x1f: {  	s9 =	smul.u32 $0xF7A, s1;
	s8 =	simm.s32 @!p0 $0x1BF5;
	p2 =	por !p2, p0  }
0x20: {  	[sflag:s8] =	ssyncset.s32 @!p0 $0xFFFFF086;
	s6 =	sadd.s32 @!p0 s3, s7;
	s7 =	simm.s32 @!p0 $0x108  }
0x21: {  	s3 =	sadd.s32 s3, s9;
	s6 =	sadd.s32 @!p0 $0x88, s6;
	s7 =	simm.s32 @p2 $0x1082  }
0x22: {  	[simem:s7], [sflag:s8] =	dma.local @!p0 [hbm:s6], $0xF7A  }
0x23: {  	s9 =	sor.u32 $0xD0000000, s2;
	s6 =	simm.s32 $0x108;
	_ =	swait.ge @!p0 [sflag:s8], $0x0  }
0x24: {  	s3 =	sadd.s32 $0x88, s3;
	s6 =	simm.s32 @!p1 $0x1082;
	[sflag:s4] =	ssyncset.s32 $0xFFFFF086  }
0x25: {  	[simem:s6], [sflag:s4] =	dma.local [hbm:s3], $0xF7A  }
0x26: {  	[smem:$0x3F8D] =	sst s1;
	(tag) =	ssettag s2;
	_ =	strace s9  }
0x27: {  	s1 =	sld [smem:$0x3F9D]  }
0x28: {  	s2 =	sld [smem:$0x3F9E]  }
0x29: {  	s4 =	sld [smem:$0x3FA0]  }
0x2a: {  	p0 =	seq.s32 s5, $0x0;
	s5 =	sld [smem:$0x3FA1]  }
0x2b: {  	s6 =	sld [smem:$0x3FA2]  }
0x2c: {  	s7 =	sld [smem:$0x3FA3]  }
0x2d: {  	s3 =	simm.s32 $0x108;
	s8 =	sld [smem:$0x3FA4]  }
0x2e: {  	s3 =	simm.s32 @!p0 $0x1082;
	s9 =	sld [smem:$0x3FA5]  }
0x2f: {  	lr =	sadd.s32 s0, s3;
	s0 =	sld [smem:$0x3F9C]  }
0x30: {  	s3 =	sld [smem:$0x3F9F]  }
0x31: {  	[smem:$0x3FA8] =	sst s10  }
0x32: {  	s10 =	sld [smem:$0x3FA6];
	_ =	sdelay $0x3  }
0x33: {  	p0 =	seq.s32 s10, $0x1;
	s10 =	sld [smem:$0x3FA8];
	_ =	sdelay $0x3  }
0x34: {  	[smem:$0x3FA8] =	sst s10  }
0x35: {  	s10 =	sld [smem:$0x3FA7];
	_ =	sdelay $0x3  }
0x36: {  	p1 =	seq.s32 s10, $0x1;
	s10 =	sld [smem:$0x3FA8];
	_ =	sdelay $0x3  }
0x37: {  	[smem:$0x3FA8] =	sst s10  }
0x38: {  	s10 =	sld [smem:$0x3FA9]  }
0x39: {  	_ = 	snop;
	(pc) =	sbr.ind lr, $3  }
0x3a: {  	_ = 	snop  }
0x3b: {  	_ = 	snop  }
0x3c: {  	p2 =	seq.s32 s10, $0x1;
	s10 =	sld [smem:$0x3FA8]  }
0x3d: {  	_ =	shalt  }
0x3e: {  	_ =	shalt  }
0x3f: {  	_ =	shalt  }
0x40: {  	_ =	shalt  }
0x41: {  	_ =	shalt  }
0x42: {  	_ =	shalt  }
0x43: {  	_ =	shalt  }
0x44: {  	_ =	shalt  }
0x45: {  	_ =	shalt  }
0x46: {  	_ =	shalt  }
0x47: {  	_ =	shalt  }
0x48: {  	_ =	shalt  }
0x49: {  	_ =	shalt  }
0x4a: {  	_ =	shalt  }
0x4b: {  	_ =	shalt  }
0x4c: {  	_ =	shalt  }
0x4d: {  	_ =	shalt  }
0x4e: {  	_ =	shalt  }
0x4f: {  	_ =	shalt  }
0x50: {  	_ =	shalt  }
0x51: {  	_ =	shalt  }
0x52: {  	_ =	shalt  }
0x53: {  	_ =	shalt  }
0x54: {  	_ =	shalt  }
0x55: {  	_ =	shalt  }
0x56: {  	_ =	shalt  }
0x57: {  	_ =	shalt  }
0x58: {  	_ =	shalt  }
0x59: {  	_ =	shalt  }
0x5a: {  	_ =	shalt  }
0x5b: {  	_ =	shalt  }
0x5c: {  	_ =	shalt  }
0x5d: {  	_ =	shalt  }
0x5e: {  	_ =	shalt  }
0x5f: {  	_ =	shalt  }
0x60: {  	_ =	shalt  }
0x61: {  	_ =	shalt  }
0x62: {  	_ =	shalt  }
0x63: {  	_ =	shalt  }
0x64: {  	_ =	shalt  }
0x65: {  	_ =	shalt  }
0x66: {  	_ =	shalt  }
0x67: {  	_ =	shalt  }
0x68: {  	_ =	shalt  }
0x69: {  	_ =	shalt  }
0x6a: {  	_ =	shalt  }
0x6b: {  	_ =	shalt  }
0x6c: {  	_ =	shalt  }
0x6d: {  	_ =	shalt  }
0x6e: {  	_ =	shalt  }
0x6f: {  	_ =	shalt  }
0x70: {  	_ =	shalt  }
0x71: {  	_ =	shalt  }
0x72: {  	_ =	shalt  }
0x73: {  	_ =	shalt  }
0x74: {  	_ =	shalt  }
0x75: {  	_ =	shalt  }
0x76: {  	_ =	shalt  }
0x77: {  	_ =	shalt  }
0x78: {  	_ =	shalt  }
0x79: {  	_ =	shalt  }
0x7a: {  	_ =	shalt  }
0x7b: {  	_ =	shalt  }
0x7c: {  	_ =	shalt  }
0x7d: {  	_ =	shalt  }
0x7e: {  	_ =	shalt  }
0x7f: {  	_ =	shalt  }
0x80: {  	_ =	shalt  }
0x81: {  	_ =	shalt  }
0x82: {  	_ =	shalt  }
0x83: {  	_ =	shalt  }
0x84: {  	_ =	shalt  }
0x85: {  	_ =	shalt  }
0x86: {  	_ =	shalt  }
0x87: {  	_ =	shalt  }
.Lfunc_end0:
.L_simem_size_0:
called_computation.1_lowered:
.L_overlay_start_0:
0x88: {  	s2 =	sld [smem:$0x3FD9]  }
0x89: {  	s3 =	sld [smem:$0x3FFE];
	_ =	sdelay $0x1  }
0x8a: {  	s1 =	srdreg.scid  }
0x8b: {  	s0 =	sand.u32 $0x1, s1  }
0x8c: {  	s17 =	sshll.u32 s0, $0xA;
	s2 =	sadd.s32 s3, s2  }
0x8d: {  	s2 =	sadd.s32 s2, s17  }
0x8e: {  	[smem:$0x3FB4] =	sst s2  }
0x8f: {  	_ = 	snop  }
0x90: {  	s2 =	sld [smem:$0x3FD0];
	(tm) =	ssettm $0x1  }
0x91: {  	s18 =	sld [smem:$0x3FFB];
	_ =	sdelay $0x3  }
0x92: {  	_ =	strace s18  }
0x93: {  	s3 =	sld [smem:$0x3FFC];
	_ =	sdelay $0x3  }
0x94: {  	_ =	strace s3  }
0x95: {  	s3 =	sld [smem:$0x3FFD];
	_ =	sdelay $0x3  }
0x96: {  	_ =	strace s3  }
0x97: {  	_ =	strace $0x8FFFFFFF  }
0x98: {  	s19 =	sld [smem:$0x3FDB];
	_ =	sdelay $0x1  }
0x99: {  	s4 =	simm.s32 $_scs_section_size  }
0x9a: {  	s5 =	simm.s32 $_size__tile_overlayer_lowered;
	s6 =	simm.s32 $_tile_overlayer_lowered  }
0x9b: {  	s22 =	simm.s32 $0x1BFF;
	s21 =	sshll.u32 s6, $0x1;
	s3 =	sadd.s32 s4, s19  }
0x9c: {  	s7 =	simm.s32 $0x0;
	s20 =	sshll.u32 s5, $0x1;
	s5 =	sadd.s32 s21, s3  }
0x9d: {  	[timem:s7], [sflag:s22] =	dma.local [hbm:s5], s20  }
0x9e: {  	_ =	swait.ge [sflag:s22], s20  }
0x9f: {  	s4 =	ssub.s32 $0x0, s20;
	[sflag:s22] =	ssyncset.done $0x0  }
0xa0: {  	[sflag:s22] =	ssyncadd.s32 s4;
	_ =	sdelay $0x1  }
0xa1: {  	s23 =	simm.s32 $0x1B8B  }
0xa2: {  	_ =	swait.ge [sflag:s23], $0x1  }
0xa3: {  	[sflag:s23] =	ssyncset.done $0x0  }
0xa4: {  	s25 =	simm.s32 $0x1B8E;
	s24 =	sld [smem:$0x3FFE];
	[sflag:s23] =	ssyncadd.s32 $0xFFFFFFFF  }
0xa5: {  	s26 =	simm.s32 $execute0_lowered;
	[smem:$0x3FD2] =	sst s25  }
0xa6: {  	s5 =	sshll.u32 s26, $0x1;
	_ =	strace $0x80000049;
	[dreg:$0x1] =	wrdreg $0xFFFFFFFF  }
0xa7: {  	s28 =	simm.s32 $_size_execute0_lowered;
	s3 =	sadd.s32 s3, s5;
	[dreg:$0x0] =	wrdreg $0x0  }
0xa8: {  	s5 =	sshll.u32 s28, $0x1;
	[dreg:$0x2] =	wrdreg s3  }
0xa9: {  	[dreg:$0x3] =	wrdreg s5  }
0xaa: {  	[dreg:$0x4] =	wrdreg $0xC0  }
0xab: {  	_ =	task [dreg:s7], $0x5FFFF  }
0xac: {  	[dreg:$0x1] =	wrdreg $0xFFFFFFFF  }
0xad: {  	[dreg:$0x0] =	wrdreg $0x60  }
0xae: {  	[dreg:$0x2] =	wrdreg s24  }
0xaf: {  	[dreg:$0x3] =	wrdreg s2  }
0xb0: {  	[dreg:$0x4] =	wrdreg $0x0  }
0xb1: {  	[dreg:$0x5] =	wrdreg $0x9  }
0xb2: {  	_ =	task.clear_ibuf [dreg:s7], $0x6FFFF;
	_ =	strace $0x90000049  }
0xb3: {  	s29 =	simm.s32 $0x9;
	_ =	strace $0x8000004B  }
0xb4: {  	_ =	swait.ge [sflag:s29], $0x1  }
0xb5: {  	[sflag:s29] =	ssyncadd.s32 $0xFFFFFFFF  }
0xb6: {  	_ =	strace $0x9000004B  }
0xb7: {  	_ =	sfence  }
0xb8: {  	s30 =	sld [smem:$0x0];
	_ =	sdelay $0x2  }
0xb9: {  	s31 =	sshll.u32 s1, $0xD;
	s1 =	sshrl.u32 s1, $0x2  }
0xba: {  	s3 =	sand.u32 $0x4000, s31;
	s1 =	sadd.s32 s1, s30  }
0xbb: {  	s0 =	sor.u32 s3, s0;
	s1 =	sshll.u32 s1, $0x11  }
0xbc: {  	s0 =	sor.u32 s1, s0  }
0xbd: {  	s0 =	sadd.s32 $0x8F2B, s0  }
0xbe: {  	[sflag:s0] =	ssyncadd.remote.s32 $0x1  }
0xbf: {  	_ =	sfence.sel $0xFFFF  }
0xc0: {  	[dreg:$0x0] =	wrdreg $0xFFFFFFFF;
	(pc) =	sbr.abs _section_cstart, $3  }
0xc1: {  	[dreg:$0x1] =	wrdreg $0xFFFFFFFF  }
0xc2: {  	_ =	task.clear_ibuf [dreg:s7], $0x2FFFF;
	_ =	strace $0x9FFFFFFF  }
0xc3: {  	(tm) =	ssettm $0x7FFFFFFF  }
tec
execute0_lowered:
.L_overlay_start_1:
0x0: {  	(tag) =	ssettag $0x1  }
0x1: {  	s8 =	rddreg [dreg:$0x0]  }
0x2: {  	s1 =	rddreg [dreg:$0x1]  }
0x3: {  	s2 =	rddreg [dreg:$0x2];
	s3 =	srdreg.scid;
	s4 =	simm.s32 $0x0  }
0x4: {  	s0 =	stileid.u32;
	s20 =	simm.s32 $0x80;
	s21 =	simm.s32 $0x16000  }
0x5: {  	s22 =	simm.s32 $0x1;
	s23 =	simm.s32 $0x1A000;
	s24 =	simm.s32 $0x2  }
0x6: {  	s28 =	simm.s32 $0x0;
	s10 =	sand.u32 $0x1, s3;
	s13 =	smul.u32 $0x50000, s0  }
0x7: {  	[smem:$0x7FF] =	sst s4;
	s5 =	sadd.s32 $0x2DC00, s8;
	s15 =	smul.u32 $0x14000, s0  }
0x8: {  	s14 =	sadd.s32 $0x54E00, s8;
	s30 =	smul.u32 $0x2800, s0;
	s17 =	sshll.u32 s0, $0x6  }
0x9: {  	s6 =	sshll.u32 s10, $0x4;
	_ =	strace $0x8000004A;
	s16 =	smul.u32 $0x140000, s10  }
0xa: {  	s9 =	ssub.s32 $0x2, s10;
	s25 =	smul.u32 $0x28000, s10;
	s17 =	sor.u32 $0x1C07, s17  }
0xb: {  	s7 =	sor.u32 s0, s6;
	s6 =	sadd.s32 $0xFC00, s8;
	s12 =	sshrl.u32 s9, $0x1  }
0xc: {  	s13 =	sshrl.u32 s13, $0x2;
	s26 =	sadd.s32 $0xA000, s15;
	s11 =	smul.u32 $0x500, s7  }
0xd: {  	s7 =	sadd.s32 $0x5C00, s8;
	s12 =	ssub.s32 s9, s12;
	s18 =	sadd.s32 s13, s2  }
0xe: {  	s29 =	sadd.s32 s15, s16;
	s19 =	sadd.s32 s26, s2;
	s16 =	sadd.s32 s16, s26  }
0xf: {  	s15 =	sadd.s32 s30, s25;
	s25 =	simm.s32 $0x3;
	s26 =	simm.s32 $0x4  }
0x10: {  	s13 =	sshrl.u32 s29, $0x3;
	s31 =	sshrl.u32 s16, $0x3;
	s12 =	smax.u32 s12, $0x1  }
0x11: {  	s16 =	simm.s32 $0x15000;
	s18 =	sshrl.u32 s18, $0x3;
	s19 =	sshrl.u32 s19, $0x3  }
0x12: {  	s8 =	sadd.s32 s6, s11;
	s9 =	sadd.s32 s7, s11;
	s10 =	sadd.s32 s14, s13  }
0x13: {  	s11 =	sadd.s32 s14, s31;
	s13 =	sadd.s32 $0x800, s15;
	s15 =	simm.s32 $0x7  }
.LBB2_1:
0x14: {  	s0 =	simm.s32 $0x14000  }
0x15: {  	[tilespmem:s0], [sflag:$0x7] =	stream.linear.gather [hbm4b:s8+s4], $0x800, $0x38;
	[tilespmem:$0x1E000] =	vst v63  }
0x16: {  	_ =	swait.ge [sflag:s15], $0x800  }
0x17: {  	[sflag:s15] =	ssyncset.done $0x0  }
0x18: {  	[sflag:s15] =	ssyncadd.s32 $0xFFFFF800  }
0x19: {  	[tilespmem:s16], [sflag:$0x7] =	stream.linear.gather [hbm4b:s9+s4], $0x800, $0x38;
	[tilespmem:$0x1E000] =	vst v63  }
0x1a: {  	_ =	swait.ge [sflag:s15], $0x800  }
0x1b: {  	[sflag:s15] =	ssyncset.done $0x0  }
0x1c: {  	[sflag:s15] =	ssyncadd.s32 $0xFFFFF800  }
0x1d: {  	[spmem:s18], [sflag:s17] =	dma.local [hbm:s1], $0x1400  }
0x1e: {  	_ =	swait.ge [sflag:s15], $0x1400  }
0x1f: {  	[sflag:s15] =	ssyncset.done $0x0  }
0x20: {  	[sflag:s15] =	ssyncadd.s32 $0xFFFFEC00  }
0x21: {  	[spmem:s19], [sflag:s17] =	dma.local [hbm:s1], $0x1400  }
0x22: {  	_ =	swait.ge [sflag:s15], $0x1400  }
0x23: {  	[sflag:s15] =	ssyncset.done $0x0  }
0x24: {  	[sflag:s15] =	ssyncadd.s32 $0xFFFFEC00  }
0x25: {  	s29 =	simm.s32 $0x0;
	[bflag:$0x0] =	sbarrier.arrive $0xFFFF  }
.LBB2_2:
0x26: {  	p0 =	seq.s32 s29, $0x2000  }
0x27: {  	s30 =	sadd.s32 @!p0 s29, s13;
	s31 =	sxor.u32 @!p0 $0xFFFFFFFF, s29  }
0x28: {  	s31 =	sand.u32 @!p0 $0x800, s31;
	s30 =	sshrl.u32 @!p0 s30, $0x3  }
0x29: {  	s14 =	simm.s32 @!p0 $0x0;
	s0 =	sor.u32 @!p0 $0x14000, s31;
	s3 =	sadd.s32 @!p0 s6, s30  }
0x2a: {  	[tilespmem:s0], [sflag:$0x5] =	stream.linear.gather @!p0 [hbm4b:s3+s14], $0x800, $0x38;
	[tilespmem:$0x1E000] =	vst v63  }
0x2b: {  	s0 =	sor.u32 @!p0 $0x15000, s31;
	s3 =	sadd.s32 @!p0 s7, s30;
	s30 =	sand.u32 $0x800, s29  }
0x2c: {  	[tilespmem:s0], [sflag:$0x6] =	stream.linear.gather @!p0 [hbm4b:s3+s14], $0x800, $0x38;
	[tilespmem:$0x1E000] =	vst v63  }
0x2d: {  	s14 =	sor.u32 $0x14000, s30  }
0x2e: {  	[tilespmem:s21], [sflag:$0x1] =	stream.indirect.gather [hbm4b:s5+s20], $0x80, s14, s20, $0xb8;
	[tilespmem:$0x1E000] =	vst v63  }
0x2f: {  	_ =	swait.ge [sflag:s22], $0x4000  }
0x30: {  	[sflag:s22] =	ssyncset.done $0x0  }
0x31: {  	s31 =	sor.u32 $0x15000, s30;
	[sflag:s22] =	ssyncadd.s32 $0xFFFFC000  }
0x32: {  	[spmem:s2] =	stream.indirect.scatter.add.f32 [tilespmem:s21], [sflag:$0x3], $0x80, s31, s20, $0xb8;
	[tilespmem:$0x1E000] =	vst v63  }
0x33: {  	s3 =	sor.u32 $0x14080, s30  }
0x34: {  	[tilespmem:s23], [sflag:$0x2] =	stream.indirect.gather [hbm4b:s5+s20], $0x80, s3, s20, $0xb8;
	[tilespmem:$0x1E000] =	vst v63  }
0x35: {  	_ =	swait.ge [sflag:s24], $0x4000  }
0x36: {  	[sflag:s24] =	ssyncset.done $0x0  }
0x37: {  	s14 =	sor.u32 $0x15080, s30;
	[sflag:s24] =	ssyncadd.s32 $0xFFFFC000  }
0x38: {  	[spmem:s2] =	stream.indirect.scatter.add.f32 [tilespmem:s23], [sflag:$0x4], $0x80, s14, s20, $0xb8;
	[tilespmem:$0x1E000] =	vst v63  }
0x39: {  	_ =	swait.ge [sflag:s25], $0x4000  }
0x3a: {  	[sflag:s25] =	ssyncset.done $0x0  }
0x3b: {  	s31 =	sor.u32 $0x14100, s30;
	[sflag:s25] =	ssyncadd.s32 $0xFFFFC000  }
0x3c: {  	[tilespmem:s21], [sflag:$0x1] =	stream.indirect.gather [hbm4b:s5+s20], $0x80, s31, s20, $0xb8;
	[tilespmem:$0x1E000] =	vst v63  }
0x3d: {  	_ =	swait.ge [sflag:s22], $0x4000  }
0x3e: {  	[sflag:s22] =	ssyncset.done $0x0  }
0x3f: {  	s3 =	sor.u32 $0x15100, s30;
	[sflag:s22] =	ssyncadd.s32 $0xFFFFC000  }
0x40: {  	[spmem:s2] =	stream.indirect.scatter.add.f32 [tilespmem:s21], [sflag:$0x3], $0x80, s3, s20, $0xb8;
	[tilespmem:$0x1E000] =	vst v63  }
0x41: {  	_ =	swait.ge [sflag:s26], $0x4000  }
0x42: {  	[sflag:s26] =	ssyncset.done $0x0  }
0x43: {  	s14 =	sor.u32 $0x14180, s30;
	[sflag:s26] =	ssyncadd.s32 $0xFFFFC000  }
0x44: {  	[tilespmem:s23], [sflag:$0x2] =	stream.indirect.gather [hbm4b:s5+s20], $0x80, s14, s20, $0xb8;
	[tilespmem:$0x1E000] =	vst v63  }
0x45: {  	_ =	swait.ge [sflag:s24], $0x4000  }
0x46: {  	[sflag:s24] =	ssyncset.done $0x0  }
0x47: {  	s31 =	sor.u32 $0x15180, s30;
	[sflag:s24] =	ssyncadd.s32 $0xFFFFC000  }
0x48: {  	[spmem:s2] =	stream.indirect.scatter.add.f32 [tilespmem:s23], [sflag:$0x4], $0x80, s31, s20, $0xb8;
	[tilespmem:$0x1E000] =	vst v63  }
0x49: {  	_ =	swait.ge [sflag:s25], $0x4000  }
0x4a: {  	[sflag:s25] =	ssyncset.done $0x0  }
0x4b: {  	s3 =	sor.u32 $0x14200, s30;
	[sflag:s25] =	ssyncadd.s32 $0xFFFFC000  }
0x4c: {  	[tilespmem:s21], [sflag:$0x1] =	stream.indirect.gather [hbm4b:s5+s20], $0x80, s3, s20, $0xb8;
	[tilespmem:$0x1E000] =	vst v63  }
0x4d: {  	_ =	swait.ge [sflag:s22], $0x4000  }
0x4e: {  	[sflag:s22] =	ssyncset.done $0x0  }
0x4f: {  	s14 =	sor.u32 $0x15200, s30;
	[sflag:s22] =	ssyncadd.s32 $0xFFFFC000  }
0x50: {  	[spmem:s2] =	stream.indirect.scatter.add.f32 [tilespmem:s21], [sflag:$0x3], $0x80, s14, s20, $0xb8;
	[tilespmem:$0x1E000] =	vst v63  }
0x51: {  	_ =	swait.ge [sflag:s26], $0x4000  }
0x52: {  	[sflag:s26] =	ssyncset.done $0x0  }
0x53: {  	s31 =	sor.u32 $0x14280, s30;
	[sflag:s26] =	ssyncadd.s32 $0xFFFFC000  }
0x54: {  	[tilespmem:s23], [sflag:$0x2] =	stream.indirect.gather [hbm4b:s5+s20], $0x80, s31, s20, $0xb8;
	[tilespmem:$0x1E000] =	vst v63  }
0x55: {  	_ =	swait.ge [sflag:s24], $0x4000  }
0x56: {  	[sflag:s24] =	ssyncset.done $0x0  }
0x57: {  	s3 =	sor.u32 $0x15280, s30;
	[sflag:s24] =	ssyncadd.s32 $0xFFFFC000  }
0x58: {  	[spmem:s2] =	stream.indirect.scatter.add.f32 [tilespmem:s23], [sflag:$0x4], $0x80, s3, s20, $0xb8;
	[tilespmem:$0x1E000] =	vst v63  }
0x59: {  	_ =	swait.ge [sflag:s25], $0x4000  }
0x5a: {  	[sflag:s25] =	ssyncset.done $0x0  }
0x5b: {  	s14 =	sor.u32 $0x14300, s30;
	[sflag:s25] =	ssyncadd.s32 $0xFFFFC000  }
0x5c: {  	[tilespmem:s21], [sflag:$0x1] =	stream.indirect.gather [hbm4b:s5+s20], $0x80, s14, s20, $0xb8;
	[tilespmem:$0x1E000] =	vst v63  }
0x5d: {  	_ =	swait.ge [sflag:s22], $0x4000  }
0x5e: {  	[sflag:s22] =	ssyncset.done $0x0  }
0x5f: {  	s31 =	sor.u32 $0x15300, s30;
	[sflag:s22] =	ssyncadd.s32 $0xFFFFC000  }
0x60: {  	[spmem:s2] =	stream.indirect.scatter.add.f32 [tilespmem:s21], [sflag:$0x3], $0x80, s31, s20, $0xb8;
	[tilespmem:$0x1E000] =	vst v63  }
0x61: {  	_ =	swait.ge [sflag:s26], $0x4000  }
0x62: {  	[sflag:s26] =	ssyncset.done $0x0  }
0x63: {  	s3 =	sor.u32 $0x14380, s30;
	[sflag:s26] =	ssyncadd.s32 $0xFFFFC000  }
0x64: {  	[tilespmem:s23], [sflag:$0x2] =	stream.indirect.gather [hbm4b:s5+s20], $0x80, s3, s20, $0xb8;
	[tilespmem:$0x1E000] =	vst v63  }
0x65: {  	_ =	swait.ge [sflag:s24], $0x4000  }
0x66: {  	[sflag:s24] =	ssyncset.done $0x0  }
0x67: {  	s14 =	sor.u32 $0x15380, s30;
	[sflag:s24] =	ssyncadd.s32 $0xFFFFC000  }
0x68: {  	[spmem:s2] =	stream.indirect.scatter.add.f32 [tilespmem:s23], [sflag:$0x4], $0x80, s14, s20, $0xb8;
	[tilespmem:$0x1E000] =	vst v63  }
0x69: {  	_ =	swait.ge [sflag:s25], $0x4000  }
0x6a: {  	[sflag:s25] =	ssyncset.done $0x0  }
0x6b: {  	s31 =	sor.u32 $0x14400, s30;
	[sflag:s25] =	ssyncadd.s32 $0xFFFFC000  }
0x6c: {  	[tilespmem:s21], [sflag:$0x1] =	stream.indirect.gather [hbm4b:s5+s20], $0x80, s31, s20, $0xb8;
	[tilespmem:$0x1E000] =	vst v63  }
0x6d: {  	_ =	swait.ge [sflag:s22], $0x4000  }
0x6e: {  	[sflag:s22] =	ssyncset.done $0x0  }
0x6f: {  	s3 =	sor.u32 $0x15400, s30;
	[sflag:s22] =	ssyncadd.s32 $0xFFFFC000  }
0x70: {  	[spmem:s2] =	stream.indirect.scatter.add.f32 [tilespmem:s21], [sflag:$0x3], $0x80, s3, s20, $0xb8;
	[tilespmem:$0x1E000] =	vst v63  }
0x71: {  	_ =	swait.ge [sflag:s26], $0x4000  }
0x72: {  	[sflag:s26] =	ssyncset.done $0x0  }
0x73: {  	s14 =	sor.u32 $0x14480, s30;
	[sflag:s26] =	ssyncadd.s32 $0xFFFFC000  }
0x74: {  	[tilespmem:s23], [sflag:$0x2] =	stream.indirect.gather [hbm4b:s5+s20], $0x80, s14, s20, $0xb8;
	[tilespmem:$0x1E000] =	vst v63  }
0x75: {  	_ =	swait.ge [sflag:s24], $0x4000  }
0x76: {  	[sflag:s24] =	ssyncset.done $0x0  }
0x77: {  	s31 =	sor.u32 $0x15480, s30;
	[sflag:s24] =	ssyncadd.s32 $0xFFFFC000  }
0x78: {  	[spmem:s2] =	stream.indirect.scatter.add.f32 [tilespmem:s23], [sflag:$0x4], $0x80, s31, s20, $0xb8;
	[tilespmem:$0x1E000] =	vst v63  }
0x79: {  	_ =	swait.ge [sflag:s25], $0x4000  }
0x7a: {  	[sflag:s25] =	ssyncset.done $0x0  }
0x7b: {  	s3 =	sor.u32 $0x14500, s30;
	[sflag:s25] =	ssyncadd.s32 $0xFFFFC000  }
0x7c: {  	[tilespmem:s21], [sflag:$0x1] =	stream.indirect.gather [hbm4b:s5+s20], $0x80, s3, s20, $0xb8;
	[tilespmem:$0x1E000] =	vst v63  }
0x7d: {  	_ =	swait.ge [sflag:s22], $0x4000  }
0x7e: {  	[sflag:s22] =	ssyncset.done $0x0  }
0x7f: {  	s14 =	sor.u32 $0x15500, s30;
	[sflag:s22] =	ssyncadd.s32 $0xFFFFC000  }
0x80: {  	[spmem:s2] =	stream.indirect.scatter.add.f32 [tilespmem:s21], [sflag:$0x3], $0x80, s14, s20, $0xb8;
	[tilespmem:$0x1E000] =	vst v63  }
0x81: {  	_ =	swait.ge [sflag:s26], $0x4000  }
0x82: {  	[sflag:s26] =	ssyncset.done $0x0  }
0x83: {  	s31 =	sor.u32 $0x14580, s30;
	[sflag:s26] =	ssyncadd.s32 $0xFFFFC000  }
0x84: {  	[tilespmem:s23], [sflag:$0x2] =	stream.indirect.gather [hbm4b:s5+s20], $0x80, s31, s20, $0xb8;
	[tilespmem:$0x1E000] =	vst v63  }
0x85: {  	_ =	swait.ge [sflag:s24], $0x4000  }
0x86: {  	[sflag:s24] =	ssyncset.done $0x0  }
0x87: {  	s3 =	sor.u32 $0x15580, s30;
	[sflag:s24] =	ssyncadd.s32 $0xFFFFC000  }
0x88: {  	[spmem:s2] =	stream.indirect.scatter.add.f32 [tilespmem:s23], [sflag:$0x4], $0x80, s3, s20, $0xb8;
	[tilespmem:$0x1E000] =	vst v63  }
0x89: {  	_ =	swait.ge [sflag:s25], $0x4000  }
0x8a: {  	[sflag:s25] =	ssyncset.done $0x0  }
0x8b: {  	s14 =	sor.u32 $0x14600, s30;
	[sflag:s25] =	ssyncadd.s32 $0xFFFFC000  }
0x8c: {  	[tilespmem:s21], [sflag:$0x1] =	stream.indirect.gather [hbm4b:s5+s20], $0x80, s14, s20, $0xb8;
	[tilespmem:$0x1E000] =	vst v63  }
0x8d: {  	_ =	swait.ge [sflag:s22], $0x4000  }
0x8e: {  	[sflag:s22] =	ssyncset.done $0x0  }
0x8f: {  	s31 =	sor.u32 $0x15600, s30;
	[sflag:s22] =	ssyncadd.s32 $0xFFFFC000  }
0x90: {  	[spmem:s2] =	stream.indirect.scatter.add.f32 [tilespmem:s21], [sflag:$0x3], $0x80, s31, s20, $0xb8;
	[tilespmem:$0x1E000] =	vst v63  }
0x91: {  	_ =	swait.ge [sflag:s26], $0x4000  }
0x92: {  	[sflag:s26] =	ssyncset.done $0x0  }
0x93: {  	s3 =	sor.u32 $0x14680, s30;
	[sflag:s26] =	ssyncadd.s32 $0xFFFFC000  }
0x94: {  	[tilespmem:s23], [sflag:$0x2] =	stream.indirect.gather [hbm4b:s5+s20], $0x80, s3, s20, $0xb8;
	[tilespmem:$0x1E000] =	vst v63  }
0x95: {  	_ =	swait.ge [sflag:s24], $0x4000  }
0x96: {  	[sflag:s24] =	ssyncset.done $0x0  }
0x97: {  	s14 =	sor.u32 $0x15680, s30;
	[sflag:s24] =	ssyncadd.s32 $0xFFFFC000  }
0x98: {  	[spmem:s2] =	stream.indirect.scatter.add.f32 [tilespmem:s23], [sflag:$0x4], $0x80, s14, s20, $0xb8;
	[tilespmem:$0x1E000] =	vst v63  }
0x99: {  	_ =	swait.ge [sflag:s25], $0x4000  }
0x9a: {  	[sflag:s25] =	ssyncset.done $0x0  }
0x9b: {  	s31 =	sor.u32 $0x14700, s30;
	[sflag:s25] =	ssyncadd.s32 $0xFFFFC000  }
0x9c: {  	[tilespmem:s21], [sflag:$0x1] =	stream.indirect.gather [hbm4b:s5+s20], $0x80, s31, s20, $0xb8;
	[tilespmem:$0x1E000] =	vst v63  }
0x9d: {  	_ =	swait.ge [sflag:s22], $0x4000  }
0x9e: {  	[sflag:s22] =	ssyncset.done $0x0  }
0x9f: {  	s3 =	sor.u32 $0x15700, s30;
	[sflag:s22] =	ssyncadd.s32 $0xFFFFC000  }
0xa0: {  	[spmem:s2] =	stream.indirect.scatter.add.f32 [tilespmem:s21], [sflag:$0x3], $0x80, s3, s20, $0xb8;
	[tilespmem:$0x1E000] =	vst v63  }
0xa1: {  	_ =	swait.ge [sflag:s26], $0x4000  }
0xa2: {  	[sflag:s26] =	ssyncset.done $0x0  }
0xa3: {  	s14 =	sor.u32 $0x14780, s30;
	[sflag:s26] =	ssyncadd.s32 $0xFFFFC000  }
0xa4: {  	[tilespmem:s23], [sflag:$0x2] =	stream.indirect.gather [hbm4b:s5+s20], $0x80, s14, s20, $0xb8;
	[tilespmem:$0x1E000] =	vst v63  }
0xa5: {  	_ =	swait.ge [sflag:s24], $0x4000  }
0xa6: {  	[sflag:s24] =	ssyncset.done $0x0  }
0xa7: {  	s31 =	sor.u32 $0x15780, s30;
	[sflag:s24] =	ssyncadd.s32 $0xFFFFC000  }
0xa8: {  	[spmem:s2] =	stream.indirect.scatter.add.f32 [tilespmem:s23], [sflag:$0x4], $0x80, s31, s20, $0xb8;
	[tilespmem:$0x1E000] =	vst v63  }
0xa9: {  	_ =	swait.ge [sflag:s25], $0x4000  }
0xaa: {  	[sflag:s25] =	ssyncset.done $0x0  }
0xab: {  	[sflag:s25] =	ssyncadd.s32 $0xFFFFC000  }
0xac: {  	_ =	swait.ge [sflag:s26], $0x4000  }
0xad: {  	s29 =	sadd.s32 @!p0 $0x800, s29;
	[sflag:s26] =	ssyncset.done $0x0  }
0xae: {  	p1 =	sne.s32 @!p0 s29, $0x2800;
	s0 =	simm.s32 @!p0 $0x5;
	[sflag:s26] =	ssyncadd.s32 $0xFFFFC000  }
0xaf: {  	p1 =	por p0, !p1;
	_ =	swait.ge @!p0 [sflag:s0], $0x800  }
.Ltmp0:
0xb0: {  	[sflag:s0] =	ssyncset.done @!p0 $0x0;
	(pc) =	sbr.rel @!p1 .LBB2_2-.Ltmp0, $4  }
0xb1: {  	[sflag:s0] =	ssyncadd.s32 @!p0 $0xFFFFF800;
	s0 =	simm.s32 @!p0 $0x6  }
0xb2: {  	_ =	swait.ge @!p0 [sflag:s0], $0x800  }
0xb3: {  	[sflag:s0] =	ssyncset.done @!p0 $0x0  }
0xb4: {  	[sflag:s0] =	ssyncadd.s32 @!p0 $0xFFFFF800  }
0xb5: {  	[bflag:$0x0] =	sbarrier.arrive $0xFFFF  }
0xb6: {  	[hbm:s10], [sflag:s17] =	dma.local [spmem:s18], $0x1400  }
0xb7: {  	s28 =	sadd.s32 $0x1, s28;
	_ =	swait.ge [sflag:s15], $0x1400  }
0xb8: {  	p0 =	sne.s32 s28, s12;
	[sflag:s15] =	ssyncset.done $0x0  }
.Ltmp1:
0xb9: {  	[sflag:s15] =	ssyncadd.s32 $0xFFFFEC00;
	(pc) =	sbr.rel @p0 .LBB2_1-.Ltmp1, $4  }
0xba: {  	[hbm:s11], [sflag:s17] =	dma.local [spmem:s19], $0x1400  }
0xbb: {  	_ =	swait.ge [sflag:s15], $0x1400  }
0xbc: {  	[sflag:s15] =	ssyncset.done $0x0  }
0xbd: {  	[sflag:s15] =	ssyncadd.s32 $0xFFFFEC00  }
0xbe: {  	_ =	sfence.sel $0x180000  }
0xbf: {  	[bflag:$0x0] =	sbarrier.arrive $0xFFFF  }
0xc0: {  	_ =	strace $0x9000004A  }
0xc1: {  	s0 =	stileid.u32;
	[bflag:$0x2] =	sbarrier.arrive $0xFFFF  }
0xc2: {  	p0 =	sne.s32 s0, $0x0;
	s0 =	rddreg [dreg:$0x3]  }
0xc3: {  	s0 =	sadd.s32 @!p0 $0x100000, s0  }
0xc4: {  	[sflag:s0] =	ssyncadd.tile.s32 @!p0 $0x1;
	_ =	shalt  }
.Lfunc_end2:
_tile_overlayer_lowered:
.L_overlay_start_2:
0xc5: {  	(tag) =	ssettag $0x2  }
0xc6: {  	s0 =	rddreg [dreg:$0x0];
	s2 =	stileid.u32  }
0xc7: {  	s1 =	rddreg [dreg:$0x1];
	p0 =	sne.s32 s2, $0x0  }
0xc8: {  	s3 =	rddreg [dreg:$0x2];
	[bflag:$0x3] =	sbarrier.arrive $0xFFFF;
	s2 =	simm.s32 @!p0 $0x1C07  }
0xc9: {  	[timem:s3], [sflag:s2] =	dma.local @!p0 [hbm:s0], s1  }
0xca: {  	s0 =	simm.s32 @!p0 $0x7  }
0xcb: {  	_ =	swait.ge @!p0 [sflag:s0], s1  }
0xcc: {  	s1 =	ssub.s32 @!p0 $0x0, s1;
	[sflag:s0] =	ssyncset.done @!p0 $0x0  }
0xcd: {  	[sflag:s0] =	ssyncadd.s32 @!p0 s1  }
0xce: {  	[bflag:$0x3] =	sbarrier.arrive $0xFFFF  }
0xcf: {  	_ =	shalt  }

// kernel: kernel.17.cloned.1.call-start
scs
__scs_entry_jumppad:
0x0: {  	(pc) =	sbr.rel $0x88, $3  }
0x1: {  	(tag) =	ssettag $0x0;
	lr =	simm.s32 $0x1  }
0x2: {  	[smem:$0x3F8D] =	sst lr;
	_ =	strace $0xD0000000  }
0x3: {  	_ = 	snop  }
0x4: {  	_ = 	snop  }
0x5: {  	_ = 	snop  }
0x6: {  	_ = 	snop  }
0x7: {  	_ = 	snop  }
__scs_overlays_trampoline_lowered:
0x8: {  	[smem:$0x3F9C] =	sst s0  }
0x9: {  	[smem:$0x3F9D] =	sst s1  }
0xa: {  	[smem:$0x3F9E] =	sst s2  }
0xb: {  	[smem:$0x3F9F] =	sst s3  }
0xc: {  	[smem:$0x3FA0] =	sst s4  }
0xd: {  	[smem:$0x3FA1] =	sst s5  }
0xe: {  	[smem:$0x3FA2] =	sst s6  }
0xf: {  	[smem:$0x3FA3] =	sst s7  }
0x10: {  	[smem:$0x3FA4] =	sst s8  }
0x11: {  	[smem:$0x3FA5] =	sst s9;
	s0 =	simm.s32 @!p0 $0x0  }
0x12: {  	s1 =	sld [smem:$0x3F8B];
	s0 =	simm.s32 @p0 $0x1  }
0x13: {  	[smem:$0x3FA6] =	sst s0;
	s0 =	simm.s32 @!p1 $0x0  }
0x14: {  	s2 =	sld [smem:$0x3F8A];
	s0 =	simm.s32 @p1 $0x1  }
0x15: {  	[smem:$0x3FA7] =	sst s0;
	s0 =	simm.s32 @!p2 $0x0  }
0x16: {  	s3 =	sld [smem:$0x3FDB];
	s0 =	simm.s32 @p2 $0x1  }
0x17: {  	s4 =	simm.s32 $0x1BF5;
	[smem:$0x3FA9] =	sst s0  }
0x18: {  	s0 =	sld [smem:$0x3F8C];
	_ =	swait.ge [sflag:s4], $0x0  }
0x19: {  	s7 =	sld [smem:$0x3F8D]  }
0x1a: {  	s8 =	sadd.s32 $0xFFFFE003, lr  }
0x1b: {  	s9 =	sadd.s32 $0xFFFFFEF7, lr;
	s5 =	simm.s32 $0xFFFFFFFF;
	p2 =	slt.u32 s8, $0xFFFFF086  }
0x1c: {  	p1 =	slt.u32 s9, $0xF7A;
	s5 =	simm.s32 @!p2 $0x0  }
0x1d: {  	s5 =	simm.s32 @p1 $0x1;
	p0 =	seq.s32 s7, s2  }
0x1e: {  	s7 =	smul.u32 @!p0 $0xF7A, s2;
	p2 =	seq.s32 @!p0 s5, $0x0  }
0x1f: {  	s9 =	smul.u32 $0xF7A, s1;
	s8 =	simm.s32 @!p0 $0x1BF5;
	p2 =	por !p2, p0  }
0x20: {  	[sflag:s8] =	ssyncset.s32 @!p0 $0xFFFFF086;
	s6 =	sadd.s32 @!p0 s3, s7;
	s7 =	simm.s32 @!p0 $0x108  }
0x21: {  	s3 =	sadd.s32 s3, s9;
	s6 =	sadd.s32 @!p0 $0x88, s6;
	s7 =	simm.s32 @p2 $0x1082  }
0x22: {  	[simem:s7], [sflag:s8] =	dma.local @!p0 [hbm:s6], $0xF7A  }
0x23: {  	s9 =	sor.u32 $0xD0000000, s2;
	s6 =	simm.s32 $0x108;
	_ =	swait.ge @!p0 [sflag:s8], $0x0  }
0x24: {  	s3 =	sadd.s32 $0x88, s3;
	s6 =	simm.s32 @!p1 $0x1082;
	[sflag:s4] =	ssyncset.s32 $0xFFFFF086  }
0x25: {  	[simem:s6], [sflag:s4] =	dma.local [hbm:s3], $0xF7A  }
0x26: {  	[smem:$0x3F8D] =	sst s1;
	(tag) =	ssettag s2;
	_ =	strace s9  }
0x27: {  	s1 =	sld [smem:$0x3F9D]  }
0x28: {  	s2 =	sld [smem:$0x3F9E]  }
0x29: {  	s4 =	sld [smem:$0x3FA0]  }
0x2a: {  	p0 =	seq.s32 s5, $0x0;
	s5 =	sld [smem:$0x3FA1]  }
0x2b: {  	s6 =	sld [smem:$0x3FA2]  }
0x2c: {  	s7 =	sld [smem:$0x3FA3]  }
0x2d: {  	s3 =	simm.s32 $0x108;
	s8 =	sld [smem:$0x3FA4]  }
0x2e: {  	s3 =	simm.s32 @!p0 $0x1082;
	s9 =	sld [smem:$0x3FA5]  }
0x2f: {  	lr =	sadd.s32 s0, s3;
	s0 =	sld [smem:$0x3F9C]  }
0x30: {  	s3 =	sld [smem:$0x3F9F]  }
0x31: {  	[smem:$0x3FA8] =	sst s10  }
0x32: {  	s10 =	sld [smem:$0x3FA6];
	_ =	sdelay $0x3  }
0x33: {  	p0 =	seq.s32 s10, $0x1;
	s10 =	sld [smem:$0x3FA8];
	_ =	sdelay $0x3  }
0x34: {  	[smem:$0x3FA8] =	sst s10  }
0x35: {  	s10 =	sld [smem:$0x3FA7];
	_ =	sdelay $0x3  }
0x36: {  	p1 =	seq.s32 s10, $0x1;
	s10 =	sld [smem:$0x3FA8];
	_ =	sdelay $0x3  }
0x37: {  	[smem:$0x3FA8] =	sst s10  }
0x38: {  	s10 =	sld [smem:$0x3FA9]  }
0x39: {  	_ = 	snop;
	(pc) =	sbr.ind lr, $3  }
0x3a: {  	_ = 	snop  }
0x3b: {  	_ = 	snop  }
0x3c: {  	p2 =	seq.s32 s10, $0x1;
	s10 =	sld [smem:$0x3FA8]  }
0x3d: {  	_ =	shalt  }
0x3e: {  	_ =	shalt  }
0x3f: {  	_ =	shalt  }
0x40: {  	_ =	shalt  }
0x41: {  	_ =	shalt  }
0x42: {  	_ =	shalt  }
0x43: {  	_ =	shalt  }
0x44: {  	_ =	shalt  }
0x45: {  	_ =	shalt  }
0x46: {  	_ =	shalt  }
0x47: {  	_ =	shalt  }
0x48: {  	_ =	shalt  }
0x49: {  	_ =	shalt  }
0x4a: {  	_ =	shalt  }
0x4b: {  	_ =	shalt  }
0x4c: {  	_ =	shalt  }
0x4d: {  	_ =	shalt  }
0x4e: {  	_ =	shalt  }
0x4f: {  	_ =	shalt  }
0x50: {  	_ =	shalt  }
0x51: {  	_ =	shalt  }
0x52: {  	_ =	shalt  }
0x53: {  	_ =	shalt  }
0x54: {  	_ =	shalt  }
0x55: {  	_ =	shalt  }
0x56: {  	_ =	shalt  }
0x57: {  	_ =	shalt  }
0x58: {  	_ =	shalt  }
0x59: {  	_ =	shalt  }
0x5a: {  	_ =	shalt  }
0x5b: {  	_ =	shalt  }
0x5c: {  	_ =	shalt  }
0x5d: {  	_ =	shalt  }
0x5e: {  	_ =	shalt  }
0x5f: {  	_ =	shalt  }
0x60: {  	_ =	shalt  }
0x61: {  	_ =	shalt  }
0x62: {  	_ =	shalt  }
0x63: {  	_ =	shalt  }
0x64: {  	_ =	shalt  }
0x65: {  	_ =	shalt  }
0x66: {  	_ =	shalt  }
0x67: {  	_ =	shalt  }
0x68: {  	_ =	shalt  }
0x69: {  	_ =	shalt  }
0x6a: {  	_ =	shalt  }
0x6b: {  	_ =	shalt  }
0x6c: {  	_ =	shalt  }
0x6d: {  	_ =	shalt  }
0x6e: {  	_ =	shalt  }
0x6f: {  	_ =	shalt  }
0x70: {  	_ =	shalt  }
0x71: {  	_ =	shalt  }
0x72: {  	_ =	shalt  }
0x73: {  	_ =	shalt  }
0x74: {  	_ =	shalt  }
0x75: {  	_ =	shalt  }
0x76: {  	_ =	shalt  }
0x77: {  	_ =	shalt  }
0x78: {  	_ =	shalt  }
0x79: {  	_ =	shalt  }
0x7a: {  	_ =	shalt  }
0x7b: {  	_ =	shalt  }
0x7c: {  	_ =	shalt  }
0x7d: {  	_ =	shalt  }
0x7e: {  	_ =	shalt  }
0x7f: {  	_ =	shalt  }
0x80: {  	_ =	shalt  }
0x81: {  	_ =	shalt  }
0x82: {  	_ =	shalt  }
0x83: {  	_ =	shalt  }
0x84: {  	_ =	shalt  }
0x85: {  	_ =	shalt  }
0x86: {  	_ =	shalt  }
0x87: {  	_ =	shalt  }
.Lfunc_end0:
.L_simem_size_0:
called_computation.2_lowered:
.L_overlay_start_0:
0x88: {  	s2 =	sld [smem:$0x3FD9]  }
0x89: {  	s3 =	sld [smem:$0x3FFE];
	_ =	sdelay $0x1  }
0x8a: {  	s1 =	srdreg.scid  }
0x8b: {  	s0 =	sand.u32 $0x1, s1  }
0x8c: {  	s17 =	sshll.u32 s0, $0xA;
	s2 =	sadd.s32 s3, s2  }
0x8d: {  	s2 =	sadd.s32 s2, s17  }
0x8e: {  	[smem:$0x3FB4] =	sst s2  }
0x8f: {  	_ = 	snop  }
0x90: {  	s2 =	sld [smem:$0x3FD0];
	(tm) =	ssettm $0x1  }
0x91: {  	s18 =	sld [smem:$0x3FFB];
	_ =	sdelay $0x3  }
0x92: {  	_ =	strace s18  }
0x93: {  	s3 =	sld [smem:$0x3FFC];
	_ =	sdelay $0x3  }
0x94: {  	_ =	strace s3  }
0x95: {  	s3 =	sld [smem:$0x3FFD];
	_ =	sdelay $0x3  }
0x96: {  	_ =	strace s3  }
0x97: {  	_ =	strace $0x8FFFFFFF  }
0x98: {  	s19 =	sld [smem:$0x3FDB];
	_ =	sdelay $0x1  }
0x99: {  	s4 =	simm.s32 $_scs_section_size  }
0x9a: {  	s5 =	simm.s32 $_size__tile_overlayer_lowered;
	s6 =	simm.s32 $_tile_overlayer_lowered  }
0x9b: {  	s22 =	simm.s32 $0x1BFF;
	s21 =	sshll.u32 s6, $0x1;
	s3 =	sadd.s32 s4, s19  }
0x9c: {  	s7 =	simm.s32 $0x0;
	s20 =	sshll.u32 s5, $0x1;
	s5 =	sadd.s32 s21, s3  }
0x9d: {  	[timem:s7], [sflag:s22] =	dma.local [hbm:s5], s20  }
0x9e: {  	_ =	swait.ge [sflag:s22], s20  }
0x9f: {  	s4 =	ssub.s32 $0x0, s20;
	[sflag:s22] =	ssyncset.done $0x0  }
0xa0: {  	[sflag:s22] =	ssyncadd.s32 s4;
	_ =	sdelay $0x1  }
0xa1: {  	s23 =	simm.s32 $0x1B8B  }
0xa2: {  	_ =	swait.ge [sflag:s23], $0x1  }
0xa3: {  	[sflag:s23] =	ssyncset.done $0x0  }
0xa4: {  	s25 =	simm.s32 $0x1B8E;
	s24 =	sld [smem:$0x3FFE];
	[sflag:s23] =	ssyncadd.s32 $0xFFFFFFFF  }
0xa5: {  	s26 =	simm.s32 $execute0_lowered;
	[smem:$0x3FD2] =	sst s25  }
0xa6: {  	s5 =	sshll.u32 s26, $0x1;
	_ =	strace $0x8000004C;
	[dreg:$0x1] =	wrdreg $0xFFFFFFFF  }
0xa7: {  	s28 =	simm.s32 $_size_execute0_lowered;
	s3 =	sadd.s32 s3, s5;
	[dreg:$0x0] =	wrdreg $0x0  }
0xa8: {  	s5 =	sshll.u32 s28, $0x1;
	[dreg:$0x2] =	wrdreg s3  }
0xa9: {  	[dreg:$0x3] =	wrdreg s5  }
0xaa: {  	[dreg:$0x4] =	wrdreg $0xC0  }
0xab: {  	_ =	task [dreg:s7], $0x5FFFF  }
0xac: {  	[dreg:$0x1] =	wrdreg $0xFFFFFFFF  }
0xad: {  	[dreg:$0x0] =	wrdreg $0x60  }
0xae: {  	[dreg:$0x2] =	wrdreg s24  }
0xaf: {  	[dreg:$0x3] =	wrdreg s2  }
0xb0: {  	[dreg:$0x4] =	wrdreg $0x0  }
0xb1: {  	[dreg:$0x5] =	wrdreg $0x9  }
0xb2: {  	_ =	task.clear_ibuf [dreg:s7], $0x6FFFF;
	_ =	strace $0x9000004C  }
0xb3: {  	s29 =	simm.s32 $0x9;
	_ =	strace $0x8000004E  }
0xb4: {  	_ =	swait.ge [sflag:s29], $0x1  }
0xb5: {  	[sflag:s29] =	ssyncadd.s32 $0xFFFFFFFF  }
0xb6: {  	_ =	strace $0x9000004E  }
0xb7: {  	_ =	sfence  }
0xb8: {  	s30 =	sld [smem:$0x0];
	_ =	sdelay $0x2  }
0xb9: {  	s31 =	sshll.u32 s1, $0xD;
	s1 =	sshrl.u32 s1, $0x2  }
0xba: {  	s3 =	sand.u32 $0x4000, s31;
	s1 =	sadd.s32 s1, s30  }
0xbb: {  	s0 =	sor.u32 s3, s0;
	s1 =	sshll.u32 s1, $0x11  }
0xbc: {  	s0 =	sor.u32 s1, s0  }
0xbd: {  	s0 =	sadd.s32 $0x8F2B, s0  }
0xbe: {  	[sflag:s0] =	ssyncadd.remote.s32 $0x1  }
0xbf: {  	_ =	sfence.sel $0xFFFF  }
0xc0: {  	[dreg:$0x0] =	wrdreg $0xFFFFFFFF;
	(pc) =	sbr.abs _section_cstart, $3  }
0xc1: {  	[dreg:$0x1] =	wrdreg $0xFFFFFFFF  }
0xc2: {  	_ =	task.clear_ibuf [dreg:s7], $0x2FFFF;
	_ =	strace $0x9FFFFFFF  }
0xc3: {  	(tm) =	ssettm $0x7FFFFFFF  }
tec
execute0_lowered:
.L_overlay_start_1:
0x0: {  	(tag) =	ssettag $0x1  }
0x1: {  	s6 =	rddreg [dreg:$0x0]  }
0x2: {  	s2 =	rddreg [dreg:$0x1]  }
0x3: {  	s3 =	rddreg [dreg:$0x2]  }
0x4: {  	s4 =	simm.s32 $0x0;
	s0 =	stileid.u32;
	s5 =	srdreg.scid  }
0x5: {  	s19 =	simm.s32 $0x80;
	s20 =	simm.s32 $0x16000;
	s21 =	simm.s32 $0x1  }
0x6: {  	s22 =	simm.s32 $0x1A000;
	s23 =	simm.s32 $0x2;
	s24 =	simm.s32 $0x3  }
0x7: {  	s25 =	simm.s32 $0x4;
	[smem:$0x7FF] =	sst s4;
	s7 =	smul.u32 $0xA00, s0  }
0x8: {  	s8 =	sand.u32 $0x1, s5;
	s5 =	sadd.s32 $0x2DC00, s6;
	s10 =	smul.u32 $0x50000, s0  }
0x9: {  	s12 =	sadd.s32 $0x7BE00, s6;
	s13 =	smul.u32 $0x14000, s0;
	s16 =	sshll.u32 s0, $0x6  }
0xa: {  	_ =	strace $0x8000004D;
	s9 =	smul.u32 $0xA000, s8;
	s26 =	ssub.s32 $0x2, s8  }
0xb: {  	s8 =	smul.u32 $0x140000, s8;
	s16 =	sor.u32 $0x1C07, s16;
	s11 =	sadd.s32 s7, s6  }
0xc: {  	s28 =	sshrl.u32 s26, $0x1;
	s29 =	sadd.s32 $0xA000, s13;
	s10 =	sshrl.u32 s10, $0x2  }
0xd: {  	s14 =	ssub.s32 s26, s28;
	s15 =	sadd.s32 s9, s11;
	s7 =	sadd.s32 $0x5C00, s11  }
0xe: {  	s13 =	sadd.s32 s13, s8;
	s8 =	sadd.s32 s8, s29;
	s17 =	sadd.s32 s10, s3  }
0xf: {  	s18 =	sadd.s32 s29, s3;
	s11 =	sadd.s32 $0x5D00, s11;
	s26 =	simm.s32 $0x0  }
0x10: {  	s6 =	sadd.s32 $0x19C00, s15;
	s30 =	sshrl.u32 s13, $0x3;
	s31 =	sshrl.u32 s8, $0x3  }
0x11: {  	s10 =	smax.u32 s14, $0x1;
	s13 =	simm.s32 $0x14000;
	s14 =	simm.s32 $0x7  }
0x12: {  	s17 =	sshrl.u32 s17, $0x3;
	s18 =	sshrl.u32 s18, $0x3;
	s8 =	sadd.s32 s12, s30  }
0x13: {  	s9 =	sadd.s32 s12, s31;
	s12 =	sadd.s32 $0x19D00, s15;
	s15 =	simm.s32 $0x15000  }
.LBB2_1:
0x14: {  	[tilespmem:s13], [sflag:$0x7] =	stream.linear.gather [hbm4b:s6+s4], $0x800, $0x38;
	[tilespmem:$0x1E000] =	vst v63  }
0x15: {  	_ =	swait.ge [sflag:s14], $0x800  }
0x16: {  	[sflag:s14] =	ssyncset.done $0x0  }
0x17: {  	[sflag:s14] =	ssyncadd.s32 $0xFFFFF800  }
0x18: {  	[tilespmem:s15], [sflag:$0x7] =	stream.linear.gather [hbm4b:s7+s4], $0x800, $0x38;
	[tilespmem:$0x1E000] =	vst v63  }
0x19: {  	_ =	swait.ge [sflag:s14], $0x800  }
0x1a: {  	[sflag:s14] =	ssyncset.done $0x0  }
0x1b: {  	[sflag:s14] =	ssyncadd.s32 $0xFFFFF800  }
0x1c: {  	[spmem:s17], [sflag:s16] =	dma.local [hbm:s2], $0x1400  }
0x1d: {  	_ =	swait.ge [sflag:s14], $0x1400  }
0x1e: {  	[sflag:s14] =	ssyncset.done $0x0  }
0x1f: {  	[sflag:s14] =	ssyncadd.s32 $0xFFFFEC00  }
0x20: {  	[spmem:s18], [sflag:s16] =	dma.local [hbm:s2], $0x1400  }
0x21: {  	_ =	swait.ge [sflag:s14], $0x1400  }
0x22: {  	[sflag:s14] =	ssyncset.done $0x0  }
0x23: {  	s28 =	simm.s32 $0x800;
	[sflag:s14] =	ssyncadd.s32 $0xFFFFEC00  }
0x24: {  	s29 =	smov.u32 s12;
	s30 =	smov.u32 s11;
	[bflag:$0x0] =	sbarrier.arrive $0xFFFF  }
.LBB2_2:
0x25: {  	p0 =	seq.s32 s28, $0x5000  }
0x26: {  	s31 =	sand.u32 @!p0 $0x800, s28  }
0x27: {  	s1 =	simm.s32 @!p0 $0x0;
	s0 =	sor.u32 @!p0 $0x14000, s31  }
0x28: {  	[tilespmem:s0], [sflag:$0x5] =	stream.linear.gather @!p0 [hbm4b:s29+s1], $0x800, $0x38;
	[tilespmem:$0x1E000] =	vst v63  }
0x29: {  	s0 =	sor.u32 @!p0 $0x15000, s31;
	s31 =	sadd.s32 $0xFFFFF800, s28  }
0x2a: {  	s31 =	sand.u32 $0x800, s31  }
0x2b: {  	[tilespmem:s0], [sflag:$0x6] =	stream.linear.gather @!p0 [hbm4b:s30+s1], $0x800, $0x38;
	[tilespmem:$0x1E000] =	vst v63  }
0x2c: {  	s0 =	sor.u32 $0x14000, s31  }
0x2d: {  	[tilespmem:s20], [sflag:$0x1] =	stream.indirect.gather [hbm4b:s5+s19], $0x80, s0, s19, $0xb8;
	[tilespmem:$0x1E000] =	vst v63  }
0x2e: {  	_ =	swait.ge [sflag:s21], $0x4000  }
0x2f: {  	[sflag:s21] =	ssyncset.done $0x0  }
0x30: {  	s1 =	sor.u32 $0x15000, s31;
	[sflag:s21] =	ssyncadd.s32 $0xFFFFC000  }
0x31: {  	[spmem:s3] =	stream.indirect.scatter.add.f32 [tilespmem:s20], [sflag:$0x3], $0x80, s1, s19, $0xb8;
	[tilespmem:$0x1E000] =	vst v63  }
0x32: {  	s1 =	sor.u32 $0x14080, s31  }
0x33: {  	[tilespmem:s22], [sflag:$0x2] =	stream.indirect.gather [hbm4b:s5+s19], $0x80, s1, s19, $0xb8;
	[tilespmem:$0x1E000] =	vst v63  }
0x34: {  	_ =	swait.ge [sflag:s23], $0x4000  }
0x35: {  	[sflag:s23] =	ssyncset.done $0x0  }
0x36: {  	s1 =	sor.u32 $0x15080, s31;
	[sflag:s23] =	ssyncadd.s32 $0xFFFFC000  }
0x37: {  	[spmem:s3] =	stream.indirect.scatter.add.f32 [tilespmem:s22], [sflag:$0x4], $0x80, s1, s19, $0xb8;
	[tilespmem:$0x1E000] =	vst v63  }
0x38: {  	_ =	swait.ge [sflag:s24], $0x4000  }
0x39: {  	[sflag:s24] =	ssyncset.done $0x0  }
0x3a: {  	s1 =	sor.u32 $0x14100, s31;
	[sflag:s24] =	ssyncadd.s32 $0xFFFFC000  }
0x3b: {  	[tilespmem:s20], [sflag:$0x1] =	stream.indirect.gather [hbm4b:s5+s19], $0x80, s1, s19, $0xb8;
	[tilespmem:$0x1E000] =	vst v63  }
0x3c: {  	_ =	swait.ge [sflag:s21], $0x4000  }
0x3d: {  	[sflag:s21] =	ssyncset.done $0x0  }
0x3e: {  	s1 =	sor.u32 $0x15100, s31;
	[sflag:s21] =	ssyncadd.s32 $0xFFFFC000  }
0x3f: {  	[spmem:s3] =	stream.indirect.scatter.add.f32 [tilespmem:s20], [sflag:$0x3], $0x80, s1, s19, $0xb8;
	[tilespmem:$0x1E000] =	vst v63  }
0x40: {  	_ =	swait.ge [sflag:s25], $0x4000  }
0x41: {  	[sflag:s25] =	ssyncset.done $0x0  }
0x42: {  	s1 =	sor.u32 $0x14180, s31;
	[sflag:s25] =	ssyncadd.s32 $0xFFFFC000  }
0x43: {  	[tilespmem:s22], [sflag:$0x2] =	stream.indirect.gather [hbm4b:s5+s19], $0x80, s1, s19, $0xb8;
	[tilespmem:$0x1E000] =	vst v63  }
0x44: {  	_ =	swait.ge [sflag:s23], $0x4000  }
0x45: {  	[sflag:s23] =	ssyncset.done $0x0  }
0x46: {  	s1 =	sor.u32 $0x15180, s31;
	[sflag:s23] =	ssyncadd.s32 $0xFFFFC000  }
0x47: {  	[spmem:s3] =	stream.indirect.scatter.add.f32 [tilespmem:s22], [sflag:$0x4], $0x80, s1, s19, $0xb8;
	[tilespmem:$0x1E000] =	vst v63  }
0x48: {  	_ =	swait.ge [sflag:s24], $0x4000  }
0x49: {  	[sflag:s24] =	ssyncset.done $0x0  }
0x4a: {  	s1 =	sor.u32 $0x14200, s31;
	[sflag:s24] =	ssyncadd.s32 $0xFFFFC000  }
0x4b: {  	[tilespmem:s20], [sflag:$0x1] =	stream.indirect.gather [hbm4b:s5+s19], $0x80, s1, s19, $0xb8;
	[tilespmem:$0x1E000] =	vst v63  }
0x4c: {  	_ =	swait.ge [sflag:s21], $0x4000  }
0x4d: {  	[sflag:s21] =	ssyncset.done $0x0  }
0x4e: {  	s1 =	sor.u32 $0x15200, s31;
	[sflag:s21] =	ssyncadd.s32 $0xFFFFC000  }
0x4f: {  	[spmem:s3] =	stream.indirect.scatter.add.f32 [tilespmem:s20], [sflag:$0x3], $0x80, s1, s19, $0xb8;
	[tilespmem:$0x1E000] =	vst v63  }
0x50: {  	_ =	swait.ge [sflag:s25], $0x4000  }
0x51: {  	[sflag:s25] =	ssyncset.done $0x0  }
0x52: {  	s1 =	sor.u32 $0x14280, s31;
	[sflag:s25] =	ssyncadd.s32 $0xFFFFC000  }
0x53: {  	[tilespmem:s22], [sflag:$0x2] =	stream.indirect.gather [hbm4b:s5+s19], $0x80, s1, s19, $0xb8;
	[tilespmem:$0x1E000] =	vst v63  }
0x54: {  	_ =	swait.ge [sflag:s23], $0x4000  }
0x55: {  	[sflag:s23] =	ssyncset.done $0x0  }
0x56: {  	s1 =	sor.u32 $0x15280, s31;
	[sflag:s23] =	ssyncadd.s32 $0xFFFFC000  }
0x57: {  	[spmem:s3] =	stream.indirect.scatter.add.f32 [tilespmem:s22], [sflag:$0x4], $0x80, s1, s19, $0xb8;
	[tilespmem:$0x1E000] =	vst v63  }
0x58: {  	_ =	swait.ge [sflag:s24], $0x4000  }
0x59: {  	[sflag:s24] =	ssyncset.done $0x0  }
0x5a: {  	s1 =	sor.u32 $0x14300, s31;
	[sflag:s24] =	ssyncadd.s32 $0xFFFFC000  }
0x5b: {  	[tilespmem:s20], [sflag:$0x1] =	stream.indirect.gather [hbm4b:s5+s19], $0x80, s1, s19, $0xb8;
	[tilespmem:$0x1E000] =	vst v63  }
0x5c: {  	_ =	swait.ge [sflag:s21], $0x4000  }
0x5d: {  	[sflag:s21] =	ssyncset.done $0x0  }
0x5e: {  	s1 =	sor.u32 $0x15300, s31;
	[sflag:s21] =	ssyncadd.s32 $0xFFFFC000  }
0x5f: {  	[spmem:s3] =	stream.indirect.scatter.add.f32 [tilespmem:s20], [sflag:$0x3], $0x80, s1, s19, $0xb8;
	[tilespmem:$0x1E000] =	vst v63  }
0x60: {  	_ =	swait.ge [sflag:s25], $0x4000  }
0x61: {  	[sflag:s25] =	ssyncset.done $0x0  }
0x62: {  	s1 =	sor.u32 $0x14380, s31;
	[sflag:s25] =	ssyncadd.s32 $0xFFFFC000  }
0x63: {  	[tilespmem:s22], [sflag:$0x2] =	stream.indirect.gather [hbm4b:s5+s19], $0x80, s1, s19, $0xb8;
	[tilespmem:$0x1E000] =	vst v63  }
0x64: {  	_ =	swait.ge [sflag:s23], $0x4000  }
0x65: {  	[sflag:s23] =	ssyncset.done $0x0  }
0x66: {  	s1 =	sor.u32 $0x15380, s31;
	[sflag:s23] =	ssyncadd.s32 $0xFFFFC000  }
0x67: {  	[spmem:s3] =	stream.indirect.scatter.add.f32 [tilespmem:s22], [sflag:$0x4], $0x80, s1, s19, $0xb8;
	[tilespmem:$0x1E000] =	vst v63  }
0x68: {  	_ =	swait.ge [sflag:s24], $0x4000  }
0x69: {  	[sflag:s24] =	ssyncset.done $0x0  }
0x6a: {  	s1 =	sor.u32 $0x14400, s31;
	[sflag:s24] =	ssyncadd.s32 $0xFFFFC000  }
0x6b: {  	[tilespmem:s20], [sflag:$0x1] =	stream.indirect.gather [hbm4b:s5+s19], $0x80, s1, s19, $0xb8;
	[tilespmem:$0x1E000] =	vst v63  }
0x6c: {  	_ =	swait.ge [sflag:s21], $0x4000  }
0x6d: {  	[sflag:s21] =	ssyncset.done $0x0  }
0x6e: {  	s1 =	sor.u32 $0x15400, s31;
	[sflag:s21] =	ssyncadd.s32 $0xFFFFC000  }
0x6f: {  	[spmem:s3] =	stream.indirect.scatter.add.f32 [tilespmem:s20], [sflag:$0x3], $0x80, s1, s19, $0xb8;
	[tilespmem:$0x1E000] =	vst v63  }
0x70: {  	_ =	swait.ge [sflag:s25], $0x4000  }
0x71: {  	[sflag:s25] =	ssyncset.done $0x0  }
0x72: {  	s1 =	sor.u32 $0x14480, s31;
	[sflag:s25] =	ssyncadd.s32 $0xFFFFC000  }
0x73: {  	[tilespmem:s22], [sflag:$0x2] =	stream.indirect.gather [hbm4b:s5+s19], $0x80, s1, s19, $0xb8;
	[tilespmem:$0x1E000] =	vst v63  }
0x74: {  	_ =	swait.ge [sflag:s23], $0x4000  }
0x75: {  	[sflag:s23] =	ssyncset.done $0x0  }
0x76: {  	s1 =	sor.u32 $0x15480, s31;
	[sflag:s23] =	ssyncadd.s32 $0xFFFFC000  }
0x77: {  	[spmem:s3] =	stream.indirect.scatter.add.f32 [tilespmem:s22], [sflag:$0x4], $0x80, s1, s19, $0xb8;
	[tilespmem:$0x1E000] =	vst v63  }
0x78: {  	_ =	swait.ge [sflag:s24], $0x4000  }
0x79: {  	[sflag:s24] =	ssyncset.done $0x0  }
0x7a: {  	s1 =	sor.u32 $0x14500, s31;
	[sflag:s24] =	ssyncadd.s32 $0xFFFFC000  }
0x7b: {  	[tilespmem:s20], [sflag:$0x1] =	stream.indirect.gather [hbm4b:s5+s19], $0x80, s1, s19, $0xb8;
	[tilespmem:$0x1E000] =	vst v63  }
0x7c: {  	_ =	swait.ge [sflag:s21], $0x4000  }
0x7d: {  	[sflag:s21] =	ssyncset.done $0x0  }
0x7e: {  	s1 =	sor.u32 $0x15500, s31;
	[sflag:s21] =	ssyncadd.s32 $0xFFFFC000  }
0x7f: {  	[spmem:s3] =	stream.indirect.scatter.add.f32 [tilespmem:s20], [sflag:$0x3], $0x80, s1, s19, $0xb8;
	[tilespmem:$0x1E000] =	vst v63  }
0x80: {  	_ =	swait.ge [sflag:s25], $0x4000  }
0x81: {  	[sflag:s25] =	ssyncset.done $0x0  }
0x82: {  	s1 =	sor.u32 $0x14580, s31;
	[sflag:s25] =	ssyncadd.s32 $0xFFFFC000  }
0x83: {  	[tilespmem:s22], [sflag:$0x2] =	stream.indirect.gather [hbm4b:s5+s19], $0x80, s1, s19, $0xb8;
	[tilespmem:$0x1E000] =	vst v63  }
0x84: {  	_ =	swait.ge [sflag:s23], $0x4000  }
0x85: {  	[sflag:s23] =	ssyncset.done $0x0  }
0x86: {  	s1 =	sor.u32 $0x15580, s31;
	[sflag:s23] =	ssyncadd.s32 $0xFFFFC000  }
0x87: {  	[spmem:s3] =	stream.indirect.scatter.add.f32 [tilespmem:s22], [sflag:$0x4], $0x80, s1, s19, $0xb8;
	[tilespmem:$0x1E000] =	vst v63  }
0x88: {  	_ =	swait.ge [sflag:s24], $0x4000  }
0x89: {  	[sflag:s24] =	ssyncset.done $0x0  }
0x8a: {  	s1 =	sor.u32 $0x14600, s31;
	[sflag:s24] =	ssyncadd.s32 $0xFFFFC000  }
0x8b: {  	[tilespmem:s20], [sflag:$0x1] =	stream.indirect.gather [hbm4b:s5+s19], $0x80, s1, s19, $0xb8;
	[tilespmem:$0x1E000] =	vst v63  }
0x8c: {  	_ =	swait.ge [sflag:s21], $0x4000  }
0x8d: {  	[sflag:s21] =	ssyncset.done $0x0  }
0x8e: {  	s1 =	sor.u32 $0x15600, s31;
	[sflag:s21] =	ssyncadd.s32 $0xFFFFC000  }
0x8f: {  	[spmem:s3] =	stream.indirect.scatter.add.f32 [tilespmem:s20], [sflag:$0x3], $0x80, s1, s19, $0xb8;
	[tilespmem:$0x1E000] =	vst v63  }
0x90: {  	_ =	swait.ge [sflag:s25], $0x4000  }
0x91: {  	[sflag:s25] =	ssyncset.done $0x0  }
0x92: {  	s1 =	sor.u32 $0x14680, s31;
	[sflag:s25] =	ssyncadd.s32 $0xFFFFC000  }
0x93: {  	[tilespmem:s22], [sflag:$0x2] =	stream.indirect.gather [hbm4b:s5+s19], $0x80, s1, s19, $0xb8;
	[tilespmem:$0x1E000] =	vst v63  }
0x94: {  	_ =	swait.ge [sflag:s23], $0x4000  }
0x95: {  	[sflag:s23] =	ssyncset.done $0x0  }
0x96: {  	s1 =	sor.u32 $0x15680, s31;
	[sflag:s23] =	ssyncadd.s32 $0xFFFFC000  }
0x97: {  	[spmem:s3] =	stream.indirect.scatter.add.f32 [tilespmem:s22], [sflag:$0x4], $0x80, s1, s19, $0xb8;
	[tilespmem:$0x1E000] =	vst v63  }
0x98: {  	_ =	swait.ge [sflag:s24], $0x4000  }
0x99: {  	[sflag:s24] =	ssyncset.done $0x0  }
0x9a: {  	s1 =	sor.u32 $0x14700, s31;
	[sflag:s24] =	ssyncadd.s32 $0xFFFFC000  }
0x9b: {  	[tilespmem:s20], [sflag:$0x1] =	stream.indirect.gather [hbm4b:s5+s19], $0x80, s1, s19, $0xb8;
	[tilespmem:$0x1E000] =	vst v63  }
0x9c: {  	_ =	swait.ge [sflag:s21], $0x4000  }
0x9d: {  	[sflag:s21] =	ssyncset.done $0x0  }
0x9e: {  	s1 =	sor.u32 $0x15700, s31;
	[sflag:s21] =	ssyncadd.s32 $0xFFFFC000  }
0x9f: {  	[spmem:s3] =	stream.indirect.scatter.add.f32 [tilespmem:s20], [sflag:$0x3], $0x80, s1, s19, $0xb8;
	[tilespmem:$0x1E000] =	vst v63  }
0xa0: {  	_ =	swait.ge [sflag:s25], $0x4000  }
0xa1: {  	[sflag:s25] =	ssyncset.done $0x0  }
0xa2: {  	s1 =	sor.u32 $0x14780, s31;
	[sflag:s25] =	ssyncadd.s32 $0xFFFFC000  }
0xa3: {  	[tilespmem:s22], [sflag:$0x2] =	stream.indirect.gather [hbm4b:s5+s19], $0x80, s1, s19, $0xb8;
	[tilespmem:$0x1E000] =	vst v63  }
0xa4: {  	_ =	swait.ge [sflag:s23], $0x4000  }
0xa5: {  	[sflag:s23] =	ssyncset.done $0x0  }
0xa6: {  	s31 =	sor.u32 $0x15780, s31;
	[sflag:s23] =	ssyncadd.s32 $0xFFFFC000  }
0xa7: {  	[spmem:s3] =	stream.indirect.scatter.add.f32 [tilespmem:s22], [sflag:$0x4], $0x80, s31, s19, $0xb8;
	[tilespmem:$0x1E000] =	vst v63  }
0xa8: {  	_ =	swait.ge [sflag:s24], $0x4000  }
0xa9: {  	[sflag:s24] =	ssyncset.done $0x0  }
0xaa: {  	[sflag:s24] =	ssyncadd.s32 $0xFFFFC000  }
0xab: {  	_ =	swait.ge [sflag:s25], $0x4000  }
0xac: {  	s28 =	sadd.s32 @!p0 $0x800, s28;
	[sflag:s25] =	ssyncset.done $0x0  }
0xad: {  	p1 =	sne.s32 @!p0 s28, $0x5800;
	s0 =	simm.s32 @!p0 $0x5;
	[sflag:s25] =	ssyncadd.s32 $0xFFFFC000  }
0xae: {  	p1 =	por p0, !p1;
	_ =	swait.ge @!p0 [sflag:s0], $0x800  }
.Ltmp0:
0xaf: {  	[sflag:s0] =	ssyncset.done @!p0 $0x0;
	(pc) =	sbr.rel @!p1 .LBB2_2-.Ltmp0, $4  }
0xb0: {  	[sflag:s0] =	ssyncadd.s32 @!p0 $0xFFFFF800;
	s0 =	simm.s32 @!p0 $0x6  }
0xb1: {  	_ =	swait.ge @!p0 [sflag:s0], $0x800  }
0xb2: {  	[sflag:s0] =	ssyncset.done @!p0 $0x0  }
0xb3: {  	s29 =	sadd.s32 @!p0 $0x100, s29;
	s30 =	sadd.s32 @!p0 $0x100, s30;
	[sflag:s0] =	ssyncadd.s32 @!p0 $0xFFFFF800  }
0xb4: {  	[bflag:$0x0] =	sbarrier.arrive $0xFFFF  }
0xb5: {  	[hbm:s8], [sflag:s16] =	dma.local [spmem:s17], $0x1400  }
0xb6: {  	s26 =	sadd.s32 $0x1, s26;
	_ =	swait.ge [sflag:s14], $0x1400  }
0xb7: {  	p0 =	sne.s32 s26, s10;
	[sflag:s14] =	ssyncset.done $0x0  }
.Ltmp1:
0xb8: {  	[sflag:s14] =	ssyncadd.s32 $0xFFFFEC00;
	(pc) =	sbr.rel @p0 .LBB2_1-.Ltmp1, $4  }
0xb9: {  	[hbm:s9], [sflag:s16] =	dma.local [spmem:s18], $0x1400  }
0xba: {  	_ =	swait.ge [sflag:s14], $0x1400  }
0xbb: {  	[sflag:s14] =	ssyncset.done $0x0  }
0xbc: {  	[sflag:s14] =	ssyncadd.s32 $0xFFFFEC00  }
0xbd: {  	_ =	sfence.sel $0x180000  }
0xbe: {  	[bflag:$0x0] =	sbarrier.arrive $0xFFFF  }
0xbf: {  	_ =	strace $0x9000004D  }
0xc0: {  	s0 =	stileid.u32;
	[bflag:$0x2] =	sbarrier.arrive $0xFFFF  }
0xc1: {  	p0 =	sne.s32 s0, $0x0;
	s0 =	rddreg [dreg:$0x3]  }
0xc2: {  	s0 =	sadd.s32 @!p0 $0x100000, s0  }
0xc3: {  	[sflag:s0] =	ssyncadd.tile.s32 @!p0 $0x1;
	_ =	shalt  }
.Lfunc_end2:
_tile_overlayer_lowered:
.L_overlay_start_2:
0xc4: {  	(tag) =	ssettag $0x2  }
0xc5: {  	s0 =	rddreg [dreg:$0x0];
	s2 =	stileid.u32  }
0xc6: {  	s1 =	rddreg [dreg:$0x1];
	p0 =	sne.s32 s2, $0x0  }
0xc7: {  	s3 =	rddreg [dreg:$0x2];
	[bflag:$0x3] =	sbarrier.arrive $0xFFFF;
	s2 =	simm.s32 @!p0 $0x1C07  }
0xc8: {  	[timem:s3], [sflag:s2] =	dma.local @!p0 [hbm:s0], s1  }
0xc9: {  	s0 =	simm.s32 @!p0 $0x7  }
0xca: {  	_ =	swait.ge @!p0 [sflag:s0], s1  }
0xcb: {  	s1 =	ssub.s32 @!p0 $0x0, s1;
	[sflag:s0] =	ssyncset.done @!p0 $0x0  }
0xcc: {  	[sflag:s0] =	ssyncadd.s32 @!p0 s1  }
0xcd: {  	[bflag:$0x3] =	sbarrier.arrive $0xFFFF  }
0xce: {  	_ =	shalt  }

// kernel: kernel.20.cloned.1.call-start
scs
__scs_entry_jumppad:
0x0: {  	(pc) =	sbr.rel $0x88, $3  }
0x1: {  	(tag) =	ssettag $0x0;
	lr =	simm.s32 $0x1  }
0x2: {  	[smem:$0x3F8D] =	sst lr;
	_ =	strace $0xD0000000  }
0x3: {  	_ = 	snop  }
0x4: {  	_ = 	snop  }
0x5: {  	_ = 	snop  }
0x6: {  	_ = 	snop  }
0x7: {  	_ = 	snop  }
__scs_overlays_trampoline_lowered:
0x8: {  	[smem:$0x3F9C] =	sst s0  }
0x9: {  	[smem:$0x3F9D] =	sst s1  }
0xa: {  	[smem:$0x3F9E] =	sst s2  }
0xb: {  	[smem:$0x3F9F] =	sst s3  }
0xc: {  	[smem:$0x3FA0] =	sst s4  }
0xd: {  	[smem:$0x3FA1] =	sst s5  }
0xe: {  	[smem:$0x3FA2] =	sst s6  }
0xf: {  	[smem:$0x3FA3] =	sst s7  }
0x10: {  	[smem:$0x3FA4] =	sst s8  }
0x11: {  	[smem:$0x3FA5] =	sst s9;
	s0 =	simm.s32 @!p0 $0x0  }
0x12: {  	s1 =	sld [smem:$0x3F8B];
	s0 =	simm.s32 @p0 $0x1  }
0x13: {  	[smem:$0x3FA6] =	sst s0;
	s0 =	simm.s32 @!p1 $0x0  }
0x14: {  	s2 =	sld [smem:$0x3F8A];
	s0 =	simm.s32 @p1 $0x1  }
0x15: {  	[smem:$0x3FA7] =	sst s0;
	s0 =	simm.s32 @!p2 $0x0  }
0x16: {  	s3 =	sld [smem:$0x3FDB];
	s0 =	simm.s32 @p2 $0x1  }
0x17: {  	s4 =	simm.s32 $0x1BF5;
	[smem:$0x3FA9] =	sst s0  }
0x18: {  	s0 =	sld [smem:$0x3F8C];
	_ =	swait.ge [sflag:s4], $0x0  }
0x19: {  	s7 =	sld [smem:$0x3F8D]  }
0x1a: {  	s8 =	sadd.s32 $0xFFFFE003, lr  }
0x1b: {  	s9 =	sadd.s32 $0xFFFFFEF7, lr;
	s5 =	simm.s32 $0xFFFFFFFF;
	p2 =	slt.u32 s8, $0xFFFFF086  }
0x1c: {  	p1 =	slt.u32 s9, $0xF7A;
	s5 =	simm.s32 @!p2 $0x0  }
0x1d: {  	s5 =	simm.s32 @p1 $0x1;
	p0 =	seq.s32 s7, s2  }
0x1e: {  	s7 =	smul.u32 @!p0 $0xF7A, s2;
	p2 =	seq.s32 @!p0 s5, $0x0  }
0x1f: {  	s9 =	smul.u32 $0xF7A, s1;
	s8 =	simm.s32 @!p0 $0x1BF5;
	p2 =	por !p2, p0  }
0x20: {  	[sflag:s8] =	ssyncset.s32 @!p0 $0xFFFFF086;
	s6 =	sadd.s32 @!p0 s3, s7;
	s7 =	simm.s32 @!p0 $0x108  }
0x21: {  	s3 =	sadd.s32 s3, s9;
	s6 =	sadd.s32 @!p0 $0x88, s6;
	s7 =	simm.s32 @p2 $0x1082  }
0x22: {  	[simem:s7], [sflag:s8] =	dma.local @!p0 [hbm:s6], $0xF7A  }
0x23: {  	s9 =	sor.u32 $0xD0000000, s2;
	s6 =	simm.s32 $0x108;
	_ =	swait.ge @!p0 [sflag:s8], $0x0  }
0x24: {  	s3 =	sadd.s32 $0x88, s3;
	s6 =	simm.s32 @!p1 $0x1082;
	[sflag:s4] =	ssyncset.s32 $0xFFFFF086  }
0x25: {  	[simem:s6], [sflag:s4] =	dma.local [hbm:s3], $0xF7A  }
0x26: {  	[smem:$0x3F8D] =	sst s1;
	(tag) =	ssettag s2;
	_ =	strace s9  }
0x27: {  	s1 =	sld [smem:$0x3F9D]  }
0x28: {  	s2 =	sld [smem:$0x3F9E]  }
0x29: {  	s4 =	sld [smem:$0x3FA0]  }
0x2a: {  	p0 =	seq.s32 s5, $0x0;
	s5 =	sld [smem:$0x3FA1]  }
0x2b: {  	s6 =	sld [smem:$0x3FA2]  }
0x2c: {  	s7 =	sld [smem:$0x3FA3]  }
0x2d: {  	s3 =	simm.s32 $0x108;
	s8 =	sld [smem:$0x3FA4]  }
0x2e: {  	s3 =	simm.s32 @!p0 $0x1082;
	s9 =	sld [smem:$0x3FA5]  }
0x2f: {  	lr =	sadd.s32 s0, s3;
	s0 =	sld [smem:$0x3F9C]  }
0x30: {  	s3 =	sld [smem:$0x3F9F]  }
0x31: {  	[smem:$0x3FA8] =	sst s10  }
0x32: {  	s10 =	sld [smem:$0x3FA6];
	_ =	sdelay $0x3  }
0x33: {  	p0 =	seq.s32 s10, $0x1;
	s10 =	sld [smem:$0x3FA8];
	_ =	sdelay $0x3  }
0x34: {  	[smem:$0x3FA8] =	sst s10  }
0x35: {  	s10 =	sld [smem:$0x3FA7];
	_ =	sdelay $0x3  }
0x36: {  	p1 =	seq.s32 s10, $0x1;
	s10 =	sld [smem:$0x3FA8];
	_ =	sdelay $0x3  }
0x37: {  	[smem:$0x3FA8] =	sst s10  }
0x38: {  	s10 =	sld [smem:$0x3FA9]  }
0x39: {  	_ = 	snop;
	(pc) =	sbr.ind lr, $3  }
0x3a: {  	_ = 	snop  }
0x3b: {  	_ = 	snop  }
0x3c: {  	p2 =	seq.s32 s10, $0x1;
	s10 =	sld [smem:$0x3FA8]  }
0x3d: {  	_ =	shalt  }
0x3e: {  	_ =	shalt  }
0x3f: {  	_ =	shalt  }
0x40: {  	_ =	shalt  }
0x41: {  	_ =	shalt  }
0x42: {  	_ =	shalt  }
0x43: {  	_ =	shalt  }
0x44: {  	_ =	shalt  }
0x45: {  	_ =	shalt  }
0x46: {  	_ =	shalt  }
0x47: {  	_ =	shalt  }
0x48: {  	_ =	shalt  }
0x49: {  	_ =	shalt  }
0x4a: {  	_ =	shalt  }
0x4b: {  	_ =	shalt  }
0x4c: {  	_ =	shalt  }
0x4d: {  	_ =	shalt  }
0x4e: {  	_ =	shalt  }
0x4f: {  	_ =	shalt  }
0x50: {  	_ =	shalt  }
0x51: {  	_ =	shalt  }
0x52: {  	_ =	shalt  }
0x53: {  	_ =	shalt  }
0x54: {  	_ =	shalt  }
0x55: {  	_ =	shalt  }
0x56: {  	_ =	shalt  }
0x57: {  	_ =	shalt  }
0x58: {  	_ =	shalt  }
0x59: {  	_ =	shalt  }
0x5a: {  	_ =	shalt  }
0x5b: {  	_ =	shalt  }
0x5c: {  	_ =	shalt  }
0x5d: {  	_ =	shalt  }
0x5e: {  	_ =	shalt  }
0x5f: {  	_ =	shalt  }
0x60: {  	_ =	shalt  }
0x61: {  	_ =	shalt  }
0x62: {  	_ =	shalt  }
0x63: {  	_ =	shalt  }
0x64: {  	_ =	shalt  }
0x65: {  	_ =	shalt  }
0x66: {  	_ =	shalt  }
0x67: {  	_ =	shalt  }
0x68: {  	_ =	shalt  }
0x69: {  	_ =	shalt  }
0x6a: {  	_ =	shalt  }
0x6b: {  	_ =	shalt  }
0x6c: {  	_ =	shalt  }
0x6d: {  	_ =	shalt  }
0x6e: {  	_ =	shalt  }
0x6f: {  	_ =	shalt  }
0x70: {  	_ =	shalt  }
0x71: {  	_ =	shalt  }
0x72: {  	_ =	shalt  }
0x73: {  	_ =	shalt  }
0x74: {  	_ =	shalt  }
0x75: {  	_ =	shalt  }
0x76: {  	_ =	shalt  }
0x77: {  	_ =	shalt  }
0x78: {  	_ =	shalt  }
0x79: {  	_ =	shalt  }
0x7a: {  	_ =	shalt  }
0x7b: {  	_ =	shalt  }
0x7c: {  	_ =	shalt  }
0x7d: {  	_ =	shalt  }
0x7e: {  	_ =	shalt  }
0x7f: {  	_ =	shalt  }
0x80: {  	_ =	shalt  }
0x81: {  	_ =	shalt  }
0x82: {  	_ =	shalt  }
0x83: {  	_ =	shalt  }
0x84: {  	_ =	shalt  }
0x85: {  	_ =	shalt  }
0x86: {  	_ =	shalt  }
0x87: {  	_ =	shalt  }
.Lfunc_end0:
.L_simem_size_0:
called_computation.3_lowered:
.L_overlay_start_0:
0x88: {  	s2 =	sld [smem:$0x3FD9]  }
0x89: {  	s3 =	sld [smem:$0x3FFE];
	_ =	sdelay $0x1  }
0x8a: {  	s1 =	srdreg.scid  }
0x8b: {  	s0 =	sand.u32 $0x1, s1  }
0x8c: {  	s17 =	sshll.u32 s0, $0xA;
	s2 =	sadd.s32 s3, s2  }
0x8d: {  	s2 =	sadd.s32 s2, s17  }
0x8e: {  	[smem:$0x3FB4] =	sst s2  }
0x8f: {  	_ = 	snop  }
0x90: {  	s2 =	sld [smem:$0x3FD0];
	(tm) =	ssettm $0x1  }
0x91: {  	s18 =	sld [smem:$0x3FFB];
	_ =	sdelay $0x3  }
0x92: {  	_ =	strace s18  }
0x93: {  	s3 =	sld [smem:$0x3FFC];
	_ =	sdelay $0x3  }
0x94: {  	_ =	strace s3  }
0x95: {  	s3 =	sld [smem:$0x3FFD];
	_ =	sdelay $0x3  }
0x96: {  	_ =	strace s3  }
0x97: {  	_ =	strace $0x8FFFFFFF  }
0x98: {  	s19 =	sld [smem:$0x3FDB];
	_ =	sdelay $0x1  }
0x99: {  	s4 =	simm.s32 $_scs_section_size  }
0x9a: {  	s5 =	simm.s32 $_size__tile_overlayer_lowered;
	s6 =	simm.s32 $_tile_overlayer_lowered  }
0x9b: {  	s22 =	simm.s32 $0x1BFF;
	s21 =	sshll.u32 s6, $0x1;
	s3 =	sadd.s32 s4, s19  }
0x9c: {  	s7 =	simm.s32 $0x0;
	s20 =	sshll.u32 s5, $0x1;
	s5 =	sadd.s32 s21, s3  }
0x9d: {  	[timem:s7], [sflag:s22] =	dma.local [hbm:s5], s20  }
0x9e: {  	_ =	swait.ge [sflag:s22], s20  }
0x9f: {  	s4 =	ssub.s32 $0x0, s20;
	[sflag:s22] =	ssyncset.done $0x0  }
0xa0: {  	[sflag:s22] =	ssyncadd.s32 s4;
	_ =	sdelay $0x1  }
0xa1: {  	s23 =	simm.s32 $0x1B8B  }
0xa2: {  	_ =	swait.ge [sflag:s23], $0x1  }
0xa3: {  	[sflag:s23] =	ssyncset.done $0x0  }
0xa4: {  	s25 =	simm.s32 $0x1B8E;
	s24 =	sld [smem:$0x3FFE];
	[sflag:s23] =	ssyncadd.s32 $0xFFFFFFFF  }
0xa5: {  	s26 =	simm.s32 $execute0_lowered;
	[smem:$0x3FD2] =	sst s25  }
0xa6: {  	s5 =	sshll.u32 s26, $0x1;
	_ =	strace $0x8000004F;
	[dreg:$0x1] =	wrdreg $0xFFFFFFFF  }
0xa7: {  	s28 =	simm.s32 $_size_execute0_lowered;
	s3 =	sadd.s32 s3, s5;
	[dreg:$0x0] =	wrdreg $0x0  }
0xa8: {  	s5 =	sshll.u32 s28, $0x1;
	[dreg:$0x2] =	wrdreg s3  }
0xa9: {  	[dreg:$0x3] =	wrdreg s5  }
0xaa: {  	[dreg:$0x4] =	wrdreg $0xC0  }
0xab: {  	_ =	task [dreg:s7], $0x5FFFF  }
0xac: {  	[dreg:$0x1] =	wrdreg $0xFFFFFFFF  }
0xad: {  	[dreg:$0x0] =	wrdreg $0x60  }
0xae: {  	[dreg:$0x2] =	wrdreg s24  }
0xaf: {  	[dreg:$0x3] =	wrdreg s2  }
0xb0: {  	[dreg:$0x4] =	wrdreg $0x0  }
0xb1: {  	[dreg:$0x5] =	wrdreg $0x9  }
0xb2: {  	_ =	task.clear_ibuf [dreg:s7], $0x6FFFF;
	_ =	strace $0x9000004F  }
0xb3: {  	s29 =	simm.s32 $0x9;
	_ =	strace $0x80000051  }
0xb4: {  	_ =	swait.ge [sflag:s29], $0x1  }
0xb5: {  	[sflag:s29] =	ssyncadd.s32 $0xFFFFFFFF  }
0xb6: {  	_ =	strace $0x90000051  }
0xb7: {  	_ =	sfence  }
0xb8: {  	s30 =	sld [smem:$0x0];
	_ =	sdelay $0x2  }
0xb9: {  	s31 =	sshll.u32 s1, $0xD;
	s1 =	sshrl.u32 s1, $0x2  }
0xba: {  	s3 =	sand.u32 $0x4000, s31;
	s1 =	sadd.s32 s1, s30  }
0xbb: {  	s0 =	sor.u32 s3, s0;
	s1 =	sshll.u32 s1, $0x11  }
0xbc: {  	s0 =	sor.u32 s1, s0  }
0xbd: {  	s0 =	sadd.s32 $0x8F2B, s0  }
0xbe: {  	[sflag:s0] =	ssyncadd.remote.s32 $0x1  }
0xbf: {  	_ =	sfence.sel $0xFFFF  }
0xc0: {  	[dreg:$0x0] =	wrdreg $0xFFFFFFFF;
	(pc) =	sbr.abs _section_cstart, $3  }
0xc1: {  	[dreg:$0x1] =	wrdreg $0xFFFFFFFF  }
0xc2: {  	_ =	task.clear_ibuf [dreg:s7], $0x2FFFF;
	_ =	strace $0x9FFFFFFF  }
0xc3: {  	(tm) =	ssettm $0x7FFFFFFF  }
tec
execute0_lowered:
.L_overlay_start_1:
0x0: {  	(tag) =	ssettag $0x1  }
0x1: {  	s8 =	rddreg [dreg:$0x0]  }
0x2: {  	s1 =	rddreg [dreg:$0x1]  }
0x3: {  	s2 =	rddreg [dreg:$0x2];
	s3 =	srdreg.scid;
	s4 =	simm.s32 $0x0  }
0x4: {  	s0 =	stileid.u32;
	s20 =	simm.s32 $0x80;
	s21 =	simm.s32 $0x16000  }
0x5: {  	s22 =	simm.s32 $0x1;
	s23 =	simm.s32 $0x1A000;
	s24 =	simm.s32 $0x2  }
0x6: {  	s28 =	simm.s32 $0x0;
	s10 =	sand.u32 $0x1, s3;
	s13 =	smul.u32 $0x50000, s0  }
0x7: {  	[smem:$0x7FF] =	sst s4;
	s5 =	sadd.s32 $0x19C00, s8;
	s15 =	smul.u32 $0x14000, s0  }
0x8: {  	s14 =	sadd.s32 $0x40E00, s8;
	s30 =	smul.u32 $0x2800, s0;
	s17 =	sshll.u32 s0, $0x6  }
0x9: {  	s6 =	sshll.u32 s10, $0x4;
	_ =	strace $0x80000050;
	s16 =	smul.u32 $0x140000, s10  }
0xa: {  	s9 =	ssub.s32 $0x2, s10;
	s25 =	smul.u32 $0x28000, s10;
	s17 =	sor.u32 $0x1C07, s17  }
0xb: {  	s7 =	sor.u32 s0, s6;
	s6 =	sadd.s32 $0xFC00, s8;
	s12 =	sshrl.u32 s9, $0x1  }
0xc: {  	s13 =	sshrl.u32 s13, $0x2;
	s26 =	sadd.s32 $0xA000, s15;
	s11 =	smul.u32 $0x500, s7  }
0xd: {  	s7 =	sadd.s32 $0x5C00, s8;
	s12 =	ssub.s32 s9, s12;
	s18 =	sadd.s32 s13, s2  }
0xe: {  	s29 =	sadd.s32 s15, s16;
	s19 =	sadd.s32 s26, s2;
	s16 =	sadd.s32 s16, s26  }
0xf: {  	s15 =	sadd.s32 s30, s25;
	s25 =	simm.s32 $0x3;
	s26 =	simm.s32 $0x4  }
0x10: {  	s13 =	sshrl.u32 s29, $0x3;
	s31 =	sshrl.u32 s16, $0x3;
	s12 =	smax.u32 s12, $0x1  }
0x11: {  	s16 =	simm.s32 $0x15000;
	s18 =	sshrl.u32 s18, $0x3;
	s19 =	sshrl.u32 s19, $0x3  }
0x12: {  	s8 =	sadd.s32 s6, s11;
	s9 =	sadd.s32 s7, s11;
	s10 =	sadd.s32 s14, s13  }
0x13: {  	s11 =	sadd.s32 s14, s31;
	s13 =	sadd.s32 $0x800, s15;
	s15 =	simm.s32 $0x7  }
.LBB2_1:
0x14: {  	s0 =	simm.s32 $0x14000  }
0x15: {  	[tilespmem:s0], [sflag:$0x7] =	stream.linear.gather [hbm4b:s8+s4], $0x800, $0x38;
	[tilespmem:$0x1E000] =	vst v63  }
0x16: {  	_ =	swait.ge [sflag:s15], $0x800  }
0x17: {  	[sflag:s15] =	ssyncset.done $0x0  }
0x18: {  	[sflag:s15] =	ssyncadd.s32 $0xFFFFF800  }
0x19: {  	[tilespmem:s16], [sflag:$0x7] =	stream.linear.gather [hbm4b:s9+s4], $0x800, $0x38;
	[tilespmem:$0x1E000] =	vst v63  }
0x1a: {  	_ =	swait.ge [sflag:s15], $0x800  }
0x1b: {  	[sflag:s15] =	ssyncset.done $0x0  }
0x1c: {  	[sflag:s15] =	ssyncadd.s32 $0xFFFFF800  }
0x1d: {  	[spmem:s18], [sflag:s17] =	dma.local [hbm:s1], $0x1400  }
0x1e: {  	_ =	swait.ge [sflag:s15], $0x1400  }
0x1f: {  	[sflag:s15] =	ssyncset.done $0x0  }
0x20: {  	[sflag:s15] =	ssyncadd.s32 $0xFFFFEC00  }
0x21: {  	[spmem:s19], [sflag:s17] =	dma.local [hbm:s1], $0x1400  }
0x22: {  	_ =	swait.ge [sflag:s15], $0x1400  }
0x23: {  	[sflag:s15] =	ssyncset.done $0x0  }
0x24: {  	[sflag:s15] =	ssyncadd.s32 $0xFFFFEC00  }
0x25: {  	s29 =	simm.s32 $0x0;
	[bflag:$0x0] =	sbarrier.arrive $0xFFFF  }
.LBB2_2:
0x26: {  	p0 =	seq.s32 s29, $0x2000  }
0x27: {  	s30 =	sadd.s32 @!p0 s29, s13;
	s31 =	sxor.u32 @!p0 $0xFFFFFFFF, s29  }
0x28: {  	s31 =	sand.u32 @!p0 $0x800, s31;
	s30 =	sshrl.u32 @!p0 s30, $0x3  }
0x29: {  	s14 =	simm.s32 @!p0 $0x0;
	s0 =	sor.u32 @!p0 $0x14000, s31;
	s3 =	sadd.s32 @!p0 s6, s30  }
0x2a: {  	[tilespmem:s0], [sflag:$0x5] =	stream.linear.gather @!p0 [hbm4b:s3+s14], $0x800, $0x38;
	[tilespmem:$0x1E000] =	vst v63  }
0x2b: {  	s0 =	sor.u32 @!p0 $0x15000, s31;
	s3 =	sadd.s32 @!p0 s7, s30;
	s30 =	sand.u32 $0x800, s29  }
0x2c: {  	[tilespmem:s0], [sflag:$0x6] =	stream.linear.gather @!p0 [hbm4b:s3+s14], $0x800, $0x38;
	[tilespmem:$0x1E000] =	vst v63  }
0x2d: {  	s14 =	sor.u32 $0x14000, s30  }
0x2e: {  	[tilespmem:s21], [sflag:$0x1] =	stream.indirect.gather [hbm4b:s5+s20], $0x80, s14, s20, $0xb8;
	[tilespmem:$0x1E000] =	vst v63  }
0x2f: {  	_ =	swait.ge [sflag:s22], $0x4000  }
0x30: {  	[sflag:s22] =	ssyncset.done $0x0  }
0x31: {  	s31 =	sor.u32 $0x15000, s30;
	[sflag:s22] =	ssyncadd.s32 $0xFFFFC000  }
0x32: {  	[spmem:s2] =	stream.indirect.scatter.add.f32 [tilespmem:s21], [sflag:$0x3], $0x80, s31, s20, $0xb8;
	[tilespmem:$0x1E000] =	vst v63  }
0x33: {  	s3 =	sor.u32 $0x14080, s30  }
0x34: {  	[tilespmem:s23], [sflag:$0x2] =	stream.indirect.gather [hbm4b:s5+s20], $0x80, s3, s20, $0xb8;
	[tilespmem:$0x1E000] =	vst v63  }
0x35: {  	_ =	swait.ge [sflag:s24], $0x4000  }
0x36: {  	[sflag:s24] =	ssyncset.done $0x0  }
0x37: {  	s14 =	sor.u32 $0x15080, s30;
	[sflag:s24] =	ssyncadd.s32 $0xFFFFC000  }
0x38: {  	[spmem:s2] =	stream.indirect.scatter.add.f32 [tilespmem:s23], [sflag:$0x4], $0x80, s14, s20, $0xb8;
	[tilespmem:$0x1E000] =	vst v63  }
0x39: {  	_ =	swait.ge [sflag:s25], $0x4000  }
0x3a: {  	[sflag:s25] =	ssyncset.done $0x0  }
0x3b: {  	s31 =	sor.u32 $0x14100, s30;
	[sflag:s25] =	ssyncadd.s32 $0xFFFFC000  }
0x3c: {  	[tilespmem:s21], [sflag:$0x1] =	stream.indirect.gather [hbm4b:s5+s20], $0x80, s31, s20, $0xb8;
	[tilespmem:$0x1E000] =	vst v63  }
0x3d: {  	_ =	swait.ge [sflag:s22], $0x4000  }
0x3e: {  	[sflag:s22] =	ssyncset.done $0x0  }
0x3f: {  	s3 =	sor.u32 $0x15100, s30;
	[sflag:s22] =	ssyncadd.s32 $0xFFFFC000  }
0x40: {  	[spmem:s2] =	stream.indirect.scatter.add.f32 [tilespmem:s21], [sflag:$0x3], $0x80, s3, s20, $0xb8;
	[tilespmem:$0x1E000] =	vst v63  }
0x41: {  	_ =	swait.ge [sflag:s26], $0x4000  }
0x42: {  	[sflag:s26] =	ssyncset.done $0x0  }
0x43: {  	s14 =	sor.u32 $0x14180, s30;
	[sflag:s26] =	ssyncadd.s32 $0xFFFFC000  }
0x44: {  	[tilespmem:s23], [sflag:$0x2] =	stream.indirect.gather [hbm4b:s5+s20], $0x80, s14, s20, $0xb8;
	[tilespmem:$0x1E000] =	vst v63  }
0x45: {  	_ =	swait.ge [sflag:s24], $0x4000  }
0x46: {  	[sflag:s24] =	ssyncset.done $0x0  }
0x47: {  	s31 =	sor.u32 $0x15180, s30;
	[sflag:s24] =	ssyncadd.s32 $0xFFFFC000  }
0x48: {  	[spmem:s2] =	stream.indirect.scatter.add.f32 [tilespmem:s23], [sflag:$0x4], $0x80, s31, s20, $0xb8;
	[tilespmem:$0x1E000] =	vst v63  }
0x49: {  	_ =	swait.ge [sflag:s25], $0x4000  }
0x4a: {  	[sflag:s25] =	ssyncset.done $0x0  }
0x4b: {  	s3 =	sor.u32 $0x14200, s30;
	[sflag:s25] =	ssyncadd.s32 $0xFFFFC000  }
0x4c: {  	[tilespmem:s21], [sflag:$0x1] =	stream.indirect.gather [hbm4b:s5+s20], $0x80, s3, s20, $0xb8;
	[tilespmem:$0x1E000] =	vst v63  }
0x4d: {  	_ =	swait.ge [sflag:s22], $0x4000  }
0x4e: {  	[sflag:s22] =	ssyncset.done $0x0  }
0x4f: {  	s14 =	sor.u32 $0x15200, s30;
	[sflag:s22] =	ssyncadd.s32 $0xFFFFC000  }
0x50: {  	[spmem:s2] =	stream.indirect.scatter.add.f32 [tilespmem:s21], [sflag:$0x3], $0x80, s14, s20, $0xb8;
	[tilespmem:$0x1E000] =	vst v63  }
0x51: {  	_ =	swait.ge [sflag:s26], $0x4000  }
0x52: {  	[sflag:s26] =	ssyncset.done $0x0  }
0x53: {  	s31 =	sor.u32 $0x14280, s30;
	[sflag:s26] =	ssyncadd.s32 $0xFFFFC000  }
0x54: {  	[tilespmem:s23], [sflag:$0x2] =	stream.indirect.gather [hbm4b:s5+s20], $0x80, s31, s20, $0xb8;
	[tilespmem:$0x1E000] =	vst v63  }
0x55: {  	_ =	swait.ge [sflag:s24], $0x4000  }
0x56: {  	[sflag:s24] =	ssyncset.done $0x0  }
0x57: {  	s3 =	sor.u32 $0x15280, s30;
	[sflag:s24] =	ssyncadd.s32 $0xFFFFC000  }
0x58: {  	[spmem:s2] =	stream.indirect.scatter.add.f32 [tilespmem:s23], [sflag:$0x4], $0x80, s3, s20, $0xb8;
	[tilespmem:$0x1E000] =	vst v63  }
0x59: {  	_ =	swait.ge [sflag:s25], $0x4000  }
0x5a: {  	[sflag:s25] =	ssyncset.done $0x0  }
0x5b: {  	s14 =	sor.u32 $0x14300, s30;
	[sflag:s25] =	ssyncadd.s32 $0xFFFFC000  }
0x5c: {  	[tilespmem:s21], [sflag:$0x1] =	stream.indirect.gather [hbm4b:s5+s20], $0x80, s14, s20, $0xb8;
	[tilespmem:$0x1E000] =	vst v63  }
0x5d: {  	_ =	swait.ge [sflag:s22], $0x4000  }
0x5e: {  	[sflag:s22] =	ssyncset.done $0x0  }
0x5f: {  	s31 =	sor.u32 $0x15300, s30;
	[sflag:s22] =	ssyncadd.s32 $0xFFFFC000  }
0x60: {  	[spmem:s2] =	stream.indirect.scatter.add.f32 [tilespmem:s21], [sflag:$0x3], $0x80, s31, s20, $0xb8;
	[tilespmem:$0x1E000] =	vst v63  }
0x61: {  	_ =	swait.ge [sflag:s26], $0x4000  }
0x62: {  	[sflag:s26] =	ssyncset.done $0x0  }
0x63: {  	s3 =	sor.u32 $0x14380, s30;
	[sflag:s26] =	ssyncadd.s32 $0xFFFFC000  }
0x64: {  	[tilespmem:s23], [sflag:$0x2] =	stream.indirect.gather [hbm4b:s5+s20], $0x80, s3, s20, $0xb8;
	[tilespmem:$0x1E000] =	vst v63  }
0x65: {  	_ =	swait.ge [sflag:s24], $0x4000  }
0x66: {  	[sflag:s24] =	ssyncset.done $0x0  }
0x67: {  	s14 =	sor.u32 $0x15380, s30;
	[sflag:s24] =	ssyncadd.s32 $0xFFFFC000  }
0x68: {  	[spmem:s2] =	stream.indirect.scatter.add.f32 [tilespmem:s23], [sflag:$0x4], $0x80, s14, s20, $0xb8;
	[tilespmem:$0x1E000] =	vst v63  }
0x69: {  	_ =	swait.ge [sflag:s25], $0x4000  }
0x6a: {  	[sflag:s25] =	ssyncset.done $0x0  }
0x6b: {  	s31 =	sor.u32 $0x14400, s30;
	[sflag:s25] =	ssyncadd.s32 $0xFFFFC000  }
0x6c: {  	[tilespmem:s21], [sflag:$0x1] =	stream.indirect.gather [hbm4b:s5+s20], $0x80, s31, s20, $0xb8;
	[tilespmem:$0x1E000] =	vst v63  }
0x6d: {  	_ =	swait.ge [sflag:s22], $0x4000  }
0x6e: {  	[sflag:s22] =	ssyncset.done $0x0  }
0x6f: {  	s3 =	sor.u32 $0x15400, s30;
	[sflag:s22] =	ssyncadd.s32 $0xFFFFC000  }
0x70: {  	[spmem:s2] =	stream.indirect.scatter.add.f32 [tilespmem:s21], [sflag:$0x3], $0x80, s3, s20, $0xb8;
	[tilespmem:$0x1E000] =	vst v63  }
0x71: {  	_ =	swait.ge [sflag:s26], $0x4000  }
0x72: {  	[sflag:s26] =	ssyncset.done $0x0  }
0x73: {  	s14 =	sor.u32 $0x14480, s30;
	[sflag:s26] =	ssyncadd.s32 $0xFFFFC000  }
0x74: {  	[tilespmem:s23], [sflag:$0x2] =	stream.indirect.gather [hbm4b:s5+s20], $0x80, s14, s20, $0xb8;
	[tilespmem:$0x1E000] =	vst v63  }
0x75: {  	_ =	swait.ge [sflag:s24], $0x4000  }
0x76: {  	[sflag:s24] =	ssyncset.done $0x0  }
0x77: {  	s31 =	sor.u32 $0x15480, s30;
	[sflag:s24] =	ssyncadd.s32 $0xFFFFC000  }
0x78: {  	[spmem:s2] =	stream.indirect.scatter.add.f32 [tilespmem:s23], [sflag:$0x4], $0x80, s31, s20, $0xb8;
	[tilespmem:$0x1E000] =	vst v63  }
0x79: {  	_ =	swait.ge [sflag:s25], $0x4000  }
0x7a: {  	[sflag:s25] =	ssyncset.done $0x0  }
0x7b: {  	s3 =	sor.u32 $0x14500, s30;
	[sflag:s25] =	ssyncadd.s32 $0xFFFFC000  }
0x7c: {  	[tilespmem:s21], [sflag:$0x1] =	stream.indirect.gather [hbm4b:s5+s20], $0x80, s3, s20, $0xb8;
	[tilespmem:$0x1E000] =	vst v63  }
0x7d: {  	_ =	swait.ge [sflag:s22], $0x4000  }
0x7e: {  	[sflag:s22] =	ssyncset.done $0x0  }
0x7f: {  	s14 =	sor.u32 $0x15500, s30;
	[sflag:s22] =	ssyncadd.s32 $0xFFFFC000  }
0x80: {  	[spmem:s2] =	stream.indirect.scatter.add.f32 [tilespmem:s21], [sflag:$0x3], $0x80, s14, s20, $0xb8;
	[tilespmem:$0x1E000] =	vst v63  }
0x81: {  	_ =	swait.ge [sflag:s26], $0x4000  }
0x82: {  	[sflag:s26] =	ssyncset.done $0x0  }
0x83: {  	s31 =	sor.u32 $0x14580, s30;
	[sflag:s26] =	ssyncadd.s32 $0xFFFFC000  }
0x84: {  	[tilespmem:s23], [sflag:$0x2] =	stream.indirect.gather [hbm4b:s5+s20], $0x80, s31, s20, $0xb8;
	[tilespmem:$0x1E000] =	vst v63  }
0x85: {  	_ =	swait.ge [sflag:s24], $0x4000  }
0x86: {  	[sflag:s24] =	ssyncset.done $0x0  }
0x87: {  	s3 =	sor.u32 $0x15580, s30;
	[sflag:s24] =	ssyncadd.s32 $0xFFFFC000  }
0x88: {  	[spmem:s2] =	stream.indirect.scatter.add.f32 [tilespmem:s23], [sflag:$0x4], $0x80, s3, s20, $0xb8;
	[tilespmem:$0x1E000] =	vst v63  }
0x89: {  	_ =	swait.ge [sflag:s25], $0x4000  }
0x8a: {  	[sflag:s25] =	ssyncset.done $0x0  }
0x8b: {  	s14 =	sor.u32 $0x14600, s30;
	[sflag:s25] =	ssyncadd.s32 $0xFFFFC000  }
0x8c: {  	[tilespmem:s21], [sflag:$0x1] =	stream.indirect.gather [hbm4b:s5+s20], $0x80, s14, s20, $0xb8;
	[tilespmem:$0x1E000] =	vst v63  }
0x8d: {  	_ =	swait.ge [sflag:s22], $0x4000  }
0x8e: {  	[sflag:s22] =	ssyncset.done $0x0  }
0x8f: {  	s31 =	sor.u32 $0x15600, s30;
	[sflag:s22] =	ssyncadd.s32 $0xFFFFC000  }
0x90: {  	[spmem:s2] =	stream.indirect.scatter.add.f32 [tilespmem:s21], [sflag:$0x3], $0x80, s31, s20, $0xb8;
	[tilespmem:$0x1E000] =	vst v63  }
0x91: {  	_ =	swait.ge [sflag:s26], $0x4000  }
0x92: {  	[sflag:s26] =	ssyncset.done $0x0  }
0x93: {  	s3 =	sor.u32 $0x14680, s30;
	[sflag:s26] =	ssyncadd.s32 $0xFFFFC000  }
0x94: {  	[tilespmem:s23], [sflag:$0x2] =	stream.indirect.gather [hbm4b:s5+s20], $0x80, s3, s20, $0xb8;
	[tilespmem:$0x1E000] =	vst v63  }
0x95: {  	_ =	swait.ge [sflag:s24], $0x4000  }
0x96: {  	[sflag:s24] =	ssyncset.done $0x0  }
0x97: {  	s14 =	sor.u32 $0x15680, s30;
	[sflag:s24] =	ssyncadd.s32 $0xFFFFC000  }
0x98: {  	[spmem:s2] =	stream.indirect.scatter.add.f32 [tilespmem:s23], [sflag:$0x4], $0x80, s14, s20, $0xb8;
	[tilespmem:$0x1E000] =	vst v63  }
0x99: {  	_ =	swait.ge [sflag:s25], $0x4000  }
0x9a: {  	[sflag:s25] =	ssyncset.done $0x0  }
0x9b: {  	s31 =	sor.u32 $0x14700, s30;
	[sflag:s25] =	ssyncadd.s32 $0xFFFFC000  }
0x9c: {  	[tilespmem:s21], [sflag:$0x1] =	stream.indirect.gather [hbm4b:s5+s20], $0x80, s31, s20, $0xb8;
	[tilespmem:$0x1E000] =	vst v63  }
0x9d: {  	_ =	swait.ge [sflag:s22], $0x4000  }
0x9e: {  	[sflag:s22] =	ssyncset.done $0x0  }
0x9f: {  	s3 =	sor.u32 $0x15700, s30;
	[sflag:s22] =	ssyncadd.s32 $0xFFFFC000  }
0xa0: {  	[spmem:s2] =	stream.indirect.scatter.add.f32 [tilespmem:s21], [sflag:$0x3], $0x80, s3, s20, $0xb8;
	[tilespmem:$0x1E000] =	vst v63  }
0xa1: {  	_ =	swait.ge [sflag:s26], $0x4000  }
0xa2: {  	[sflag:s26] =	ssyncset.done $0x0  }
0xa3: {  	s14 =	sor.u32 $0x14780, s30;
	[sflag:s26] =	ssyncadd.s32 $0xFFFFC000  }
0xa4: {  	[tilespmem:s23], [sflag:$0x2] =	stream.indirect.gather [hbm4b:s5+s20], $0x80, s14, s20, $0xb8;
	[tilespmem:$0x1E000] =	vst v63  }
0xa5: {  	_ =	swait.ge [sflag:s24], $0x4000  }
0xa6: {  	[sflag:s24] =	ssyncset.done $0x0  }
0xa7: {  	s31 =	sor.u32 $0x15780, s30;
	[sflag:s24] =	ssyncadd.s32 $0xFFFFC000  }
0xa8: {  	[spmem:s2] =	stream.indirect.scatter.add.f32 [tilespmem:s23], [sflag:$0x4], $0x80, s31, s20, $0xb8;
	[tilespmem:$0x1E000] =	vst v63  }
0xa9: {  	_ =	swait.ge [sflag:s25], $0x4000  }
0xaa: {  	[sflag:s25] =	ssyncset.done $0x0  }
0xab: {  	[sflag:s25] =	ssyncadd.s32 $0xFFFFC000  }
0xac: {  	_ =	swait.ge [sflag:s26], $0x4000  }
0xad: {  	s29 =	sadd.s32 @!p0 $0x800, s29;
	[sflag:s26] =	ssyncset.done $0x0  }
0xae: {  	p1 =	sne.s32 @!p0 s29, $0x2800;
	s0 =	simm.s32 @!p0 $0x5;
	[sflag:s26] =	ssyncadd.s32 $0xFFFFC000  }
0xaf: {  	p1 =	por p0, !p1;
	_ =	swait.ge @!p0 [sflag:s0], $0x800  }
.Ltmp0:
0xb0: {  	[sflag:s0] =	ssyncset.done @!p0 $0x0;
	(pc) =	sbr.rel @!p1 .LBB2_2-.Ltmp0, $4  }
0xb1: {  	[sflag:s0] =	ssyncadd.s32 @!p0 $0xFFFFF800;
	s0 =	simm.s32 @!p0 $0x6  }
0xb2: {  	_ =	swait.ge @!p0 [sflag:s0], $0x800  }
0xb3: {  	[sflag:s0] =	ssyncset.done @!p0 $0x0  }
0xb4: {  	[sflag:s0] =	ssyncadd.s32 @!p0 $0xFFFFF800  }
0xb5: {  	[bflag:$0x0] =	sbarrier.arrive $0xFFFF  }
0xb6: {  	[hbm:s10], [sflag:s17] =	dma.local [spmem:s18], $0x1400  }
0xb7: {  	s28 =	sadd.s32 $0x1, s28;
	_ =	swait.ge [sflag:s15], $0x1400  }
0xb8: {  	p0 =	sne.s32 s28, s12;
	[sflag:s15] =	ssyncset.done $0x0  }
.Ltmp1:
0xb9: {  	[sflag:s15] =	ssyncadd.s32 $0xFFFFEC00;
	(pc) =	sbr.rel @p0 .LBB2_1-.Ltmp1, $4  }
0xba: {  	[hbm:s11], [sflag:s17] =	dma.local [spmem:s19], $0x1400  }
0xbb: {  	_ =	swait.ge [sflag:s15], $0x1400  }
0xbc: {  	[sflag:s15] =	ssyncset.done $0x0  }
0xbd: {  	[sflag:s15] =	ssyncadd.s32 $0xFFFFEC00  }
0xbe: {  	_ =	sfence.sel $0x180000  }
0xbf: {  	[bflag:$0x0] =	sbarrier.arrive $0xFFFF  }
0xc0: {  	_ =	strace $0x90000050  }
0xc1: {  	s0 =	stileid.u32;
	[bflag:$0x2] =	sbarrier.arrive $0xFFFF  }
0xc2: {  	p0 =	sne.s32 s0, $0x0;
	s0 =	rddreg [dreg:$0x3]  }
0xc3: {  	s0 =	sadd.s32 @!p0 $0x100000, s0  }
0xc4: {  	[sflag:s0] =	ssyncadd.tile.s32 @!p0 $0x1;
	_ =	shalt  }
.Lfunc_end2:
_tile_overlayer_lowered:
.L_overlay_start_2:
0xc5: {  	(tag) =	ssettag $0x2  }
0xc6: {  	s0 =	rddreg [dreg:$0x0];
	s2 =	stileid.u32  }
0xc7: {  	s1 =	rddreg [dreg:$0x1];
	p0 =	sne.s32 s2, $0x0  }
0xc8: {  	s3 =	rddreg [dreg:$0x2];
	[bflag:$0x3] =	sbarrier.arrive $0xFFFF;
	s2 =	simm.s32 @!p0 $0x1C07  }
0xc9: {  	[timem:s3], [sflag:s2] =	dma.local @!p0 [hbm:s0], s1  }
0xca: {  	s0 =	simm.s32 @!p0 $0x7  }
0xcb: {  	_ =	swait.ge @!p0 [sflag:s0], s1  }
0xcc: {  	s1 =	ssub.s32 @!p0 $0x0, s1;
	[sflag:s0] =	ssyncset.done @!p0 $0x0  }
0xcd: {  	[sflag:s0] =	ssyncadd.s32 @!p0 s1  }
0xce: {  	[bflag:$0x3] =	sbarrier.arrive $0xFFFF  }
0xcf: {  	_ =	shalt  }

</sc_bundles>
